<compile_context>
chip_gen: v7x
topology: tpu7x:2x2x1
jax: 0.10.2.dev20260603
libtpu: 0.0.44.dev20260713+nightly
codegen_flags: <defaults>
</compile_context>

<pallas_src>
import functools

import jax
import jax.numpy as jnp
from jax import lax
from jax.experimental import pallas as pl
from jax.experimental.pallas import tpu as pltpu
from jax.experimental.pallas import tpu_sc as plsc

NC = 2
NS = 16
NW = NC * NS
L = 16

CHUNK = 128
NBUF = 4
LEAD = 3


def _make_gather(b_total, s_total, d, n_chunks):
  mesh = plsc.VectorSubcoreMesh(core_axis_name="c", subcore_axis_name="s")
  assert n_chunks % NBUF == 0
  n_outer = n_chunks // NBUF
  bt_per_s = b_total // CHUNK
  assert bt_per_s & (bt_per_s - 1) == 0
  bt_bits = bt_per_s.bit_length() - 1
  ngrp = CHUNK // L

  @functools.partial(
      pl.kernel,
      out_type=jax.ShapeDtypeStruct((s_total, d, b_total), jnp.float32),
      mesh=mesh,
      compiler_params=pltpu.CompilerParams(needs_layout_passes=False),
      scratch_types=[
          pltpu.VMEM((NBUF, CHUNK), jnp.int32),
          pltpu.VMEM((NBUF, CHUNK), jnp.int32),
          pltpu.VMEM((NBUF, CHUNK, 128), jnp.float32),
          pltpu.VMEM((NBUF, d, CHUNK), jnp.float32),
          [pltpu.SemaphoreType.DMA] * NBUF,
          [pltpu.SemaphoreType.DMA] * NBUF,
          [pltpu.SemaphoreType.DMA] * NBUF,
      ],
  )
  def gather(table_hbm, tok_hbm, out_hbm, idx_r, rows_v, g_v, w_v,
             isems, gsems, wsems):
    wid = lax.axis_index("s") * NC + lax.axis_index("c")
    j0w = wid * n_chunks
    lane = jnp.arange(L, dtype=jnp.int32)

    def chunk_pos(c):
      j = j0w + c
      return j >> bt_bits, (j & (bt_per_s - 1)) * CHUNK

    def tok_slice(c):
      s, b0 = chunk_pos(c)
      return tok_hbm.at[s, pl.ds(b0, CHUNK)]

    def start_idx_load(c, slot):
      pltpu.async_copy(tok_slice(c), idx_r.at[slot], isems[slot])

    def wait_idx_load(slot):
      pltpu.make_async_copy(tok_slice(0), idx_r.at[slot], isems[slot]).wait()

    def compute_rows(slot):
      for grp in range(ngrp):
        rows_v[slot, pl.ds(grp * L, L)] = idx_r[slot, pl.ds(grp * L, L)]

    def start_gather(slot):
      pltpu.async_copy(table_hbm.at[rows_v.at[slot]], g_v.at[slot],
                       gsems[slot])

    def wait_gather(slot):
      pltpu.make_async_copy(table_hbm.at[rows_v.at[0]], g_v.at[slot],
                            gsems[slot]).wait()

    def out_slice(c):
      s, b0 = chunk_pos(c)
      return out_hbm.at[s, :, pl.ds(b0, CHUNK)]

    def start_writeback(c, slot):
      pltpu.async_copy(w_v.at[slot], out_slice(c), wsems[slot])

    def wait_writeback(slot):
      pltpu.make_async_copy(w_v.at[slot], out_slice(0), wsems[slot]).wait()

    def transpose_chunk(slot):
      g = g_v.at[slot]
      rows = [lane + (grp * L) for grp in range(ngrp)]
      zero = lane & 0

      @plsc.parallel_loop(0, d, unroll=8)
      def _(dd):
        cold = zero + dd
        for grp in range(ngrp):
          v = plsc.load_gather(g, [rows[grp], cold])
          w_v[slot, dd, pl.ds(grp * L, L)] = v

    for k in range(NBUF):
      start_idx_load(k, k)
    for k in range(LEAD):
      wait_idx_load(k)
      compute_rows(k)
      start_gather(k)
      start_idx_load(k + NBUF, k)

    def outer(o, carry):
      c0 = o * NBUF
      for i in range(NBUF):
        c = c0 + i
        nslot = (i + LEAD) % NBUF

        @pl.when(c + LEAD < n_chunks)
        def _():
          wait_idx_load(nslot)
          compute_rows(nslot)
          start_gather(nslot)
          @pl.when(c + LEAD + NBUF < n_chunks)
          def _():
            start_idx_load(c + LEAD + NBUF, nslot)

        wait_gather(i)
        @pl.when(o >= 1)
        def _():
          wait_writeback(i)
        transpose_chunk(i)
        start_writeback(c, i)
      return carry

    lax.fori_loop(0, n_outer, outer, 0)

    for i in range(NBUF):
      wait_writeback(i)

  return gather


def kernel(tokens, table):
  b, s = tokens.shape
  vocab, d = table.shape
  total = b * s
  assert total % (NW * CHUNK) == 0 and d == 64
  n_chunks = total // (NW * CHUNK)
  table2 = jnp.pad(table, ((0, 0), (0, d)))
  outp = _make_gather(b, s, d, n_chunks)(table2, tokens.T.astype(jnp.int32))
  return outp.transpose(2, 0, 1)

# --- scband reference (transcript-rebuilt; emitter-appended) ---
"""Pipeline reference for scband-simple-embedding-model-12249246729058 (READ-ONLY COPY).

The authoritative reference and input builder live on the scoring server;
editing this copy changes nothing except your own understanding.
"""

import jax, jax.numpy as jnp
import numpy as np

VOCAB = 1000000
EMBED_DIM = 64

def setup_inputs(seed: int = 0) -> dict:
    key = jax.random.key(seed)
    k_tok, k_tab = jax.random.split(key)
    tokens = jax.random.randint(k_tok, (16384, 50), 0, VOCAB, dtype=jnp.int64 if jax.config.jax_enable_x64 else jnp.int32)
    table = jax.random.normal(k_tab, (VOCAB, EMBED_DIM), dtype=jnp.float32)
    return {"tokens": tokens, "table": table}

def reference(tokens, table):
    # Original module: {key: embedding(value.long()) for key, value in inputs.items()}
    # Single-key dict here; embedding lookup = row gather from table.
    out = jnp.take(table, tokens, axis=0)
    return out

if __name__ == "__main__":
    import jax
    _d = setup_inputs()
    print(jax.jit(kernel)(*tuple(_d.values())))

</pallas_src>

<mosaic_0001>
#map = affine_map<(d0, d1) -> (0, 0)>
#map1 = affine_map<(d0, d1) -> (0, 0, 0)>
module attributes {stable_mosaic.version = 14 : i64} {
  func.func @gather(%arg0: i32, %arg1: i32, %arg2: memref<1000000x128xf32, #tpu.memory_space<hbm>>, %arg3: memref<50x16384xi32, #tpu.memory_space<hbm>>, %arg4: memref<50x64x16384xf32, #tpu.memory_space<hbm>>, %arg5: memref<4x128xi32, #tpu.memory_space<vmem>>, %arg6: memref<4x128xi32, #tpu.memory_space<vmem>>, %arg7: memref<4x128x128xf32, #tpu.memory_space<vmem>>, %arg8: memref<4x64x128xf32, #tpu.memory_space<vmem>>, %arg9: memref<!tpu.dma_semaphore, #tpu.memory_space<semaphore_mem>>, %arg10: memref<!tpu.dma_semaphore, #tpu.memory_space<semaphore_mem>>, %arg11: memref<!tpu.dma_semaphore, #tpu.memory_space<semaphore_mem>>, %arg12: memref<!tpu.dma_semaphore, #tpu.memory_space<semaphore_mem>>, %arg13: memref<!tpu.dma_semaphore, #tpu.memory_space<semaphore_mem>>, %arg14: memref<!tpu.dma_semaphore, #tpu.memory_space<semaphore_mem>>, %arg15: memref<!tpu.dma_semaphore, #tpu.memory_space<semaphore_mem>>, %arg16: memref<!tpu.dma_semaphore, #tpu.memory_space<semaphore_mem>>, %arg17: memref<!tpu.dma_semaphore, #tpu.memory_space<semaphore_mem>>, %arg18: memref<!tpu.dma_semaphore, #tpu.memory_space<semaphore_mem>>, %arg19: memref<!tpu.dma_semaphore, #tpu.memory_space<semaphore_mem>>, %arg20: memref<!tpu.dma_semaphore, #tpu.memory_space<semaphore_mem>>) attributes {dimension_semantics = [#tpu.dimension_semantics<core_parallel>, #tpu.dimension_semantics<subcore_parallel>], iteration_bounds = array<i64: 2, 16>, scalar_prefetch = 0 : i64, scratch_operands = 16 : i64, tpu.core_type = #tpu.core_type<sc_vector_subcore>, window_params = [{transform_indices = #map}, {transform_indices = #map}, {transform_indices = #map1}]} {
    %mul3A = arith.constant 2 : i32
    %mul3A_0 = arith.muli %arg1, %mul3A : i32
    %add3A = arith.addi %mul3A_0, %arg0 : i32
    %mul3A_1 = arith.constant 200 : i32
    %mul3A_2 = arith.muli %add3A, %mul3A_1 : i32
    %iota3A = tpu.iota {dimensions = array<i32: 0>} : vector<16xi32>
    %add3A_3 = arith.constant 0 : i32
    %add3A_4 = arith.addi %mul3A_2, %add3A_3 : i32
    %shift_right_arithmetic3A = arith.constant 7 : i32
    %shift_right_arithmetic3A_5 = arith.shrsi %add3A_4, %shift_right_arithmetic3A : i32
    %and3A = arith.constant 127 : i32
    %and3A_6 = arith.andi %add3A_4, %and3A : i32
    %mul3A_7 = arith.constant 128 : i32
    %mul3A_8 = arith.muli %and3A_6, %mul3A_7 : i32
    %dma_start3A = arith.constant 0 : i32
    %dma_start3A_9 = arith.constant 0 : i32
    %dma_start3A_10 = tpu.memref_slice %arg5[%dma_start3A, %dma_start3A_9] : memref<4x128xi32, #tpu.memory_space<vmem>> -> memref<1x128xi32, #tpu.memory_space<vmem>>
    %dma_start3A_11 = tpu.memref_squeeze %dma_start3A_10 : memref<1x128xi32, #tpu.memory_space<vmem>> -> memref<128xi32, #tpu.memory_space<vmem>>
    %dma_start3A_12 = tpu.memref_slice %arg3[%shift_right_arithmetic3A_5, %mul3A_8] : memref<50x16384xi32, #tpu.memory_space<hbm>> -> memref<1x128xi32, #tpu.memory_space<hbm>>
    %dma_start3A_13 = tpu.memref_squeeze %dma_start3A_12 : memref<1x128xi32, #tpu.memory_space<hbm>> -> memref<128xi32, #tpu.memory_space<hbm>>
    %dma_start3A_14 = arith.constant 0 : i32
    %dma_start3A_15 = tpu.memref_slice %arg5[%dma_start3A, %dma_start3A_14] : memref<4x128xi32, #tpu.memory_space<vmem>> -> memref<1x128xi32, #tpu.memory_space<vmem>>
    %dma_start3A_16 = tpu.memref_squeeze %dma_start3A_15 : memref<1x128xi32, #tpu.memory_space<vmem>> -> memref<128xi32, #tpu.memory_space<vmem>>
    %dma_start3A_17 = tpu.memref_slice %arg3[%shift_right_arithmetic3A_5, %mul3A_8] : memref<50x16384xi32, #tpu.memory_space<hbm>> -> memref<1x128xi32, #tpu.memory_space<hbm>>
    %dma_start3A_18 = tpu.memref_squeeze %dma_start3A_17 : memref<1x128xi32, #tpu.memory_space<hbm>> -> memref<128xi32, #tpu.memory_space<hbm>>
    tpu.enqueue_dma source(%dma_start3A_18 : memref<128xi32, #tpu.memory_space<hbm>>) target(%dma_start3A_16 : memref<128xi32, #tpu.memory_space<vmem>>) target_semaphore(%arg9 : memref<!tpu.dma_semaphore, #tpu.memory_space<semaphore_mem>>)
    %add3A_19 = arith.constant 1 : i32
    %add3A_20 = arith.addi %mul3A_2, %add3A_19 : i32
    %shift_right_arithmetic3A_21 = arith.constant 7 : i32
    %shift_right_arithmetic3A_22 = arith.shrsi %add3A_20, %shift_right_arithmetic3A_21 : i32
    %and3A_23 = arith.constant 127 : i32
    %and3A_24 = arith.andi %add3A_20, %and3A_23 : i32
    %mul3A_25 = arith.constant 128 : i32
    %mul3A_26 = arith.muli %and3A_24, %mul3A_25 : i32
    %dma_start3A_27 = arith.constant 1 : i32
    %dma_start3A_28 = arith.constant 0 : i32
    %dma_start3A_29 = tpu.memref_slice %arg5[%dma_start3A_27, %dma_start3A_28] : memref<4x128xi32, #tpu.memory_space<vmem>> -> memref<1x128xi32, #tpu.memory_space<vmem>>
    %dma_start3A_30 = tpu.memref_squeeze %dma_start3A_29 : memref<1x128xi32, #tpu.memory_space<vmem>> -> memref<128xi32, #tpu.memory_space<vmem>>
    %dma_start3A_31 = tpu.memref_slice %arg3[%shift_right_arithmetic3A_22, %mul3A_26] : memref<50x16384xi32, #tpu.memory_space<hbm>> -> memref<1x128xi32, #tpu.memory_space<hbm>>
    %dma_start3A_32 = tpu.memref_squeeze %dma_start3A_31 : memref<1x128xi32, #tpu.memory_space<hbm>> -> memref<128xi32, #tpu.memory_space<hbm>>
    %dma_start3A_33 = arith.constant 0 : i32
    %dma_start3A_34 = tpu.memref_slice %arg5[%dma_start3A_27, %dma_start3A_33] : memref<4x128xi32, #tpu.memory_space<vmem>> -> memref<1x128xi32, #tpu.memory_space<vmem>>
    %dma_start3A_35 = tpu.memref_squeeze %dma_start3A_34 : memref<1x128xi32, #tpu.memory_space<vmem>> -> memref<128xi32, #tpu.memory_space<vmem>>
    %dma_start3A_36 = tpu.memref_slice %arg3[%shift_right_arithmetic3A_22, %mul3A_26] : memref<50x16384xi32, #tpu.memory_space<hbm>> -> memref<1x128xi32, #tpu.memory_space<hbm>>
    %dma_start3A_37 = tpu.memref_squeeze %dma_start3A_36 : memref<1x128xi32, #tpu.memory_space<hbm>> -> memref<128xi32, #tpu.memory_space<hbm>>
    tpu.enqueue_dma source(%dma_start3A_37 : memref<128xi32, #tpu.memory_space<hbm>>) target(%dma_start3A_35 : memref<128xi32, #tpu.memory_space<vmem>>) target_semaphore(%arg10 : memref<!tpu.dma_semaphore, #tpu.memory_space<semaphore_mem>>)
    %add3A_38 = arith.constant 2 : i32
    %add3A_39 = arith.addi %mul3A_2, %add3A_38 : i32
    %shift_right_arithmetic3A_40 = arith.constant 7 : i32
    %shift_right_arithmetic3A_41 = arith.shrsi %add3A_39, %shift_right_arithmetic3A_40 : i32
    %and3A_42 = arith.constant 127 : i32
    %and3A_43 = arith.andi %add3A_39, %and3A_42 : i32
    %mul3A_44 = arith.constant 128 : i32
    %mul3A_45 = arith.muli %and3A_43, %mul3A_44 : i32
    %dma_start3A_46 = arith.constant 2 : i32
    %dma_start3A_47 = arith.constant 0 : i32
    %dma_start3A_48 = tpu.memref_slice %arg5[%dma_start3A_46, %dma_start3A_47] : memref<4x128xi32, #tpu.memory_space<vmem>> -> memref<1x128xi32, #tpu.memory_space<vmem>>
    %dma_start3A_49 = tpu.memref_squeeze %dma_start3A_48 : memref<1x128xi32, #tpu.memory_space<vmem>> -> memref<128xi32, #tpu.memory_space<vmem>>
    %dma_start3A_50 = tpu.memref_slice %arg3[%shift_right_arithmetic3A_41, %mul3A_45] : memref<50x16384xi32, #tpu.memory_space<hbm>> -> memref<1x128xi32, #tpu.memory_space<hbm>>
    %dma_start3A_51 = tpu.memref_squeeze %dma_start3A_50 : memref<1x128xi32, #tpu.memory_space<hbm>> -> memref<128xi32, #tpu.memory_space<hbm>>
    %dma_start3A_52 = arith.constant 0 : i32
    %dma_start3A_53 = tpu.memref_slice %arg5[%dma_start3A_46, %dma_start3A_52] : memref<4x128xi32, #tpu.memory_space<vmem>> -> memref<1x128xi32, #tpu.memory_space<vmem>>
    %dma_start3A_54 = tpu.memref_squeeze %dma_start3A_53 : memref<1x128xi32, #tpu.memory_space<vmem>> -> memref<128xi32, #tpu.memory_space<vmem>>
    %dma_start3A_55 = tpu.memref_slice %arg3[%shift_right_arithmetic3A_41, %mul3A_45] : memref<50x16384xi32, #tpu.memory_space<hbm>> -> memref<1x128xi32, #tpu.memory_space<hbm>>
    %dma_start3A_56 = tpu.memref_squeeze %dma_start3A_55 : memref<1x128xi32, #tpu.memory_space<hbm>> -> memref<128xi32, #tpu.memory_space<hbm>>
    tpu.enqueue_dma source(%dma_start3A_56 : memref<128xi32, #tpu.memory_space<hbm>>) target(%dma_start3A_54 : memref<128xi32, #tpu.memory_space<vmem>>) target_semaphore(%arg11 : memref<!tpu.dma_semaphore, #tpu.memory_space<semaphore_mem>>)
    %add3A_57 = arith.constant 3 : i32
    %add3A_58 = arith.addi %mul3A_2, %add3A_57 : i32
    %shift_right_arithmetic3A_59 = arith.constant 7 : i32
    %shift_right_arithmetic3A_60 = arith.shrsi %add3A_58, %shift_right_arithmetic3A_59 : i32
    %and3A_61 = arith.constant 127 : i32
    %and3A_62 = arith.andi %add3A_58, %and3A_61 : i32
    %mul3A_63 = arith.constant 128 : i32
    %mul3A_64 = arith.muli %and3A_62, %mul3A_63 : i32
    %dma_start3A_65 = arith.constant 3 : i32
    %dma_start3A_66 = arith.constant 0 : i32
    %dma_start3A_67 = tpu.memref_slice %arg5[%dma_start3A_65, %dma_start3A_66] : memref<4x128xi32, #tpu.memory_space<vmem>> -> memref<1x128xi32, #tpu.memory_space<vmem>>
    %dma_start3A_68 = tpu.memref_squeeze %dma_start3A_67 : memref<1x128xi32, #tpu.memory_space<vmem>> -> memref<128xi32, #tpu.memory_space<vmem>>
    %dma_start3A_69 = tpu.memref_slice %arg3[%shift_right_arithmetic3A_60, %mul3A_64] : memref<50x16384xi32, #tpu.memory_space<hbm>> -> memref<1x128xi32, #tpu.memory_space<hbm>>
    %dma_start3A_70 = tpu.memref_squeeze %dma_start3A_69 : memref<1x128xi32, #tpu.memory_space<hbm>> -> memref<128xi32, #tpu.memory_space<hbm>>
    %dma_start3A_71 = arith.constant 0 : i32
    %dma_start3A_72 = tpu.memref_slice %arg5[%dma_start3A_65, %dma_start3A_71] : memref<4x128xi32, #tpu.memory_space<vmem>> -> memref<1x128xi32, #tpu.memory_space<vmem>>
    %dma_start3A_73 = tpu.memref_squeeze %dma_start3A_72 : memref<1x128xi32, #tpu.memory_space<vmem>> -> memref<128xi32, #tpu.memory_space<vmem>>
    %dma_start3A_74 = tpu.memref_slice %arg3[%shift_right_arithmetic3A_60, %mul3A_64] : memref<50x16384xi32, #tpu.memory_space<hbm>> -> memref<1x128xi32, #tpu.memory_space<hbm>>
    %dma_start3A_75 = tpu.memref_squeeze %dma_start3A_74 : memref<1x128xi32, #tpu.memory_space<hbm>> -> memref<128xi32, #tpu.memory_space<hbm>>
    tpu.enqueue_dma source(%dma_start3A_75 : memref<128xi32, #tpu.memory_space<hbm>>) target(%dma_start3A_73 : memref<128xi32, #tpu.memory_space<vmem>>) target_semaphore(%arg12 : memref<!tpu.dma_semaphore, #tpu.memory_space<semaphore_mem>>)
    %add3A_76 = arith.constant 0 : i32
    %add3A_77 = arith.addi %mul3A_2, %add3A_76 : i32
    %shift_right_arithmetic3A_78 = arith.constant 7 : i32
    %shift_right_arithmetic3A_79 = arith.shrsi %add3A_77, %shift_right_arithmetic3A_78 : i32
    %and3A_80 = arith.constant 127 : i32
    %and3A_81 = arith.andi %add3A_77, %and3A_80 : i32
    %mul3A_82 = arith.constant 128 : i32
    %mul3A_83 = arith.muli %and3A_81, %mul3A_82 : i32
    %dma_wait3A = arith.constant 0 : i32
    %dma_wait3A_84 = arith.constant 0 : i32
    %dma_wait3A_85 = tpu.memref_slice %arg5[%dma_wait3A, %dma_wait3A_84] : memref<4x128xi32, #tpu.memory_space<vmem>> -> memref<1x128xi32, #tpu.memory_space<vmem>>
    %dma_wait3A_86 = tpu.memref_squeeze %dma_wait3A_85 : memref<1x128xi32, #tpu.memory_space<vmem>> -> memref<128xi32, #tpu.memory_space<vmem>>
    %dma_wait3A_87 = tpu.memref_slice %arg3[%shift_right_arithmetic3A_79, %mul3A_83] : memref<50x16384xi32, #tpu.memory_space<hbm>> -> memref<1x128xi32, #tpu.memory_space<hbm>>
    %dma_wait3A_88 = tpu.memref_squeeze %dma_wait3A_87 : memref<1x128xi32, #tpu.memory_space<hbm>> -> memref<128xi32, #tpu.memory_space<hbm>>
    %dma_wait3A_89 = arith.constant 0 : i32
    %dma_wait3A_90 = tpu.memref_slice %arg5[%dma_wait3A, %dma_wait3A_89] : memref<4x128xi32, #tpu.memory_space<vmem>> -> memref<1x128xi32, #tpu.memory_space<vmem>>
    %dma_wait3A_91 = tpu.memref_squeeze %dma_wait3A_90 : memref<1x128xi32, #tpu.memory_space<vmem>> -> memref<128xi32, #tpu.memory_space<vmem>>
    %dma_wait3A_92 = tpu.memref_slice %arg3[%shift_right_arithmetic3A_79, %mul3A_83] : memref<50x16384xi32, #tpu.memory_space<hbm>> -> memref<1x128xi32, #tpu.memory_space<hbm>>
    %dma_wait3A_93 = tpu.memref_squeeze %dma_wait3A_92 : memref<1x128xi32, #tpu.memory_space<hbm>> -> memref<128xi32, #tpu.memory_space<hbm>>
    tpu.wait_dma2 semaphore(%arg9 : memref<!tpu.dma_semaphore, #tpu.memory_space<semaphore_mem>>) src(%dma_wait3A_93 : memref<128xi32, #tpu.memory_space<hbm>>) dst(%dma_wait3A_91 : memref<128xi32, #tpu.memory_space<vmem>>)
    %get3A = arith.constant 0 : i32
    %get3A_94 = arith.index_cast %get3A : i32 to index
    %get3A_95 = arith.constant 0 : index
    %get3A_96 = tpu.vector_load %arg5[%get3A_94, %get3A_95] {strides = array<i32>} : memref<4x128xi32, #tpu.memory_space<vmem>>, vector<16xi32>,
    %swap3A = arith.constant 0 : i32
    %swap3A_97 = arith.index_cast %swap3A : i32 to index
    %swap3A_98 = arith.constant 0 : index
    %swap3A_99 = tpu.vector_load %arg6[%swap3A_97, %swap3A_98] {strides = array<i32>} : memref<4x128xi32, #tpu.memory_space<vmem>>, vector<16xi32>,
    tpu.vector_store %arg6[%swap3A_97, %swap3A_98], %get3A_96 {strides = array<i32>} : memref<4x128xi32, #tpu.memory_space<vmem>>, vector<16xi32>,
    %get3A_100 = arith.constant 0 : i32
    %get3A_101 = arith.index_cast %get3A_100 : i32 to index
    %get3A_102 = arith.constant 16 : index
    %get3A_103 = tpu.vector_load %arg5[%get3A_101, %get3A_102] {strides = array<i32>} : memref<4x128xi32, #tpu.memory_space<vmem>>, vector<16xi32>,
    %swap3A_104 = arith.constant 0 : i32
    %swap3A_105 = arith.index_cast %swap3A_104 : i32 to index
    %swap3A_106 = arith.constant 16 : index
    %swap3A_107 = tpu.vector_load %arg6[%swap3A_105, %swap3A_106] {strides = array<i32>} : memref<4x128xi32, #tpu.memory_space<vmem>>, vector<16xi32>,
    tpu.vector_store %arg6[%swap3A_105, %swap3A_106], %get3A_103 {strides = array<i32>} : memref<4x128xi32, #tpu.memory_space<vmem>>, vector<16xi32>,
    %get3A_108 = arith.constant 0 : i32
    %get3A_109 = arith.index_cast %get3A_108 : i32 to index
    %get3A_110 = arith.constant 32 : index
    %get3A_111 = tpu.vector_load %arg5[%get3A_109, %get3A_110] {strides = array<i32>} : memref<4x128xi32, #tpu.memory_space<vmem>>, vector<16xi32>,
    %swap3A_112 = arith.constant 0 : i32
    %swap3A_113 = arith.index_cast %swap3A_112 : i32 to index
    %swap3A_114 = arith.constant 32 : index
    %swap3A_115 = tpu.vector_load %arg6[%swap3A_113, %swap3A_114] {strides = array<i32>} : memref<4x128xi32, #tpu.memory_space<vmem>>, vector<16xi32>,
    tpu.vector_store %arg6[%swap3A_113, %swap3A_114], %get3A_111 {strides = array<i32>} : memref<4x128xi32, #tpu.memory_space<vmem>>, vector<16xi32>,
    %get3A_116 = arith.constant 0 : i32
    %get3A_117 = arith.index_cast %get3A_116 : i32 to index
    %get3A_118 = arith.constant 48 : index
    %get3A_119 = tpu.vector_load %arg5[%get3A_117, %get3A_118] {strides = array<i32>} : memref<4x128xi32, #tpu.memory_space<vmem>>, vector<16xi32>,
    %swap3A_120 = arith.constant 0 : i32
    %swap3A_121 = arith.index_cast %swap3A_120 : i32 to index
    %swap3A_122 = arith.constant 48 : index
    %swap3A_123 = tpu.vector_load %arg6[%swap3A_121, %swap3A_122] {strides = array<i32>} : memref<4x128xi32, #tpu.memory_space<vmem>>, vector<16xi32>,
    tpu.vector_store %arg6[%swap3A_121, %swap3A_122], %get3A_119 {strides = array<i32>} : memref<4x128xi32, #tpu.memory_space<vmem>>, vector<16xi32>,
    %get3A_124 = arith.constant 0 : i32
    %get3A_125 = arith.index_cast %get3A_124 : i32 to index
    %get3A_126 = arith.constant 64 : index
    %get3A_127 = tpu.vector_load %arg5[%get3A_125, %get3A_126] {strides = array<i32>} : memref<4x128xi32, #tpu.memory_space<vmem>>, vector<16xi32>,
    %swap3A_128 = arith.constant 0 : i32
    %swap3A_129 = arith.index_cast %swap3A_128 : i32 to index
    %swap3A_130 = arith.constant 64 : index
    %swap3A_131 = tpu.vector_load %arg6[%swap3A_129, %swap3A_130] {strides = array<i32>} : memref<4x128xi32, #tpu.memory_space<vmem>>, vector<16xi32>,
    tpu.vector_store %arg6[%swap3A_129, %swap3A_130], %get3A_127 {strides = array<i32>} : memref<4x128xi32, #tpu.memory_space<vmem>>, vector<16xi32>,
    %get3A_132 = arith.constant 0 : i32
    %get3A_133 = arith.index_cast %get3A_132 : i32 to index
    %get3A_134 = arith.constant 80 : index
    %get3A_135 = tpu.vector_load %arg5[%get3A_133, %get3A_134] {strides = array<i32>} : memref<4x128xi32, #tpu.memory_space<vmem>>, vector<16xi32>,
    %swap3A_136 = arith.constant 0 : i32
    %swap3A_137 = arith.index_cast %swap3A_136 : i32 to index
    %swap3A_138 = arith.constant 80 : index
    %swap3A_139 = tpu.vector_load %arg6[%swap3A_137, %swap3A_138] {strides = array<i32>} : memref<4x128xi32, #tpu.memory_space<vmem>>, vector<16xi32>,
    tpu.vector_store %arg6[%swap3A_137, %swap3A_138], %get3A_135 {strides = array<i32>} : memref<4x128xi32, #tpu.memory_space<vmem>>, vector<16xi32>,
    %get3A_140 = arith.constant 0 : i32
    %get3A_141 = arith.index_cast %get3A_140 : i32 to index
    %get3A_142 = arith.constant 96 : index
    %get3A_143 = tpu.vector_load %arg5[%get3A_141, %get3A_142] {strides = array<i32>} : memref<4x128xi32, #tpu.memory_space<vmem>>, vector<16xi32>,
    %swap3A_144 = arith.constant 0 : i32
    %swap3A_145 = arith.index_cast %swap3A_144 : i32 to index
    %swap3A_146 = arith.constant 96 : index
    %swap3A_147 = tpu.vector_load %arg6[%swap3A_145, %swap3A_146] {strides = array<i32>} : memref<4x128xi32, #tpu.memory_space<vmem>>, vector<16xi32>,
    tpu.vector_store %arg6[%swap3A_145, %swap3A_146], %get3A_143 {strides = array<i32>} : memref<4x128xi32, #tpu.memory_space<vmem>>, vector<16xi32>,
    %get3A_148 = arith.constant 0 : i32
    %get3A_149 = arith.index_cast %get3A_148 : i32 to index
    %get3A_150 = arith.constant 112 : index
    %get3A_151 = tpu.vector_load %arg5[%get3A_149, %get3A_150] {strides = array<i32>} : memref<4x128xi32, #tpu.memory_space<vmem>>, vector<16xi32>,
    %swap3A_152 = arith.constant 0 : i32
    %swap3A_153 = arith.index_cast %swap3A_152 : i32 to index
    %swap3A_154 = arith.constant 112 : index
    %swap3A_155 = tpu.vector_load %arg6[%swap3A_153, %swap3A_154] {strides = array<i32>} : memref<4x128xi32, #tpu.memory_space<vmem>>, vector<16xi32>,
    tpu.vector_store %arg6[%swap3A_153, %swap3A_154], %get3A_151 {strides = array<i32>} : memref<4x128xi32, #tpu.memory_space<vmem>>, vector<16xi32>,
    %dma_start3A_156 = arith.constant 0 : i32
    %dma_start3A_157 = arith.constant 0 : i32
    %dma_start3A_158 = arith.constant 0 : i32
    %dma_start3A_159 = arith.constant 0 : i32
    %dma_start3A_160 = tpu.memref_slice %arg7[%dma_start3A_157, %dma_start3A_158, %dma_start3A_159] : memref<4x128x128xf32, #tpu.memory_space<vmem>> -> memref<1x128x128xf32, #tpu.memory_space<vmem>>
    %dma_start3A_161 = tpu.memref_squeeze %dma_start3A_160 : memref<1x128x128xf32, #tpu.memory_space<vmem>> -> memref<128x128xf32, #tpu.memory_space<vmem>>
    %dma_start3A_162 = arith.constant 0 : i32
    %dma_start3A_163 = tpu.memref_slice %arg6[%dma_start3A_156, %dma_start3A_162] : memref<4x128xi32, #tpu.memory_space<vmem>> -> memref<1x128xi32, #tpu.memory_space<vmem>>
    %dma_start3A_164 = tpu.memref_squeeze %dma_start3A_163 : memref<1x128xi32, #tpu.memory_space<vmem>> -> memref<128xi32, #tpu.memory_space<vmem>>
    %dma_start3A_165 = arith.constant 0 : i32
    %dma_start3A_166 = arith.constant 0 : i32
    %dma_start3A_167 = tpu.memref_slice %arg2[%dma_start3A_165, %dma_start3A_166] : memref<1000000x128xf32, #tpu.memory_space<hbm>> -> memref<1000000x128xf32, #tpu.memory_space<hbm>>
    tpu.enqueue_indirect_dma source(%dma_start3A_167 : memref<1000000x128xf32, #tpu.memory_space<hbm>>) target(%dma_start3A_161 : memref<128x128xf32, #tpu.memory_space<vmem>>) offsets(%dma_start3A_164 : memref<128xi32, #tpu.memory_space<vmem>>) semaphore(%arg13 : memref<!tpu.dma_semaphore, #tpu.memory_space<semaphore_mem>>)
    %add3A_168 = arith.constant 4 : i32
    %add3A_169 = arith.addi %mul3A_2, %add3A_168 : i32
    %shift_right_arithmetic3A_170 = arith.constant 7 : i32
    %shift_right_arithmetic3A_171 = arith.shrsi %add3A_169, %shift_right_arithmetic3A_170 : i32
    %and3A_172 = arith.constant 127 : i32
    %and3A_173 = arith.andi %add3A_169, %and3A_172 : i32
    %mul3A_174 = arith.constant 128 : i32
    %mul3A_175 = arith.muli %and3A_173, %mul3A_174 : i32
    %dma_start3A_176 = arith.constant 0 : i32
    %dma_start3A_177 = arith.constant 0 : i32
    %dma_start3A_178 = tpu.memref_slice %arg5[%dma_start3A_176, %dma_start3A_177] : memref<4x128xi32, #tpu.memory_space<vmem>> -> memref<1x128xi32, #tpu.memory_space<vmem>>
    %dma_start3A_179 = tpu.memref_squeeze %dma_start3A_178 : memref<1x128xi32, #tpu.memory_space<vmem>> -> memref<128xi32, #tpu.memory_space<vmem>>
    %dma_start3A_180 = tpu.memref_slice %arg3[%shift_right_arithmetic3A_171, %mul3A_175] : memref<50x16384xi32, #tpu.memory_space<hbm>> -> memref<1x128xi32, #tpu.memory_space<hbm>>
    %dma_start3A_181 = tpu.memref_squeeze %dma_start3A_180 : memref<1x128xi32, #tpu.memory_space<hbm>> -> memref<128xi32, #tpu.memory_space<hbm>>
    %dma_start3A_182 = arith.constant 0 : i32
    %dma_start3A_183 = tpu.memref_slice %arg5[%dma_start3A_176, %dma_start3A_182] : memref<4x128xi32, #tpu.memory_space<vmem>> -> memref<1x128xi32, #tpu.memory_space<vmem>>
    %dma_start3A_184 = tpu.memref_squeeze %dma_start3A_183 : memref<1x128xi32, #tpu.memory_space<vmem>> -> memref<128xi32, #tpu.memory_space<vmem>>
    %dma_start3A_185 = tpu.memref_slice %arg3[%shift_right_arithmetic3A_171, %mul3A_175] : memref<50x16384xi32, #tpu.memory_space<hbm>> -> memref<1x128xi32, #tpu.memory_space<hbm>>
    %dma_start3A_186 = tpu.memref_squeeze %dma_start3A_185 : memref<1x128xi32, #tpu.memory_space<hbm>> -> memref<128xi32, #tpu.memory_space<hbm>>
    tpu.enqueue_dma source(%dma_start3A_186 : memref<128xi32, #tpu.memory_space<hbm>>) target(%dma_start3A_184 : memref<128xi32, #tpu.memory_space<vmem>>) target_semaphore(%arg9 : memref<!tpu.dma_semaphore, #tpu.memory_space<semaphore_mem>>)
    %add3A_187 = arith.constant 0 : i32
    %add3A_188 = arith.addi %mul3A_2, %add3A_187 : i32
    %shift_right_arithmetic3A_189 = arith.constant 7 : i32
    %shift_right_arithmetic3A_190 = arith.shrsi %add3A_188, %shift_right_arithmetic3A_189 : i32
    %and3A_191 = arith.constant 127 : i32
    %and3A_192 = arith.andi %add3A_188, %and3A_191 : i32
    %mul3A_193 = arith.constant 128 : i32
    %mul3A_194 = arith.muli %and3A_192, %mul3A_193 : i32
    %dma_wait3A_195 = arith.constant 1 : i32
    %dma_wait3A_196 = arith.constant 0 : i32
    %dma_wait3A_197 = tpu.memref_slice %arg5[%dma_wait3A_195, %dma_wait3A_196] : memref<4x128xi32, #tpu.memory_space<vmem>> -> memref<1x128xi32, #tpu.memory_space<vmem>>
    %dma_wait3A_198 = tpu.memref_squeeze %dma_wait3A_197 : memref<1x128xi32, #tpu.memory_space<vmem>> -> memref<128xi32, #tpu.memory_space<vmem>>
    %dma_wait3A_199 = tpu.memref_slice %arg3[%shift_right_arithmetic3A_190, %mul3A_194] : memref<50x16384xi32, #tpu.memory_space<hbm>> -> memref<1x128xi32, #tpu.memory_space<hbm>>
    %dma_wait3A_200 = tpu.memref_squeeze %dma_wait3A_199 : memref<1x128xi32, #tpu.memory_space<hbm>> -> memref<128xi32, #tpu.memory_space<hbm>>
    %dma_wait3A_201 = arith.constant 0 : i32
    %dma_wait3A_202 = tpu.memref_slice %arg5[%dma_wait3A_195, %dma_wait3A_201] : memref<4x128xi32, #tpu.memory_space<vmem>> -> memref<1x128xi32, #tpu.memory_space<vmem>>
    %dma_wait3A_203 = tpu.memref_squeeze %dma_wait3A_202 : memref<1x128xi32, #tpu.memory_space<vmem>> -> memref<128xi32, #tpu.memory_space<vmem>>
    %dma_wait3A_204 = tpu.memref_slice %arg3[%shift_right_arithmetic3A_190, %mul3A_194] : memref<50x16384xi32, #tpu.memory_space<hbm>> -> memref<1x128xi32, #tpu.memory_space<hbm>>
    %dma_wait3A_205 = tpu.memref_squeeze %dma_wait3A_204 : memref<1x128xi32, #tpu.memory_space<hbm>> -> memref<128xi32, #tpu.memory_space<hbm>>
    tpu.wait_dma2 semaphore(%arg10 : memref<!tpu.dma_semaphore, #tpu.memory_space<semaphore_mem>>) src(%dma_wait3A_205 : memref<128xi32, #tpu.memory_space<hbm>>) dst(%dma_wait3A_203 : memref<128xi32, #tpu.memory_space<vmem>>)
    %get3A_206 = arith.constant 1 : i32
    %get3A_207 = arith.index_cast %get3A_206 : i32 to index
    %get3A_208 = arith.constant 0 : index
    %get3A_209 = tpu.vector_load %arg5[%get3A_207, %get3A_208] {strides = array<i32>} : memref<4x128xi32, #tpu.memory_space<vmem>>, vector<16xi32>,
    %swap3A_210 = arith.constant 1 : i32
    %swap3A_211 = arith.index_cast %swap3A_210 : i32 to index
    %swap3A_212 = arith.constant 0 : index
    %swap3A_213 = tpu.vector_load %arg6[%swap3A_211, %swap3A_212] {strides = array<i32>} : memref<4x128xi32, #tpu.memory_space<vmem>>, vector<16xi32>,
    tpu.vector_store %arg6[%swap3A_211, %swap3A_212], %get3A_209 {strides = array<i32>} : memref<4x128xi32, #tpu.memory_space<vmem>>, vector<16xi32>,
    %get3A_214 = arith.constant 1 : i32
    %get3A_215 = arith.index_cast %get3A_214 : i32 to index
    %get3A_216 = arith.constant 16 : index
    %get3A_217 = tpu.vector_load %arg5[%get3A_215, %get3A_216] {strides = array<i32>} : memref<4x128xi32, #tpu.memory_space<vmem>>, vector<16xi32>,
    %swap3A_218 = arith.constant 1 : i32
    %swap3A_219 = arith.index_cast %swap3A_218 : i32 to index
    %swap3A_220 = arith.constant 16 : index
    %swap3A_221 = tpu.vector_load %arg6[%swap3A_219, %swap3A_220] {strides = array<i32>} : memref<4x128xi32, #tpu.memory_space<vmem>>, vector<16xi32>,
    tpu.vector_store %arg6[%swap3A_219, %swap3A_220], %get3A_217 {strides = array<i32>} : memref<4x128xi32, #tpu.memory_space<vmem>>, vector<16xi32>,
    %get3A_222 = arith.constant 1 : i32
    %get3A_223 = arith.index_cast %get3A_222 : i32 to index
    %get3A_224 = arith.constant 32 : index
    %get3A_225 = tpu.vector_load %arg5[%get3A_223, %get3A_224] {strides = array<i32>} : memref<4x128xi32, #tpu.memory_space<vmem>>, vector<16xi32>,
    %swap3A_226 = arith.constant 1 : i32
    %swap3A_227 = arith.index_cast %swap3A_226 : i32 to index
    %swap3A_228 = arith.constant 32 : index
    %swap3A_229 = tpu.vector_load %arg6[%swap3A_227, %swap3A_228] {strides = array<i32>} : memref<4x128xi32, #tpu.memory_space<vmem>>, vector<16xi32>,
    tpu.vector_store %arg6[%swap3A_227, %swap3A_228], %get3A_225 {strides = array<i32>} : memref<4x128xi32, #tpu.memory_space<vmem>>, vector<16xi32>,
    %get3A_230 = arith.constant 1 : i32
    %get3A_231 = arith.index_cast %get3A_230 : i32 to index
    %get3A_232 = arith.constant 48 : index
    %get3A_233 = tpu.vector_load %arg5[%get3A_231, %get3A_232] {strides = array<i32>} : memref<4x128xi32, #tpu.memory_space<vmem>>, vector<16xi32>,
    %swap3A_234 = arith.constant 1 : i32
    %swap3A_235 = arith.index_cast %swap3A_234 : i32 to index
    %swap3A_236 = arith.constant 48 : index
    %swap3A_237 = tpu.vector_load %arg6[%swap3A_235, %swap3A_236] {strides = array<i32>} : memref<4x128xi32, #tpu.memory_space<vmem>>, vector<16xi32>,
    tpu.vector_store %arg6[%swap3A_235, %swap3A_236], %get3A_233 {strides = array<i32>} : memref<4x128xi32, #tpu.memory_space<vmem>>, vector<16xi32>,
    %get3A_238 = arith.constant 1 : i32
    %get3A_239 = arith.index_cast %get3A_238 : i32 to index
    %get3A_240 = arith.constant 64 : index
    %get3A_241 = tpu.vector_load %arg5[%get3A_239, %get3A_240] {strides = array<i32>} : memref<4x128xi32, #tpu.memory_space<vmem>>, vector<16xi32>,
    %swap3A_242 = arith.constant 1 : i32
    %swap3A_243 = arith.index_cast %swap3A_242 : i32 to index
    %swap3A_244 = arith.constant 64 : index
    %swap3A_245 = tpu.vector_load %arg6[%swap3A_243, %swap3A_244] {strides = array<i32>} : memref<4x128xi32, #tpu.memory_space<vmem>>, vector<16xi32>,
    tpu.vector_store %arg6[%swap3A_243, %swap3A_244], %get3A_241 {strides = array<i32>} : memref<4x128xi32, #tpu.memory_space<vmem>>, vector<16xi32>,
    %get3A_246 = arith.constant 1 : i32
    %get3A_247 = arith.index_cast %get3A_246 : i32 to index
    %get3A_248 = arith.constant 80 : index
    %get3A_249 = tpu.vector_load %arg5[%get3A_247, %get3A_248] {strides = array<i32>} : memref<4x128xi32, #tpu.memory_space<vmem>>, vector<16xi32>,
    %swap3A_250 = arith.constant 1 : i32
    %swap3A_251 = arith.index_cast %swap3A_250 : i32 to index
    %swap3A_252 = arith.constant 80 : index
    %swap3A_253 = tpu.vector_load %arg6[%swap3A_251, %swap3A_252] {strides = array<i32>} : memref<4x128xi32, #tpu.memory_space<vmem>>, vector<16xi32>,
    tpu.vector_store %arg6[%swap3A_251, %swap3A_252], %get3A_249 {strides = array<i32>} : memref<4x128xi32, #tpu.memory_space<vmem>>, vector<16xi32>,
    %get3A_254 = arith.constant 1 : i32
    %get3A_255 = arith.index_cast %get3A_254 : i32 to index
    %get3A_256 = arith.constant 96 : index
    %get3A_257 = tpu.vector_load %arg5[%get3A_255, %get3A_256] {strides = array<i32>} : memref<4x128xi32, #tpu.memory_space<vmem>>, vector<16xi32>,
    %swap3A_258 = arith.constant 1 : i32
    %swap3A_259 = arith.index_cast %swap3A_258 : i32 to index
    %swap3A_260 = arith.constant 96 : index
    %swap3A_261 = tpu.vector_load %arg6[%swap3A_259, %swap3A_260] {strides = array<i32>} : memref<4x128xi32, #tpu.memory_space<vmem>>, vector<16xi32>,
    tpu.vector_store %arg6[%swap3A_259, %swap3A_260], %get3A_257 {strides = array<i32>} : memref<4x128xi32, #tpu.memory_space<vmem>>, vector<16xi32>,
    %get3A_262 = arith.constant 1 : i32
    %get3A_263 = arith.index_cast %get3A_262 : i32 to index
    %get3A_264 = arith.constant 112 : index
    %get3A_265 = tpu.vector_load %arg5[%get3A_263, %get3A_264] {strides = array<i32>} : memref<4x128xi32, #tpu.memory_space<vmem>>, vector<16xi32>,
    %swap3A_266 = arith.constant 1 : i32
    %swap3A_267 = arith.index_cast %swap3A_266 : i32 to index
    %swap3A_268 = arith.constant 112 : index
    %swap3A_269 = tpu.vector_load %arg6[%swap3A_267, %swap3A_268] {strides = array<i32>} : memref<4x128xi32, #tpu.memory_space<vmem>>, vector<16xi32>,
    tpu.vector_store %arg6[%swap3A_267, %swap3A_268], %get3A_265 {strides = array<i32>} : memref<4x128xi32, #tpu.memory_space<vmem>>, vector<16xi32>,
    %dma_start3A_270 = arith.constant 1 : i32
    %dma_start3A_271 = arith.constant 1 : i32
    %dma_start3A_272 = arith.constant 0 : i32
    %dma_start3A_273 = arith.constant 0 : i32
    %dma_start3A_274 = tpu.memref_slice %arg7[%dma_start3A_271, %dma_start3A_272, %dma_start3A_273] : memref<4x128x128xf32, #tpu.memory_space<vmem>> -> memref<1x128x128xf32, #tpu.memory_space<vmem>>
    %dma_start3A_275 = tpu.memref_squeeze %dma_start3A_274 : memref<1x128x128xf32, #tpu.memory_space<vmem>> -> memref<128x128xf32, #tpu.memory_space<vmem>>
    %dma_start3A_276 = arith.constant 0 : i32
    %dma_start3A_277 = tpu.memref_slice %arg6[%dma_start3A_270, %dma_start3A_276] : memref<4x128xi32, #tpu.memory_space<vmem>> -> memref<1x128xi32, #tpu.memory_space<vmem>>
    %dma_start3A_278 = tpu.memref_squeeze %dma_start3A_277 : memref<1x128xi32, #tpu.memory_space<vmem>> -> memref<128xi32, #tpu.memory_space<vmem>>
    %dma_start3A_279 = arith.constant 0 : i32
    %dma_start3A_280 = arith.constant 0 : i32
    %dma_start3A_281 = tpu.memref_slice %arg2[%dma_start3A_279, %dma_start3A_280] : memref<1000000x128xf32, #tpu.memory_space<hbm>> -> memref<1000000x128xf32, #tpu.memory_space<hbm>>
    tpu.enqueue_indirect_dma source(%dma_start3A_281 : memref<1000000x128xf32, #tpu.memory_space<hbm>>) target(%dma_start3A_275 : memref<128x128xf32, #tpu.memory_space<vmem>>) offsets(%dma_start3A_278 : memref<128xi32, #tpu.memory_space<vmem>>) semaphore(%arg14 : memref<!tpu.dma_semaphore, #tpu.memory_space<semaphore_mem>>)
    %add3A_282 = arith.constant 5 : i32
    %add3A_283 = arith.addi %mul3A_2, %add3A_282 : i32
    %shift_right_arithmetic3A_284 = arith.constant 7 : i32
    %shift_right_arithmetic3A_285 = arith.shrsi %add3A_283, %shift_right_arithmetic3A_284 : i32
    %and3A_286 = arith.constant 127 : i32
    %and3A_287 = arith.andi %add3A_283, %and3A_286 : i32
    %mul3A_288 = arith.constant 128 : i32
    %mul3A_289 = arith.muli %and3A_287, %mul3A_288 : i32
    %dma_start3A_290 = arith.constant 1 : i32
    %dma_start3A_291 = arith.constant 0 : i32
    %dma_start3A_292 = tpu.memref_slice %arg5[%dma_start3A_290, %dma_start3A_291] : memref<4x128xi32, #tpu.memory_space<vmem>> -> memref<1x128xi32, #tpu.memory_space<vmem>>
    %dma_start3A_293 = tpu.memref_squeeze %dma_start3A_292 : memref<1x128xi32, #tpu.memory_space<vmem>> -> memref<128xi32, #tpu.memory_space<vmem>>
    %dma_start3A_294 = tpu.memref_slice %arg3[%shift_right_arithmetic3A_285, %mul3A_289] : memref<50x16384xi32, #tpu.memory_space<hbm>> -> memref<1x128xi32, #tpu.memory_space<hbm>>
    %dma_start3A_295 = tpu.memref_squeeze %dma_start3A_294 : memref<1x128xi32, #tpu.memory_space<hbm>> -> memref<128xi32, #tpu.memory_space<hbm>>
    %dma_start3A_296 = arith.constant 0 : i32
    %dma_start3A_297 = tpu.memref_slice %arg5[%dma_start3A_290, %dma_start3A_296] : memref<4x128xi32, #tpu.memory_space<vmem>> -> memref<1x128xi32, #tpu.memory_space<vmem>>
    %dma_start3A_298 = tpu.memref_squeeze %dma_start3A_297 : memref<1x128xi32, #tpu.memory_space<vmem>> -> memref<128xi32, #tpu.memory_space<vmem>>
    %dma_start3A_299 = tpu.memref_slice %arg3[%shift_right_arithmetic3A_285, %mul3A_289] : memref<50x16384xi32, #tpu.memory_space<hbm>> -> memref<1x128xi32, #tpu.memory_space<hbm>>
    %dma_start3A_300 = tpu.memref_squeeze %dma_start3A_299 : memref<1x128xi32, #tpu.memory_space<hbm>> -> memref<128xi32, #tpu.memory_space<hbm>>
    tpu.enqueue_dma source(%dma_start3A_300 : memref<128xi32, #tpu.memory_space<hbm>>) target(%dma_start3A_298 : memref<128xi32, #tpu.memory_space<vmem>>) target_semaphore(%arg10 : memref<!tpu.dma_semaphore, #tpu.memory_space<semaphore_mem>>)
    %add3A_301 = arith.constant 0 : i32
    %add3A_302 = arith.addi %mul3A_2, %add3A_301 : i32
    %shift_right_arithmetic3A_303 = arith.constant 7 : i32
    %shift_right_arithmetic3A_304 = arith.shrsi %add3A_302, %shift_right_arithmetic3A_303 : i32
    %and3A_305 = arith.constant 127 : i32
    %and3A_306 = arith.andi %add3A_302, %and3A_305 : i32
    %mul3A_307 = arith.constant 128 : i32
    %mul3A_308 = arith.muli %and3A_306, %mul3A_307 : i32
    %dma_wait3A_309 = arith.constant 2 : i32
    %dma_wait3A_310 = arith.constant 0 : i32
    %dma_wait3A_311 = tpu.memref_slice %arg5[%dma_wait3A_309, %dma_wait3A_310] : memref<4x128xi32, #tpu.memory_space<vmem>> -> memref<1x128xi32, #tpu.memory_space<vmem>>
    %dma_wait3A_312 = tpu.memref_squeeze %dma_wait3A_311 : memref<1x128xi32, #tpu.memory_space<vmem>> -> memref<128xi32, #tpu.memory_space<vmem>>
    %dma_wait3A_313 = tpu.memref_slice %arg3[%shift_right_arithmetic3A_304, %mul3A_308] : memref<50x16384xi32, #tpu.memory_space<hbm>> -> memref<1x128xi32, #tpu.memory_space<hbm>>
    %dma_wait3A_314 = tpu.memref_squeeze %dma_wait3A_313 : memref<1x128xi32, #tpu.memory_space<hbm>> -> memref<128xi32, #tpu.memory_space<hbm>>
    %dma_wait3A_315 = arith.constant 0 : i32
    %dma_wait3A_316 = tpu.memref_slice %arg5[%dma_wait3A_309, %dma_wait3A_315] : memref<4x128xi32, #tpu.memory_space<vmem>> -> memref<1x128xi32, #tpu.memory_space<vmem>>
    %dma_wait3A_317 = tpu.memref_squeeze %dma_wait3A_316 : memref<1x128xi32, #tpu.memory_space<vmem>> -> memref<128xi32, #tpu.memory_space<vmem>>
    %dma_wait3A_318 = tpu.memref_slice %arg3[%shift_right_arithmetic3A_304, %mul3A_308] : memref<50x16384xi32, #tpu.memory_space<hbm>> -> memref<1x128xi32, #tpu.memory_space<hbm>>
    %dma_wait3A_319 = tpu.memref_squeeze %dma_wait3A_318 : memref<1x128xi32, #tpu.memory_space<hbm>> -> memref<128xi32, #tpu.memory_space<hbm>>
    tpu.wait_dma2 semaphore(%arg11 : memref<!tpu.dma_semaphore, #tpu.memory_space<semaphore_mem>>) src(%dma_wait3A_319 : memref<128xi32, #tpu.memory_space<hbm>>) dst(%dma_wait3A_317 : memref<128xi32, #tpu.memory_space<vmem>>)
    %get3A_320 = arith.constant 2 : i32
    %get3A_321 = arith.index_cast %get3A_320 : i32 to index
    %get3A_322 = arith.constant 0 : index
    %get3A_323 = tpu.vector_load %arg5[%get3A_321, %get3A_322] {strides = array<i32>} : memref<4x128xi32, #tpu.memory_space<vmem>>, vector<16xi32>,
    %swap3A_324 = arith.constant 2 : i32
    %swap3A_325 = arith.index_cast %swap3A_324 : i32 to index
    %swap3A_326 = arith.constant 0 : index
    %swap3A_327 = tpu.vector_load %arg6[%swap3A_325, %swap3A_326] {strides = array<i32>} : memref<4x128xi32, #tpu.memory_space<vmem>>, vector<16xi32>,
    tpu.vector_store %arg6[%swap3A_325, %swap3A_326], %get3A_323 {strides = array<i32>} : memref<4x128xi32, #tpu.memory_space<vmem>>, vector<16xi32>,
    %get3A_328 = arith.constant 2 : i32
    %get3A_329 = arith.index_cast %get3A_328 : i32 to index
    %get3A_330 = arith.constant 16 : index
    %get3A_331 = tpu.vector_load %arg5[%get3A_329, %get3A_330] {strides = array<i32>} : memref<4x128xi32, #tpu.memory_space<vmem>>, vector<16xi32>,
    %swap3A_332 = arith.constant 2 : i32
    %swap3A_333 = arith.index_cast %swap3A_332 : i32 to index
    %swap3A_334 = arith.constant 16 : index
    %swap3A_335 = tpu.vector_load %arg6[%swap3A_333, %swap3A_334] {strides = array<i32>} : memref<4x128xi32, #tpu.memory_space<vmem>>, vector<16xi32>,
    tpu.vector_store %arg6[%swap3A_333, %swap3A_334], %get3A_331 {strides = array<i32>} : memref<4x128xi32, #tpu.memory_space<vmem>>, vector<16xi32>,
    %get3A_336 = arith.constant 2 : i32
    %get3A_337 = arith.index_cast %get3A_336 : i32 to index
    %get3A_338 = arith.constant 32 : index
    %get3A_339 = tpu.vector_load %arg5[%get3A_337, %get3A_338] {strides = array<i32>} : memref<4x128xi32, #tpu.memory_space<vmem>>, vector<16xi32>,
    %swap3A_340 = arith.constant 2 : i32
    %swap3A_341 = arith.index_cast %swap3A_340 : i32 to index
    %swap3A_342 = arith.constant 32 : index
    %swap3A_343 = tpu.vector_load %arg6[%swap3A_341, %swap3A_342] {strides = array<i32>} : memref<4x128xi32, #tpu.memory_space<vmem>>, vector<16xi32>,
    tpu.vector_store %arg6[%swap3A_341, %swap3A_342], %get3A_339 {strides = array<i32>} : memref<4x128xi32, #tpu.memory_space<vmem>>, vector<16xi32>,
    %get3A_344 = arith.constant 2 : i32
    %get3A_345 = arith.index_cast %get3A_344 : i32 to index
    %get3A_346 = arith.constant 48 : index
    %get3A_347 = tpu.vector_load %arg5[%get3A_345, %get3A_346] {strides = array<i32>} : memref<4x128xi32, #tpu.memory_space<vmem>>, vector<16xi32>,
    %swap3A_348 = arith.constant 2 : i32
    %swap3A_349 = arith.index_cast %swap3A_348 : i32 to index
    %swap3A_350 = arith.constant 48 : index
    %swap3A_351 = tpu.vector_load %arg6[%swap3A_349, %swap3A_350] {strides = array<i32>} : memref<4x128xi32, #tpu.memory_space<vmem>>, vector<16xi32>,
    tpu.vector_store %arg6[%swap3A_349, %swap3A_350], %get3A_347 {strides = array<i32>} : memref<4x128xi32, #tpu.memory_space<vmem>>, vector<16xi32>,
    %get3A_352 = arith.constant 2 : i32
    %get3A_353 = arith.index_cast %get3A_352 : i32 to index
    %get3A_354 = arith.constant 64 : index
    %get3A_355 = tpu.vector_load %arg5[%get3A_353, %get3A_354] {strides = array<i32>} : memref<4x128xi32, #tpu.memory_space<vmem>>, vector<16xi32>,
    %swap3A_356 = arith.constant 2 : i32
    %swap3A_357 = arith.index_cast %swap3A_356 : i32 to index
    %swap3A_358 = arith.constant 64 : index
    %swap3A_359 = tpu.vector_load %arg6[%swap3A_357, %swap3A_358] {strides = array<i32>} : memref<4x128xi32, #tpu.memory_space<vmem>>, vector<16xi32>,
    tpu.vector_store %arg6[%swap3A_357, %swap3A_358], %get3A_355 {strides = array<i32>} : memref<4x128xi32, #tpu.memory_space<vmem>>, vector<16xi32>,
    %get3A_360 = arith.constant 2 : i32
    %get3A_361 = arith.index_cast %get3A_360 : i32 to index
    %get3A_362 = arith.constant 80 : index
    %get3A_363 = tpu.vector_load %arg5[%get3A_361, %get3A_362] {strides = array<i32>} : memref<4x128xi32, #tpu.memory_space<vmem>>, vector<16xi32>,
    %swap3A_364 = arith.constant 2 : i32
    %swap3A_365 = arith.index_cast %swap3A_364 : i32 to index
    %swap3A_366 = arith.constant 80 : index
    %swap3A_367 = tpu.vector_load %arg6[%swap3A_365, %swap3A_366] {strides = array<i32>} : memref<4x128xi32, #tpu.memory_space<vmem>>, vector<16xi32>,
    tpu.vector_store %arg6[%swap3A_365, %swap3A_366], %get3A_363 {strides = array<i32>} : memref<4x128xi32, #tpu.memory_space<vmem>>, vector<16xi32>,
    %get3A_368 = arith.constant 2 : i32
    %get3A_369 = arith.index_cast %get3A_368 : i32 to index
    %get3A_370 = arith.constant 96 : index
    %get3A_371 = tpu.vector_load %arg5[%get3A_369, %get3A_370] {strides = array<i32>} : memref<4x128xi32, #tpu.memory_space<vmem>>, vector<16xi32>,
    %swap3A_372 = arith.constant 2 : i32
    %swap3A_373 = arith.index_cast %swap3A_372 : i32 to index
    %swap3A_374 = arith.constant 96 : index
    %swap3A_375 = tpu.vector_load %arg6[%swap3A_373, %swap3A_374] {strides = array<i32>} : memref<4x128xi32, #tpu.memory_space<vmem>>, vector<16xi32>,
    tpu.vector_store %arg6[%swap3A_373, %swap3A_374], %get3A_371 {strides = array<i32>} : memref<4x128xi32, #tpu.memory_space<vmem>>, vector<16xi32>,
    %get3A_376 = arith.constant 2 : i32
    %get3A_377 = arith.index_cast %get3A_376 : i32 to index
    %get3A_378 = arith.constant 112 : index
    %get3A_379 = tpu.vector_load %arg5[%get3A_377, %get3A_378] {strides = array<i32>} : memref<4x128xi32, #tpu.memory_space<vmem>>, vector<16xi32>,
    %swap3A_380 = arith.constant 2 : i32
    %swap3A_381 = arith.index_cast %swap3A_380 : i32 to index
    %swap3A_382 = arith.constant 112 : index
    %swap3A_383 = tpu.vector_load %arg6[%swap3A_381, %swap3A_382] {strides = array<i32>} : memref<4x128xi32, #tpu.memory_space<vmem>>, vector<16xi32>,
    tpu.vector_store %arg6[%swap3A_381, %swap3A_382], %get3A_379 {strides = array<i32>} : memref<4x128xi32, #tpu.memory_space<vmem>>, vector<16xi32>,
    %dma_start3A_384 = arith.constant 2 : i32
    %dma_start3A_385 = arith.constant 2 : i32
    %dma_start3A_386 = arith.constant 0 : i32
    %dma_start3A_387 = arith.constant 0 : i32
    %dma_start3A_388 = tpu.memref_slice %arg7[%dma_start3A_385, %dma_start3A_386, %dma_start3A_387] : memref<4x128x128xf32, #tpu.memory_space<vmem>> -> memref<1x128x128xf32, #tpu.memory_space<vmem>>
    %dma_start3A_389 = tpu.memref_squeeze %dma_start3A_388 : memref<1x128x128xf32, #tpu.memory_space<vmem>> -> memref<128x128xf32, #tpu.memory_space<vmem>>
    %dma_start3A_390 = arith.constant 0 : i32
    %dma_start3A_391 = tpu.memref_slice %arg6[%dma_start3A_384, %dma_start3A_390] : memref<4x128xi32, #tpu.memory_space<vmem>> -> memref<1x128xi32, #tpu.memory_space<vmem>>
    %dma_start3A_392 = tpu.memref_squeeze %dma_start3A_391 : memref<1x128xi32, #tpu.memory_space<vmem>> -> memref<128xi32, #tpu.memory_space<vmem>>
    %dma_start3A_393 = arith.constant 0 : i32
    %dma_start3A_394 = arith.constant 0 : i32
    %dma_start3A_395 = tpu.memref_slice %arg2[%dma_start3A_393, %dma_start3A_394] : memref<1000000x128xf32, #tpu.memory_space<hbm>> -> memref<1000000x128xf32, #tpu.memory_space<hbm>>
    tpu.enqueue_indirect_dma source(%dma_start3A_395 : memref<1000000x128xf32, #tpu.memory_space<hbm>>) target(%dma_start3A_389 : memref<128x128xf32, #tpu.memory_space<vmem>>) offsets(%dma_start3A_392 : memref<128xi32, #tpu.memory_space<vmem>>) semaphore(%arg15 : memref<!tpu.dma_semaphore, #tpu.memory_space<semaphore_mem>>)
    %add3A_396 = arith.constant 6 : i32
    %add3A_397 = arith.addi %mul3A_2, %add3A_396 : i32
    %shift_right_arithmetic3A_398 = arith.constant 7 : i32
    %shift_right_arithmetic3A_399 = arith.shrsi %add3A_397, %shift_right_arithmetic3A_398 : i32
    %and3A_400 = arith.constant 127 : i32
    %and3A_401 = arith.andi %add3A_397, %and3A_400 : i32
    %mul3A_402 = arith.constant 128 : i32
    %mul3A_403 = arith.muli %and3A_401, %mul3A_402 : i32
    %dma_start3A_404 = arith.constant 2 : i32
    %dma_start3A_405 = arith.constant 0 : i32
    %dma_start3A_406 = tpu.memref_slice %arg5[%dma_start3A_404, %dma_start3A_405] : memref<4x128xi32, #tpu.memory_space<vmem>> -> memref<1x128xi32, #tpu.memory_space<vmem>>
    %dma_start3A_407 = tpu.memref_squeeze %dma_start3A_406 : memref<1x128xi32, #tpu.memory_space<vmem>> -> memref<128xi32, #tpu.memory_space<vmem>>
    %dma_start3A_408 = tpu.memref_slice %arg3[%shift_right_arithmetic3A_399, %mul3A_403] : memref<50x16384xi32, #tpu.memory_space<hbm>> -> memref<1x128xi32, #tpu.memory_space<hbm>>
    %dma_start3A_409 = tpu.memref_squeeze %dma_start3A_408 : memref<1x128xi32, #tpu.memory_space<hbm>> -> memref<128xi32, #tpu.memory_space<hbm>>
    %dma_start3A_410 = arith.constant 0 : i32
    %dma_start3A_411 = tpu.memref_slice %arg5[%dma_start3A_404, %dma_start3A_410] : memref<4x128xi32, #tpu.memory_space<vmem>> -> memref<1x128xi32, #tpu.memory_space<vmem>>
    %dma_start3A_412 = tpu.memref_squeeze %dma_start3A_411 : memref<1x128xi32, #tpu.memory_space<vmem>> -> memref<128xi32, #tpu.memory_space<vmem>>
    %dma_start3A_413 = tpu.memref_slice %arg3[%shift_right_arithmetic3A_399, %mul3A_403] : memref<50x16384xi32, #tpu.memory_space<hbm>> -> memref<1x128xi32, #tpu.memory_space<hbm>>
    %dma_start3A_414 = tpu.memref_squeeze %dma_start3A_413 : memref<1x128xi32, #tpu.memory_space<hbm>> -> memref<128xi32, #tpu.memory_space<hbm>>
    tpu.enqueue_dma source(%dma_start3A_414 : memref<128xi32, #tpu.memory_space<hbm>>) target(%dma_start3A_412 : memref<128xi32, #tpu.memory_space<vmem>>) target_semaphore(%arg11 : memref<!tpu.dma_semaphore, #tpu.memory_space<semaphore_mem>>)
    %scan3A = arith.constant 0 : i32
    %scan3A_415 = arith.constant 0 : i32
    %scan3A_416 = arith.constant 50 : i32
    %scan3A_417 = arith.addi %scan3A_415, %scan3A_416 : i32
    %scan3A_418 = arith.constant 1 : i32
    scf.for %scan3A_512 = %scan3A_415 to %scan3A_417 step %scan3A_418  : i32 {
      %mul3A_513 = arith.constant 4 : i32
      %mul3A_514 = arith.muli %scan3A_512, %mul3A_513 : i32
      %add3A_515 = arith.constant 0 : i32
      %add3A_516 = arith.addi %mul3A_514, %add3A_515 : i32
      %add3A_517 = arith.constant 3 : i32
      %add3A_518 = arith.addi %add3A_516, %add3A_517 : i32
      %lt3A = arith.constant 200 : i32
      %lt3A_519 = arith.cmpi slt, %add3A_518, %lt3A : i32
      %convert_element_type3A = arith.extui %lt3A_519 : i1 to i32
      %cond3A = arith.constant 0 : i32
      %cond3A_520 = arith.cmpi ne, %convert_element_type3A, %cond3A : i32
      scf.if %cond3A_520 {
        %add3A_826 = arith.constant 0 : i32
        %add3A_827 = arith.addi %mul3A_2, %add3A_826 : i32
        %shift_right_arithmetic3A_828 = arith.constant 7 : i32
        %shift_right_arithmetic3A_829 = arith.shrsi %add3A_827, %shift_right_arithmetic3A_828 : i32
        %and3A_830 = arith.constant 127 : i32
        %and3A_831 = arith.andi %add3A_827, %and3A_830 : i32
        %mul3A_832 = arith.constant 128 : i32
        %mul3A_833 = arith.muli %and3A_831, %mul3A_832 : i32
        %dma_wait3A_834 = arith.constant 3 : i32
        %dma_wait3A_835 = arith.constant 0 : i32
        %dma_wait3A_836 = tpu.memref_slice %arg5[%dma_wait3A_834, %dma_wait3A_835] : memref<4x128xi32, #tpu.memory_space<vmem>> -> memref<1x128xi32, #tpu.memory_space<vmem>>
        %dma_wait3A_837 = tpu.memref_squeeze %dma_wait3A_836 : memref<1x128xi32, #tpu.memory_space<vmem>> -> memref<128xi32, #tpu.memory_space<vmem>>
        %dma_wait3A_838 = tpu.memref_slice %arg3[%shift_right_arithmetic3A_829, %mul3A_833] : memref<50x16384xi32, #tpu.memory_space<hbm>> -> memref<1x128xi32, #tpu.memory_space<hbm>>
        %dma_wait3A_839 = tpu.memref_squeeze %dma_wait3A_838 : memref<1x128xi32, #tpu.memory_space<hbm>> -> memref<128xi32, #tpu.memory_space<hbm>>
        %dma_wait3A_840 = arith.constant 0 : i32
        %dma_wait3A_841 = tpu.memref_slice %arg5[%dma_wait3A_834, %dma_wait3A_840] : memref<4x128xi32, #tpu.memory_space<vmem>> -> memref<1x128xi32, #tpu.memory_space<vmem>>
        %dma_wait3A_842 = tpu.memref_squeeze %dma_wait3A_841 : memref<1x128xi32, #tpu.memory_space<vmem>> -> memref<128xi32, #tpu.memory_space<vmem>>
        %dma_wait3A_843 = tpu.memref_slice %arg3[%shift_right_arithmetic3A_829, %mul3A_833] : memref<50x16384xi32, #tpu.memory_space<hbm>> -> memref<1x128xi32, #tpu.memory_space<hbm>>
        %dma_wait3A_844 = tpu.memref_squeeze %dma_wait3A_843 : memref<1x128xi32, #tpu.memory_space<hbm>> -> memref<128xi32, #tpu.memory_space<hbm>>
        tpu.wait_dma2 semaphore(%arg12 : memref<!tpu.dma_semaphore, #tpu.memory_space<semaphore_mem>>) src(%dma_wait3A_844 : memref<128xi32, #tpu.memory_space<hbm>>) dst(%dma_wait3A_842 : memref<128xi32, #tpu.memory_space<vmem>>)
        %get3A_845 = arith.constant 3 : i32
        %get3A_846 = arith.index_cast %get3A_845 : i32 to index
        %get3A_847 = arith.constant 0 : index
        %get3A_848 = tpu.vector_load %arg5[%get3A_846, %get3A_847] {strides = array<i32>} : memref<4x128xi32, #tpu.memory_space<vmem>>, vector<16xi32>,
        %swap3A_849 = arith.constant 3 : i32
        %swap3A_850 = arith.index_cast %swap3A_849 : i32 to index
        %swap3A_851 = arith.constant 0 : index
        %swap3A_852 = tpu.vector_load %arg6[%swap3A_850, %swap3A_851] {strides = array<i32>} : memref<4x128xi32, #tpu.memory_space<vmem>>, vector<16xi32>,
        tpu.vector_store %arg6[%swap3A_850, %swap3A_851], %get3A_848 {strides = array<i32>} : memref<4x128xi32, #tpu.memory_space<vmem>>, vector<16xi32>,
        %get3A_853 = arith.constant 3 : i32
        %get3A_854 = arith.index_cast %get3A_853 : i32 to index
        %get3A_855 = arith.constant 16 : index
        %get3A_856 = tpu.vector_load %arg5[%get3A_854, %get3A_855] {strides = array<i32>} : memref<4x128xi32, #tpu.memory_space<vmem>>, vector<16xi32>,
        %swap3A_857 = arith.constant 3 : i32
        %swap3A_858 = arith.index_cast %swap3A_857 : i32 to index
        %swap3A_859 = arith.constant 16 : index
        %swap3A_860 = tpu.vector_load %arg6[%swap3A_858, %swap3A_859] {strides = array<i32>} : memref<4x128xi32, #tpu.memory_space<vmem>>, vector<16xi32>,
        tpu.vector_store %arg6[%swap3A_858, %swap3A_859], %get3A_856 {strides = array<i32>} : memref<4x128xi32, #tpu.memory_space<vmem>>, vector<16xi32>,
        %get3A_861 = arith.constant 3 : i32
        %get3A_862 = arith.index_cast %get3A_861 : i32 to index
        %get3A_863 = arith.constant 32 : index
        %get3A_864 = tpu.vector_load %arg5[%get3A_862, %get3A_863] {strides = array<i32>} : memref<4x128xi32, #tpu.memory_space<vmem>>, vector<16xi32>,
        %swap3A_865 = arith.constant 3 : i32
        %swap3A_866 = arith.index_cast %swap3A_865 : i32 to index
        %swap3A_867 = arith.constant 32 : index
        %swap3A_868 = tpu.vector_load %arg6[%swap3A_866, %swap3A_867] {strides = array<i32>} : memref<4x128xi32, #tpu.memory_space<vmem>>, vector<16xi32>,
        tpu.vector_store %arg6[%swap3A_866, %swap3A_867], %get3A_864 {strides = array<i32>} : memref<4x128xi32, #tpu.memory_space<vmem>>, vector<16xi32>,
        %get3A_869 = arith.constant 3 : i32
        %get3A_870 = arith.index_cast %get3A_869 : i32 to index
        %get3A_871 = arith.constant 48 : index
        %get3A_872 = tpu.vector_load %arg5[%get3A_870, %get3A_871] {strides = array<i32>} : memref<4x128xi32, #tpu.memory_space<vmem>>, vector<16xi32>,
        %swap3A_873 = arith.constant 3 : i32
        %swap3A_874 = arith.index_cast %swap3A_873 : i32 to index
        %swap3A_875 = arith.constant 48 : index
        %swap3A_876 = tpu.vector_load %arg6[%swap3A_874, %swap3A_875] {strides = array<i32>} : memref<4x128xi32, #tpu.memory_space<vmem>>, vector<16xi32>,
        tpu.vector_store %arg6[%swap3A_874, %swap3A_875], %get3A_872 {strides = array<i32>} : memref<4x128xi32, #tpu.memory_space<vmem>>, vector<16xi32>,
        %get3A_877 = arith.constant 3 : i32
        %get3A_878 = arith.index_cast %get3A_877 : i32 to index
        %get3A_879 = arith.constant 64 : index
        %get3A_880 = tpu.vector_load %arg5[%get3A_878, %get3A_879] {strides = array<i32>} : memref<4x128xi32, #tpu.memory_space<vmem>>, vector<16xi32>,
        %swap3A_881 = arith.constant 3 : i32
        %swap3A_882 = arith.index_cast %swap3A_881 : i32 to index
        %swap3A_883 = arith.constant 64 : index
        %swap3A_884 = tpu.vector_load %arg6[%swap3A_882, %swap3A_883] {strides = array<i32>} : memref<4x128xi32, #tpu.memory_space<vmem>>, vector<16xi32>,
        tpu.vector_store %arg6[%swap3A_882, %swap3A_883], %get3A_880 {strides = array<i32>} : memref<4x128xi32, #tpu.memory_space<vmem>>, vector<16xi32>,
        %get3A_885 = arith.constant 3 : i32
        %get3A_886 = arith.index_cast %get3A_885 : i32 to index
        %get3A_887 = arith.constant 80 : index
        %get3A_888 = tpu.vector_load %arg5[%get3A_886, %get3A_887] {strides = array<i32>} : memref<4x128xi32, #tpu.memory_space<vmem>>, vector<16xi32>,
        %swap3A_889 = arith.constant 3 : i32
        %swap3A_890 = arith.index_cast %swap3A_889 : i32 to index
        %swap3A_891 = arith.constant 80 : index
        %swap3A_892 = tpu.vector_load %arg6[%swap3A_890, %swap3A_891] {strides = array<i32>} : memref<4x128xi32, #tpu.memory_space<vmem>>, vector<16xi32>,
        tpu.vector_store %arg6[%swap3A_890, %swap3A_891], %get3A_888 {strides = array<i32>} : memref<4x128xi32, #tpu.memory_space<vmem>>, vector<16xi32>,
        %get3A_893 = arith.constant 3 : i32
        %get3A_894 = arith.index_cast %get3A_893 : i32 to index
        %get3A_895 = arith.constant 96 : index
        %get3A_896 = tpu.vector_load %arg5[%get3A_894, %get3A_895] {strides = array<i32>} : memref<4x128xi32, #tpu.memory_space<vmem>>, vector<16xi32>,
        %swap3A_897 = arith.constant 3 : i32
        %swap3A_898 = arith.index_cast %swap3A_897 : i32 to index
        %swap3A_899 = arith.constant 96 : index
        %swap3A_900 = tpu.vector_load %arg6[%swap3A_898, %swap3A_899] {strides = array<i32>} : memref<4x128xi32, #tpu.memory_space<vmem>>, vector<16xi32>,
        tpu.vector_store %arg6[%swap3A_898, %swap3A_899], %get3A_896 {strides = array<i32>} : memref<4x128xi32, #tpu.memory_space<vmem>>, vector<16xi32>,
        %get3A_901 = arith.constant 3 : i32
        %get3A_902 = arith.index_cast %get3A_901 : i32 to index
        %get3A_903 = arith.constant 112 : index
        %get3A_904 = tpu.vector_load %arg5[%get3A_902, %get3A_903] {strides = array<i32>} : memref<4x128xi32, #tpu.memory_space<vmem>>, vector<16xi32>,
        %swap3A_905 = arith.constant 3 : i32
        %swap3A_906 = arith.index_cast %swap3A_905 : i32 to index
        %swap3A_907 = arith.constant 112 : index
        %swap3A_908 = tpu.vector_load %arg6[%swap3A_906, %swap3A_907] {strides = array<i32>} : memref<4x128xi32, #tpu.memory_space<vmem>>, vector<16xi32>,
        tpu.vector_store %arg6[%swap3A_906, %swap3A_907], %get3A_904 {strides = array<i32>} : memref<4x128xi32, #tpu.memory_space<vmem>>, vector<16xi32>,
        %dma_start3A_909 = arith.constant 3 : i32
        %dma_start3A_910 = arith.constant 3 : i32
        %dma_start3A_911 = arith.constant 0 : i32
        %dma_start3A_912 = arith.constant 0 : i32
        %dma_start3A_913 = tpu.memref_slice %arg7[%dma_start3A_910, %dma_start3A_911, %dma_start3A_912] : memref<4x128x128xf32, #tpu.memory_space<vmem>> -> memref<1x128x128xf32, #tpu.memory_space<vmem>>
        %dma_start3A_914 = tpu.memref_squeeze %dma_start3A_913 : memref<1x128x128xf32, #tpu.memory_space<vmem>> -> memref<128x128xf32, #tpu.memory_space<vmem>>
        %dma_start3A_915 = arith.constant 0 : i32
        %dma_start3A_916 = tpu.memref_slice %arg6[%dma_start3A_909, %dma_start3A_915] : memref<4x128xi32, #tpu.memory_space<vmem>> -> memref<1x128xi32, #tpu.memory_space<vmem>>
        %dma_start3A_917 = tpu.memref_squeeze %dma_start3A_916 : memref<1x128xi32, #tpu.memory_space<vmem>> -> memref<128xi32, #tpu.memory_space<vmem>>
        %dma_start3A_918 = arith.constant 0 : i32
        %dma_start3A_919 = arith.constant 0 : i32
        %dma_start3A_920 = tpu.memref_slice %arg2[%dma_start3A_918, %dma_start3A_919] : memref<1000000x128xf32, #tpu.memory_space<hbm>> -> memref<1000000x128xf32, #tpu.memory_space<hbm>>
        tpu.enqueue_indirect_dma source(%dma_start3A_920 : memref<1000000x128xf32, #tpu.memory_space<hbm>>) target(%dma_start3A_914 : memref<128x128xf32, #tpu.memory_space<vmem>>) offsets(%dma_start3A_917 : memref<128xi32, #tpu.memory_space<vmem>>) semaphore(%arg16 : memref<!tpu.dma_semaphore, #tpu.memory_space<semaphore_mem>>)
        %add3A_921 = arith.constant 3 : i32
        %add3A_922 = arith.addi %add3A_516, %add3A_921 : i32
        %add3A_923 = arith.constant 4 : i32
        %add3A_924 = arith.addi %add3A_922, %add3A_923 : i32
        %lt3A_925 = arith.constant 200 : i32
        %lt3A_926 = arith.cmpi slt, %add3A_924, %lt3A_925 : i32
        %convert_element_type3A_927 = arith.extui %lt3A_926 : i1 to i32
        %cond3A_928 = arith.constant 0 : i32
        %cond3A_929 = arith.cmpi ne, %convert_element_type3A_927, %cond3A_928 : i32
        scf.if %cond3A_929 {
          %add3A_930 = arith.constant 3 : i32
          %add3A_931 = arith.addi %add3A_516, %add3A_930 : i32
          %add3A_932 = arith.constant 4 : i32
          %add3A_933 = arith.addi %add3A_931, %add3A_932 : i32
          %add3A_934 = arith.addi %mul3A_2, %add3A_933 : i32
          %shift_right_arithmetic3A_935 = arith.constant 7 : i32
          %shift_right_arithmetic3A_936 = arith.shrsi %add3A_934, %shift_right_arithmetic3A_935 : i32
          %and3A_937 = arith.constant 127 : i32
          %and3A_938 = arith.andi %add3A_934, %and3A_937 : i32
          %mul3A_939 = arith.constant 128 : i32
          %mul3A_940 = arith.muli %and3A_938, %mul3A_939 : i32
          %dma_start3A_941 = arith.constant 3 : i32
          %dma_start3A_942 = arith.constant 0 : i32
          %dma_start3A_943 = tpu.memref_slice %arg5[%dma_start3A_941, %dma_start3A_942] : memref<4x128xi32, #tpu.memory_space<vmem>> -> memref<1x128xi32, #tpu.memory_space<vmem>>
          %dma_start3A_944 = tpu.memref_squeeze %dma_start3A_943 : memref<1x128xi32, #tpu.memory_space<vmem>> -> memref<128xi32, #tpu.memory_space<vmem>>
          %dma_start3A_945 = tpu.memref_slice %arg3[%shift_right_arithmetic3A_936, %mul3A_940] : memref<50x16384xi32, #tpu.memory_space<hbm>> -> memref<1x128xi32, #tpu.memory_space<hbm>>
          %dma_start3A_946 = tpu.memref_squeeze %dma_start3A_945 : memref<1x128xi32, #tpu.memory_space<hbm>> -> memref<128xi32, #tpu.memory_space<hbm>>
          %dma_start3A_947 = arith.constant 0 : i32
          %dma_start3A_948 = tpu.memref_slice %arg5[%dma_start3A_941, %dma_start3A_947] : memref<4x128xi32, #tpu.memory_space<vmem>> -> memref<1x128xi32, #tpu.memory_space<vmem>>
          %dma_start3A_949 = tpu.memref_squeeze %dma_start3A_948 : memref<1x128xi32, #tpu.memory_space<vmem>> -> memref<128xi32, #tpu.memory_space<vmem>>
          %dma_start3A_950 = tpu.memref_slice %arg3[%shift_right_arithmetic3A_936, %mul3A_940] : memref<50x16384xi32, #tpu.memory_space<hbm>> -> memref<1x128xi32, #tpu.memory_space<hbm>>
          %dma_start3A_951 = tpu.memref_squeeze %dma_start3A_950 : memref<1x128xi32, #tpu.memory_space<hbm>> -> memref<128xi32, #tpu.memory_space<hbm>>
          tpu.enqueue_dma source(%dma_start3A_951 : memref<128xi32, #tpu.memory_space<hbm>>) target(%dma_start3A_949 : memref<128xi32, #tpu.memory_space<vmem>>) target_semaphore(%arg12 : memref<!tpu.dma_semaphore, #tpu.memory_space<semaphore_mem>>)
        } else {
        }
      } else {
      }
      %dma_wait3A_521 = arith.constant 0 : i32
      %dma_wait3A_522 = arith.constant 0 : i32
      %dma_wait3A_523 = arith.constant 0 : i32
      %dma_wait3A_524 = arith.constant 0 : i32
      %dma_wait3A_525 = tpu.memref_slice %arg7[%dma_wait3A_522, %dma_wait3A_523, %dma_wait3A_524] : memref<4x128x128xf32, #tpu.memory_space<vmem>> -> memref<1x128x128xf32, #tpu.memory_space<vmem>>
      %dma_wait3A_526 = tpu.memref_squeeze %dma_wait3A_525 : memref<1x128x128xf32, #tpu.memory_space<vmem>> -> memref<128x128xf32, #tpu.memory_space<vmem>>
      %dma_wait3A_527 = arith.constant 0 : i32
      %dma_wait3A_528 = tpu.memref_slice %arg6[%dma_wait3A_521, %dma_wait3A_527] : memref<4x128xi32, #tpu.memory_space<vmem>> -> memref<1x128xi32, #tpu.memory_space<vmem>>
      %dma_wait3A_529 = tpu.memref_squeeze %dma_wait3A_528 : memref<1x128xi32, #tpu.memory_space<vmem>> -> memref<128xi32, #tpu.memory_space<vmem>>
      %dma_wait3A_530 = arith.constant 0 : i32
      %dma_wait3A_531 = arith.constant 0 : i32
      %dma_wait3A_532 = tpu.memref_slice %arg2[%dma_wait3A_530, %dma_wait3A_531] : memref<1000000x128xf32, #tpu.memory_space<hbm>> -> memref<1000000x128xf32, #tpu.memory_space<hbm>>
      tpu.wait_indirect_dma semaphore(%arg13 : memref<!tpu.dma_semaphore, #tpu.memory_space<semaphore_mem>>) src(%dma_wait3A_532 : memref<1000000x128xf32, #tpu.memory_space<hbm>>) dst(%dma_wait3A_526 : memref<128x128xf32, #tpu.memory_space<vmem>>)
      %ge3A = arith.constant 1 : i32
      %ge3A_533 = arith.cmpi sge, %scan3A_512, %ge3A : i32
      %convert_element_type3A_534 = arith.extui %ge3A_533 : i1 to i32
      %cond3A_535 = arith.constant 0 : i32
      %cond3A_536 = arith.cmpi ne, %convert_element_type3A_534, %cond3A_535 : i32
      scf.if %cond3A_536 {
        %add3A_826 = arith.constant 0 : i32
        %add3A_827 = arith.addi %mul3A_2, %add3A_826 : i32
        %shift_right_arithmetic3A_828 = arith.constant 7 : i32
        %shift_right_arithmetic3A_829 = arith.shrsi %add3A_827, %shift_right_arithmetic3A_828 : i32
        %and3A_830 = arith.constant 127 : i32
        %and3A_831 = arith.andi %add3A_827, %and3A_830 : i32
        %mul3A_832 = arith.constant 128 : i32
        %mul3A_833 = arith.muli %and3A_831, %mul3A_832 : i32
        %dma_wait3A_834 = arith.constant 0 : i32
        %dma_wait3A_835 = arith.constant 0 : i32
        %dma_wait3A_836 = arith.constant 0 : i32
        %dma_wait3A_837 = tpu.memref_slice %arg8[%dma_wait3A_834, %dma_wait3A_835, %dma_wait3A_836] : memref<4x64x128xf32, #tpu.memory_space<vmem>> -> memref<1x64x128xf32, #tpu.memory_space<vmem>>
        %dma_wait3A_838 = tpu.memref_squeeze %dma_wait3A_837 : memref<1x64x128xf32, #tpu.memory_space<vmem>> -> memref<64x128xf32, #tpu.memory_space<vmem>>
        %dma_wait3A_839 = arith.constant 0 : i32
        %dma_wait3A_840 = tpu.memref_slice %arg4[%shift_right_arithmetic3A_829, %dma_wait3A_839, %mul3A_833] : memref<50x64x16384xf32, #tpu.memory_space<hbm>> -> memref<1x64x128xf32, #tpu.memory_space<hbm>>
        %dma_wait3A_841 = tpu.memref_squeeze %dma_wait3A_840 : memref<1x64x128xf32, #tpu.memory_space<hbm>> -> memref<64x128xf32, #tpu.memory_space<hbm>>
        %dma_wait3A_842 = arith.constant 0 : i32
        %dma_wait3A_843 = tpu.memref_slice %arg4[%shift_right_arithmetic3A_829, %dma_wait3A_842, %mul3A_833] : memref<50x64x16384xf32, #tpu.memory_space<hbm>> -> memref<1x64x128xf32, #tpu.memory_space<hbm>>
        %dma_wait3A_844 = tpu.memref_squeeze %dma_wait3A_843 : memref<1x64x128xf32, #tpu.memory_space<hbm>> -> memref<64x128xf32, #tpu.memory_space<hbm>>
        %dma_wait3A_845 = arith.constant 0 : i32
        %dma_wait3A_846 = arith.constant 0 : i32
        %dma_wait3A_847 = tpu.memref_slice %arg8[%dma_wait3A_834, %dma_wait3A_845, %dma_wait3A_846] : memref<4x64x128xf32, #tpu.memory_space<vmem>> -> memref<1x64x128xf32, #tpu.memory_space<vmem>>
        %dma_wait3A_848 = tpu.memref_squeeze %dma_wait3A_847 : memref<1x64x128xf32, #tpu.memory_space<vmem>> -> memref<64x128xf32, #tpu.memory_space<vmem>>
        tpu.wait_dma2 semaphore(%arg17 : memref<!tpu.dma_semaphore, #tpu.memory_space<semaphore_mem>>) src(%dma_wait3A_848 : memref<64x128xf32, #tpu.memory_space<vmem>>) dst(%dma_wait3A_844 : memref<64x128xf32, #tpu.memory_space<hbm>>)
      } else {
      }
      %add3A_537 = arith.constant 0 : i32
      %add3A_538 = vector.broadcast %add3A_537 : i32 to vector<16xi32>
      %add3A_539 = arith.addi %iota3A, %add3A_538 : vector<16xi32>
      %add3A_540 = arith.constant 16 : i32
      %add3A_541 = vector.broadcast %add3A_540 : i32 to vector<16xi32>
      %add3A_542 = arith.addi %iota3A, %add3A_541 : vector<16xi32>
      %add3A_543 = arith.constant 32 : i32
      %add3A_544 = vector.broadcast %add3A_543 : i32 to vector<16xi32>
      %add3A_545 = arith.addi %iota3A, %add3A_544 : vector<16xi32>
      %add3A_546 = arith.constant 48 : i32
      %add3A_547 = vector.broadcast %add3A_546 : i32 to vector<16xi32>
      %add3A_548 = arith.addi %iota3A, %add3A_547 : vector<16xi32>
      %add3A_549 = arith.constant 64 : i32
      %add3A_550 = vector.broadcast %add3A_549 : i32 to vector<16xi32>
      %add3A_551 = arith.addi %iota3A, %add3A_550 : vector<16xi32>
      %add3A_552 = arith.constant 80 : i32
      %add3A_553 = vector.broadcast %add3A_552 : i32 to vector<16xi32>
      %add3A_554 = arith.addi %iota3A, %add3A_553 : vector<16xi32>
      %add3A_555 = arith.constant 96 : i32
      %add3A_556 = vector.broadcast %add3A_555 : i32 to vector<16xi32>
      %add3A_557 = arith.addi %iota3A, %add3A_556 : vector<16xi32>
      %add3A_558 = arith.constant 112 : i32
      %add3A_559 = vector.broadcast %add3A_558 : i32 to vector<16xi32>
      %add3A_560 = arith.addi %iota3A, %add3A_559 : vector<16xi32>
      %and3A_561 = arith.constant 0 : i32
      %and3A_562 = vector.broadcast %and3A_561 : i32 to vector<16xi32>
      %and3A_563 = arith.andi %iota3A, %and3A_562 : vector<16xi32>
      %parallel_loop3A = arith.constant 0 : i32
      %parallel_loop3A_564 = arith.constant 64 : i32
      %parallel_loop3A_565 = arith.constant 1 : i32
      %parallel_loop3A_566 = arith.constant 0 : i32
      scf.for %parallel_loop3A_826 = %parallel_loop3A to %parallel_loop3A_564 step %parallel_loop3A_565  : i32 {
        %parallel_loop3A_827 = vector.broadcast %parallel_loop3A_826 : i32 to vector<16xi32>
        %parallel_loop3A_828 = arith.addi %and3A_563, %parallel_loop3A_827 : vector<16xi32>
        %parallel_loop3A_829 = arith.constant 0 : i32
        %parallel_loop3A_830 = arith.constant 0 : i32
        %parallel_loop3A_831 = tpu.memref_slice %arg7[%parallel_loop3A_566, %parallel_loop3A_829, %parallel_loop3A_830] : memref<4x128x128xf32, #tpu.memory_space<vmem>> -> memref<1x128x128xf32, #tpu.memory_space<vmem>>
        %parallel_loop3A_832 = tpu.memref_squeeze %parallel_loop3A_831 : memref<1x128x128xf32, #tpu.memory_space<vmem>> -> memref<128x128xf32, #tpu.memory_space<vmem>>
        %parallel_loop3A_833 = tpu.vector_load_idx %parallel_loop3A_832[%add3A_539, %parallel_loop3A_828] : memref<128x128xf32, #tpu.memory_space<vmem>>[vector<16xi32>, vector<16xi32>], vector<16xf32>,
        %parallel_loop3A_834 = arith.constant 0 : i32
        %parallel_loop3A_835 = arith.index_cast %parallel_loop3A_834 : i32 to index
        %parallel_loop3A_836 = arith.index_cast %parallel_loop3A_826 : i32 to index
        %parallel_loop3A_837 = arith.constant 0 : index
        %parallel_loop3A_838 = tpu.vector_load %arg8[%parallel_loop3A_835, %parallel_loop3A_836, %parallel_loop3A_837] {strides = array<i32>} : memref<4x64x128xf32, #tpu.memory_space<vmem>>, vector<16xf32>,
        tpu.vector_store %arg8[%parallel_loop3A_835, %parallel_loop3A_836, %parallel_loop3A_837], %parallel_loop3A_833 {strides = array<i32>} : memref<4x64x128xf32, #tpu.memory_space<vmem>>, vector<16xf32>,
        %parallel_loop3A_839 = arith.constant 0 : i32
        %parallel_loop3A_840 = arith.constant 0 : i32
        %parallel_loop3A_841 = tpu.memref_slice %arg7[%parallel_loop3A_566, %parallel_loop3A_839, %parallel_loop3A_840] : memref<4x128x128xf32, #tpu.memory_space<vmem>> -> memref<1x128x128xf32, #tpu.memory_space<vmem>>
        %parallel_loop3A_842 = tpu.memref_squeeze %parallel_loop3A_841 : memref<1x128x128xf32, #tpu.memory_space<vmem>> -> memref<128x128xf32, #tpu.memory_space<vmem>>
        %parallel_loop3A_843 = tpu.vector_load_idx %parallel_loop3A_842[%add3A_542, %parallel_loop3A_828] : memref<128x128xf32, #tpu.memory_space<vmem>>[vector<16xi32>, vector<16xi32>], vector<16xf32>,
        %parallel_loop3A_844 = arith.constant 0 : i32
        %parallel_loop3A_845 = arith.index_cast %parallel_loop3A_844 : i32 to index
        %parallel_loop3A_846 = arith.index_cast %parallel_loop3A_826 : i32 to index
        %parallel_loop3A_847 = arith.constant 16 : index
        %parallel_loop3A_848 = tpu.vector_load %arg8[%parallel_loop3A_845, %parallel_loop3A_846, %parallel_loop3A_847] {strides = array<i32>} : memref<4x64x128xf32, #tpu.memory_space<vmem>>, vector<16xf32>,
        tpu.vector_store %arg8[%parallel_loop3A_845, %parallel_loop3A_846, %parallel_loop3A_847], %parallel_loop3A_843 {strides = array<i32>} : memref<4x64x128xf32, #tpu.memory_space<vmem>>, vector<16xf32>,
        %parallel_loop3A_849 = arith.constant 0 : i32
        %parallel_loop3A_850 = arith.constant 0 : i32
        %parallel_loop3A_851 = tpu.memref_slice %arg7[%parallel_loop3A_566, %parallel_loop3A_849, %parallel_loop3A_850] : memref<4x128x128xf32, #tpu.memory_space<vmem>> -> memref<1x128x128xf32, #tpu.memory_space<vmem>>
        %parallel_loop3A_852 = tpu.memref_squeeze %parallel_loop3A_851 : memref<1x128x128xf32, #tpu.memory_space<vmem>> -> memref<128x128xf32, #tpu.memory_space<vmem>>
        %parallel_loop3A_853 = tpu.vector_load_idx %parallel_loop3A_852[%add3A_545, %parallel_loop3A_828] : memref<128x128xf32, #tpu.memory_space<vmem>>[vector<16xi32>, vector<16xi32>], vector<16xf32>,
        %parallel_loop3A_854 = arith.constant 0 : i32
        %parallel_loop3A_855 = arith.index_cast %parallel_loop3A_854 : i32 to index
        %parallel_loop3A_856 = arith.index_cast %parallel_loop3A_826 : i32 to index
        %parallel_loop3A_857 = arith.constant 32 : index
        %parallel_loop3A_858 = tpu.vector_load %arg8[%parallel_loop3A_855, %parallel_loop3A_856, %parallel_loop3A_857] {strides = array<i32>} : memref<4x64x128xf32, #tpu.memory_space<vmem>>, vector<16xf32>,
        tpu.vector_store %arg8[%parallel_loop3A_855, %parallel_loop3A_856, %parallel_loop3A_857], %parallel_loop3A_853 {strides = array<i32>} : memref<4x64x128xf32, #tpu.memory_space<vmem>>, vector<16xf32>,
        %parallel_loop3A_859 = arith.constant 0 : i32
        %parallel_loop3A_860 = arith.constant 0 : i32
        %parallel_loop3A_861 = tpu.memref_slice %arg7[%parallel_loop3A_566, %parallel_loop3A_859, %parallel_loop3A_860] : memref<4x128x128xf32, #tpu.memory_space<vmem>> -> memref<1x128x128xf32, #tpu.memory_space<vmem>>
        %parallel_loop3A_862 = tpu.memref_squeeze %parallel_loop3A_861 : memref<1x128x128xf32, #tpu.memory_space<vmem>> -> memref<128x128xf32, #tpu.memory_space<vmem>>
        %parallel_loop3A_863 = tpu.vector_load_idx %parallel_loop3A_862[%add3A_548, %parallel_loop3A_828] : memref<128x128xf32, #tpu.memory_space<vmem>>[vector<16xi32>, vector<16xi32>], vector<16xf32>,
        %parallel_loop3A_864 = arith.constant 0 : i32
        %parallel_loop3A_865 = arith.index_cast %parallel_loop3A_864 : i32 to index
        %parallel_loop3A_866 = arith.index_cast %parallel_loop3A_826 : i32 to index
        %parallel_loop3A_867 = arith.constant 48 : index
        %parallel_loop3A_868 = tpu.vector_load %arg8[%parallel_loop3A_865, %parallel_loop3A_866, %parallel_loop3A_867] {strides = array<i32>} : memref<4x64x128xf32, #tpu.memory_space<vmem>>, vector<16xf32>,
        tpu.vector_store %arg8[%parallel_loop3A_865, %parallel_loop3A_866, %parallel_loop3A_867], %parallel_loop3A_863 {strides = array<i32>} : memref<4x64x128xf32, #tpu.memory_space<vmem>>, vector<16xf32>,
        %parallel_loop3A_869 = arith.constant 0 : i32
        %parallel_loop3A_870 = arith.constant 0 : i32
        %parallel_loop3A_871 = tpu.memref_slice %arg7[%parallel_loop3A_566, %parallel_loop3A_869, %parallel_loop3A_870] : memref<4x128x128xf32, #tpu.memory_space<vmem>> -> memref<1x128x128xf32, #tpu.memory_space<vmem>>
        %parallel_loop3A_872 = tpu.memref_squeeze %parallel_loop3A_871 : memref<1x128x128xf32, #tpu.memory_space<vmem>> -> memref<128x128xf32, #tpu.memory_space<vmem>>
        %parallel_loop3A_873 = tpu.vector_load_idx %parallel_loop3A_872[%add3A_551, %parallel_loop3A_828] : memref<128x128xf32, #tpu.memory_space<vmem>>[vector<16xi32>, vector<16xi32>], vector<16xf32>,
        %parallel_loop3A_874 = arith.constant 0 : i32
        %parallel_loop3A_875 = arith.index_cast %parallel_loop3A_874 : i32 to index
        %parallel_loop3A_876 = arith.index_cast %parallel_loop3A_826 : i32 to index
        %parallel_loop3A_877 = arith.constant 64 : index
        %parallel_loop3A_878 = tpu.vector_load %arg8[%parallel_loop3A_875, %parallel_loop3A_876, %parallel_loop3A_877] {strides = array<i32>} : memref<4x64x128xf32, #tpu.memory_space<vmem>>, vector<16xf32>,
        tpu.vector_store %arg8[%parallel_loop3A_875, %parallel_loop3A_876, %parallel_loop3A_877], %parallel_loop3A_873 {strides = array<i32>} : memref<4x64x128xf32, #tpu.memory_space<vmem>>, vector<16xf32>,
        %parallel_loop3A_879 = arith.constant 0 : i32
        %parallel_loop3A_880 = arith.constant 0 : i32
        %parallel_loop3A_881 = tpu.memref_slice %arg7[%parallel_loop3A_566, %parallel_loop3A_879, %parallel_loop3A_880] : memref<4x128x128xf32, #tpu.memory_space<vmem>> -> memref<1x128x128xf32, #tpu.memory_space<vmem>>
        %parallel_loop3A_882 = tpu.memref_squeeze %parallel_loop3A_881 : memref<1x128x128xf32, #tpu.memory_space<vmem>> -> memref<128x128xf32, #tpu.memory_space<vmem>>
        %parallel_loop3A_883 = tpu.vector_load_idx %parallel_loop3A_882[%add3A_554, %parallel_loop3A_828] : memref<128x128xf32, #tpu.memory_space<vmem>>[vector<16xi32>, vector<16xi32>], vector<16xf32>,
        %parallel_loop3A_884 = arith.constant 0 : i32
        %parallel_loop3A_885 = arith.index_cast %parallel_loop3A_884 : i32 to index
        %parallel_loop3A_886 = arith.index_cast %parallel_loop3A_826 : i32 to index
        %parallel_loop3A_887 = arith.constant 80 : index
        %parallel_loop3A_888 = tpu.vector_load %arg8[%parallel_loop3A_885, %parallel_loop3A_886, %parallel_loop3A_887] {strides = array<i32>} : memref<4x64x128xf32, #tpu.memory_space<vmem>>, vector<16xf32>,
        tpu.vector_store %arg8[%parallel_loop3A_885, %parallel_loop3A_886, %parallel_loop3A_887], %parallel_loop3A_883 {strides = array<i32>} : memref<4x64x128xf32, #tpu.memory_space<vmem>>, vector<16xf32>,
        %parallel_loop3A_889 = arith.constant 0 : i32
        %parallel_loop3A_890 = arith.constant 0 : i32
        %parallel_loop3A_891 = tpu.memref_slice %arg7[%parallel_loop3A_566, %parallel_loop3A_889, %parallel_loop3A_890] : memref<4x128x128xf32, #tpu.memory_space<vmem>> -> memref<1x128x128xf32, #tpu.memory_space<vmem>>
        %parallel_loop3A_892 = tpu.memref_squeeze %parallel_loop3A_891 : memref<1x128x128xf32, #tpu.memory_space<vmem>> -> memref<128x128xf32, #tpu.memory_space<vmem>>
        %parallel_loop3A_893 = tpu.vector_load_idx %parallel_loop3A_892[%add3A_557, %parallel_loop3A_828] : memref<128x128xf32, #tpu.memory_space<vmem>>[vector<16xi32>, vector<16xi32>], vector<16xf32>,
        %parallel_loop3A_894 = arith.constant 0 : i32
        %parallel_loop3A_895 = arith.index_cast %parallel_loop3A_894 : i32 to index
        %parallel_loop3A_896 = arith.index_cast %parallel_loop3A_826 : i32 to index
        %parallel_loop3A_897 = arith.constant 96 : index
        %parallel_loop3A_898 = tpu.vector_load %arg8[%parallel_loop3A_895, %parallel_loop3A_896, %parallel_loop3A_897] {strides = array<i32>} : memref<4x64x128xf32, #tpu.memory_space<vmem>>, vector<16xf32>,
        tpu.vector_store %arg8[%parallel_loop3A_895, %parallel_loop3A_896, %parallel_loop3A_897], %parallel_loop3A_893 {strides = array<i32>} : memref<4x64x128xf32, #tpu.memory_space<vmem>>, vector<16xf32>,
        %parallel_loop3A_899 = arith.constant 0 : i32
        %parallel_loop3A_900 = arith.constant 0 : i32
        %parallel_loop3A_901 = tpu.memref_slice %arg7[%parallel_loop3A_566, %parallel_loop3A_899, %parallel_loop3A_900] : memref<4x128x128xf32, #tpu.memory_space<vmem>> -> memref<1x128x128xf32, #tpu.memory_space<vmem>>
        %parallel_loop3A_902 = tpu.memref_squeeze %parallel_loop3A_901 : memref<1x128x128xf32, #tpu.memory_space<vmem>> -> memref<128x128xf32, #tpu.memory_space<vmem>>
        %parallel_loop3A_903 = tpu.vector_load_idx %parallel_loop3A_902[%add3A_560, %parallel_loop3A_828] : memref<128x128xf32, #tpu.memory_space<vmem>>[vector<16xi32>, vector<16xi32>], vector<16xf32>,
        %parallel_loop3A_904 = arith.constant 0 : i32
        %parallel_loop3A_905 = arith.index_cast %parallel_loop3A_904 : i32 to index
        %parallel_loop3A_906 = arith.index_cast %parallel_loop3A_826 : i32 to index
        %parallel_loop3A_907 = arith.constant 112 : index
        %parallel_loop3A_908 = tpu.vector_load %arg8[%parallel_loop3A_905, %parallel_loop3A_906, %parallel_loop3A_907] {strides = array<i32>} : memref<4x64x128xf32, #tpu.memory_space<vmem>>, vector<16xf32>,
        tpu.vector_store %arg8[%parallel_loop3A_905, %parallel_loop3A_906, %parallel_loop3A_907], %parallel_loop3A_903 {strides = array<i32>} : memref<4x64x128xf32, #tpu.memory_space<vmem>>, vector<16xf32>,
      } {sc.loop_unroll_factor = 8 : i64, sc.parallel_access}
      %add3A_567 = arith.addi %mul3A_2, %add3A_516 : i32
      %shift_right_arithmetic3A_568 = arith.constant 7 : i32
      %shift_right_arithmetic3A_569 = arith.shrsi %add3A_567, %shift_right_arithmetic3A_568 : i32
      %and3A_570 = arith.constant 127 : i32
      %and3A_571 = arith.andi %add3A_567, %and3A_570 : i32
      %mul3A_572 = arith.constant 128 : i32
      %mul3A_573 = arith.muli %and3A_571, %mul3A_572 : i32
      %dma_start3A_574 = arith.constant 0 : i32
      %dma_start3A_575 = arith.constant 0 : i32
      %dma_start3A_576 = arith.constant 0 : i32
      %dma_start3A_577 = tpu.memref_slice %arg8[%dma_start3A_574, %dma_start3A_575, %dma_start3A_576] : memref<4x64x128xf32, #tpu.memory_space<vmem>> -> memref<1x64x128xf32, #tpu.memory_space<vmem>>
      %dma_start3A_578 = tpu.memref_squeeze %dma_start3A_577 : memref<1x64x128xf32, #tpu.memory_space<vmem>> -> memref<64x128xf32, #tpu.memory_space<vmem>>
      %dma_start3A_579 = arith.constant 0 : i32
      %dma_start3A_580 = tpu.memref_slice %arg4[%shift_right_arithmetic3A_569, %dma_start3A_579, %mul3A_573] : memref<50x64x16384xf32, #tpu.memory_space<hbm>> -> memref<1x64x128xf32, #tpu.memory_space<hbm>>
      %dma_start3A_581 = tpu.memref_squeeze %dma_start3A_580 : memref<1x64x128xf32, #tpu.memory_space<hbm>> -> memref<64x128xf32, #tpu.memory_space<hbm>>
      %dma_start3A_582 = arith.constant 0 : i32
      %dma_start3A_583 = tpu.memref_slice %arg4[%shift_right_arithmetic3A_569, %dma_start3A_582, %mul3A_573] : memref<50x64x16384xf32, #tpu.memory_space<hbm>> -> memref<1x64x128xf32, #tpu.memory_space<hbm>>
      %dma_start3A_584 = tpu.memref_squeeze %dma_start3A_583 : memref<1x64x128xf32, #tpu.memory_space<hbm>> -> memref<64x128xf32, #tpu.memory_space<hbm>>
      %dma_start3A_585 = arith.constant 0 : i32
      %dma_start3A_586 = arith.constant 0 : i32
      %dma_start3A_587 = tpu.memref_slice %arg8[%dma_start3A_574, %dma_start3A_585, %dma_start3A_586] : memref<4x64x128xf32, #tpu.memory_space<vmem>> -> memref<1x64x128xf32, #tpu.memory_space<vmem>>
      %dma_start3A_588 = tpu.memref_squeeze %dma_start3A_587 : memref<1x64x128xf32, #tpu.memory_space<vmem>> -> memref<64x128xf32, #tpu.memory_space<vmem>>
      tpu.enqueue_dma source(%dma_start3A_588 : memref<64x128xf32, #tpu.memory_space<vmem>>) target(%dma_start3A_584 : memref<64x128xf32, #tpu.memory_space<hbm>>) target_semaphore(%arg17 : memref<!tpu.dma_semaphore, #tpu.memory_space<semaphore_mem>>)
      %add3A_589 = arith.constant 1 : i32
      %add3A_590 = arith.addi %mul3A_514, %add3A_589 : i32
      %add3A_591 = arith.constant 3 : i32
      %add3A_592 = arith.addi %add3A_590, %add3A_591 : i32
      %lt3A_593 = arith.constant 200 : i32
      %lt3A_594 = arith.cmpi slt, %add3A_592, %lt3A_593 : i32
      %convert_element_type3A_595 = arith.extui %lt3A_594 : i1 to i32
      %cond3A_596 = arith.constant 0 : i32
      %cond3A_597 = arith.cmpi ne, %convert_element_type3A_595, %cond3A_596 : i32
      scf.if %cond3A_597 {
        %add3A_826 = arith.constant 0 : i32
        %add3A_827 = arith.addi %mul3A_2, %add3A_826 : i32
        %shift_right_arithmetic3A_828 = arith.constant 7 : i32
        %shift_right_arithmetic3A_829 = arith.shrsi %add3A_827, %shift_right_arithmetic3A_828 : i32
        %and3A_830 = arith.constant 127 : i32
        %and3A_831 = arith.andi %add3A_827, %and3A_830 : i32
        %mul3A_832 = arith.constant 128 : i32
        %mul3A_833 = arith.muli %and3A_831, %mul3A_832 : i32
        %dma_wait3A_834 = arith.constant 0 : i32
        %dma_wait3A_835 = arith.constant 0 : i32
        %dma_wait3A_836 = tpu.memref_slice %arg5[%dma_wait3A_834, %dma_wait3A_835] : memref<4x128xi32, #tpu.memory_space<vmem>> -> memref<1x128xi32, #tpu.memory_space<vmem>>
        %dma_wait3A_837 = tpu.memref_squeeze %dma_wait3A_836 : memref<1x128xi32, #tpu.memory_space<vmem>> -> memref<128xi32, #tpu.memory_space<vmem>>
        %dma_wait3A_838 = tpu.memref_slice %arg3[%shift_right_arithmetic3A_829, %mul3A_833] : memref<50x16384xi32, #tpu.memory_space<hbm>> -> memref<1x128xi32, #tpu.memory_space<hbm>>
        %dma_wait3A_839 = tpu.memref_squeeze %dma_wait3A_838 : memref<1x128xi32, #tpu.memory_space<hbm>> -> memref<128xi32, #tpu.memory_space<hbm>>
        %dma_wait3A_840 = arith.constant 0 : i32
        %dma_wait3A_841 = tpu.memref_slice %arg5[%dma_wait3A_834, %dma_wait3A_840] : memref<4x128xi32, #tpu.memory_space<vmem>> -> memref<1x128xi32, #tpu.memory_space<vmem>>
        %dma_wait3A_842 = tpu.memref_squeeze %dma_wait3A_841 : memref<1x128xi32, #tpu.memory_space<vmem>> -> memref<128xi32, #tpu.memory_space<vmem>>
        %dma_wait3A_843 = tpu.memref_slice %arg3[%shift_right_arithmetic3A_829, %mul3A_833] : memref<50x16384xi32, #tpu.memory_space<hbm>> -> memref<1x128xi32, #tpu.memory_space<hbm>>
        %dma_wait3A_844 = tpu.memref_squeeze %dma_wait3A_843 : memref<1x128xi32, #tpu.memory_space<hbm>> -> memref<128xi32, #tpu.memory_space<hbm>>
        tpu.wait_dma2 semaphore(%arg9 : memref<!tpu.dma_semaphore, #tpu.memory_space<semaphore_mem>>) src(%dma_wait3A_844 : memref<128xi32, #tpu.memory_space<hbm>>) dst(%dma_wait3A_842 : memref<128xi32, #tpu.memory_space<vmem>>)
        %get3A_845 = arith.constant 0 : i32
        %get3A_846 = arith.index_cast %get3A_845 : i32 to index
        %get3A_847 = arith.constant 0 : index
        %get3A_848 = tpu.vector_load %arg5[%get3A_846, %get3A_847] {strides = array<i32>} : memref<4x128xi32, #tpu.memory_space<vmem>>, vector<16xi32>,
        %swap3A_849 = arith.constant 0 : i32
        %swap3A_850 = arith.index_cast %swap3A_849 : i32 to index
        %swap3A_851 = arith.constant 0 : index
        %swap3A_852 = tpu.vector_load %arg6[%swap3A_850, %swap3A_851] {strides = array<i32>} : memref<4x128xi32, #tpu.memory_space<vmem>>, vector<16xi32>,
        tpu.vector_store %arg6[%swap3A_850, %swap3A_851], %get3A_848 {strides = array<i32>} : memref<4x128xi32, #tpu.memory_space<vmem>>, vector<16xi32>,
        %get3A_853 = arith.constant 0 : i32
        %get3A_854 = arith.index_cast %get3A_853 : i32 to index
        %get3A_855 = arith.constant 16 : index
        %get3A_856 = tpu.vector_load %arg5[%get3A_854, %get3A_855] {strides = array<i32>} : memref<4x128xi32, #tpu.memory_space<vmem>>, vector<16xi32>,
        %swap3A_857 = arith.constant 0 : i32
        %swap3A_858 = arith.index_cast %swap3A_857 : i32 to index
        %swap3A_859 = arith.constant 16 : index
        %swap3A_860 = tpu.vector_load %arg6[%swap3A_858, %swap3A_859] {strides = array<i32>} : memref<4x128xi32, #tpu.memory_space<vmem>>, vector<16xi32>,
        tpu.vector_store %arg6[%swap3A_858, %swap3A_859], %get3A_856 {strides = array<i32>} : memref<4x128xi32, #tpu.memory_space<vmem>>, vector<16xi32>,
        %get3A_861 = arith.constant 0 : i32
        %get3A_862 = arith.index_cast %get3A_861 : i32 to index
        %get3A_863 = arith.constant 32 : index
        %get3A_864 = tpu.vector_load %arg5[%get3A_862, %get3A_863] {strides = array<i32>} : memref<4x128xi32, #tpu.memory_space<vmem>>, vector<16xi32>,
        %swap3A_865 = arith.constant 0 : i32
        %swap3A_866 = arith.index_cast %swap3A_865 : i32 to index
        %swap3A_867 = arith.constant 32 : index
        %swap3A_868 = tpu.vector_load %arg6[%swap3A_866, %swap3A_867] {strides = array<i32>} : memref<4x128xi32, #tpu.memory_space<vmem>>, vector<16xi32>,
        tpu.vector_store %arg6[%swap3A_866, %swap3A_867], %get3A_864 {strides = array<i32>} : memref<4x128xi32, #tpu.memory_space<vmem>>, vector<16xi32>,
        %get3A_869 = arith.constant 0 : i32
        %get3A_870 = arith.index_cast %get3A_869 : i32 to index
        %get3A_871 = arith.constant 48 : index
        %get3A_872 = tpu.vector_load %arg5[%get3A_870, %get3A_871] {strides = array<i32>} : memref<4x128xi32, #tpu.memory_space<vmem>>, vector<16xi32>,
        %swap3A_873 = arith.constant 0 : i32
        %swap3A_874 = arith.index_cast %swap3A_873 : i32 to index
        %swap3A_875 = arith.constant 48 : index
        %swap3A_876 = tpu.vector_load %arg6[%swap3A_874, %swap3A_875] {strides = array<i32>} : memref<4x128xi32, #tpu.memory_space<vmem>>, vector<16xi32>,
        tpu.vector_store %arg6[%swap3A_874, %swap3A_875], %get3A_872 {strides = array<i32>} : memref<4x128xi32, #tpu.memory_space<vmem>>, vector<16xi32>,
        %get3A_877 = arith.constant 0 : i32
        %get3A_878 = arith.index_cast %get3A_877 : i32 to index
        %get3A_879 = arith.constant 64 : index
        %get3A_880 = tpu.vector_load %arg5[%get3A_878, %get3A_879] {strides = array<i32>} : memref<4x128xi32, #tpu.memory_space<vmem>>, vector<16xi32>,
        %swap3A_881 = arith.constant 0 : i32
        %swap3A_882 = arith.index_cast %swap3A_881 : i32 to index
        %swap3A_883 = arith.constant 64 : index
        %swap3A_884 = tpu.vector_load %arg6[%swap3A_882, %swap3A_883] {strides = array<i32>} : memref<4x128xi32, #tpu.memory_space<vmem>>, vector<16xi32>,
        tpu.vector_store %arg6[%swap3A_882, %swap3A_883], %get3A_880 {strides = array<i32>} : memref<4x128xi32, #tpu.memory_space<vmem>>, vector<16xi32>,
        %get3A_885 = arith.constant 0 : i32
        %get3A_886 = arith.index_cast %get3A_885 : i32 to index
        %get3A_887 = arith.constant 80 : index
        %get3A_888 = tpu.vector_load %arg5[%get3A_886, %get3A_887] {strides = array<i32>} : memref<4x128xi32, #tpu.memory_space<vmem>>, vector<16xi32>,
        %swap3A_889 = arith.constant 0 : i32
        %swap3A_890 = arith.index_cast %swap3A_889 : i32 to index
        %swap3A_891 = arith.constant 80 : index
        %swap3A_892 = tpu.vector_load %arg6[%swap3A_890, %swap3A_891] {strides = array<i32>} : memref<4x128xi32, #tpu.memory_space<vmem>>, vector<16xi32>,
        tpu.vector_store %arg6[%swap3A_890, %swap3A_891], %get3A_888 {strides = array<i32>} : memref<4x128xi32, #tpu.memory_space<vmem>>, vector<16xi32>,
        %get3A_893 = arith.constant 0 : i32
        %get3A_894 = arith.index_cast %get3A_893 : i32 to index
        %get3A_895 = arith.constant 96 : index
        %get3A_896 = tpu.vector_load %arg5[%get3A_894, %get3A_895] {strides = array<i32>} : memref<4x128xi32, #tpu.memory_space<vmem>>, vector<16xi32>,
        %swap3A_897 = arith.constant 0 : i32
        %swap3A_898 = arith.index_cast %swap3A_897 : i32 to index
        %swap3A_899 = arith.constant 96 : index
        %swap3A_900 = tpu.vector_load %arg6[%swap3A_898, %swap3A_899] {strides = array<i32>} : memref<4x128xi32, #tpu.memory_space<vmem>>, vector<16xi32>,
        tpu.vector_store %arg6[%swap3A_898, %swap3A_899], %get3A_896 {strides = array<i32>} : memref<4x128xi32, #tpu.memory_space<vmem>>, vector<16xi32>,
        %get3A_901 = arith.constant 0 : i32
        %get3A_902 = arith.index_cast %get3A_901 : i32 to index
        %get3A_903 = arith.constant 112 : index
        %get3A_904 = tpu.vector_load %arg5[%get3A_902, %get3A_903] {strides = array<i32>} : memref<4x128xi32, #tpu.memory_space<vmem>>, vector<16xi32>,
        %swap3A_905 = arith.constant 0 : i32
        %swap3A_906 = arith.index_cast %swap3A_905 : i32 to index
        %swap3A_907 = arith.constant 112 : index
        %swap3A_908 = tpu.vector_load %arg6[%swap3A_906, %swap3A_907] {strides = array<i32>} : memref<4x128xi32, #tpu.memory_space<vmem>>, vector<16xi32>,
        tpu.vector_store %arg6[%swap3A_906, %swap3A_907], %get3A_904 {strides = array<i32>} : memref<4x128xi32, #tpu.memory_space<vmem>>, vector<16xi32>,
        %dma_start3A_909 = arith.constant 0 : i32
        %dma_start3A_910 = arith.constant 0 : i32
        %dma_start3A_911 = arith.constant 0 : i32
        %dma_start3A_912 = arith.constant 0 : i32
        %dma_start3A_913 = tpu.memref_slice %arg7[%dma_start3A_910, %dma_start3A_911, %dma_start3A_912] : memref<4x128x128xf32, #tpu.memory_space<vmem>> -> memref<1x128x128xf32, #tpu.memory_space<vmem>>
        %dma_start3A_914 = tpu.memref_squeeze %dma_start3A_913 : memref<1x128x128xf32, #tpu.memory_space<vmem>> -> memref<128x128xf32, #tpu.memory_space<vmem>>
        %dma_start3A_915 = arith.constant 0 : i32
        %dma_start3A_916 = tpu.memref_slice %arg6[%dma_start3A_909, %dma_start3A_915] : memref<4x128xi32, #tpu.memory_space<vmem>> -> memref<1x128xi32, #tpu.memory_space<vmem>>
        %dma_start3A_917 = tpu.memref_squeeze %dma_start3A_916 : memref<1x128xi32, #tpu.memory_space<vmem>> -> memref<128xi32, #tpu.memory_space<vmem>>
        %dma_start3A_918 = arith.constant 0 : i32
        %dma_start3A_919 = arith.constant 0 : i32
        %dma_start3A_920 = tpu.memref_slice %arg2[%dma_start3A_918, %dma_start3A_919] : memref<1000000x128xf32, #tpu.memory_space<hbm>> -> memref<1000000x128xf32, #tpu.memory_space<hbm>>
        tpu.enqueue_indirect_dma source(%dma_start3A_920 : memref<1000000x128xf32, #tpu.memory_space<hbm>>) target(%dma_start3A_914 : memref<128x128xf32, #tpu.memory_space<vmem>>) offsets(%dma_start3A_917 : memref<128xi32, #tpu.memory_space<vmem>>) semaphore(%arg13 : memref<!tpu.dma_semaphore, #tpu.memory_space<semaphore_mem>>)
        %add3A_921 = arith.constant 3 : i32
        %add3A_922 = arith.addi %add3A_590, %add3A_921 : i32
        %add3A_923 = arith.constant 4 : i32
        %add3A_924 = arith.addi %add3A_922, %add3A_923 : i32
        %lt3A_925 = arith.constant 200 : i32
        %lt3A_926 = arith.cmpi slt, %add3A_924, %lt3A_925 : i32
        %convert_element_type3A_927 = arith.extui %lt3A_926 : i1 to i32
        %cond3A_928 = arith.constant 0 : i32
        %cond3A_929 = arith.cmpi ne, %convert_element_type3A_927, %cond3A_928 : i32
        scf.if %cond3A_929 {
          %add3A_930 = arith.constant 3 : i32
          %add3A_931 = arith.addi %add3A_590, %add3A_930 : i32
          %add3A_932 = arith.constant 4 : i32
          %add3A_933 = arith.addi %add3A_931, %add3A_932 : i32
          %add3A_934 = arith.addi %mul3A_2, %add3A_933 : i32
          %shift_right_arithmetic3A_935 = arith.constant 7 : i32
          %shift_right_arithmetic3A_936 = arith.shrsi %add3A_934, %shift_right_arithmetic3A_935 : i32
          %and3A_937 = arith.constant 127 : i32
          %and3A_938 = arith.andi %add3A_934, %and3A_937 : i32
          %mul3A_939 = arith.constant 128 : i32
          %mul3A_940 = arith.muli %and3A_938, %mul3A_939 : i32
          %dma_start3A_941 = arith.constant 0 : i32
          %dma_start3A_942 = arith.constant 0 : i32
          %dma_start3A_943 = tpu.memref_slice %arg5[%dma_start3A_941, %dma_start3A_942] : memref<4x128xi32, #tpu.memory_space<vmem>> -> memref<1x128xi32, #tpu.memory_space<vmem>>
          %dma_start3A_944 = tpu.memref_squeeze %dma_start3A_943 : memref<1x128xi32, #tpu.memory_space<vmem>> -> memref<128xi32, #tpu.memory_space<vmem>>
          %dma_start3A_945 = tpu.memref_slice %arg3[%shift_right_arithmetic3A_936, %mul3A_940] : memref<50x16384xi32, #tpu.memory_space<hbm>> -> memref<1x128xi32, #tpu.memory_space<hbm>>
          %dma_start3A_946 = tpu.memref_squeeze %dma_start3A_945 : memref<1x128xi32, #tpu.memory_space<hbm>> -> memref<128xi32, #tpu.memory_space<hbm>>
          %dma_start3A_947 = arith.constant 0 : i32
          %dma_start3A_948 = tpu.memref_slice %arg5[%dma_start3A_941, %dma_start3A_947] : memref<4x128xi32, #tpu.memory_space<vmem>> -> memref<1x128xi32, #tpu.memory_space<vmem>>
          %dma_start3A_949 = tpu.memref_squeeze %dma_start3A_948 : memref<1x128xi32, #tpu.memory_space<vmem>> -> memref<128xi32, #tpu.memory_space<vmem>>
          %dma_start3A_950 = tpu.memref_slice %arg3[%shift_right_arithmetic3A_936, %mul3A_940] : memref<50x16384xi32, #tpu.memory_space<hbm>> -> memref<1x128xi32, #tpu.memory_space<hbm>>
          %dma_start3A_951 = tpu.memref_squeeze %dma_start3A_950 : memref<1x128xi32, #tpu.memory_space<hbm>> -> memref<128xi32, #tpu.memory_space<hbm>>
          tpu.enqueue_dma source(%dma_start3A_951 : memref<128xi32, #tpu.memory_space<hbm>>) target(%dma_start3A_949 : memref<128xi32, #tpu.memory_space<vmem>>) target_semaphore(%arg9 : memref<!tpu.dma_semaphore, #tpu.memory_space<semaphore_mem>>)
        } else {
        }
      } else {
      }
      %dma_wait3A_598 = arith.constant 0 : i32
      %dma_wait3A_599 = arith.constant 1 : i32
      %dma_wait3A_600 = arith.constant 0 : i32
      %dma_wait3A_601 = arith.constant 0 : i32
      %dma_wait3A_602 = tpu.memref_slice %arg7[%dma_wait3A_599, %dma_wait3A_600, %dma_wait3A_601] : memref<4x128x128xf32, #tpu.memory_space<vmem>> -> memref<1x128x128xf32, #tpu.memory_space<vmem>>
      %dma_wait3A_603 = tpu.memref_squeeze %dma_wait3A_602 : memref<1x128x128xf32, #tpu.memory_space<vmem>> -> memref<128x128xf32, #tpu.memory_space<vmem>>
      %dma_wait3A_604 = arith.constant 0 : i32
      %dma_wait3A_605 = tpu.memref_slice %arg6[%dma_wait3A_598, %dma_wait3A_604] : memref<4x128xi32, #tpu.memory_space<vmem>> -> memref<1x128xi32, #tpu.memory_space<vmem>>
      %dma_wait3A_606 = tpu.memref_squeeze %dma_wait3A_605 : memref<1x128xi32, #tpu.memory_space<vmem>> -> memref<128xi32, #tpu.memory_space<vmem>>
      %dma_wait3A_607 = arith.constant 0 : i32
      %dma_wait3A_608 = arith.constant 0 : i32
      %dma_wait3A_609 = tpu.memref_slice %arg2[%dma_wait3A_607, %dma_wait3A_608] : memref<1000000x128xf32, #tpu.memory_space<hbm>> -> memref<1000000x128xf32, #tpu.memory_space<hbm>>
      tpu.wait_indirect_dma semaphore(%arg14 : memref<!tpu.dma_semaphore, #tpu.memory_space<semaphore_mem>>) src(%dma_wait3A_609 : memref<1000000x128xf32, #tpu.memory_space<hbm>>) dst(%dma_wait3A_603 : memref<128x128xf32, #tpu.memory_space<vmem>>)
      %ge3A_610 = arith.constant 1 : i32
      %ge3A_611 = arith.cmpi sge, %scan3A_512, %ge3A_610 : i32
      %convert_element_type3A_612 = arith.extui %ge3A_611 : i1 to i32
      %cond3A_613 = arith.constant 0 : i32
      %cond3A_614 = arith.cmpi ne, %convert_element_type3A_612, %cond3A_613 : i32
      scf.if %cond3A_614 {
        %add3A_826 = arith.constant 0 : i32
        %add3A_827 = arith.addi %mul3A_2, %add3A_826 : i32
        %shift_right_arithmetic3A_828 = arith.constant 7 : i32
        %shift_right_arithmetic3A_829 = arith.shrsi %add3A_827, %shift_right_arithmetic3A_828 : i32
        %and3A_830 = arith.constant 127 : i32
        %and3A_831 = arith.andi %add3A_827, %and3A_830 : i32
        %mul3A_832 = arith.constant 128 : i32
        %mul3A_833 = arith.muli %and3A_831, %mul3A_832 : i32
        %dma_wait3A_834 = arith.constant 1 : i32
        %dma_wait3A_835 = arith.constant 0 : i32
        %dma_wait3A_836 = arith.constant 0 : i32
        %dma_wait3A_837 = tpu.memref_slice %arg8[%dma_wait3A_834, %dma_wait3A_835, %dma_wait3A_836] : memref<4x64x128xf32, #tpu.memory_space<vmem>> -> memref<1x64x128xf32, #tpu.memory_space<vmem>>
        %dma_wait3A_838 = tpu.memref_squeeze %dma_wait3A_837 : memref<1x64x128xf32, #tpu.memory_space<vmem>> -> memref<64x128xf32, #tpu.memory_space<vmem>>
        %dma_wait3A_839 = arith.constant 0 : i32
        %dma_wait3A_840 = tpu.memref_slice %arg4[%shift_right_arithmetic3A_829, %dma_wait3A_839, %mul3A_833] : memref<50x64x16384xf32, #tpu.memory_space<hbm>> -> memref<1x64x128xf32, #tpu.memory_space<hbm>>
        %dma_wait3A_841 = tpu.memref_squeeze %dma_wait3A_840 : memref<1x64x128xf32, #tpu.memory_space<hbm>> -> memref<64x128xf32, #tpu.memory_space<hbm>>
        %dma_wait3A_842 = arith.constant 0 : i32
        %dma_wait3A_843 = tpu.memref_slice %arg4[%shift_right_arithmetic3A_829, %dma_wait3A_842, %mul3A_833] : memref<50x64x16384xf32, #tpu.memory_space<hbm>> -> memref<1x64x128xf32, #tpu.memory_space<hbm>>
        %dma_wait3A_844 = tpu.memref_squeeze %dma_wait3A_843 : memref<1x64x128xf32, #tpu.memory_space<hbm>> -> memref<64x128xf32, #tpu.memory_space<hbm>>
        %dma_wait3A_845 = arith.constant 0 : i32
        %dma_wait3A_846 = arith.constant 0 : i32
        %dma_wait3A_847 = tpu.memref_slice %arg8[%dma_wait3A_834, %dma_wait3A_845, %dma_wait3A_846] : memref<4x64x128xf32, #tpu.memory_space<vmem>> -> memref<1x64x128xf32, #tpu.memory_space<vmem>>
        %dma_wait3A_848 = tpu.memref_squeeze %dma_wait3A_847 : memref<1x64x128xf32, #tpu.memory_space<vmem>> -> memref<64x128xf32, #tpu.memory_space<vmem>>
        tpu.wait_dma2 semaphore(%arg18 : memref<!tpu.dma_semaphore, #tpu.memory_space<semaphore_mem>>) src(%dma_wait3A_848 : memref<64x128xf32, #tpu.memory_space<vmem>>) dst(%dma_wait3A_844 : memref<64x128xf32, #tpu.memory_space<hbm>>)
      } else {
      }
      %add3A_615 = arith.constant 0 : i32
      %add3A_616 = vector.broadcast %add3A_615 : i32 to vector<16xi32>
      %add3A_617 = arith.addi %iota3A, %add3A_616 : vector<16xi32>
      %add3A_618 = arith.constant 16 : i32
      %add3A_619 = vector.broadcast %add3A_618 : i32 to vector<16xi32>
      %add3A_620 = arith.addi %iota3A, %add3A_619 : vector<16xi32>
      %add3A_621 = arith.constant 32 : i32
      %add3A_622 = vector.broadcast %add3A_621 : i32 to vector<16xi32>
      %add3A_623 = arith.addi %iota3A, %add3A_622 : vector<16xi32>
      %add3A_624 = arith.constant 48 : i32
      %add3A_625 = vector.broadcast %add3A_624 : i32 to vector<16xi32>
      %add3A_626 = arith.addi %iota3A, %add3A_625 : vector<16xi32>
      %add3A_627 = arith.constant 64 : i32
      %add3A_628 = vector.broadcast %add3A_627 : i32 to vector<16xi32>
      %add3A_629 = arith.addi %iota3A, %add3A_628 : vector<16xi32>
      %add3A_630 = arith.constant 80 : i32
      %add3A_631 = vector.broadcast %add3A_630 : i32 to vector<16xi32>
      %add3A_632 = arith.addi %iota3A, %add3A_631 : vector<16xi32>
      %add3A_633 = arith.constant 96 : i32
      %add3A_634 = vector.broadcast %add3A_633 : i32 to vector<16xi32>
      %add3A_635 = arith.addi %iota3A, %add3A_634 : vector<16xi32>
      %add3A_636 = arith.constant 112 : i32
      %add3A_637 = vector.broadcast %add3A_636 : i32 to vector<16xi32>
      %add3A_638 = arith.addi %iota3A, %add3A_637 : vector<16xi32>
      %and3A_639 = arith.constant 0 : i32
      %and3A_640 = vector.broadcast %and3A_639 : i32 to vector<16xi32>
      %and3A_641 = arith.andi %iota3A, %and3A_640 : vector<16xi32>
      %parallel_loop3A_642 = arith.constant 0 : i32
      %parallel_loop3A_643 = arith.constant 64 : i32
      %parallel_loop3A_644 = arith.constant 1 : i32
      %parallel_loop3A_645 = arith.constant 1 : i32
      scf.for %parallel_loop3A_826 = %parallel_loop3A_642 to %parallel_loop3A_643 step %parallel_loop3A_644  : i32 {
        %parallel_loop3A_827 = vector.broadcast %parallel_loop3A_826 : i32 to vector<16xi32>
        %parallel_loop3A_828 = arith.addi %and3A_641, %parallel_loop3A_827 : vector<16xi32>
        %parallel_loop3A_829 = arith.constant 0 : i32
        %parallel_loop3A_830 = arith.constant 0 : i32
        %parallel_loop3A_831 = tpu.memref_slice %arg7[%parallel_loop3A_645, %parallel_loop3A_829, %parallel_loop3A_830] : memref<4x128x128xf32, #tpu.memory_space<vmem>> -> memref<1x128x128xf32, #tpu.memory_space<vmem>>
        %parallel_loop3A_832 = tpu.memref_squeeze %parallel_loop3A_831 : memref<1x128x128xf32, #tpu.memory_space<vmem>> -> memref<128x128xf32, #tpu.memory_space<vmem>>
        %parallel_loop3A_833 = tpu.vector_load_idx %parallel_loop3A_832[%add3A_617, %parallel_loop3A_828] : memref<128x128xf32, #tpu.memory_space<vmem>>[vector<16xi32>, vector<16xi32>], vector<16xf32>,
        %parallel_loop3A_834 = arith.constant 1 : i32
        %parallel_loop3A_835 = arith.index_cast %parallel_loop3A_834 : i32 to index
        %parallel_loop3A_836 = arith.index_cast %parallel_loop3A_826 : i32 to index
        %parallel_loop3A_837 = arith.constant 0 : index
        %parallel_loop3A_838 = tpu.vector_load %arg8[%parallel_loop3A_835, %parallel_loop3A_836, %parallel_loop3A_837] {strides = array<i32>} : memref<4x64x128xf32, #tpu.memory_space<vmem>>, vector<16xf32>,
        tpu.vector_store %arg8[%parallel_loop3A_835, %parallel_loop3A_836, %parallel_loop3A_837], %parallel_loop3A_833 {strides = array<i32>} : memref<4x64x128xf32, #tpu.memory_space<vmem>>, vector<16xf32>,
        %parallel_loop3A_839 = arith.constant 0 : i32
        %parallel_loop3A_840 = arith.constant 0 : i32
        %parallel_loop3A_841 = tpu.memref_slice %arg7[%parallel_loop3A_645, %parallel_loop3A_839, %parallel_loop3A_840] : memref<4x128x128xf32, #tpu.memory_space<vmem>> -> memref<1x128x128xf32, #tpu.memory_space<vmem>>
        %parallel_loop3A_842 = tpu.memref_squeeze %parallel_loop3A_841 : memref<1x128x128xf32, #tpu.memory_space<vmem>> -> memref<128x128xf32, #tpu.memory_space<vmem>>
        %parallel_loop3A_843 = tpu.vector_load_idx %parallel_loop3A_842[%add3A_620, %parallel_loop3A_828] : memref<128x128xf32, #tpu.memory_space<vmem>>[vector<16xi32>, vector<16xi32>], vector<16xf32>,
        %parallel_loop3A_844 = arith.constant 1 : i32
        %parallel_loop3A_845 = arith.index_cast %parallel_loop3A_844 : i32 to index
        %parallel_loop3A_846 = arith.index_cast %parallel_loop3A_826 : i32 to index
        %parallel_loop3A_847 = arith.constant 16 : index
        %parallel_loop3A_848 = tpu.vector_load %arg8[%parallel_loop3A_845, %parallel_loop3A_846, %parallel_loop3A_847] {strides = array<i32>} : memref<4x64x128xf32, #tpu.memory_space<vmem>>, vector<16xf32>,
        tpu.vector_store %arg8[%parallel_loop3A_845, %parallel_loop3A_846, %parallel_loop3A_847], %parallel_loop3A_843 {strides = array<i32>} : memref<4x64x128xf32, #tpu.memory_space<vmem>>, vector<16xf32>,
        %parallel_loop3A_849 = arith.constant 0 : i32
        %parallel_loop3A_850 = arith.constant 0 : i32
        %parallel_loop3A_851 = tpu.memref_slice %arg7[%parallel_loop3A_645, %parallel_loop3A_849, %parallel_loop3A_850] : memref<4x128x128xf32, #tpu.memory_space<vmem>> -> memref<1x128x128xf32, #tpu.memory_space<vmem>>
        %parallel_loop3A_852 = tpu.memref_squeeze %parallel_loop3A_851 : memref<1x128x128xf32, #tpu.memory_space<vmem>> -> memref<128x128xf32, #tpu.memory_space<vmem>>
        %parallel_loop3A_853 = tpu.vector_load_idx %parallel_loop3A_852[%add3A_623, %parallel_loop3A_828] : memref<128x128xf32, #tpu.memory_space<vmem>>[vector<16xi32>, vector<16xi32>], vector<16xf32>,
        %parallel_loop3A_854 = arith.constant 1 : i32
        %parallel_loop3A_855 = arith.index_cast %parallel_loop3A_854 : i32 to index
        %parallel_loop3A_856 = arith.index_cast %parallel_loop3A_826 : i32 to index
        %parallel_loop3A_857 = arith.constant 32 : index
        %parallel_loop3A_858 = tpu.vector_load %arg8[%parallel_loop3A_855, %parallel_loop3A_856, %parallel_loop3A_857] {strides = array<i32>} : memref<4x64x128xf32, #tpu.memory_space<vmem>>, vector<16xf32>,
        tpu.vector_store %arg8[%parallel_loop3A_855, %parallel_loop3A_856, %parallel_loop3A_857], %parallel_loop3A_853 {strides = array<i32>} : memref<4x64x128xf32, #tpu.memory_space<vmem>>, vector<16xf32>,
        %parallel_loop3A_859 = arith.constant 0 : i32
        %parallel_loop3A_860 = arith.constant 0 : i32
        %parallel_loop3A_861 = tpu.memref_slice %arg7[%parallel_loop3A_645, %parallel_loop3A_859, %parallel_loop3A_860] : memref<4x128x128xf32, #tpu.memory_space<vmem>> -> memref<1x128x128xf32, #tpu.memory_space<vmem>>
        %parallel_loop3A_862 = tpu.memref_squeeze %parallel_loop3A_861 : memref<1x128x128xf32, #tpu.memory_space<vmem>> -> memref<128x128xf32, #tpu.memory_space<vmem>>
        %parallel_loop3A_863 = tpu.vector_load_idx %parallel_loop3A_862[%add3A_626, %parallel_loop3A_828] : memref<128x128xf32, #tpu.memory_space<vmem>>[vector<16xi32>, vector<16xi32>], vector<16xf32>,
        %parallel_loop3A_864 = arith.constant 1 : i32
        %parallel_loop3A_865 = arith.index_cast %parallel_loop3A_864 : i32 to index
        %parallel_loop3A_866 = arith.index_cast %parallel_loop3A_826 : i32 to index
        %parallel_loop3A_867 = arith.constant 48 : index
        %parallel_loop3A_868 = tpu.vector_load %arg8[%parallel_loop3A_865, %parallel_loop3A_866, %parallel_loop3A_867] {strides = array<i32>} : memref<4x64x128xf32, #tpu.memory_space<vmem>>, vector<16xf32>,
        tpu.vector_store %arg8[%parallel_loop3A_865, %parallel_loop3A_866, %parallel_loop3A_867], %parallel_loop3A_863 {strides = array<i32>} : memref<4x64x128xf32, #tpu.memory_space<vmem>>, vector<16xf32>,
        %parallel_loop3A_869 = arith.constant 0 : i32
        %parallel_loop3A_870 = arith.constant 0 : i32
        %parallel_loop3A_871 = tpu.memref_slice %arg7[%parallel_loop3A_645, %parallel_loop3A_869, %parallel_loop3A_870] : memref<4x128x128xf32, #tpu.memory_space<vmem>> -> memref<1x128x128xf32, #tpu.memory_space<vmem>>
        %parallel_loop3A_872 = tpu.memref_squeeze %parallel_loop3A_871 : memref<1x128x128xf32, #tpu.memory_space<vmem>> -> memref<128x128xf32, #tpu.memory_space<vmem>>
        %parallel_loop3A_873 = tpu.vector_load_idx %parallel_loop3A_872[%add3A_629, %parallel_loop3A_828] : memref<128x128xf32, #tpu.memory_space<vmem>>[vector<16xi32>, vector<16xi32>], vector<16xf32>,
        %parallel_loop3A_874 = arith.constant 1 : i32
        %parallel_loop3A_875 = arith.index_cast %parallel_loop3A_874 : i32 to index
        %parallel_loop3A_876 = arith.index_cast %parallel_loop3A_826 : i32 to index
        %parallel_loop3A_877 = arith.constant 64 : index
        %parallel_loop3A_878 = tpu.vector_load %arg8[%parallel_loop3A_875, %parallel_loop3A_876, %parallel_loop3A_877] {strides = array<i32>} : memref<4x64x128xf32, #tpu.memory_space<vmem>>, vector<16xf32>,
        tpu.vector_store %arg8[%parallel_loop3A_875, %parallel_loop3A_876, %parallel_loop3A_877], %parallel_loop3A_873 {strides = array<i32>} : memref<4x64x128xf32, #tpu.memory_space<vmem>>, vector<16xf32>,
        %parallel_loop3A_879 = arith.constant 0 : i32
        %parallel_loop3A_880 = arith.constant 0 : i32
        %parallel_loop3A_881 = tpu.memref_slice %arg7[%parallel_loop3A_645, %parallel_loop3A_879, %parallel_loop3A_880] : memref<4x128x128xf32, #tpu.memory_space<vmem>> -> memref<1x128x128xf32, #tpu.memory_space<vmem>>
        %parallel_loop3A_882 = tpu.memref_squeeze %parallel_loop3A_881 : memref<1x128x128xf32, #tpu.memory_space<vmem>> -> memref<128x128xf32, #tpu.memory_space<vmem>>
        %parallel_loop3A_883 = tpu.vector_load_idx %parallel_loop3A_882[%add3A_632, %parallel_loop3A_828] : memref<128x128xf32, #tpu.memory_space<vmem>>[vector<16xi32>, vector<16xi32>], vector<16xf32>,
        %parallel_loop3A_884 = arith.constant 1 : i32
        %parallel_loop3A_885 = arith.index_cast %parallel_loop3A_884 : i32 to index
        %parallel_loop3A_886 = arith.index_cast %parallel_loop3A_826 : i32 to index
        %parallel_loop3A_887 = arith.constant 80 : index
        %parallel_loop3A_888 = tpu.vector_load %arg8[%parallel_loop3A_885, %parallel_loop3A_886, %parallel_loop3A_887] {strides = array<i32>} : memref<4x64x128xf32, #tpu.memory_space<vmem>>, vector<16xf32>,
        tpu.vector_store %arg8[%parallel_loop3A_885, %parallel_loop3A_886, %parallel_loop3A_887], %parallel_loop3A_883 {strides = array<i32>} : memref<4x64x128xf32, #tpu.memory_space<vmem>>, vector<16xf32>,
        %parallel_loop3A_889 = arith.constant 0 : i32
        %parallel_loop3A_890 = arith.constant 0 : i32
        %parallel_loop3A_891 = tpu.memref_slice %arg7[%parallel_loop3A_645, %parallel_loop3A_889, %parallel_loop3A_890] : memref<4x128x128xf32, #tpu.memory_space<vmem>> -> memref<1x128x128xf32, #tpu.memory_space<vmem>>
        %parallel_loop3A_892 = tpu.memref_squeeze %parallel_loop3A_891 : memref<1x128x128xf32, #tpu.memory_space<vmem>> -> memref<128x128xf32, #tpu.memory_space<vmem>>
        %parallel_loop3A_893 = tpu.vector_load_idx %parallel_loop3A_892[%add3A_635, %parallel_loop3A_828] : memref<128x128xf32, #tpu.memory_space<vmem>>[vector<16xi32>, vector<16xi32>], vector<16xf32>,
        %parallel_loop3A_894 = arith.constant 1 : i32
        %parallel_loop3A_895 = arith.index_cast %parallel_loop3A_894 : i32 to index
        %parallel_loop3A_896 = arith.index_cast %parallel_loop3A_826 : i32 to index
        %parallel_loop3A_897 = arith.constant 96 : index
        %parallel_loop3A_898 = tpu.vector_load %arg8[%parallel_loop3A_895, %parallel_loop3A_896, %parallel_loop3A_897] {strides = array<i32>} : memref<4x64x128xf32, #tpu.memory_space<vmem>>, vector<16xf32>,
        tpu.vector_store %arg8[%parallel_loop3A_895, %parallel_loop3A_896, %parallel_loop3A_897], %parallel_loop3A_893 {strides = array<i32>} : memref<4x64x128xf32, #tpu.memory_space<vmem>>, vector<16xf32>,
        %parallel_loop3A_899 = arith.constant 0 : i32
        %parallel_loop3A_900 = arith.constant 0 : i32
        %parallel_loop3A_901 = tpu.memref_slice %arg7[%parallel_loop3A_645, %parallel_loop3A_899, %parallel_loop3A_900] : memref<4x128x128xf32, #tpu.memory_space<vmem>> -> memref<1x128x128xf32, #tpu.memory_space<vmem>>
        %parallel_loop3A_902 = tpu.memref_squeeze %parallel_loop3A_901 : memref<1x128x128xf32, #tpu.memory_space<vmem>> -> memref<128x128xf32, #tpu.memory_space<vmem>>
        %parallel_loop3A_903 = tpu.vector_load_idx %parallel_loop3A_902[%add3A_638, %parallel_loop3A_828] : memref<128x128xf32, #tpu.memory_space<vmem>>[vector<16xi32>, vector<16xi32>], vector<16xf32>,
        %parallel_loop3A_904 = arith.constant 1 : i32
        %parallel_loop3A_905 = arith.index_cast %parallel_loop3A_904 : i32 to index
        %parallel_loop3A_906 = arith.index_cast %parallel_loop3A_826 : i32 to index
        %parallel_loop3A_907 = arith.constant 112 : index
        %parallel_loop3A_908 = tpu.vector_load %arg8[%parallel_loop3A_905, %parallel_loop3A_906, %parallel_loop3A_907] {strides = array<i32>} : memref<4x64x128xf32, #tpu.memory_space<vmem>>, vector<16xf32>,
        tpu.vector_store %arg8[%parallel_loop3A_905, %parallel_loop3A_906, %parallel_loop3A_907], %parallel_loop3A_903 {strides = array<i32>} : memref<4x64x128xf32, #tpu.memory_space<vmem>>, vector<16xf32>,
      } {sc.loop_unroll_factor = 8 : i64, sc.parallel_access}
      %add3A_646 = arith.addi %mul3A_2, %add3A_590 : i32
      %shift_right_arithmetic3A_647 = arith.constant 7 : i32
      %shift_right_arithmetic3A_648 = arith.shrsi %add3A_646, %shift_right_arithmetic3A_647 : i32
      %and3A_649 = arith.constant 127 : i32
      %and3A_650 = arith.andi %add3A_646, %and3A_649 : i32
      %mul3A_651 = arith.constant 128 : i32
      %mul3A_652 = arith.muli %and3A_650, %mul3A_651 : i32
      %dma_start3A_653 = arith.constant 1 : i32
      %dma_start3A_654 = arith.constant 0 : i32
      %dma_start3A_655 = arith.constant 0 : i32
      %dma_start3A_656 = tpu.memref_slice %arg8[%dma_start3A_653, %dma_start3A_654, %dma_start3A_655] : memref<4x64x128xf32, #tpu.memory_space<vmem>> -> memref<1x64x128xf32, #tpu.memory_space<vmem>>
      %dma_start3A_657 = tpu.memref_squeeze %dma_start3A_656 : memref<1x64x128xf32, #tpu.memory_space<vmem>> -> memref<64x128xf32, #tpu.memory_space<vmem>>
      %dma_start3A_658 = arith.constant 0 : i32
      %dma_start3A_659 = tpu.memref_slice %arg4[%shift_right_arithmetic3A_648, %dma_start3A_658, %mul3A_652] : memref<50x64x16384xf32, #tpu.memory_space<hbm>> -> memref<1x64x128xf32, #tpu.memory_space<hbm>>
      %dma_start3A_660 = tpu.memref_squeeze %dma_start3A_659 : memref<1x64x128xf32, #tpu.memory_space<hbm>> -> memref<64x128xf32, #tpu.memory_space<hbm>>
      %dma_start3A_661 = arith.constant 0 : i32
      %dma_start3A_662 = tpu.memref_slice %arg4[%shift_right_arithmetic3A_648, %dma_start3A_661, %mul3A_652] : memref<50x64x16384xf32, #tpu.memory_space<hbm>> -> memref<1x64x128xf32, #tpu.memory_space<hbm>>
      %dma_start3A_663 = tpu.memref_squeeze %dma_start3A_662 : memref<1x64x128xf32, #tpu.memory_space<hbm>> -> memref<64x128xf32, #tpu.memory_space<hbm>>
      %dma_start3A_664 = arith.constant 0 : i32
      %dma_start3A_665 = arith.constant 0 : i32
      %dma_start3A_666 = tpu.memref_slice %arg8[%dma_start3A_653, %dma_start3A_664, %dma_start3A_665] : memref<4x64x128xf32, #tpu.memory_space<vmem>> -> memref<1x64x128xf32, #tpu.memory_space<vmem>>
      %dma_start3A_667 = tpu.memref_squeeze %dma_start3A_666 : memref<1x64x128xf32, #tpu.memory_space<vmem>> -> memref<64x128xf32, #tpu.memory_space<vmem>>
      tpu.enqueue_dma source(%dma_start3A_667 : memref<64x128xf32, #tpu.memory_space<vmem>>) target(%dma_start3A_663 : memref<64x128xf32, #tpu.memory_space<hbm>>) target_semaphore(%arg18 : memref<!tpu.dma_semaphore, #tpu.memory_space<semaphore_mem>>)
      %add3A_668 = arith.constant 2 : i32
      %add3A_669 = arith.addi %mul3A_514, %add3A_668 : i32
      %add3A_670 = arith.constant 3 : i32
      %add3A_671 = arith.addi %add3A_669, %add3A_670 : i32
      %lt3A_672 = arith.constant 200 : i32
      %lt3A_673 = arith.cmpi slt, %add3A_671, %lt3A_672 : i32
      %convert_element_type3A_674 = arith.extui %lt3A_673 : i1 to i32
      %cond3A_675 = arith.constant 0 : i32
      %cond3A_676 = arith.cmpi ne, %convert_element_type3A_674, %cond3A_675 : i32
      scf.if %cond3A_676 {
        %add3A_826 = arith.constant 0 : i32
        %add3A_827 = arith.addi %mul3A_2, %add3A_826 : i32
        %shift_right_arithmetic3A_828 = arith.constant 7 : i32
        %shift_right_arithmetic3A_829 = arith.shrsi %add3A_827, %shift_right_arithmetic3A_828 : i32
        %and3A_830 = arith.constant 127 : i32
        %and3A_831 = arith.andi %add3A_827, %and3A_830 : i32
        %mul3A_832 = arith.constant 128 : i32
        %mul3A_833 = arith.muli %and3A_831, %mul3A_832 : i32
        %dma_wait3A_834 = arith.constant 1 : i32
        %dma_wait3A_835 = arith.constant 0 : i32
        %dma_wait3A_836 = tpu.memref_slice %arg5[%dma_wait3A_834, %dma_wait3A_835] : memref<4x128xi32, #tpu.memory_space<vmem>> -> memref<1x128xi32, #tpu.memory_space<vmem>>
        %dma_wait3A_837 = tpu.memref_squeeze %dma_wait3A_836 : memref<1x128xi32, #tpu.memory_space<vmem>> -> memref<128xi32, #tpu.memory_space<vmem>>
        %dma_wait3A_838 = tpu.memref_slice %arg3[%shift_right_arithmetic3A_829, %mul3A_833] : memref<50x16384xi32, #tpu.memory_space<hbm>> -> memref<1x128xi32, #tpu.memory_space<hbm>>
        %dma_wait3A_839 = tpu.memref_squeeze %dma_wait3A_838 : memref<1x128xi32, #tpu.memory_space<hbm>> -> memref<128xi32, #tpu.memory_space<hbm>>
        %dma_wait3A_840 = arith.constant 0 : i32
        %dma_wait3A_841 = tpu.memref_slice %arg5[%dma_wait3A_834, %dma_wait3A_840] : memref<4x128xi32, #tpu.memory_space<vmem>> -> memref<1x128xi32, #tpu.memory_space<vmem>>
        %dma_wait3A_842 = tpu.memref_squeeze %dma_wait3A_841 : memref<1x128xi32, #tpu.memory_space<vmem>> -> memref<128xi32, #tpu.memory_space<vmem>>
        %dma_wait3A_843 = tpu.memref_slice %arg3[%shift_right_arithmetic3A_829, %mul3A_833] : memref<50x16384xi32, #tpu.memory_space<hbm>> -> memref<1x128xi32, #tpu.memory_space<hbm>>
        %dma_wait3A_844 = tpu.memref_squeeze %dma_wait3A_843 : memref<1x128xi32, #tpu.memory_space<hbm>> -> memref<128xi32, #tpu.memory_space<hbm>>
        tpu.wait_dma2 semaphore(%arg10 : memref<!tpu.dma_semaphore, #tpu.memory_space<semaphore_mem>>) src(%dma_wait3A_844 : memref<128xi32, #tpu.memory_space<hbm>>) dst(%dma_wait3A_842 : memref<128xi32, #tpu.memory_space<vmem>>)
        %get3A_845 = arith.constant 1 : i32
        %get3A_846 = arith.index_cast %get3A_845 : i32 to index
        %get3A_847 = arith.constant 0 : index
        %get3A_848 = tpu.vector_load %arg5[%get3A_846, %get3A_847] {strides = array<i32>} : memref<4x128xi32, #tpu.memory_space<vmem>>, vector<16xi32>,
        %swap3A_849 = arith.constant 1 : i32
        %swap3A_850 = arith.index_cast %swap3A_849 : i32 to index
        %swap3A_851 = arith.constant 0 : index
        %swap3A_852 = tpu.vector_load %arg6[%swap3A_850, %swap3A_851] {strides = array<i32>} : memref<4x128xi32, #tpu.memory_space<vmem>>, vector<16xi32>,
        tpu.vector_store %arg6[%swap3A_850, %swap3A_851], %get3A_848 {strides = array<i32>} : memref<4x128xi32, #tpu.memory_space<vmem>>, vector<16xi32>,
        %get3A_853 = arith.constant 1 : i32
        %get3A_854 = arith.index_cast %get3A_853 : i32 to index
        %get3A_855 = arith.constant 16 : index
        %get3A_856 = tpu.vector_load %arg5[%get3A_854, %get3A_855] {strides = array<i32>} : memref<4x128xi32, #tpu.memory_space<vmem>>, vector<16xi32>,
        %swap3A_857 = arith.constant 1 : i32
        %swap3A_858 = arith.index_cast %swap3A_857 : i32 to index
        %swap3A_859 = arith.constant 16 : index
        %swap3A_860 = tpu.vector_load %arg6[%swap3A_858, %swap3A_859] {strides = array<i32>} : memref<4x128xi32, #tpu.memory_space<vmem>>, vector<16xi32>,
        tpu.vector_store %arg6[%swap3A_858, %swap3A_859], %get3A_856 {strides = array<i32>} : memref<4x128xi32, #tpu.memory_space<vmem>>, vector<16xi32>,
        %get3A_861 = arith.constant 1 : i32
        %get3A_862 = arith.index_cast %get3A_861 : i32 to index
        %get3A_863 = arith.constant 32 : index
        %get3A_864 = tpu.vector_load %arg5[%get3A_862, %get3A_863] {strides = array<i32>} : memref<4x128xi32, #tpu.memory_space<vmem>>, vector<16xi32>,
        %swap3A_865 = arith.constant 1 : i32
        %swap3A_866 = arith.index_cast %swap3A_865 : i32 to index
        %swap3A_867 = arith.constant 32 : index
        %swap3A_868 = tpu.vector_load %arg6[%swap3A_866, %swap3A_867] {strides = array<i32>} : memref<4x128xi32, #tpu.memory_space<vmem>>, vector<16xi32>,
        tpu.vector_store %arg6[%swap3A_866, %swap3A_867], %get3A_864 {strides = array<i32>} : memref<4x128xi32, #tpu.memory_space<vmem>>, vector<16xi32>,
        %get3A_869 = arith.constant 1 : i32
        %get3A_870 = arith.index_cast %get3A_869 : i32 to index
        %get3A_871 = arith.constant 48 : index
        %get3A_872 = tpu.vector_load %arg5[%get3A_870, %get3A_871] {strides = array<i32>} : memref<4x128xi32, #tpu.memory_space<vmem>>, vector<16xi32>,
        %swap3A_873 = arith.constant 1 : i32
        %swap3A_874 = arith.index_cast %swap3A_873 : i32 to index
        %swap3A_875 = arith.constant 48 : index
        %swap3A_876 = tpu.vector_load %arg6[%swap3A_874, %swap3A_875] {strides = array<i32>} : memref<4x128xi32, #tpu.memory_space<vmem>>, vector<16xi32>,
        tpu.vector_store %arg6[%swap3A_874, %swap3A_875], %get3A_872 {strides = array<i32>} : memref<4x128xi32, #tpu.memory_space<vmem>>, vector<16xi32>,
        %get3A_877 = arith.constant 1 : i32
        %get3A_878 = arith.index_cast %get3A_877 : i32 to index
        %get3A_879 = arith.constant 64 : index
        %get3A_880 = tpu.vector_load %arg5[%get3A_878, %get3A_879] {strides = array<i32>} : memref<4x128xi32, #tpu.memory_space<vmem>>, vector<16xi32>,
        %swap3A_881 = arith.constant 1 : i32
        %swap3A_882 = arith.index_cast %swap3A_881 : i32 to index
        %swap3A_883 = arith.constant 64 : index
        %swap3A_884 = tpu.vector_load %arg6[%swap3A_882, %swap3A_883] {strides = array<i32>} : memref<4x128xi32, #tpu.memory_space<vmem>>, vector<16xi32>,
        tpu.vector_store %arg6[%swap3A_882, %swap3A_883], %get3A_880 {strides = array<i32>} : memref<4x128xi32, #tpu.memory_space<vmem>>, vector<16xi32>,
        %get3A_885 = arith.constant 1 : i32
        %get3A_886 = arith.index_cast %get3A_885 : i32 to index
        %get3A_887 = arith.constant 80 : index
        %get3A_888 = tpu.vector_load %arg5[%get3A_886, %get3A_887] {strides = array<i32>} : memref<4x128xi32, #tpu.memory_space<vmem>>, vector<16xi32>,
        %swap3A_889 = arith.constant 1 : i32
        %swap3A_890 = arith.index_cast %swap3A_889 : i32 to index
        %swap3A_891 = arith.constant 80 : index
        %swap3A_892 = tpu.vector_load %arg6[%swap3A_890, %swap3A_891] {strides = array<i32>} : memref<4x128xi32, #tpu.memory_space<vmem>>, vector<16xi32>,
        tpu.vector_store %arg6[%swap3A_890, %swap3A_891], %get3A_888 {strides = array<i32>} : memref<4x128xi32, #tpu.memory_space<vmem>>, vector<16xi32>,
        %get3A_893 = arith.constant 1 : i32
        %get3A_894 = arith.index_cast %get3A_893 : i32 to index
        %get3A_895 = arith.constant 96 : index
        %get3A_896 = tpu.vector_load %arg5[%get3A_894, %get3A_895] {strides = array<i32>} : memref<4x128xi32, #tpu.memory_space<vmem>>, vector<16xi32>,
        %swap3A_897 = arith.constant 1 : i32
        %swap3A_898 = arith.index_cast %swap3A_897 : i32 to index
        %swap3A_899 = arith.constant 96 : index
        %swap3A_900 = tpu.vector_load %arg6[%swap3A_898, %swap3A_899] {strides = array<i32>} : memref<4x128xi32, #tpu.memory_space<vmem>>, vector<16xi32>,
        tpu.vector_store %arg6[%swap3A_898, %swap3A_899], %get3A_896 {strides = array<i32>} : memref<4x128xi32, #tpu.memory_space<vmem>>, vector<16xi32>,
        %get3A_901 = arith.constant 1 : i32
        %get3A_902 = arith.index_cast %get3A_901 : i32 to index
        %get3A_903 = arith.constant 112 : index
        %get3A_904 = tpu.vector_load %arg5[%get3A_902, %get3A_903] {strides = array<i32>} : memref<4x128xi32, #tpu.memory_space<vmem>>, vector<16xi32>,
        %swap3A_905 = arith.constant 1 : i32
        %swap3A_906 = arith.index_cast %swap3A_905 : i32 to index
        %swap3A_907 = arith.constant 112 : index
        %swap3A_908 = tpu.vector_load %arg6[%swap3A_906, %swap3A_907] {strides = array<i32>} : memref<4x128xi32, #tpu.memory_space<vmem>>, vector<16xi32>,
        tpu.vector_store %arg6[%swap3A_906, %swap3A_907], %get3A_904 {strides = array<i32>} : memref<4x128xi32, #tpu.memory_space<vmem>>, vector<16xi32>,
        %dma_start3A_909 = arith.constant 1 : i32
        %dma_start3A_910 = arith.constant 1 : i32
        %dma_start3A_911 = arith.constant 0 : i32
        %dma_start3A_912 = arith.constant 0 : i32
        %dma_start3A_913 = tpu.memref_slice %arg7[%dma_start3A_910, %dma_start3A_911, %dma_start3A_912] : memref<4x128x128xf32, #tpu.memory_space<vmem>> -> memref<1x128x128xf32, #tpu.memory_space<vmem>>
        %dma_start3A_914 = tpu.memref_squeeze %dma_start3A_913 : memref<1x128x128xf32, #tpu.memory_space<vmem>> -> memref<128x128xf32, #tpu.memory_space<vmem>>
        %dma_start3A_915 = arith.constant 0 : i32
        %dma_start3A_916 = tpu.memref_slice %arg6[%dma_start3A_909, %dma_start3A_915] : memref<4x128xi32, #tpu.memory_space<vmem>> -> memref<1x128xi32, #tpu.memory_space<vmem>>
        %dma_start3A_917 = tpu.memref_squeeze %dma_start3A_916 : memref<1x128xi32, #tpu.memory_space<vmem>> -> memref<128xi32, #tpu.memory_space<vmem>>
        %dma_start3A_918 = arith.constant 0 : i32
        %dma_start3A_919 = arith.constant 0 : i32
        %dma_start3A_920 = tpu.memref_slice %arg2[%dma_start3A_918, %dma_start3A_919] : memref<1000000x128xf32, #tpu.memory_space<hbm>> -> memref<1000000x128xf32, #tpu.memory_space<hbm>>
        tpu.enqueue_indirect_dma source(%dma_start3A_920 : memref<1000000x128xf32, #tpu.memory_space<hbm>>) target(%dma_start3A_914 : memref<128x128xf32, #tpu.memory_space<vmem>>) offsets(%dma_start3A_917 : memref<128xi32, #tpu.memory_space<vmem>>) semaphore(%arg14 : memref<!tpu.dma_semaphore, #tpu.memory_space<semaphore_mem>>)
        %add3A_921 = arith.constant 3 : i32
        %add3A_922 = arith.addi %add3A_669, %add3A_921 : i32
        %add3A_923 = arith.constant 4 : i32
        %add3A_924 = arith.addi %add3A_922, %add3A_923 : i32
        %lt3A_925 = arith.constant 200 : i32
        %lt3A_926 = arith.cmpi slt, %add3A_924, %lt3A_925 : i32
        %convert_element_type3A_927 = arith.extui %lt3A_926 : i1 to i32
        %cond3A_928 = arith.constant 0 : i32
        %cond3A_929 = arith.cmpi ne, %convert_element_type3A_927, %cond3A_928 : i32
        scf.if %cond3A_929 {
          %add3A_930 = arith.constant 3 : i32
          %add3A_931 = arith.addi %add3A_669, %add3A_930 : i32
          %add3A_932 = arith.constant 4 : i32
          %add3A_933 = arith.addi %add3A_931, %add3A_932 : i32
          %add3A_934 = arith.addi %mul3A_2, %add3A_933 : i32
          %shift_right_arithmetic3A_935 = arith.constant 7 : i32
          %shift_right_arithmetic3A_936 = arith.shrsi %add3A_934, %shift_right_arithmetic3A_935 : i32
          %and3A_937 = arith.constant 127 : i32
          %and3A_938 = arith.andi %add3A_934, %and3A_937 : i32
          %mul3A_939 = arith.constant 128 : i32
          %mul3A_940 = arith.muli %and3A_938, %mul3A_939 : i32
          %dma_start3A_941 = arith.constant 1 : i32
          %dma_start3A_942 = arith.constant 0 : i32
          %dma_start3A_943 = tpu.memref_slice %arg5[%dma_start3A_941, %dma_start3A_942] : memref<4x128xi32, #tpu.memory_space<vmem>> -> memref<1x128xi32, #tpu.memory_space<vmem>>
          %dma_start3A_944 = tpu.memref_squeeze %dma_start3A_943 : memref<1x128xi32, #tpu.memory_space<vmem>> -> memref<128xi32, #tpu.memory_space<vmem>>
          %dma_start3A_945 = tpu.memref_slice %arg3[%shift_right_arithmetic3A_936, %mul3A_940] : memref<50x16384xi32, #tpu.memory_space<hbm>> -> memref<1x128xi32, #tpu.memory_space<hbm>>
          %dma_start3A_946 = tpu.memref_squeeze %dma_start3A_945 : memref<1x128xi32, #tpu.memory_space<hbm>> -> memref<128xi32, #tpu.memory_space<hbm>>
          %dma_start3A_947 = arith.constant 0 : i32
          %dma_start3A_948 = tpu.memref_slice %arg5[%dma_start3A_941, %dma_start3A_947] : memref<4x128xi32, #tpu.memory_space<vmem>> -> memref<1x128xi32, #tpu.memory_space<vmem>>
          %dma_start3A_949 = tpu.memref_squeeze %dma_start3A_948 : memref<1x128xi32, #tpu.memory_space<vmem>> -> memref<128xi32, #tpu.memory_space<vmem>>
          %dma_start3A_950 = tpu.memref_slice %arg3[%shift_right_arithmetic3A_936, %mul3A_940] : memref<50x16384xi32, #tpu.memory_space<hbm>> -> memref<1x128xi32, #tpu.memory_space<hbm>>
          %dma_start3A_951 = tpu.memref_squeeze %dma_start3A_950 : memref<1x128xi32, #tpu.memory_space<hbm>> -> memref<128xi32, #tpu.memory_space<hbm>>
          tpu.enqueue_dma source(%dma_start3A_951 : memref<128xi32, #tpu.memory_space<hbm>>) target(%dma_start3A_949 : memref<128xi32, #tpu.memory_space<vmem>>) target_semaphore(%arg10 : memref<!tpu.dma_semaphore, #tpu.memory_space<semaphore_mem>>)
        } else {
        }
      } else {
      }
      %dma_wait3A_677 = arith.constant 0 : i32
      %dma_wait3A_678 = arith.constant 2 : i32
      %dma_wait3A_679 = arith.constant 0 : i32
      %dma_wait3A_680 = arith.constant 0 : i32
      %dma_wait3A_681 = tpu.memref_slice %arg7[%dma_wait3A_678, %dma_wait3A_679, %dma_wait3A_680] : memref<4x128x128xf32, #tpu.memory_space<vmem>> -> memref<1x128x128xf32, #tpu.memory_space<vmem>>
      %dma_wait3A_682 = tpu.memref_squeeze %dma_wait3A_681 : memref<1x128x128xf32, #tpu.memory_space<vmem>> -> memref<128x128xf32, #tpu.memory_space<vmem>>
      %dma_wait3A_683 = arith.constant 0 : i32
      %dma_wait3A_684 = tpu.memref_slice %arg6[%dma_wait3A_677, %dma_wait3A_683] : memref<4x128xi32, #tpu.memory_space<vmem>> -> memref<1x128xi32, #tpu.memory_space<vmem>>
      %dma_wait3A_685 = tpu.memref_squeeze %dma_wait3A_684 : memref<1x128xi32, #tpu.memory_space<vmem>> -> memref<128xi32, #tpu.memory_space<vmem>>
      %dma_wait3A_686 = arith.constant 0 : i32
      %dma_wait3A_687 = arith.constant 0 : i32
      %dma_wait3A_688 = tpu.memref_slice %arg2[%dma_wait3A_686, %dma_wait3A_687] : memref<1000000x128xf32, #tpu.memory_space<hbm>> -> memref<1000000x128xf32, #tpu.memory_space<hbm>>
      tpu.wait_indirect_dma semaphore(%arg15 : memref<!tpu.dma_semaphore, #tpu.memory_space<semaphore_mem>>) src(%dma_wait3A_688 : memref<1000000x128xf32, #tpu.memory_space<hbm>>) dst(%dma_wait3A_682 : memref<128x128xf32, #tpu.memory_space<vmem>>)
      %ge3A_689 = arith.constant 1 : i32
      %ge3A_690 = arith.cmpi sge, %scan3A_512, %ge3A_689 : i32
      %convert_element_type3A_691 = arith.extui %ge3A_690 : i1 to i32
      %cond3A_692 = arith.constant 0 : i32
      %cond3A_693 = arith.cmpi ne, %convert_element_type3A_691, %cond3A_692 : i32
      scf.if %cond3A_693 {
        %add3A_826 = arith.constant 0 : i32
        %add3A_827 = arith.addi %mul3A_2, %add3A_826 : i32
        %shift_right_arithmetic3A_828 = arith.constant 7 : i32
        %shift_right_arithmetic3A_829 = arith.shrsi %add3A_827, %shift_right_arithmetic3A_828 : i32
        %and3A_830 = arith.constant 127 : i32
        %and3A_831 = arith.andi %add3A_827, %and3A_830 : i32
        %mul3A_832 = arith.constant 128 : i32
        %mul3A_833 = arith.muli %and3A_831, %mul3A_832 : i32
        %dma_wait3A_834 = arith.constant 2 : i32
        %dma_wait3A_835 = arith.constant 0 : i32
        %dma_wait3A_836 = arith.constant 0 : i32
        %dma_wait3A_837 = tpu.memref_slice %arg8[%dma_wait3A_834, %dma_wait3A_835, %dma_wait3A_836] : memref<4x64x128xf32, #tpu.memory_space<vmem>> -> memref<1x64x128xf32, #tpu.memory_space<vmem>>
        %dma_wait3A_838 = tpu.memref_squeeze %dma_wait3A_837 : memref<1x64x128xf32, #tpu.memory_space<vmem>> -> memref<64x128xf32, #tpu.memory_space<vmem>>
        %dma_wait3A_839 = arith.constant 0 : i32
        %dma_wait3A_840 = tpu.memref_slice %arg4[%shift_right_arithmetic3A_829, %dma_wait3A_839, %mul3A_833] : memref<50x64x16384xf32, #tpu.memory_space<hbm>> -> memref<1x64x128xf32, #tpu.memory_space<hbm>>
        %dma_wait3A_841 = tpu.memref_squeeze %dma_wait3A_840 : memref<1x64x128xf32, #tpu.memory_space<hbm>> -> memref<64x128xf32, #tpu.memory_space<hbm>>
        %dma_wait3A_842 = arith.constant 0 : i32
        %dma_wait3A_843 = tpu.memref_slice %arg4[%shift_right_arithmetic3A_829, %dma_wait3A_842, %mul3A_833] : memref<50x64x16384xf32, #tpu.memory_space<hbm>> -> memref<1x64x128xf32, #tpu.memory_space<hbm>>
        %dma_wait3A_844 = tpu.memref_squeeze %dma_wait3A_843 : memref<1x64x128xf32, #tpu.memory_space<hbm>> -> memref<64x128xf32, #tpu.memory_space<hbm>>
        %dma_wait3A_845 = arith.constant 0 : i32
        %dma_wait3A_846 = arith.constant 0 : i32
        %dma_wait3A_847 = tpu.memref_slice %arg8[%dma_wait3A_834, %dma_wait3A_845, %dma_wait3A_846] : memref<4x64x128xf32, #tpu.memory_space<vmem>> -> memref<1x64x128xf32, #tpu.memory_space<vmem>>
        %dma_wait3A_848 = tpu.memref_squeeze %dma_wait3A_847 : memref<1x64x128xf32, #tpu.memory_space<vmem>> -> memref<64x128xf32, #tpu.memory_space<vmem>>
        tpu.wait_dma2 semaphore(%arg19 : memref<!tpu.dma_semaphore, #tpu.memory_space<semaphore_mem>>) src(%dma_wait3A_848 : memref<64x128xf32, #tpu.memory_space<vmem>>) dst(%dma_wait3A_844 : memref<64x128xf32, #tpu.memory_space<hbm>>)
      } else {
      }
      %add3A_694 = arith.constant 0 : i32
      %add3A_695 = vector.broadcast %add3A_694 : i32 to vector<16xi32>
      %add3A_696 = arith.addi %iota3A, %add3A_695 : vector<16xi32>
      %add3A_697 = arith.constant 16 : i32
      %add3A_698 = vector.broadcast %add3A_697 : i32 to vector<16xi32>
      %add3A_699 = arith.addi %iota3A, %add3A_698 : vector<16xi32>
      %add3A_700 = arith.constant 32 : i32
      %add3A_701 = vector.broadcast %add3A_700 : i32 to vector<16xi32>
      %add3A_702 = arith.addi %iota3A, %add3A_701 : vector<16xi32>
      %add3A_703 = arith.constant 48 : i32
      %add3A_704 = vector.broadcast %add3A_703 : i32 to vector<16xi32>
      %add3A_705 = arith.addi %iota3A, %add3A_704 : vector<16xi32>
      %add3A_706 = arith.constant 64 : i32
      %add3A_707 = vector.broadcast %add3A_706 : i32 to vector<16xi32>
      %add3A_708 = arith.addi %iota3A, %add3A_707 : vector<16xi32>
      %add3A_709 = arith.constant 80 : i32
      %add3A_710 = vector.broadcast %add3A_709 : i32 to vector<16xi32>
      %add3A_711 = arith.addi %iota3A, %add3A_710 : vector<16xi32>
      %add3A_712 = arith.constant 96 : i32
      %add3A_713 = vector.broadcast %add3A_712 : i32 to vector<16xi32>
      %add3A_714 = arith.addi %iota3A, %add3A_713 : vector<16xi32>
      %add3A_715 = arith.constant 112 : i32
      %add3A_716 = vector.broadcast %add3A_715 : i32 to vector<16xi32>
      %add3A_717 = arith.addi %iota3A, %add3A_716 : vector<16xi32>
      %and3A_718 = arith.constant 0 : i32
      %and3A_719 = vector.broadcast %and3A_718 : i32 to vector<16xi32>
      %and3A_720 = arith.andi %iota3A, %and3A_719 : vector<16xi32>
      %parallel_loop3A_721 = arith.constant 0 : i32
      %parallel_loop3A_722 = arith.constant 64 : i32
      %parallel_loop3A_723 = arith.constant 1 : i32
      %parallel_loop3A_724 = arith.constant 2 : i32
      scf.for %parallel_loop3A_826 = %parallel_loop3A_721 to %parallel_loop3A_722 step %parallel_loop3A_723  : i32 {
        %parallel_loop3A_827 = vector.broadcast %parallel_loop3A_826 : i32 to vector<16xi32>
        %parallel_loop3A_828 = arith.addi %and3A_720, %parallel_loop3A_827 : vector<16xi32>
        %parallel_loop3A_829 = arith.constant 0 : i32
        %parallel_loop3A_830 = arith.constant 0 : i32
        %parallel_loop3A_831 = tpu.memref_slice %arg7[%parallel_loop3A_724, %parallel_loop3A_829, %parallel_loop3A_830] : memref<4x128x128xf32, #tpu.memory_space<vmem>> -> memref<1x128x128xf32, #tpu.memory_space<vmem>>
        %parallel_loop3A_832 = tpu.memref_squeeze %parallel_loop3A_831 : memref<1x128x128xf32, #tpu.memory_space<vmem>> -> memref<128x128xf32, #tpu.memory_space<vmem>>
        %parallel_loop3A_833 = tpu.vector_load_idx %parallel_loop3A_832[%add3A_696, %parallel_loop3A_828] : memref<128x128xf32, #tpu.memory_space<vmem>>[vector<16xi32>, vector<16xi32>], vector<16xf32>,
        %parallel_loop3A_834 = arith.constant 2 : i32
        %parallel_loop3A_835 = arith.index_cast %parallel_loop3A_834 : i32 to index
        %parallel_loop3A_836 = arith.index_cast %parallel_loop3A_826 : i32 to index
        %parallel_loop3A_837 = arith.constant 0 : index
        %parallel_loop3A_838 = tpu.vector_load %arg8[%parallel_loop3A_835, %parallel_loop3A_836, %parallel_loop3A_837] {strides = array<i32>} : memref<4x64x128xf32, #tpu.memory_space<vmem>>, vector<16xf32>,
        tpu.vector_store %arg8[%parallel_loop3A_835, %parallel_loop3A_836, %parallel_loop3A_837], %parallel_loop3A_833 {strides = array<i32>} : memref<4x64x128xf32, #tpu.memory_space<vmem>>, vector<16xf32>,
        %parallel_loop3A_839 = arith.constant 0 : i32
        %parallel_loop3A_840 = arith.constant 0 : i32
        %parallel_loop3A_841 = tpu.memref_slice %arg7[%parallel_loop3A_724, %parallel_loop3A_839, %parallel_loop3A_840] : memref<4x128x128xf32, #tpu.memory_space<vmem>> -> memref<1x128x128xf32, #tpu.memory_space<vmem>>
        %parallel_loop3A_842 = tpu.memref_squeeze %parallel_loop3A_841 : memref<1x128x128xf32, #tpu.memory_space<vmem>> -> memref<128x128xf32, #tpu.memory_space<vmem>>
        %parallel_loop3A_843 = tpu.vector_load_idx %parallel_loop3A_842[%add3A_699, %parallel_loop3A_828] : memref<128x128xf32, #tpu.memory_space<vmem>>[vector<16xi32>, vector<16xi32>], vector<16xf32>,
        %parallel_loop3A_844 = arith.constant 2 : i32
        %parallel_loop3A_845 = arith.index_cast %parallel_loop3A_844 : i32 to index
        %parallel_loop3A_846 = arith.index_cast %parallel_loop3A_826 : i32 to index
        %parallel_loop3A_847 = arith.constant 16 : index
        %parallel_loop3A_848 = tpu.vector_load %arg8[%parallel_loop3A_845, %parallel_loop3A_846, %parallel_loop3A_847] {strides = array<i32>} : memref<4x64x128xf32, #tpu.memory_space<vmem>>, vector<16xf32>,
        tpu.vector_store %arg8[%parallel_loop3A_845, %parallel_loop3A_846, %parallel_loop3A_847], %parallel_loop3A_843 {strides = array<i32>} : memref<4x64x128xf32, #tpu.memory_space<vmem>>, vector<16xf32>,
        %parallel_loop3A_849 = arith.constant 0 : i32
        %parallel_loop3A_850 = arith.constant 0 : i32
        %parallel_loop3A_851 = tpu.memref_slice %arg7[%parallel_loop3A_724, %parallel_loop3A_849, %parallel_loop3A_850] : memref<4x128x128xf32, #tpu.memory_space<vmem>> -> memref<1x128x128xf32, #tpu.memory_space<vmem>>
        %parallel_loop3A_852 = tpu.memref_squeeze %parallel_loop3A_851 : memref<1x128x128xf32, #tpu.memory_space<vmem>> -> memref<128x128xf32, #tpu.memory_space<vmem>>
        %parallel_loop3A_853 = tpu.vector_load_idx %parallel_loop3A_852[%add3A_702, %parallel_loop3A_828] : memref<128x128xf32, #tpu.memory_space<vmem>>[vector<16xi32>, vector<16xi32>], vector<16xf32>,
        %parallel_loop3A_854 = arith.constant 2 : i32
        %parallel_loop3A_855 = arith.index_cast %parallel_loop3A_854 : i32 to index
        %parallel_loop3A_856 = arith.index_cast %parallel_loop3A_826 : i32 to index
        %parallel_loop3A_857 = arith.constant 32 : index
        %parallel_loop3A_858 = tpu.vector_load %arg8[%parallel_loop3A_855, %parallel_loop3A_856, %parallel_loop3A_857] {strides = array<i32>} : memref<4x64x128xf32, #tpu.memory_space<vmem>>, vector<16xf32>,
        tpu.vector_store %arg8[%parallel_loop3A_855, %parallel_loop3A_856, %parallel_loop3A_857], %parallel_loop3A_853 {strides = array<i32>} : memref<4x64x128xf32, #tpu.memory_space<vmem>>, vector<16xf32>,
        %parallel_loop3A_859 = arith.constant 0 : i32
        %parallel_loop3A_860 = arith.constant 0 : i32
        %parallel_loop3A_861 = tpu.memref_slice %arg7[%parallel_loop3A_724, %parallel_loop3A_859, %parallel_loop3A_860] : memref<4x128x128xf32, #tpu.memory_space<vmem>> -> memref<1x128x128xf32, #tpu.memory_space<vmem>>
        %parallel_loop3A_862 = tpu.memref_squeeze %parallel_loop3A_861 : memref<1x128x128xf32, #tpu.memory_space<vmem>> -> memref<128x128xf32, #tpu.memory_space<vmem>>
        %parallel_loop3A_863 = tpu.vector_load_idx %parallel_loop3A_862[%add3A_705, %parallel_loop3A_828] : memref<128x128xf32, #tpu.memory_space<vmem>>[vector<16xi32>, vector<16xi32>], vector<16xf32>,
        %parallel_loop3A_864 = arith.constant 2 : i32
        %parallel_loop3A_865 = arith.index_cast %parallel_loop3A_864 : i32 to index
        %parallel_loop3A_866 = arith.index_cast %parallel_loop3A_826 : i32 to index
        %parallel_loop3A_867 = arith.constant 48 : index
        %parallel_loop3A_868 = tpu.vector_load %arg8[%parallel_loop3A_865, %parallel_loop3A_866, %parallel_loop3A_867] {strides = array<i32>} : memref<4x64x128xf32, #tpu.memory_space<vmem>>, vector<16xf32>,
        tpu.vector_store %arg8[%parallel_loop3A_865, %parallel_loop3A_866, %parallel_loop3A_867], %parallel_loop3A_863 {strides = array<i32>} : memref<4x64x128xf32, #tpu.memory_space<vmem>>, vector<16xf32>,
        %parallel_loop3A_869 = arith.constant 0 : i32
        %parallel_loop3A_870 = arith.constant 0 : i32
        %parallel_loop3A_871 = tpu.memref_slice %arg7[%parallel_loop3A_724, %parallel_loop3A_869, %parallel_loop3A_870] : memref<4x128x128xf32, #tpu.memory_space<vmem>> -> memref<1x128x128xf32, #tpu.memory_space<vmem>>
        %parallel_loop3A_872 = tpu.memref_squeeze %parallel_loop3A_871 : memref<1x128x128xf32, #tpu.memory_space<vmem>> -> memref<128x128xf32, #tpu.memory_space<vmem>>
        %parallel_loop3A_873 = tpu.vector_load_idx %parallel_loop3A_872[%add3A_708, %parallel_loop3A_828] : memref<128x128xf32, #tpu.memory_space<vmem>>[vector<16xi32>, vector<16xi32>], vector<16xf32>,
        %parallel_loop3A_874 = arith.constant 2 : i32
        %parallel_loop3A_875 = arith.index_cast %parallel_loop3A_874 : i32 to index
        %parallel_loop3A_876 = arith.index_cast %parallel_loop3A_826 : i32 to index
        %parallel_loop3A_877 = arith.constant 64 : index
        %parallel_loop3A_878 = tpu.vector_load %arg8[%parallel_loop3A_875, %parallel_loop3A_876, %parallel_loop3A_877] {strides = array<i32>} : memref<4x64x128xf32, #tpu.memory_space<vmem>>, vector<16xf32>,
        tpu.vector_store %arg8[%parallel_loop3A_875, %parallel_loop3A_876, %parallel_loop3A_877], %parallel_loop3A_873 {strides = array<i32>} : memref<4x64x128xf32, #tpu.memory_space<vmem>>, vector<16xf32>,
        %parallel_loop3A_879 = arith.constant 0 : i32
        %parallel_loop3A_880 = arith.constant 0 : i32
        %parallel_loop3A_881 = tpu.memref_slice %arg7[%parallel_loop3A_724, %parallel_loop3A_879, %parallel_loop3A_880] : memref<4x128x128xf32, #tpu.memory_space<vmem>> -> memref<1x128x128xf32, #tpu.memory_space<vmem>>
        %parallel_loop3A_882 = tpu.memref_squeeze %parallel_loop3A_881 : memref<1x128x128xf32, #tpu.memory_space<vmem>> -> memref<128x128xf32, #tpu.memory_space<vmem>>
        %parallel_loop3A_883 = tpu.vector_load_idx %parallel_loop3A_882[%add3A_711, %parallel_loop3A_828] : memref<128x128xf32, #tpu.memory_space<vmem>>[vector<16xi32>, vector<16xi32>], vector<16xf32>,
        %parallel_loop3A_884 = arith.constant 2 : i32
        %parallel_loop3A_885 = arith.index_cast %parallel_loop3A_884 : i32 to index
        %parallel_loop3A_886 = arith.index_cast %parallel_loop3A_826 : i32 to index
        %parallel_loop3A_887 = arith.constant 80 : index
        %parallel_loop3A_888 = tpu.vector_load %arg8[%parallel_loop3A_885, %parallel_loop3A_886, %parallel_loop3A_887] {strides = array<i32>} : memref<4x64x128xf32, #tpu.memory_space<vmem>>, vector<16xf32>,
        tpu.vector_store %arg8[%parallel_loop3A_885, %parallel_loop3A_886, %parallel_loop3A_887], %parallel_loop3A_883 {strides = array<i32>} : memref<4x64x128xf32, #tpu.memory_space<vmem>>, vector<16xf32>,
        %parallel_loop3A_889 = arith.constant 0 : i32
        %parallel_loop3A_890 = arith.constant 0 : i32
        %parallel_loop3A_891 = tpu.memref_slice %arg7[%parallel_loop3A_724, %parallel_loop3A_889, %parallel_loop3A_890] : memref<4x128x128xf32, #tpu.memory_space<vmem>> -> memref<1x128x128xf32, #tpu.memory_space<vmem>>
        %parallel_loop3A_892 = tpu.memref_squeeze %parallel_loop3A_891 : memref<1x128x128xf32, #tpu.memory_space<vmem>> -> memref<128x128xf32, #tpu.memory_space<vmem>>
        %parallel_loop3A_893 = tpu.vector_load_idx %parallel_loop3A_892[%add3A_714, %parallel_loop3A_828] : memref<128x128xf32, #tpu.memory_space<vmem>>[vector<16xi32>, vector<16xi32>], vector<16xf32>,
        %parallel_loop3A_894 = arith.constant 2 : i32
        %parallel_loop3A_895 = arith.index_cast %parallel_loop3A_894 : i32 to index
        %parallel_loop3A_896 = arith.index_cast %parallel_loop3A_826 : i32 to index
        %parallel_loop3A_897 = arith.constant 96 : index
        %parallel_loop3A_898 = tpu.vector_load %arg8[%parallel_loop3A_895, %parallel_loop3A_896, %parallel_loop3A_897] {strides = array<i32>} : memref<4x64x128xf32, #tpu.memory_space<vmem>>, vector<16xf32>,
        tpu.vector_store %arg8[%parallel_loop3A_895, %parallel_loop3A_896, %parallel_loop3A_897], %parallel_loop3A_893 {strides = array<i32>} : memref<4x64x128xf32, #tpu.memory_space<vmem>>, vector<16xf32>,
        %parallel_loop3A_899 = arith.constant 0 : i32
        %parallel_loop3A_900 = arith.constant 0 : i32
        %parallel_loop3A_901 = tpu.memref_slice %arg7[%parallel_loop3A_724, %parallel_loop3A_899, %parallel_loop3A_900] : memref<4x128x128xf32, #tpu.memory_space<vmem>> -> memref<1x128x128xf32, #tpu.memory_space<vmem>>
        %parallel_loop3A_902 = tpu.memref_squeeze %parallel_loop3A_901 : memref<1x128x128xf32, #tpu.memory_space<vmem>> -> memref<128x128xf32, #tpu.memory_space<vmem>>
        %parallel_loop3A_903 = tpu.vector_load_idx %parallel_loop3A_902[%add3A_717, %parallel_loop3A_828] : memref<128x128xf32, #tpu.memory_space<vmem>>[vector<16xi32>, vector<16xi32>], vector<16xf32>,
        %parallel_loop3A_904 = arith.constant 2 : i32
        %parallel_loop3A_905 = arith.index_cast %parallel_loop3A_904 : i32 to index
        %parallel_loop3A_906 = arith.index_cast %parallel_loop3A_826 : i32 to index
        %parallel_loop3A_907 = arith.constant 112 : index
        %parallel_loop3A_908 = tpu.vector_load %arg8[%parallel_loop3A_905, %parallel_loop3A_906, %parallel_loop3A_907] {strides = array<i32>} : memref<4x64x128xf32, #tpu.memory_space<vmem>>, vector<16xf32>,
        tpu.vector_store %arg8[%parallel_loop3A_905, %parallel_loop3A_906, %parallel_loop3A_907], %parallel_loop3A_903 {strides = array<i32>} : memref<4x64x128xf32, #tpu.memory_space<vmem>>, vector<16xf32>,
      } {sc.loop_unroll_factor = 8 : i64, sc.parallel_access}
      %add3A_725 = arith.addi %mul3A_2, %add3A_669 : i32
      %shift_right_arithmetic3A_726 = arith.constant 7 : i32
      %shift_right_arithmetic3A_727 = arith.shrsi %add3A_725, %shift_right_arithmetic3A_726 : i32
      %and3A_728 = arith.constant 127 : i32
      %and3A_729 = arith.andi %add3A_725, %and3A_728 : i32
      %mul3A_730 = arith.constant 128 : i32
      %mul3A_731 = arith.muli %and3A_729, %mul3A_730 : i32
      %dma_start3A_732 = arith.constant 2 : i32
      %dma_start3A_733 = arith.constant 0 : i32
      %dma_start3A_734 = arith.constant 0 : i32
      %dma_start3A_735 = tpu.memref_slice %arg8[%dma_start3A_732, %dma_start3A_733, %dma_start3A_734] : memref<4x64x128xf32, #tpu.memory_space<vmem>> -> memref<1x64x128xf32, #tpu.memory_space<vmem>>
      %dma_start3A_736 = tpu.memref_squeeze %dma_start3A_735 : memref<1x64x128xf32, #tpu.memory_space<vmem>> -> memref<64x128xf32, #tpu.memory_space<vmem>>
      %dma_start3A_737 = arith.constant 0 : i32
      %dma_start3A_738 = tpu.memref_slice %arg4[%shift_right_arithmetic3A_727, %dma_start3A_737, %mul3A_731] : memref<50x64x16384xf32, #tpu.memory_space<hbm>> -> memref<1x64x128xf32, #tpu.memory_space<hbm>>
      %dma_start3A_739 = tpu.memref_squeeze %dma_start3A_738 : memref<1x64x128xf32, #tpu.memory_space<hbm>> -> memref<64x128xf32, #tpu.memory_space<hbm>>
      %dma_start3A_740 = arith.constant 0 : i32
      %dma_start3A_741 = tpu.memref_slice %arg4[%shift_right_arithmetic3A_727, %dma_start3A_740, %mul3A_731] : memref<50x64x16384xf32, #tpu.memory_space<hbm>> -> memref<1x64x128xf32, #tpu.memory_space<hbm>>
      %dma_start3A_742 = tpu.memref_squeeze %dma_start3A_741 : memref<1x64x128xf32, #tpu.memory_space<hbm>> -> memref<64x128xf32, #tpu.memory_space<hbm>>
      %dma_start3A_743 = arith.constant 0 : i32
      %dma_start3A_744 = arith.constant 0 : i32
      %dma_start3A_745 = tpu.memref_slice %arg8[%dma_start3A_732, %dma_start3A_743, %dma_start3A_744] : memref<4x64x128xf32, #tpu.memory_space<vmem>> -> memref<1x64x128xf32, #tpu.memory_space<vmem>>
      %dma_start3A_746 = tpu.memref_squeeze %dma_start3A_745 : memref<1x64x128xf32, #tpu.memory_space<vmem>> -> memref<64x128xf32, #tpu.memory_space<vmem>>
      tpu.enqueue_dma source(%dma_start3A_746 : memref<64x128xf32, #tpu.memory_space<vmem>>) target(%dma_start3A_742 : memref<64x128xf32, #tpu.memory_space<hbm>>) target_semaphore(%arg19 : memref<!tpu.dma_semaphore, #tpu.memory_space<semaphore_mem>>)
      %add3A_747 = arith.constant 3 : i32
      %add3A_748 = arith.addi %mul3A_514, %add3A_747 : i32
      %add3A_749 = arith.constant 3 : i32
      %add3A_750 = arith.addi %add3A_748, %add3A_749 : i32
      %lt3A_751 = arith.constant 200 : i32
      %lt3A_752 = arith.cmpi slt, %add3A_750, %lt3A_751 : i32
      %convert_element_type3A_753 = arith.extui %lt3A_752 : i1 to i32
      %cond3A_754 = arith.constant 0 : i32
      %cond3A_755 = arith.cmpi ne, %convert_element_type3A_753, %cond3A_754 : i32
      scf.if %cond3A_755 {
        %add3A_826 = arith.constant 0 : i32
        %add3A_827 = arith.addi %mul3A_2, %add3A_826 : i32
        %shift_right_arithmetic3A_828 = arith.constant 7 : i32
        %shift_right_arithmetic3A_829 = arith.shrsi %add3A_827, %shift_right_arithmetic3A_828 : i32
        %and3A_830 = arith.constant 127 : i32
        %and3A_831 = arith.andi %add3A_827, %and3A_830 : i32
        %mul3A_832 = arith.constant 128 : i32
        %mul3A_833 = arith.muli %and3A_831, %mul3A_832 : i32
        %dma_wait3A_834 = arith.constant 2 : i32
        %dma_wait3A_835 = arith.constant 0 : i32
        %dma_wait3A_836 = tpu.memref_slice %arg5[%dma_wait3A_834, %dma_wait3A_835] : memref<4x128xi32, #tpu.memory_space<vmem>> -> memref<1x128xi32, #tpu.memory_space<vmem>>
        %dma_wait3A_837 = tpu.memref_squeeze %dma_wait3A_836 : memref<1x128xi32, #tpu.memory_space<vmem>> -> memref<128xi32, #tpu.memory_space<vmem>>
        %dma_wait3A_838 = tpu.memref_slice %arg3[%shift_right_arithmetic3A_829, %mul3A_833] : memref<50x16384xi32, #tpu.memory_space<hbm>> -> memref<1x128xi32, #tpu.memory_space<hbm>>
        %dma_wait3A_839 = tpu.memref_squeeze %dma_wait3A_838 : memref<1x128xi32, #tpu.memory_space<hbm>> -> memref<128xi32, #tpu.memory_space<hbm>>
        %dma_wait3A_840 = arith.constant 0 : i32
        %dma_wait3A_841 = tpu.memref_slice %arg5[%dma_wait3A_834, %dma_wait3A_840] : memref<4x128xi32, #tpu.memory_space<vmem>> -> memref<1x128xi32, #tpu.memory_space<vmem>>
        %dma_wait3A_842 = tpu.memref_squeeze %dma_wait3A_841 : memref<1x128xi32, #tpu.memory_space<vmem>> -> memref<128xi32, #tpu.memory_space<vmem>>
        %dma_wait3A_843 = tpu.memref_slice %arg3[%shift_right_arithmetic3A_829, %mul3A_833] : memref<50x16384xi32, #tpu.memory_space<hbm>> -> memref<1x128xi32, #tpu.memory_space<hbm>>
        %dma_wait3A_844 = tpu.memref_squeeze %dma_wait3A_843 : memref<1x128xi32, #tpu.memory_space<hbm>> -> memref<128xi32, #tpu.memory_space<hbm>>
        tpu.wait_dma2 semaphore(%arg11 : memref<!tpu.dma_semaphore, #tpu.memory_space<semaphore_mem>>) src(%dma_wait3A_844 : memref<128xi32, #tpu.memory_space<hbm>>) dst(%dma_wait3A_842 : memref<128xi32, #tpu.memory_space<vmem>>)
        %get3A_845 = arith.constant 2 : i32
        %get3A_846 = arith.index_cast %get3A_845 : i32 to index
        %get3A_847 = arith.constant 0 : index
        %get3A_848 = tpu.vector_load %arg5[%get3A_846, %get3A_847] {strides = array<i32>} : memref<4x128xi32, #tpu.memory_space<vmem>>, vector<16xi32>,
        %swap3A_849 = arith.constant 2 : i32
        %swap3A_850 = arith.index_cast %swap3A_849 : i32 to index
        %swap3A_851 = arith.constant 0 : index
        %swap3A_852 = tpu.vector_load %arg6[%swap3A_850, %swap3A_851] {strides = array<i32>} : memref<4x128xi32, #tpu.memory_space<vmem>>, vector<16xi32>,
        tpu.vector_store %arg6[%swap3A_850, %swap3A_851], %get3A_848 {strides = array<i32>} : memref<4x128xi32, #tpu.memory_space<vmem>>, vector<16xi32>,
        %get3A_853 = arith.constant 2 : i32
        %get3A_854 = arith.index_cast %get3A_853 : i32 to index
        %get3A_855 = arith.constant 16 : index
        %get3A_856 = tpu.vector_load %arg5[%get3A_854, %get3A_855] {strides = array<i32>} : memref<4x128xi32, #tpu.memory_space<vmem>>, vector<16xi32>,
        %swap3A_857 = arith.constant 2 : i32
        %swap3A_858 = arith.index_cast %swap3A_857 : i32 to index
        %swap3A_859 = arith.constant 16 : index
        %swap3A_860 = tpu.vector_load %arg6[%swap3A_858, %swap3A_859] {strides = array<i32>} : memref<4x128xi32, #tpu.memory_space<vmem>>, vector<16xi32>,
        tpu.vector_store %arg6[%swap3A_858, %swap3A_859], %get3A_856 {strides = array<i32>} : memref<4x128xi32, #tpu.memory_space<vmem>>, vector<16xi32>,
        %get3A_861 = arith.constant 2 : i32
        %get3A_862 = arith.index_cast %get3A_861 : i32 to index
        %get3A_863 = arith.constant 32 : index
        %get3A_864 = tpu.vector_load %arg5[%get3A_862, %get3A_863] {strides = array<i32>} : memref<4x128xi32, #tpu.memory_space<vmem>>, vector<16xi32>,
        %swap3A_865 = arith.constant 2 : i32
        %swap3A_866 = arith.index_cast %swap3A_865 : i32 to index
        %swap3A_867 = arith.constant 32 : index
        %swap3A_868 = tpu.vector_load %arg6[%swap3A_866, %swap3A_867] {strides = array<i32>} : memref<4x128xi32, #tpu.memory_space<vmem>>, vector<16xi32>,
        tpu.vector_store %arg6[%swap3A_866, %swap3A_867], %get3A_864 {strides = array<i32>} : memref<4x128xi32, #tpu.memory_space<vmem>>, vector<16xi32>,
        %get3A_869 = arith.constant 2 : i32
        %get3A_870 = arith.index_cast %get3A_869 : i32 to index
        %get3A_871 = arith.constant 48 : index
        %get3A_872 = tpu.vector_load %arg5[%get3A_870, %get3A_871] {strides = array<i32>} : memref<4x128xi32, #tpu.memory_space<vmem>>, vector<16xi32>,
        %swap3A_873 = arith.constant 2 : i32
        %swap3A_874 = arith.index_cast %swap3A_873 : i32 to index
        %swap3A_875 = arith.constant 48 : index
        %swap3A_876 = tpu.vector_load %arg6[%swap3A_874, %swap3A_875] {strides = array<i32>} : memref<4x128xi32, #tpu.memory_space<vmem>>, vector<16xi32>,
        tpu.vector_store %arg6[%swap3A_874, %swap3A_875], %get3A_872 {strides = array<i32>} : memref<4x128xi32, #tpu.memory_space<vmem>>, vector<16xi32>,
        %get3A_877 = arith.constant 2 : i32
        %get3A_878 = arith.index_cast %get3A_877 : i32 to index
        %get3A_879 = arith.constant 64 : index
        %get3A_880 = tpu.vector_load %arg5[%get3A_878, %get3A_879] {strides = array<i32>} : memref<4x128xi32, #tpu.memory_space<vmem>>, vector<16xi32>,
        %swap3A_881 = arith.constant 2 : i32
        %swap3A_882 = arith.index_cast %swap3A_881 : i32 to index
        %swap3A_883 = arith.constant 64 : index
        %swap3A_884 = tpu.vector_load %arg6[%swap3A_882, %swap3A_883] {strides = array<i32>} : memref<4x128xi32, #tpu.memory_space<vmem>>, vector<16xi32>,
        tpu.vector_store %arg6[%swap3A_882, %swap3A_883], %get3A_880 {strides = array<i32>} : memref<4x128xi32, #tpu.memory_space<vmem>>, vector<16xi32>,
        %get3A_885 = arith.constant 2 : i32
        %get3A_886 = arith.index_cast %get3A_885 : i32 to index
        %get3A_887 = arith.constant 80 : index
        %get3A_888 = tpu.vector_load %arg5[%get3A_886, %get3A_887] {strides = array<i32>} : memref<4x128xi32, #tpu.memory_space<vmem>>, vector<16xi32>,
        %swap3A_889 = arith.constant 2 : i32
        %swap3A_890 = arith.index_cast %swap3A_889 : i32 to index
        %swap3A_891 = arith.constant 80 : index
        %swap3A_892 = tpu.vector_load %arg6[%swap3A_890, %swap3A_891] {strides = array<i32>} : memref<4x128xi32, #tpu.memory_space<vmem>>, vector<16xi32>,
        tpu.vector_store %arg6[%swap3A_890, %swap3A_891], %get3A_888 {strides = array<i32>} : memref<4x128xi32, #tpu.memory_space<vmem>>, vector<16xi32>,
        %get3A_893 = arith.constant 2 : i32
        %get3A_894 = arith.index_cast %get3A_893 : i32 to index
        %get3A_895 = arith.constant 96 : index
        %get3A_896 = tpu.vector_load %arg5[%get3A_894, %get3A_895] {strides = array<i32>} : memref<4x128xi32, #tpu.memory_space<vmem>>, vector<16xi32>,
        %swap3A_897 = arith.constant 2 : i32
        %swap3A_898 = arith.index_cast %swap3A_897 : i32 to index
        %swap3A_899 = arith.constant 96 : index
        %swap3A_900 = tpu.vector_load %arg6[%swap3A_898, %swap3A_899] {strides = array<i32>} : memref<4x128xi32, #tpu.memory_space<vmem>>, vector<16xi32>,
        tpu.vector_store %arg6[%swap3A_898, %swap3A_899], %get3A_896 {strides = array<i32>} : memref<4x128xi32, #tpu.memory_space<vmem>>, vector<16xi32>,
        %get3A_901 = arith.constant 2 : i32
        %get3A_902 = arith.index_cast %get3A_901 : i32 to index
        %get3A_903 = arith.constant 112 : index
        %get3A_904 = tpu.vector_load %arg5[%get3A_902, %get3A_903] {strides = array<i32>} : memref<4x128xi32, #tpu.memory_space<vmem>>, vector<16xi32>,
        %swap3A_905 = arith.constant 2 : i32
        %swap3A_906 = arith.index_cast %swap3A_905 : i32 to index
        %swap3A_907 = arith.constant 112 : index
        %swap3A_908 = tpu.vector_load %arg6[%swap3A_906, %swap3A_907] {strides = array<i32>} : memref<4x128xi32, #tpu.memory_space<vmem>>, vector<16xi32>,
        tpu.vector_store %arg6[%swap3A_906, %swap3A_907], %get3A_904 {strides = array<i32>} : memref<4x128xi32, #tpu.memory_space<vmem>>, vector<16xi32>,
        %dma_start3A_909 = arith.constant 2 : i32
        %dma_start3A_910 = arith.constant 2 : i32
        %dma_start3A_911 = arith.constant 0 : i32
        %dma_start3A_912 = arith.constant 0 : i32
        %dma_start3A_913 = tpu.memref_slice %arg7[%dma_start3A_910, %dma_start3A_911, %dma_start3A_912] : memref<4x128x128xf32, #tpu.memory_space<vmem>> -> memref<1x128x128xf32, #tpu.memory_space<vmem>>
        %dma_start3A_914 = tpu.memref_squeeze %dma_start3A_913 : memref<1x128x128xf32, #tpu.memory_space<vmem>> -> memref<128x128xf32, #tpu.memory_space<vmem>>
        %dma_start3A_915 = arith.constant 0 : i32
        %dma_start3A_916 = tpu.memref_slice %arg6[%dma_start3A_909, %dma_start3A_915] : memref<4x128xi32, #tpu.memory_space<vmem>> -> memref<1x128xi32, #tpu.memory_space<vmem>>
        %dma_start3A_917 = tpu.memref_squeeze %dma_start3A_916 : memref<1x128xi32, #tpu.memory_space<vmem>> -> memref<128xi32, #tpu.memory_space<vmem>>
        %dma_start3A_918 = arith.constant 0 : i32
        %dma_start3A_919 = arith.constant 0 : i32
        %dma_start3A_920 = tpu.memref_slice %arg2[%dma_start3A_918, %dma_start3A_919] : memref<1000000x128xf32, #tpu.memory_space<hbm>> -> memref<1000000x128xf32, #tpu.memory_space<hbm>>
        tpu.enqueue_indirect_dma source(%dma_start3A_920 : memref<1000000x128xf32, #tpu.memory_space<hbm>>) target(%dma_start3A_914 : memref<128x128xf32, #tpu.memory_space<vmem>>) offsets(%dma_start3A_917 : memref<128xi32, #tpu.memory_space<vmem>>) semaphore(%arg15 : memref<!tpu.dma_semaphore, #tpu.memory_space<semaphore_mem>>)
        %add3A_921 = arith.constant 3 : i32
        %add3A_922 = arith.addi %add3A_748, %add3A_921 : i32
        %add3A_923 = arith.constant 4 : i32
        %add3A_924 = arith.addi %add3A_922, %add3A_923 : i32
        %lt3A_925 = arith.constant 200 : i32
        %lt3A_926 = arith.cmpi slt, %add3A_924, %lt3A_925 : i32
        %convert_element_type3A_927 = arith.extui %lt3A_926 : i1 to i32
        %cond3A_928 = arith.constant 0 : i32
        %cond3A_929 = arith.cmpi ne, %convert_element_type3A_927, %cond3A_928 : i32
        scf.if %cond3A_929 {
          %add3A_930 = arith.constant 3 : i32
          %add3A_931 = arith.addi %add3A_748, %add3A_930 : i32
          %add3A_932 = arith.constant 4 : i32
          %add3A_933 = arith.addi %add3A_931, %add3A_932 : i32
          %add3A_934 = arith.addi %mul3A_2, %add3A_933 : i32
          %shift_right_arithmetic3A_935 = arith.constant 7 : i32
          %shift_right_arithmetic3A_936 = arith.shrsi %add3A_934, %shift_right_arithmetic3A_935 : i32
          %and3A_937 = arith.constant 127 : i32
          %and3A_938 = arith.andi %add3A_934, %and3A_937 : i32
          %mul3A_939 = arith.constant 128 : i32
          %mul3A_940 = arith.muli %and3A_938, %mul3A_939 : i32
          %dma_start3A_941 = arith.constant 2 : i32
          %dma_start3A_942 = arith.constant 0 : i32
          %dma_start3A_943 = tpu.memref_slice %arg5[%dma_start3A_941, %dma_start3A_942] : memref<4x128xi32, #tpu.memory_space<vmem>> -> memref<1x128xi32, #tpu.memory_space<vmem>>
          %dma_start3A_944 = tpu.memref_squeeze %dma_start3A_943 : memref<1x128xi32, #tpu.memory_space<vmem>> -> memref<128xi32, #tpu.memory_space<vmem>>
          %dma_start3A_945 = tpu.memref_slice %arg3[%shift_right_arithmetic3A_936, %mul3A_940] : memref<50x16384xi32, #tpu.memory_space<hbm>> -> memref<1x128xi32, #tpu.memory_space<hbm>>
          %dma_start3A_946 = tpu.memref_squeeze %dma_start3A_945 : memref<1x128xi32, #tpu.memory_space<hbm>> -> memref<128xi32, #tpu.memory_space<hbm>>
          %dma_start3A_947 = arith.constant 0 : i32
          %dma_start3A_948 = tpu.memref_slice %arg5[%dma_start3A_941, %dma_start3A_947] : memref<4x128xi32, #tpu.memory_space<vmem>> -> memref<1x128xi32, #tpu.memory_space<vmem>>
          %dma_start3A_949 = tpu.memref_squeeze %dma_start3A_948 : memref<1x128xi32, #tpu.memory_space<vmem>> -> memref<128xi32, #tpu.memory_space<vmem>>
          %dma_start3A_950 = tpu.memref_slice %arg3[%shift_right_arithmetic3A_936, %mul3A_940] : memref<50x16384xi32, #tpu.memory_space<hbm>> -> memref<1x128xi32, #tpu.memory_space<hbm>>
          %dma_start3A_951 = tpu.memref_squeeze %dma_start3A_950 : memref<1x128xi32, #tpu.memory_space<hbm>> -> memref<128xi32, #tpu.memory_space<hbm>>
          tpu.enqueue_dma source(%dma_start3A_951 : memref<128xi32, #tpu.memory_space<hbm>>) target(%dma_start3A_949 : memref<128xi32, #tpu.memory_space<vmem>>) target_semaphore(%arg11 : memref<!tpu.dma_semaphore, #tpu.memory_space<semaphore_mem>>)
        } else {
        }
      } else {
      }
      %dma_wait3A_756 = arith.constant 0 : i32
      %dma_wait3A_757 = arith.constant 3 : i32
      %dma_wait3A_758 = arith.constant 0 : i32
      %dma_wait3A_759 = arith.constant 0 : i32
      %dma_wait3A_760 = tpu.memref_slice %arg7[%dma_wait3A_757, %dma_wait3A_758, %dma_wait3A_759] : memref<4x128x128xf32, #tpu.memory_space<vmem>> -> memref<1x128x128xf32, #tpu.memory_space<vmem>>
      %dma_wait3A_761 = tpu.memref_squeeze %dma_wait3A_760 : memref<1x128x128xf32, #tpu.memory_space<vmem>> -> memref<128x128xf32, #tpu.memory_space<vmem>>
      %dma_wait3A_762 = arith.constant 0 : i32
      %dma_wait3A_763 = tpu.memref_slice %arg6[%dma_wait3A_756, %dma_wait3A_762] : memref<4x128xi32, #tpu.memory_space<vmem>> -> memref<1x128xi32, #tpu.memory_space<vmem>>
      %dma_wait3A_764 = tpu.memref_squeeze %dma_wait3A_763 : memref<1x128xi32, #tpu.memory_space<vmem>> -> memref<128xi32, #tpu.memory_space<vmem>>
      %dma_wait3A_765 = arith.constant 0 : i32
      %dma_wait3A_766 = arith.constant 0 : i32
      %dma_wait3A_767 = tpu.memref_slice %arg2[%dma_wait3A_765, %dma_wait3A_766] : memref<1000000x128xf32, #tpu.memory_space<hbm>> -> memref<1000000x128xf32, #tpu.memory_space<hbm>>
      tpu.wait_indirect_dma semaphore(%arg16 : memref<!tpu.dma_semaphore, #tpu.memory_space<semaphore_mem>>) src(%dma_wait3A_767 : memref<1000000x128xf32, #tpu.memory_space<hbm>>) dst(%dma_wait3A_761 : memref<128x128xf32, #tpu.memory_space<vmem>>)
      %ge3A_768 = arith.constant 1 : i32
      %ge3A_769 = arith.cmpi sge, %scan3A_512, %ge3A_768 : i32
      %convert_element_type3A_770 = arith.extui %ge3A_769 : i1 to i32
      %cond3A_771 = arith.constant 0 : i32
      %cond3A_772 = arith.cmpi ne, %convert_element_type3A_770, %cond3A_771 : i32
      scf.if %cond3A_772 {
        %add3A_826 = arith.constant 0 : i32
        %add3A_827 = arith.addi %mul3A_2, %add3A_826 : i32
        %shift_right_arithmetic3A_828 = arith.constant 7 : i32
        %shift_right_arithmetic3A_829 = arith.shrsi %add3A_827, %shift_right_arithmetic3A_828 : i32
        %and3A_830 = arith.constant 127 : i32
        %and3A_831 = arith.andi %add3A_827, %and3A_830 : i32
        %mul3A_832 = arith.constant 128 : i32
        %mul3A_833 = arith.muli %and3A_831, %mul3A_832 : i32
        %dma_wait3A_834 = arith.constant 3 : i32
        %dma_wait3A_835 = arith.constant 0 : i32
        %dma_wait3A_836 = arith.constant 0 : i32
        %dma_wait3A_837 = tpu.memref_slice %arg8[%dma_wait3A_834, %dma_wait3A_835, %dma_wait3A_836] : memref<4x64x128xf32, #tpu.memory_space<vmem>> -> memref<1x64x128xf32, #tpu.memory_space<vmem>>
        %dma_wait3A_838 = tpu.memref_squeeze %dma_wait3A_837 : memref<1x64x128xf32, #tpu.memory_space<vmem>> -> memref<64x128xf32, #tpu.memory_space<vmem>>
        %dma_wait3A_839 = arith.constant 0 : i32
        %dma_wait3A_840 = tpu.memref_slice %arg4[%shift_right_arithmetic3A_829, %dma_wait3A_839, %mul3A_833] : memref<50x64x16384xf32, #tpu.memory_space<hbm>> -> memref<1x64x128xf32, #tpu.memory_space<hbm>>
        %dma_wait3A_841 = tpu.memref_squeeze %dma_wait3A_840 : memref<1x64x128xf32, #tpu.memory_space<hbm>> -> memref<64x128xf32, #tpu.memory_space<hbm>>
        %dma_wait3A_842 = arith.constant 0 : i32
        %dma_wait3A_843 = tpu.memref_slice %arg4[%shift_right_arithmetic3A_829, %dma_wait3A_842, %mul3A_833] : memref<50x64x16384xf32, #tpu.memory_space<hbm>> -> memref<1x64x128xf32, #tpu.memory_space<hbm>>
        %dma_wait3A_844 = tpu.memref_squeeze %dma_wait3A_843 : memref<1x64x128xf32, #tpu.memory_space<hbm>> -> memref<64x128xf32, #tpu.memory_space<hbm>>
        %dma_wait3A_845 = arith.constant 0 : i32
        %dma_wait3A_846 = arith.constant 0 : i32
        %dma_wait3A_847 = tpu.memref_slice %arg8[%dma_wait3A_834, %dma_wait3A_845, %dma_wait3A_846] : memref<4x64x128xf32, #tpu.memory_space<vmem>> -> memref<1x64x128xf32, #tpu.memory_space<vmem>>
        %dma_wait3A_848 = tpu.memref_squeeze %dma_wait3A_847 : memref<1x64x128xf32, #tpu.memory_space<vmem>> -> memref<64x128xf32, #tpu.memory_space<vmem>>
        tpu.wait_dma2 semaphore(%arg20 : memref<!tpu.dma_semaphore, #tpu.memory_space<semaphore_mem>>) src(%dma_wait3A_848 : memref<64x128xf32, #tpu.memory_space<vmem>>) dst(%dma_wait3A_844 : memref<64x128xf32, #tpu.memory_space<hbm>>)
      } else {
      }
      %add3A_773 = arith.constant 0 : i32
      %add3A_774 = vector.broadcast %add3A_773 : i32 to vector<16xi32>
      %add3A_775 = arith.addi %iota3A, %add3A_774 : vector<16xi32>
      %add3A_776 = arith.constant 16 : i32
      %add3A_777 = vector.broadcast %add3A_776 : i32 to vector<16xi32>
      %add3A_778 = arith.addi %iota3A, %add3A_777 : vector<16xi32>
      %add3A_779 = arith.constant 32 : i32
      %add3A_780 = vector.broadcast %add3A_779 : i32 to vector<16xi32>
      %add3A_781 = arith.addi %iota3A, %add3A_780 : vector<16xi32>
      %add3A_782 = arith.constant 48 : i32
      %add3A_783 = vector.broadcast %add3A_782 : i32 to vector<16xi32>
      %add3A_784 = arith.addi %iota3A, %add3A_783 : vector<16xi32>
      %add3A_785 = arith.constant 64 : i32
      %add3A_786 = vector.broadcast %add3A_785 : i32 to vector<16xi32>
      %add3A_787 = arith.addi %iota3A, %add3A_786 : vector<16xi32>
      %add3A_788 = arith.constant 80 : i32
      %add3A_789 = vector.broadcast %add3A_788 : i32 to vector<16xi32>
      %add3A_790 = arith.addi %iota3A, %add3A_789 : vector<16xi32>
      %add3A_791 = arith.constant 96 : i32
      %add3A_792 = vector.broadcast %add3A_791 : i32 to vector<16xi32>
      %add3A_793 = arith.addi %iota3A, %add3A_792 : vector<16xi32>
      %add3A_794 = arith.constant 112 : i32
      %add3A_795 = vector.broadcast %add3A_794 : i32 to vector<16xi32>
      %add3A_796 = arith.addi %iota3A, %add3A_795 : vector<16xi32>
      %and3A_797 = arith.constant 0 : i32
      %and3A_798 = vector.broadcast %and3A_797 : i32 to vector<16xi32>
      %and3A_799 = arith.andi %iota3A, %and3A_798 : vector<16xi32>
      %parallel_loop3A_800 = arith.constant 0 : i32
      %parallel_loop3A_801 = arith.constant 64 : i32
      %parallel_loop3A_802 = arith.constant 1 : i32
      %parallel_loop3A_803 = arith.constant 3 : i32
      scf.for %parallel_loop3A_826 = %parallel_loop3A_800 to %parallel_loop3A_801 step %parallel_loop3A_802  : i32 {
        %parallel_loop3A_827 = vector.broadcast %parallel_loop3A_826 : i32 to vector<16xi32>
        %parallel_loop3A_828 = arith.addi %and3A_799, %parallel_loop3A_827 : vector<16xi32>
        %parallel_loop3A_829 = arith.constant 0 : i32
        %parallel_loop3A_830 = arith.constant 0 : i32
        %parallel_loop3A_831 = tpu.memref_slice %arg7[%parallel_loop3A_803, %parallel_loop3A_829, %parallel_loop3A_830] : memref<4x128x128xf32, #tpu.memory_space<vmem>> -> memref<1x128x128xf32, #tpu.memory_space<vmem>>
        %parallel_loop3A_832 = tpu.memref_squeeze %parallel_loop3A_831 : memref<1x128x128xf32, #tpu.memory_space<vmem>> -> memref<128x128xf32, #tpu.memory_space<vmem>>
        %parallel_loop3A_833 = tpu.vector_load_idx %parallel_loop3A_832[%add3A_775, %parallel_loop3A_828] : memref<128x128xf32, #tpu.memory_space<vmem>>[vector<16xi32>, vector<16xi32>], vector<16xf32>,
        %parallel_loop3A_834 = arith.constant 3 : i32
        %parallel_loop3A_835 = arith.index_cast %parallel_loop3A_834 : i32 to index
        %parallel_loop3A_836 = arith.index_cast %parallel_loop3A_826 : i32 to index
        %parallel_loop3A_837 = arith.constant 0 : index
        %parallel_loop3A_838 = tpu.vector_load %arg8[%parallel_loop3A_835, %parallel_loop3A_836, %parallel_loop3A_837] {strides = array<i32>} : memref<4x64x128xf32, #tpu.memory_space<vmem>>, vector<16xf32>,
        tpu.vector_store %arg8[%parallel_loop3A_835, %parallel_loop3A_836, %parallel_loop3A_837], %parallel_loop3A_833 {strides = array<i32>} : memref<4x64x128xf32, #tpu.memory_space<vmem>>, vector<16xf32>,
        %parallel_loop3A_839 = arith.constant 0 : i32
        %parallel_loop3A_840 = arith.constant 0 : i32
        %parallel_loop3A_841 = tpu.memref_slice %arg7[%parallel_loop3A_803, %parallel_loop3A_839, %parallel_loop3A_840] : memref<4x128x128xf32, #tpu.memory_space<vmem>> -> memref<1x128x128xf32, #tpu.memory_space<vmem>>
        %parallel_loop3A_842 = tpu.memref_squeeze %parallel_loop3A_841 : memref<1x128x128xf32, #tpu.memory_space<vmem>> -> memref<128x128xf32, #tpu.memory_space<vmem>>
        %parallel_loop3A_843 = tpu.vector_load_idx %parallel_loop3A_842[%add3A_778, %parallel_loop3A_828] : memref<128x128xf32, #tpu.memory_space<vmem>>[vector<16xi32>, vector<16xi32>], vector<16xf32>,
        %parallel_loop3A_844 = arith.constant 3 : i32
        %parallel_loop3A_845 = arith.index_cast %parallel_loop3A_844 : i32 to index
        %parallel_loop3A_846 = arith.index_cast %parallel_loop3A_826 : i32 to index
        %parallel_loop3A_847 = arith.constant 16 : index
        %parallel_loop3A_848 = tpu.vector_load %arg8[%parallel_loop3A_845, %parallel_loop3A_846, %parallel_loop3A_847] {strides = array<i32>} : memref<4x64x128xf32, #tpu.memory_space<vmem>>, vector<16xf32>,
        tpu.vector_store %arg8[%parallel_loop3A_845, %parallel_loop3A_846, %parallel_loop3A_847], %parallel_loop3A_843 {strides = array<i32>} : memref<4x64x128xf32, #tpu.memory_space<vmem>>, vector<16xf32>,
        %parallel_loop3A_849 = arith.constant 0 : i32
        %parallel_loop3A_850 = arith.constant 0 : i32
        %parallel_loop3A_851 = tpu.memref_slice %arg7[%parallel_loop3A_803, %parallel_loop3A_849, %parallel_loop3A_850] : memref<4x128x128xf32, #tpu.memory_space<vmem>> -> memref<1x128x128xf32, #tpu.memory_space<vmem>>
        %parallel_loop3A_852 = tpu.memref_squeeze %parallel_loop3A_851 : memref<1x128x128xf32, #tpu.memory_space<vmem>> -> memref<128x128xf32, #tpu.memory_space<vmem>>
        %parallel_loop3A_853 = tpu.vector_load_idx %parallel_loop3A_852[%add3A_781, %parallel_loop3A_828] : memref<128x128xf32, #tpu.memory_space<vmem>>[vector<16xi32>, vector<16xi32>], vector<16xf32>,
        %parallel_loop3A_854 = arith.constant 3 : i32
        %parallel_loop3A_855 = arith.index_cast %parallel_loop3A_854 : i32 to index
        %parallel_loop3A_856 = arith.index_cast %parallel_loop3A_826 : i32 to index
        %parallel_loop3A_857 = arith.constant 32 : index
        %parallel_loop3A_858 = tpu.vector_load %arg8[%parallel_loop3A_855, %parallel_loop3A_856, %parallel_loop3A_857] {strides = array<i32>} : memref<4x64x128xf32, #tpu.memory_space<vmem>>, vector<16xf32>,
        tpu.vector_store %arg8[%parallel_loop3A_855, %parallel_loop3A_856, %parallel_loop3A_857], %parallel_loop3A_853 {strides = array<i32>} : memref<4x64x128xf32, #tpu.memory_space<vmem>>, vector<16xf32>,
        %parallel_loop3A_859 = arith.constant 0 : i32
        %parallel_loop3A_860 = arith.constant 0 : i32
        %parallel_loop3A_861 = tpu.memref_slice %arg7[%parallel_loop3A_803, %parallel_loop3A_859, %parallel_loop3A_860] : memref<4x128x128xf32, #tpu.memory_space<vmem>> -> memref<1x128x128xf32, #tpu.memory_space<vmem>>
        %parallel_loop3A_862 = tpu.memref_squeeze %parallel_loop3A_861 : memref<1x128x128xf32, #tpu.memory_space<vmem>> -> memref<128x128xf32, #tpu.memory_space<vmem>>
        %parallel_loop3A_863 = tpu.vector_load_idx %parallel_loop3A_862[%add3A_784, %parallel_loop3A_828] : memref<128x128xf32, #tpu.memory_space<vmem>>[vector<16xi32>, vector<16xi32>], vector<16xf32>,
        %parallel_loop3A_864 = arith.constant 3 : i32
        %parallel_loop3A_865 = arith.index_cast %parallel_loop3A_864 : i32 to index
        %parallel_loop3A_866 = arith.index_cast %parallel_loop3A_826 : i32 to index
        %parallel_loop3A_867 = arith.constant 48 : index
        %parallel_loop3A_868 = tpu.vector_load %arg8[%parallel_loop3A_865, %parallel_loop3A_866, %parallel_loop3A_867] {strides = array<i32>} : memref<4x64x128xf32, #tpu.memory_space<vmem>>, vector<16xf32>,
        tpu.vector_store %arg8[%parallel_loop3A_865, %parallel_loop3A_866, %parallel_loop3A_867], %parallel_loop3A_863 {strides = array<i32>} : memref<4x64x128xf32, #tpu.memory_space<vmem>>, vector<16xf32>,
        %parallel_loop3A_869 = arith.constant 0 : i32
        %parallel_loop3A_870 = arith.constant 0 : i32
        %parallel_loop3A_871 = tpu.memref_slice %arg7[%parallel_loop3A_803, %parallel_loop3A_869, %parallel_loop3A_870] : memref<4x128x128xf32, #tpu.memory_space<vmem>> -> memref<1x128x128xf32, #tpu.memory_space<vmem>>
        %parallel_loop3A_872 = tpu.memref_squeeze %parallel_loop3A_871 : memref<1x128x128xf32, #tpu.memory_space<vmem>> -> memref<128x128xf32, #tpu.memory_space<vmem>>
        %parallel_loop3A_873 = tpu.vector_load_idx %parallel_loop3A_872[%add3A_787, %parallel_loop3A_828] : memref<128x128xf32, #tpu.memory_space<vmem>>[vector<16xi32>, vector<16xi32>], vector<16xf32>,
        %parallel_loop3A_874 = arith.constant 3 : i32
        %parallel_loop3A_875 = arith.index_cast %parallel_loop3A_874 : i32 to index
        %parallel_loop3A_876 = arith.index_cast %parallel_loop3A_826 : i32 to index
        %parallel_loop3A_877 = arith.constant 64 : index
        %parallel_loop3A_878 = tpu.vector_load %arg8[%parallel_loop3A_875, %parallel_loop3A_876, %parallel_loop3A_877] {strides = array<i32>} : memref<4x64x128xf32, #tpu.memory_space<vmem>>, vector<16xf32>,
        tpu.vector_store %arg8[%parallel_loop3A_875, %parallel_loop3A_876, %parallel_loop3A_877], %parallel_loop3A_873 {strides = array<i32>} : memref<4x64x128xf32, #tpu.memory_space<vmem>>, vector<16xf32>,
        %parallel_loop3A_879 = arith.constant 0 : i32
        %parallel_loop3A_880 = arith.constant 0 : i32
        %parallel_loop3A_881 = tpu.memref_slice %arg7[%parallel_loop3A_803, %parallel_loop3A_879, %parallel_loop3A_880] : memref<4x128x128xf32, #tpu.memory_space<vmem>> -> memref<1x128x128xf32, #tpu.memory_space<vmem>>
        %parallel_loop3A_882 = tpu.memref_squeeze %parallel_loop3A_881 : memref<1x128x128xf32, #tpu.memory_space<vmem>> -> memref<128x128xf32, #tpu.memory_space<vmem>>
        %parallel_loop3A_883 = tpu.vector_load_idx %parallel_loop3A_882[%add3A_790, %parallel_loop3A_828] : memref<128x128xf32, #tpu.memory_space<vmem>>[vector<16xi32>, vector<16xi32>], vector<16xf32>,
        %parallel_loop3A_884 = arith.constant 3 : i32
        %parallel_loop3A_885 = arith.index_cast %parallel_loop3A_884 : i32 to index
        %parallel_loop3A_886 = arith.index_cast %parallel_loop3A_826 : i32 to index
        %parallel_loop3A_887 = arith.constant 80 : index
        %parallel_loop3A_888 = tpu.vector_load %arg8[%parallel_loop3A_885, %parallel_loop3A_886, %parallel_loop3A_887] {strides = array<i32>} : memref<4x64x128xf32, #tpu.memory_space<vmem>>, vector<16xf32>,
        tpu.vector_store %arg8[%parallel_loop3A_885, %parallel_loop3A_886, %parallel_loop3A_887], %parallel_loop3A_883 {strides = array<i32>} : memref<4x64x128xf32, #tpu.memory_space<vmem>>, vector<16xf32>,
        %parallel_loop3A_889 = arith.constant 0 : i32
        %parallel_loop3A_890 = arith.constant 0 : i32
        %parallel_loop3A_891 = tpu.memref_slice %arg7[%parallel_loop3A_803, %parallel_loop3A_889, %parallel_loop3A_890] : memref<4x128x128xf32, #tpu.memory_space<vmem>> -> memref<1x128x128xf32, #tpu.memory_space<vmem>>
        %parallel_loop3A_892 = tpu.memref_squeeze %parallel_loop3A_891 : memref<1x128x128xf32, #tpu.memory_space<vmem>> -> memref<128x128xf32, #tpu.memory_space<vmem>>
        %parallel_loop3A_893 = tpu.vector_load_idx %parallel_loop3A_892[%add3A_793, %parallel_loop3A_828] : memref<128x128xf32, #tpu.memory_space<vmem>>[vector<16xi32>, vector<16xi32>], vector<16xf32>,
        %parallel_loop3A_894 = arith.constant 3 : i32
        %parallel_loop3A_895 = arith.index_cast %parallel_loop3A_894 : i32 to index
        %parallel_loop3A_896 = arith.index_cast %parallel_loop3A_826 : i32 to index
        %parallel_loop3A_897 = arith.constant 96 : index
        %parallel_loop3A_898 = tpu.vector_load %arg8[%parallel_loop3A_895, %parallel_loop3A_896, %parallel_loop3A_897] {strides = array<i32>} : memref<4x64x128xf32, #tpu.memory_space<vmem>>, vector<16xf32>,
        tpu.vector_store %arg8[%parallel_loop3A_895, %parallel_loop3A_896, %parallel_loop3A_897], %parallel_loop3A_893 {strides = array<i32>} : memref<4x64x128xf32, #tpu.memory_space<vmem>>, vector<16xf32>,
        %parallel_loop3A_899 = arith.constant 0 : i32
        %parallel_loop3A_900 = arith.constant 0 : i32
        %parallel_loop3A_901 = tpu.memref_slice %arg7[%parallel_loop3A_803, %parallel_loop3A_899, %parallel_loop3A_900] : memref<4x128x128xf32, #tpu.memory_space<vmem>> -> memref<1x128x128xf32, #tpu.memory_space<vmem>>
        %parallel_loop3A_902 = tpu.memref_squeeze %parallel_loop3A_901 : memref<1x128x128xf32, #tpu.memory_space<vmem>> -> memref<128x128xf32, #tpu.memory_space<vmem>>
        %parallel_loop3A_903 = tpu.vector_load_idx %parallel_loop3A_902[%add3A_796, %parallel_loop3A_828] : memref<128x128xf32, #tpu.memory_space<vmem>>[vector<16xi32>, vector<16xi32>], vector<16xf32>,
        %parallel_loop3A_904 = arith.constant 3 : i32
        %parallel_loop3A_905 = arith.index_cast %parallel_loop3A_904 : i32 to index
        %parallel_loop3A_906 = arith.index_cast %parallel_loop3A_826 : i32 to index
        %parallel_loop3A_907 = arith.constant 112 : index
        %parallel_loop3A_908 = tpu.vector_load %arg8[%parallel_loop3A_905, %parallel_loop3A_906, %parallel_loop3A_907] {strides = array<i32>} : memref<4x64x128xf32, #tpu.memory_space<vmem>>, vector<16xf32>,
        tpu.vector_store %arg8[%parallel_loop3A_905, %parallel_loop3A_906, %parallel_loop3A_907], %parallel_loop3A_903 {strides = array<i32>} : memref<4x64x128xf32, #tpu.memory_space<vmem>>, vector<16xf32>,
      } {sc.loop_unroll_factor = 8 : i64, sc.parallel_access}
      %add3A_804 = arith.addi %mul3A_2, %add3A_748 : i32
      %shift_right_arithmetic3A_805 = arith.constant 7 : i32
      %shift_right_arithmetic3A_806 = arith.shrsi %add3A_804, %shift_right_arithmetic3A_805 : i32
      %and3A_807 = arith.constant 127 : i32
      %and3A_808 = arith.andi %add3A_804, %and3A_807 : i32
      %mul3A_809 = arith.constant 128 : i32
      %mul3A_810 = arith.muli %and3A_808, %mul3A_809 : i32
      %dma_start3A_811 = arith.constant 3 : i32
      %dma_start3A_812 = arith.constant 0 : i32
      %dma_start3A_813 = arith.constant 0 : i32
      %dma_start3A_814 = tpu.memref_slice %arg8[%dma_start3A_811, %dma_start3A_812, %dma_start3A_813] : memref<4x64x128xf32, #tpu.memory_space<vmem>> -> memref<1x64x128xf32, #tpu.memory_space<vmem>>
      %dma_start3A_815 = tpu.memref_squeeze %dma_start3A_814 : memref<1x64x128xf32, #tpu.memory_space<vmem>> -> memref<64x128xf32, #tpu.memory_space<vmem>>
      %dma_start3A_816 = arith.constant 0 : i32
      %dma_start3A_817 = tpu.memref_slice %arg4[%shift_right_arithmetic3A_806, %dma_start3A_816, %mul3A_810] : memref<50x64x16384xf32, #tpu.memory_space<hbm>> -> memref<1x64x128xf32, #tpu.memory_space<hbm>>
      %dma_start3A_818 = tpu.memref_squeeze %dma_start3A_817 : memref<1x64x128xf32, #tpu.memory_space<hbm>> -> memref<64x128xf32, #tpu.memory_space<hbm>>
      %dma_start3A_819 = arith.constant 0 : i32
      %dma_start3A_820 = tpu.memref_slice %arg4[%shift_right_arithmetic3A_806, %dma_start3A_819, %mul3A_810] : memref<50x64x16384xf32, #tpu.memory_space<hbm>> -> memref<1x64x128xf32, #tpu.memory_space<hbm>>
      %dma_start3A_821 = tpu.memref_squeeze %dma_start3A_820 : memref<1x64x128xf32, #tpu.memory_space<hbm>> -> memref<64x128xf32, #tpu.memory_space<hbm>>
      %dma_start3A_822 = arith.constant 0 : i32
      %dma_start3A_823 = arith.constant 0 : i32
      %dma_start3A_824 = tpu.memref_slice %arg8[%dma_start3A_811, %dma_start3A_822, %dma_start3A_823] : memref<4x64x128xf32, #tpu.memory_space<vmem>> -> memref<1x64x128xf32, #tpu.memory_space<vmem>>
      %dma_start3A_825 = tpu.memref_squeeze %dma_start3A_824 : memref<1x64x128xf32, #tpu.memory_space<vmem>> -> memref<64x128xf32, #tpu.memory_space<vmem>>
      tpu.enqueue_dma source(%dma_start3A_825 : memref<64x128xf32, #tpu.memory_space<vmem>>) target(%dma_start3A_821 : memref<64x128xf32, #tpu.memory_space<hbm>>) target_semaphore(%arg20 : memref<!tpu.dma_semaphore, #tpu.memory_space<semaphore_mem>>)
    }
    %scan3A_419 = arith.constant 50 : i32
    %add3A_420 = arith.constant 0 : i32
    %add3A_421 = arith.addi %mul3A_2, %add3A_420 : i32
    %shift_right_arithmetic3A_422 = arith.constant 7 : i32
    %shift_right_arithmetic3A_423 = arith.shrsi %add3A_421, %shift_right_arithmetic3A_422 : i32
    %and3A_424 = arith.constant 127 : i32
    %and3A_425 = arith.andi %add3A_421, %and3A_424 : i32
    %mul3A_426 = arith.constant 128 : i32
    %mul3A_427 = arith.muli %and3A_425, %mul3A_426 : i32
    %dma_wait3A_428 = arith.constant 0 : i32
    %dma_wait3A_429 = arith.constant 0 : i32
    %dma_wait3A_430 = arith.constant 0 : i32
    %dma_wait3A_431 = tpu.memref_slice %arg8[%dma_wait3A_428, %dma_wait3A_429, %dma_wait3A_430] : memref<4x64x128xf32, #tpu.memory_space<vmem>> -> memref<1x64x128xf32, #tpu.memory_space<vmem>>
    %dma_wait3A_432 = tpu.memref_squeeze %dma_wait3A_431 : memref<1x64x128xf32, #tpu.memory_space<vmem>> -> memref<64x128xf32, #tpu.memory_space<vmem>>
    %dma_wait3A_433 = arith.constant 0 : i32
    %dma_wait3A_434 = tpu.memref_slice %arg4[%shift_right_arithmetic3A_423, %dma_wait3A_433, %mul3A_427] : memref<50x64x16384xf32, #tpu.memory_space<hbm>> -> memref<1x64x128xf32, #tpu.memory_space<hbm>>
    %dma_wait3A_435 = tpu.memref_squeeze %dma_wait3A_434 : memref<1x64x128xf32, #tpu.memory_space<hbm>> -> memref<64x128xf32, #tpu.memory_space<hbm>>
    %dma_wait3A_436 = arith.constant 0 : i32
    %dma_wait3A_437 = tpu.memref_slice %arg4[%shift_right_arithmetic3A_423, %dma_wait3A_436, %mul3A_427] : memref<50x64x16384xf32, #tpu.memory_space<hbm>> -> memref<1x64x128xf32, #tpu.memory_space<hbm>>
    %dma_wait3A_438 = tpu.memref_squeeze %dma_wait3A_437 : memref<1x64x128xf32, #tpu.memory_space<hbm>> -> memref<64x128xf32, #tpu.memory_space<hbm>>
    %dma_wait3A_439 = arith.constant 0 : i32
    %dma_wait3A_440 = arith.constant 0 : i32
    %dma_wait3A_441 = tpu.memref_slice %arg8[%dma_wait3A_428, %dma_wait3A_439, %dma_wait3A_440] : memref<4x64x128xf32, #tpu.memory_space<vmem>> -> memref<1x64x128xf32, #tpu.memory_space<vmem>>
    %dma_wait3A_442 = tpu.memref_squeeze %dma_wait3A_441 : memref<1x64x128xf32, #tpu.memory_space<vmem>> -> memref<64x128xf32, #tpu.memory_space<vmem>>
    tpu.wait_dma2 semaphore(%arg17 : memref<!tpu.dma_semaphore, #tpu.memory_space<semaphore_mem>>) src(%dma_wait3A_442 : memref<64x128xf32, #tpu.memory_space<vmem>>) dst(%dma_wait3A_438 : memref<64x128xf32, #tpu.memory_space<hbm>>)
    %add3A_443 = arith.constant 0 : i32
    %add3A_444 = arith.addi %mul3A_2, %add3A_443 : i32
    %shift_right_arithmetic3A_445 = arith.constant 7 : i32
    %shift_right_arithmetic3A_446 = arith.shrsi %add3A_444, %shift_right_arithmetic3A_445 : i32
    %and3A_447 = arith.constant 127 : i32
    %and3A_448 = arith.andi %add3A_444, %and3A_447 : i32
    %mul3A_449 = arith.constant 128 : i32
    %mul3A_450 = arith.muli %and3A_448, %mul3A_449 : i32
    %dma_wait3A_451 = arith.constant 1 : i32
    %dma_wait3A_452 = arith.constant 0 : i32
    %dma_wait3A_453 = arith.constant 0 : i32
    %dma_wait3A_454 = tpu.memref_slice %arg8[%dma_wait3A_451, %dma_wait3A_452, %dma_wait3A_453] : memref<4x64x128xf32, #tpu.memory_space<vmem>> -> memref<1x64x128xf32, #tpu.memory_space<vmem>>
    %dma_wait3A_455 = tpu.memref_squeeze %dma_wait3A_454 : memref<1x64x128xf32, #tpu.memory_space<vmem>> -> memref<64x128xf32, #tpu.memory_space<vmem>>
    %dma_wait3A_456 = arith.constant 0 : i32
    %dma_wait3A_457 = tpu.memref_slice %arg4[%shift_right_arithmetic3A_446, %dma_wait3A_456, %mul3A_450] : memref<50x64x16384xf32, #tpu.memory_space<hbm>> -> memref<1x64x128xf32, #tpu.memory_space<hbm>>
    %dma_wait3A_458 = tpu.memref_squeeze %dma_wait3A_457 : memref<1x64x128xf32, #tpu.memory_space<hbm>> -> memref<64x128xf32, #tpu.memory_space<hbm>>
    %dma_wait3A_459 = arith.constant 0 : i32
    %dma_wait3A_460 = tpu.memref_slice %arg4[%shift_right_arithmetic3A_446, %dma_wait3A_459, %mul3A_450] : memref<50x64x16384xf32, #tpu.memory_space<hbm>> -> memref<1x64x128xf32, #tpu.memory_space<hbm>>
    %dma_wait3A_461 = tpu.memref_squeeze %dma_wait3A_460 : memref<1x64x128xf32, #tpu.memory_space<hbm>> -> memref<64x128xf32, #tpu.memory_space<hbm>>
    %dma_wait3A_462 = arith.constant 0 : i32
    %dma_wait3A_463 = arith.constant 0 : i32
    %dma_wait3A_464 = tpu.memref_slice %arg8[%dma_wait3A_451, %dma_wait3A_462, %dma_wait3A_463] : memref<4x64x128xf32, #tpu.memory_space<vmem>> -> memref<1x64x128xf32, #tpu.memory_space<vmem>>
    %dma_wait3A_465 = tpu.memref_squeeze %dma_wait3A_464 : memref<1x64x128xf32, #tpu.memory_space<vmem>> -> memref<64x128xf32, #tpu.memory_space<vmem>>
    tpu.wait_dma2 semaphore(%arg18 : memref<!tpu.dma_semaphore, #tpu.memory_space<semaphore_mem>>) src(%dma_wait3A_465 : memref<64x128xf32, #tpu.memory_space<vmem>>) dst(%dma_wait3A_461 : memref<64x128xf32, #tpu.memory_space<hbm>>)
    %add3A_466 = arith.constant 0 : i32
    %add3A_467 = arith.addi %mul3A_2, %add3A_466 : i32
    %shift_right_arithmetic3A_468 = arith.constant 7 : i32
    %shift_right_arithmetic3A_469 = arith.shrsi %add3A_467, %shift_right_arithmetic3A_468 : i32
    %and3A_470 = arith.constant 127 : i32
    %and3A_471 = arith.andi %add3A_467, %and3A_470 : i32
    %mul3A_472 = arith.constant 128 : i32
    %mul3A_473 = arith.muli %and3A_471, %mul3A_472 : i32
    %dma_wait3A_474 = arith.constant 2 : i32
    %dma_wait3A_475 = arith.constant 0 : i32
    %dma_wait3A_476 = arith.constant 0 : i32
    %dma_wait3A_477 = tpu.memref_slice %arg8[%dma_wait3A_474, %dma_wait3A_475, %dma_wait3A_476] : memref<4x64x128xf32, #tpu.memory_space<vmem>> -> memref<1x64x128xf32, #tpu.memory_space<vmem>>
    %dma_wait3A_478 = tpu.memref_squeeze %dma_wait3A_477 : memref<1x64x128xf32, #tpu.memory_space<vmem>> -> memref<64x128xf32, #tpu.memory_space<vmem>>
    %dma_wait3A_479 = arith.constant 0 : i32
    %dma_wait3A_480 = tpu.memref_slice %arg4[%shift_right_arithmetic3A_469, %dma_wait3A_479, %mul3A_473] : memref<50x64x16384xf32, #tpu.memory_space<hbm>> -> memref<1x64x128xf32, #tpu.memory_space<hbm>>
    %dma_wait3A_481 = tpu.memref_squeeze %dma_wait3A_480 : memref<1x64x128xf32, #tpu.memory_space<hbm>> -> memref<64x128xf32, #tpu.memory_space<hbm>>
    %dma_wait3A_482 = arith.constant 0 : i32
    %dma_wait3A_483 = tpu.memref_slice %arg4[%shift_right_arithmetic3A_469, %dma_wait3A_482, %mul3A_473] : memref<50x64x16384xf32, #tpu.memory_space<hbm>> -> memref<1x64x128xf32, #tpu.memory_space<hbm>>
    %dma_wait3A_484 = tpu.memref_squeeze %dma_wait3A_483 : memref<1x64x128xf32, #tpu.memory_space<hbm>> -> memref<64x128xf32, #tpu.memory_space<hbm>>
    %dma_wait3A_485 = arith.constant 0 : i32
    %dma_wait3A_486 = arith.constant 0 : i32
    %dma_wait3A_487 = tpu.memref_slice %arg8[%dma_wait3A_474, %dma_wait3A_485, %dma_wait3A_486] : memref<4x64x128xf32, #tpu.memory_space<vmem>> -> memref<1x64x128xf32, #tpu.memory_space<vmem>>
    %dma_wait3A_488 = tpu.memref_squeeze %dma_wait3A_487 : memref<1x64x128xf32, #tpu.memory_space<vmem>> -> memref<64x128xf32, #tpu.memory_space<vmem>>
    tpu.wait_dma2 semaphore(%arg19 : memref<!tpu.dma_semaphore, #tpu.memory_space<semaphore_mem>>) src(%dma_wait3A_488 : memref<64x128xf32, #tpu.memory_space<vmem>>) dst(%dma_wait3A_484 : memref<64x128xf32, #tpu.memory_space<hbm>>)
    %add3A_489 = arith.constant 0 : i32
    %add3A_490 = arith.addi %mul3A_2, %add3A_489 : i32
    %shift_right_arithmetic3A_491 = arith.constant 7 : i32
    %shift_right_arithmetic3A_492 = arith.shrsi %add3A_490, %shift_right_arithmetic3A_491 : i32
    %and3A_493 = arith.constant 127 : i32
    %and3A_494 = arith.andi %add3A_490, %and3A_493 : i32
    %mul3A_495 = arith.constant 128 : i32
    %mul3A_496 = arith.muli %and3A_494, %mul3A_495 : i32
    %dma_wait3A_497 = arith.constant 3 : i32
    %dma_wait3A_498 = arith.constant 0 : i32
    %dma_wait3A_499 = arith.constant 0 : i32
    %dma_wait3A_500 = tpu.memref_slice %arg8[%dma_wait3A_497, %dma_wait3A_498, %dma_wait3A_499] : memref<4x64x128xf32, #tpu.memory_space<vmem>> -> memref<1x64x128xf32, #tpu.memory_space<vmem>>
    %dma_wait3A_501 = tpu.memref_squeeze %dma_wait3A_500 : memref<1x64x128xf32, #tpu.memory_space<vmem>> -> memref<64x128xf32, #tpu.memory_space<vmem>>
    %dma_wait3A_502 = arith.constant 0 : i32
    %dma_wait3A_503 = tpu.memref_slice %arg4[%shift_right_arithmetic3A_492, %dma_wait3A_502, %mul3A_496] : memref<50x64x16384xf32, #tpu.memory_space<hbm>> -> memref<1x64x128xf32, #tpu.memory_space<hbm>>
    %dma_wait3A_504 = tpu.memref_squeeze %dma_wait3A_503 : memref<1x64x128xf32, #tpu.memory_space<hbm>> -> memref<64x128xf32, #tpu.memory_space<hbm>>
    %dma_wait3A_505 = arith.constant 0 : i32
    %dma_wait3A_506 = tpu.memref_slice %arg4[%shift_right_arithmetic3A_492, %dma_wait3A_505, %mul3A_496] : memref<50x64x16384xf32, #tpu.memory_space<hbm>> -> memref<1x64x128xf32, #tpu.memory_space<hbm>>
    %dma_wait3A_507 = tpu.memref_squeeze %dma_wait3A_506 : memref<1x64x128xf32, #tpu.memory_space<hbm>> -> memref<64x128xf32, #tpu.memory_space<hbm>>
    %dma_wait3A_508 = arith.constant 0 : i32
    %dma_wait3A_509 = arith.constant 0 : i32
    %dma_wait3A_510 = tpu.memref_slice %arg8[%dma_wait3A_497, %dma_wait3A_508, %dma_wait3A_509] : memref<4x64x128xf32, #tpu.memory_space<vmem>> -> memref<1x64x128xf32, #tpu.memory_space<vmem>>
    %dma_wait3A_511 = tpu.memref_squeeze %dma_wait3A_510 : memref<1x64x128xf32, #tpu.memory_space<vmem>> -> memref<64x128xf32, #tpu.memory_space<vmem>>
    tpu.wait_dma2 semaphore(%arg20 : memref<!tpu.dma_semaphore, #tpu.memory_space<semaphore_mem>>) src(%dma_wait3A_511 : memref<64x128xf32, #tpu.memory_space<vmem>>) dst(%dma_wait3A_507 : memref<64x128xf32, #tpu.memory_space<hbm>>)
    return
  }
}

</mosaic_0001>

<sc_bundles>
// kernel: kernel.3.cloned.1.call-start
scs
__scs_entry_jumppad:
0x0: {  	(pc) =	sbr.rel $0x88, $3  }
0x1: {  	(tag) =	ssettag $0x0;
	lr =	simm.s32 $0x1  }
0x2: {  	[smem:$0x3F9F] =	sst lr;
	_ =	strace $0xD0000000  }
0x3: {  	_ = 	snop  }
0x4: {  	_ = 	snop  }
0x5: {  	_ = 	snop  }
0x6: {  	_ = 	snop  }
0x7: {  	_ = 	snop  }
__scs_overlays_trampoline_lowered:
0x8: {  	[smem:$0x3FAE] =	sst s0  }
0x9: {  	[smem:$0x3FAF] =	sst s1  }
0xa: {  	[smem:$0x3FB0] =	sst s2  }
0xb: {  	[smem:$0x3FB1] =	sst s3  }
0xc: {  	[smem:$0x3FB2] =	sst s4  }
0xd: {  	[smem:$0x3FB3] =	sst s5  }
0xe: {  	[smem:$0x3FB4] =	sst s6  }
0xf: {  	[smem:$0x3FB5] =	sst s7  }
0x10: {  	[smem:$0x3FB6] =	sst s8  }
0x11: {  	[smem:$0x3FB7] =	sst s9;
	s0 =	simm.s32 @!p0 $0x0  }
0x12: {  	s1 =	sld [smem:$0x3F9D];
	s0 =	simm.s32 @p0 $0x1  }
0x13: {  	[smem:$0x3FB8] =	sst s0;
	s0 =	simm.s32 @!p1 $0x0  }
0x14: {  	s2 =	sld [smem:$0x3F9C];
	s0 =	simm.s32 @p1 $0x1  }
0x15: {  	[smem:$0x3FB9] =	sst s0;
	s0 =	simm.s32 @!p2 $0x0  }
0x16: {  	s3 =	sld [smem:$0x3FDB];
	s0 =	simm.s32 @p2 $0x1  }
0x17: {  	s4 =	simm.s32 $0x1BF5;
	[smem:$0x3FBB] =	sst s0  }
0x18: {  	s0 =	sld [smem:$0x3F9E];
	_ =	swait.ge [sflag:s4], $0x0  }
0x19: {  	s7 =	sld [smem:$0x3F9F]  }
0x1a: {  	s8 =	sadd.s32 $0xFFFFE003, lr  }
0x1b: {  	s9 =	sadd.s32 $0xFFFFFEF7, lr;
	s5 =	simm.s32 $0xFFFFFFFF;
	p2 =	slt.u32 s8, $0xFFFFF086  }
0x1c: {  	p1 =	slt.u32 s9, $0xF7A;
	s5 =	simm.s32 @!p2 $0x0  }
0x1d: {  	s5 =	simm.s32 @p1 $0x1;
	p0 =	seq.s32 s7, s2  }
0x1e: {  	s7 =	smul.u32 @!p0 $0xF7A, s2;
	p2 =	seq.s32 @!p0 s5, $0x0  }
0x1f: {  	s9 =	smul.u32 $0xF7A, s1;
	s8 =	simm.s32 @!p0 $0x1BF5;
	p2 =	por !p2, p0  }
0x20: {  	[sflag:s8] =	ssyncset.s32 @!p0 $0xFFFFF086;
	s6 =	sadd.s32 @!p0 s3, s7;
	s7 =	simm.s32 @!p0 $0x108  }
0x21: {  	s3 =	sadd.s32 s3, s9;
	s6 =	sadd.s32 @!p0 $0x88, s6;
	s7 =	simm.s32 @p2 $0x1082  }
0x22: {  	[simem:s7], [sflag:s8] =	dma.local @!p0 [hbm:s6], $0xF7A  }
0x23: {  	s9 =	sor.u32 $0xD0000000, s2;
	s6 =	simm.s32 $0x108;
	_ =	swait.ge @!p0 [sflag:s8], $0x0  }
0x24: {  	s3 =	sadd.s32 $0x88, s3;
	s6 =	simm.s32 @!p1 $0x1082;
	[sflag:s4] =	ssyncset.s32 $0xFFFFF086  }
0x25: {  	[simem:s6], [sflag:s4] =	dma.local [hbm:s3], $0xF7A  }
0x26: {  	[smem:$0x3F9F] =	sst s1;
	(tag) =	ssettag s2;
	_ =	strace s9  }
0x27: {  	s1 =	sld [smem:$0x3FAF]  }
0x28: {  	s2 =	sld [smem:$0x3FB0]  }
0x29: {  	s4 =	sld [smem:$0x3FB2]  }
0x2a: {  	p0 =	seq.s32 s5, $0x0;
	s5 =	sld [smem:$0x3FB3]  }
0x2b: {  	s6 =	sld [smem:$0x3FB4]  }
0x2c: {  	s7 =	sld [smem:$0x3FB5]  }
0x2d: {  	s3 =	simm.s32 $0x108;
	s8 =	sld [smem:$0x3FB6]  }
0x2e: {  	s3 =	simm.s32 @!p0 $0x1082;
	s9 =	sld [smem:$0x3FB7]  }
0x2f: {  	lr =	sadd.s32 s0, s3;
	s0 =	sld [smem:$0x3FAE]  }
0x30: {  	s3 =	sld [smem:$0x3FB1]  }
0x31: {  	[smem:$0x3FBA] =	sst s10  }
0x32: {  	s10 =	sld [smem:$0x3FB8];
	_ =	sdelay $0x3  }
0x33: {  	p0 =	seq.s32 s10, $0x1;
	s10 =	sld [smem:$0x3FBA];
	_ =	sdelay $0x3  }
0x34: {  	[smem:$0x3FBA] =	sst s10  }
0x35: {  	s10 =	sld [smem:$0x3FB9];
	_ =	sdelay $0x3  }
0x36: {  	p1 =	seq.s32 s10, $0x1;
	s10 =	sld [smem:$0x3FBA];
	_ =	sdelay $0x3  }
0x37: {  	[smem:$0x3FBA] =	sst s10  }
0x38: {  	s10 =	sld [smem:$0x3FBB]  }
0x39: {  	_ = 	snop;
	(pc) =	sbr.ind lr, $3  }
0x3a: {  	_ = 	snop  }
0x3b: {  	_ = 	snop  }
0x3c: {  	p2 =	seq.s32 s10, $0x1;
	s10 =	sld [smem:$0x3FBA]  }
0x3d: {  	_ =	shalt  }
0x3e: {  	_ =	shalt  }
0x3f: {  	_ =	shalt  }
0x40: {  	_ =	shalt  }
0x41: {  	_ =	shalt  }
0x42: {  	_ =	shalt  }
0x43: {  	_ =	shalt  }
0x44: {  	_ =	shalt  }
0x45: {  	_ =	shalt  }
0x46: {  	_ =	shalt  }
0x47: {  	_ =	shalt  }
0x48: {  	_ =	shalt  }
0x49: {  	_ =	shalt  }
0x4a: {  	_ =	shalt  }
0x4b: {  	_ =	shalt  }
0x4c: {  	_ =	shalt  }
0x4d: {  	_ =	shalt  }
0x4e: {  	_ =	shalt  }
0x4f: {  	_ =	shalt  }
0x50: {  	_ =	shalt  }
0x51: {  	_ =	shalt  }
0x52: {  	_ =	shalt  }
0x53: {  	_ =	shalt  }
0x54: {  	_ =	shalt  }
0x55: {  	_ =	shalt  }
0x56: {  	_ =	shalt  }
0x57: {  	_ =	shalt  }
0x58: {  	_ =	shalt  }
0x59: {  	_ =	shalt  }
0x5a: {  	_ =	shalt  }
0x5b: {  	_ =	shalt  }
0x5c: {  	_ =	shalt  }
0x5d: {  	_ =	shalt  }
0x5e: {  	_ =	shalt  }
0x5f: {  	_ =	shalt  }
0x60: {  	_ =	shalt  }
0x61: {  	_ =	shalt  }
0x62: {  	_ =	shalt  }
0x63: {  	_ =	shalt  }
0x64: {  	_ =	shalt  }
0x65: {  	_ =	shalt  }
0x66: {  	_ =	shalt  }
0x67: {  	_ =	shalt  }
0x68: {  	_ =	shalt  }
0x69: {  	_ =	shalt  }
0x6a: {  	_ =	shalt  }
0x6b: {  	_ =	shalt  }
0x6c: {  	_ =	shalt  }
0x6d: {  	_ =	shalt  }
0x6e: {  	_ =	shalt  }
0x6f: {  	_ =	shalt  }
0x70: {  	_ =	shalt  }
0x71: {  	_ =	shalt  }
0x72: {  	_ =	shalt  }
0x73: {  	_ =	shalt  }
0x74: {  	_ =	shalt  }
0x75: {  	_ =	shalt  }
0x76: {  	_ =	shalt  }
0x77: {  	_ =	shalt  }
0x78: {  	_ =	shalt  }
0x79: {  	_ =	shalt  }
0x7a: {  	_ =	shalt  }
0x7b: {  	_ =	shalt  }
0x7c: {  	_ =	shalt  }
0x7d: {  	_ =	shalt  }
0x7e: {  	_ =	shalt  }
0x7f: {  	_ =	shalt  }
0x80: {  	_ =	shalt  }
0x81: {  	_ =	shalt  }
0x82: {  	_ =	shalt  }
0x83: {  	_ =	shalt  }
0x84: {  	_ =	shalt  }
0x85: {  	_ =	shalt  }
0x86: {  	_ =	shalt  }
0x87: {  	_ =	shalt  }
.Lfunc_end0:
.L_simem_size_0:
called_computation_lowered:
.L_overlay_start_0:
0x88: {  	s2 =	sld [smem:$0x3FD9]  }
0x89: {  	s3 =	sld [smem:$0x3FFE];
	_ =	sdelay $0x1  }
0x8a: {  	s1 =	srdreg.scid  }
0x8b: {  	s0 =	sand.u32 $0x1, s1  }
0x8c: {  	s17 =	sshll.u32 s0, $0xA;
	s2 =	sadd.s32 s3, s2  }
0x8d: {  	s2 =	sadd.s32 s2, s17  }
0x8e: {  	[smem:$0x3FC6] =	sst s2  }
0x8f: {  	_ = 	snop  }
0x90: {  	s2 =	sld [smem:$0x3FC9]  }
0x91: {  	s18 =	sld [smem:$0x3FD0];
	(tm) =	ssettm $0x1  }
0x92: {  	s4 =	sld [smem:$0x3FFB];
	_ =	sdelay $0x3  }
0x93: {  	_ =	strace s4  }
0x94: {  	s4 =	sld [smem:$0x3FFC];
	_ =	sdelay $0x3  }
0x95: {  	_ =	strace s4  }
0x96: {  	s4 =	sld [smem:$0x3FFD];
	_ =	sdelay $0x3  }
0x97: {  	_ =	strace s4  }
0x98: {  	_ =	strace $0x8FFFFFFF  }
0x99: {  	s19 =	sld [smem:$0x3FDB];
	_ =	sdelay $0x1  }
0x9a: {  	s5 =	simm.s32 $_scs_section_size  }
0x9b: {  	s6 =	simm.s32 $_size__tile_overlayer_lowered;
	s7 =	simm.s32 $_tile_overlayer_lowered  }
0x9c: {  	s22 =	simm.s32 $0x1BFF;
	s21 =	sshll.u32 s7, $0x1;
	s4 =	sadd.s32 s5, s19  }
0x9d: {  	s8 =	simm.s32 $0x0;
	s20 =	sshll.u32 s6, $0x1;
	s6 =	sadd.s32 s21, s4  }
0x9e: {  	[timem:s8], [sflag:s22] =	dma.local [hbm:s6], s20  }
0x9f: {  	_ =	swait.ge [sflag:s22], s20  }
0xa0: {  	s5 =	ssub.s32 $0x0, s20;
	[sflag:s22] =	ssyncset.done $0x0  }
0xa1: {  	[sflag:s22] =	ssyncadd.s32 s5;
	_ =	sdelay $0x1  }
0xa2: {  	s23 =	simm.s32 $0x1B8B  }
0xa3: {  	_ =	swait.ge [sflag:s23], $0x1  }
0xa4: {  	[sflag:s23] =	ssyncset.done $0x0  }
0xa5: {  	s25 =	simm.s32 $0x1B8E;
	s24 =	sld [smem:$0x3FFE];
	[sflag:s23] =	ssyncadd.s32 $0xFFFFFFFF  }
0xa6: {  	s26 =	simm.s32 $execute0_lowered;
	[smem:$0x3FD2] =	sst s25  }
0xa7: {  	s6 =	sshll.u32 s26, $0x1;
	_ =	strace $0x80000046;
	[dreg:$0x1] =	wrdreg $0xFFFFFFFF  }
0xa8: {  	s28 =	simm.s32 $_size_execute0_lowered;
	s4 =	sadd.s32 s4, s6;
	[dreg:$0x0] =	wrdreg $0x0  }
0xa9: {  	s6 =	sshll.u32 s28, $0x1;
	[dreg:$0x2] =	wrdreg s4  }
0xaa: {  	[dreg:$0x3] =	wrdreg s6  }
0xab: {  	[dreg:$0x4] =	wrdreg $0xC0  }
0xac: {  	_ =	task [dreg:s8], $0x5FFFF  }
0xad: {  	[dreg:$0x1] =	wrdreg $0xFFFFFFFF  }
0xae: {  	[dreg:$0x0] =	wrdreg $0x60  }
0xaf: {  	[dreg:$0x2] =	wrdreg s24  }
0xb0: {  	[dreg:$0x3] =	wrdreg s2  }
0xb1: {  	[dreg:$0x4] =	wrdreg s18  }
0xb2: {  	[dreg:$0x5] =	wrdreg $0x9  }
0xb3: {  	_ =	task.clear_ibuf [dreg:s8], $0x6FFFF;
	_ =	strace $0x90000046  }
0xb4: {  	s29 =	simm.s32 $0x9;
	_ =	strace $0x80000048  }
0xb5: {  	_ =	swait.ge [sflag:s29], $0x1  }
0xb6: {  	[sflag:s29] =	ssyncadd.s32 $0xFFFFFFFF  }
0xb7: {  	_ =	strace $0x90000048  }
0xb8: {  	_ =	sfence  }
0xb9: {  	s30 =	sld [smem:$0x0];
	_ =	sdelay $0x2  }
0xba: {  	s31 =	sshll.u32 s1, $0xD;
	s1 =	sshrl.u32 s1, $0x2  }
0xbb: {  	s3 =	sand.u32 $0x4000, s31;
	s1 =	sadd.s32 s1, s30  }
0xbc: {  	s0 =	sor.u32 s3, s0;
	s1 =	sshll.u32 s1, $0x11  }
0xbd: {  	s0 =	sor.u32 s1, s0  }
0xbe: {  	s0 =	sadd.s32 $0x8F2B, s0  }
0xbf: {  	[sflag:s0] =	ssyncadd.remote.s32 $0x1  }
0xc0: {  	_ =	sfence.sel $0xFFFF  }
0xc1: {  	[dreg:$0x0] =	wrdreg $0xFFFFFFFF;
	(pc) =	sbr.abs _section_cstart, $3  }
0xc2: {  	[dreg:$0x1] =	wrdreg $0xFFFFFFFF  }
0xc3: {  	_ =	task.clear_ibuf [dreg:s8], $0x2FFFF;
	_ =	strace $0x9FFFFFFF  }
0xc4: {  	(tm) =	ssettm $0x7FFFFFFF  }
0xc5: {  	_ =	shalt  }
tec
execute0_lowered:
.L_overlay_start_1:
0x0: {  	(tag) =	ssettag $0x1  }
0x1: {  	s0 =	srdreg.scid;
	s1 =	stileid.u32  }
0x2: {  	s6 =	rddreg [dreg:$0x0];
	s0 =	sand.u32 $0x1, s0;
	s1 =	sshll.u32 s1, $0x1  }
0x3: {  	s3 =	rddreg [dreg:$0x1];
	s1 =	sor.u32 s0, s1  }
0x4: {  	s19 =	simm.s32 $0x80;
	s28 =	simm.s32 $0x4400;
	s2 =	smul.u32 $0x6400, s1  }
0x5: {  	s31 =	simm.s32 $0x8400;
	s0 =	ssub.s32 $0x2, s0;
	s4 =	smul.u32 $0x12000, s1  }
0x6: {  	s10 =	simm.s32 $0x7;
	s1 =	smul.u32 $0xC8, s1;
	s8 =	sshrl.u32 s0, $0x1  }
0x7: {  	s0 =	ssub.s32 s0, s8;
	s2 =	sand.u32 $0xE0000, s2;
	s5 =	sand.u32 $0x1E000, s4  }
0x8: {  	s4 =	rddreg [dreg:$0x2];
	s2 =	sor.u32 s5, s2;
	s5 =	simm.s32 $0x0  }
0x9: {  	s7 =	sand.u32 $0x380, s1;
	s26 =	sadd.s32 $0x8, s1;
	[smem:$0x7FF] =	sst s5  }
0xa: {  	s29 =	sadd.s32 $0x9, s1;
	_ =	strace $0x80000047;
	[dreg:$0xb] =	wrdreg s26  }
0xb: {  	s30 =	sadd.s32 $0xA, s1;
	s2 =	sor.u32 s7, s2;
	[dreg:$0xc] =	wrdreg s29  }
0xc: {  	s0 =	smax.u32 s0, $0x1;
	s2 =	sshrl.u32 s2, $0x3;
	[dreg:$0xd] =	wrdreg s30  }
0xd: {  	s11 =	simm.s32 $0x14400;
	[dreg:$0xe] =	wrdreg s0;
	s2 =	sadd.s32 s3, s2  }
0xe: {  	s12 =	simm.s32 $0x8;
	s21 =	sadd.s32 $0x80, s2;
	[dreg:$0x4] =	wrdreg s2  }
0xf: {  	s13 =	simm.s32 $0x16400;
	s22 =	sadd.s32 $0x100, s2;
	[dreg:$0x5] =	wrdreg s21  }
0x10: {  	s9 =	simm.s32 $0x0;
	s23 =	sadd.s32 $0x180, s2;
	[dreg:$0x6] =	wrdreg s22  }
0x11: {  	v0 =	vlaneseq.u32;
	s8 =	simm.s32 $0x6;
	s24 =	sadd.s32 $0x200, s2;
	[dreg:$0x7] =	wrdreg s23  }
0x12: {  	v0 =	vmul.u32 $0x80, v0;
	s14 =	sor.u32 $0x7, s1;
	s25 =	sadd.s32 $0x280, s2;
	[dreg:$0x8] =	wrdreg s24  }
0x13: {  	s7 =	sadd.s32 $0xF42800, s6;
	s2 =	sadd.s32 $0x300, s2;
	[dreg:$0x9] =	wrdreg s25  }
0x14: {  	v1 =	vor.u32 $0x800, v0;
	s6 =	simm.s32 $0xA;
	s26 =	simm.s32 $0x20000;
	[dreg:$0xa] =	wrdreg s2  }
0x15: {  	v2 =	vor.u32 $0x1000, v0;
	v3 =	vor.u32 $0x1800, v0;
	v4 =	vor.u32 $0x2000, v0;
	s24 =	simm.s32 $0x400;
	s2 =	simm.s32 $0x4;
	s21 =	simm.s32 $0xC400  }
0x16: {  	v5 =	vor.u32 $0x2800, v0;
	v6 =	vor.u32 $0x3000, v0;
	v7 =	vor.u32 $0x3800, v0;
	s23 =	simm.s32 $0x5;
	s22 =	simm.s32 $0xB;
	s25 =	simm.s32 $0xC  }
.LBB2_1:
0x17: {  	[dreg:$0xf] =	wrdreg s9  }
0x18: {  	s0 =	rddreg [dreg:$0x4]  }
0x19: {  	[tilespmem:s5], [sflag:$0x1] =	stream.linear.gather [hbm4b:s0+s5], $0x80, $0x38;
	[tilespmem:$0x18400] =	vst v63  }
0x1a: {  	s17 =	rddreg [dreg:$0x5]  }
0x1b: {  	[tilespmem:s19], [sflag:$0x2] =	stream.linear.gather [hbm4b:s17+s5], $0x80, $0x38;
	[tilespmem:$0x18400] =	vst v63  }
0x1c: {  	s18 =	rddreg [dreg:$0x6];
	s9 =	simm.s32 $0x100  }
0x1d: {  	[tilespmem:s9], [sflag:$0x3] =	stream.linear.gather [hbm4b:s18+s5], $0x80, $0x38;
	[tilespmem:$0x18400] =	vst v63  }
0x1e: {  	s20 =	rddreg [dreg:$0x7];
	s15 =	simm.s32 $0x180;
	s29 =	simm.s32 $0x1  }
0x1f: {  	[tilespmem:s15], [sflag:$0x4] =	stream.linear.gather [hbm4b:s20+s5], $0x80, $0x38;
	[tilespmem:$0x18400] =	vst v63  }
0x20: {  	_ =	swait.ge [sflag:s29], $0x80  }
0x21: {  	[sflag:s29] =	ssyncset.done $0x0  }
0x22: {  	[sflag:s29] =	ssyncadd.s32 $0xFFFFFF80  }
0x23: {  	v8 =	vld [tilespmem:$0x0]  }
0x24: {  	v9 =	vld [tilespmem:$0x10]  }
0x25: {  	v10 =	vld [tilespmem:$0x20]  }
0x26: {  	v11 =	vld [tilespmem:$0x30]  }
0x27: {  	v12 =	vld [tilespmem:$0x40]  }
0x28: {  	v50 =	vld [tilespmem:$0x60];
	[tilespmem:$0x200] =	vst v8  }
0x29: {  	v51 =	vld [tilespmem:$0x70];
	[tilespmem:$0x210] =	vst v9  }
0x2a: {  	v8 =	vld [tilespmem:$0x50];
	[tilespmem:$0x220] =	vst v10  }
0x2b: {  	[tilespmem:$0x230] =	vst v11  }
0x2c: {  	[tilespmem:$0x240] =	vst v12  }
0x2d: {  	[tilespmem:$0x260] =	vst v50  }
0x2e: {  	[tilespmem:$0x270] =	vst v51  }
0x2f: {  	s30 =	simm.s32 $0x200;
	[tilespmem:$0x250] =	vst v8  }
0x30: {  	[tilespmem:s24], [sflag:$0x5] =	stream.indirect.gather [hbm4b:s7+s19], $0x80, s30, s19, $0xb8;
	[tilespmem:$0x18400] =	vst v63  }
0x31: {  	s16 =	simm.s32 $0x2;
	s15 =	rddreg [dreg:$0x8]  }
0x32: {  	[tilespmem:s5], [sflag:$0x1] =	stream.linear.gather [hbm4b:s15+s5], $0x80, $0x38;
	[tilespmem:$0x18400] =	vst v63  }
0x33: {  	_ =	swait.ge [sflag:s16], $0x80  }
0x34: {  	[sflag:s16] =	ssyncset.done $0x0  }
0x35: {  	[sflag:s16] =	ssyncadd.s32 $0xFFFFFF80  }
0x36: {  	v8 =	vld [tilespmem:$0x80]  }
0x37: {  	v52 =	vld [tilespmem:$0x90]  }
0x38: {  	v53 =	vld [tilespmem:$0xA0]  }
0x39: {  	v54 =	vld [tilespmem:$0xB0]  }
0x3a: {  	v55 =	vld [tilespmem:$0xC0]  }
0x3b: {  	v56 =	vld [tilespmem:$0xE0];
	[tilespmem:$0x280] =	vst v8  }
0x3c: {  	v57 =	vld [tilespmem:$0xF0];
	[tilespmem:$0x290] =	vst v52  }
0x3d: {  	v8 =	vld [tilespmem:$0xD0];
	[tilespmem:$0x2A0] =	vst v53  }
0x3e: {  	[tilespmem:$0x2B0] =	vst v54  }
0x3f: {  	[tilespmem:$0x2C0] =	vst v55  }
0x40: {  	[tilespmem:$0x2E0] =	vst v56  }
0x41: {  	[tilespmem:$0x2F0] =	vst v57  }
0x42: {  	s17 =	simm.s32 $0x280;
	[tilespmem:$0x2D0] =	vst v8  }
0x43: {  	[tilespmem:s28], [sflag:$0x6] =	stream.indirect.gather [hbm4b:s7+s19], $0x80, s17, s19, $0xb8;
	[tilespmem:$0x18400] =	vst v63  }
0x44: {  	s20 =	simm.s32 $0x3;
	s18 =	rddreg [dreg:$0x9]  }
0x45: {  	[tilespmem:s19], [sflag:$0x2] =	stream.linear.gather [hbm4b:s18+s5], $0x80, $0x38;
	[tilespmem:$0x18400] =	vst v63  }
0x46: {  	_ =	swait.ge [sflag:s20], $0x80  }
0x47: {  	[sflag:s20] =	ssyncset.done $0x0  }
0x48: {  	[sflag:s20] =	ssyncadd.s32 $0xFFFFFF80  }
0x49: {  	v8 =	vld [tilespmem:$0x100]  }
0x4a: {  	v58 =	vld [tilespmem:$0x110]  }
0x4b: {  	v59 =	vld [tilespmem:$0x120]  }
0x4c: {  	v60 =	vld [tilespmem:$0x130]  }
0x4d: {  	v61 =	vld [tilespmem:$0x140]  }
0x4e: {  	v62 =	vld [tilespmem:$0x160];
	[tilespmem:$0x300] =	vst v8  }
0x4f: {  	v63 =	vld [tilespmem:$0x170];
	[tilespmem:$0x310] =	vst v58  }
0x50: {  	v8 =	vld [tilespmem:$0x150];
	[tilespmem:$0x320] =	vst v59  }
0x51: {  	[tilespmem:$0x330] =	vst v60  }
0x52: {  	[tilespmem:$0x340] =	vst v61  }
0x53: {  	[tilespmem:$0x360] =	vst v62  }
0x54: {  	[tilespmem:$0x370] =	vst v63  }
0x55: {  	s29 =	simm.s32 $0x300;
	[tilespmem:$0x350] =	vst v8  }
0x56: {  	[tilespmem:s31], [sflag:$0x7] =	stream.indirect.gather [hbm4b:s7+s19], $0x80, s29, s19, $0xb8;
	[tilespmem:$0x18400] =	vst v63  }
0x57: {  	s18 =	simm.s32 $0x0;
	s30 =	rddreg [dreg:$0xa]  }
0x58: {  	[tilespmem:s9], [sflag:$0x3] =	stream.linear.gather [hbm4b:s30+s5], $0x80, $0x38;
	[tilespmem:$0x18400] =	vst v63  }
.LBB2_2:
0x59: {  	_ =	swait.ge [sflag:s2], $0x80  }
0x5a: {  	[sflag:s2] =	ssyncset.done $0x0  }
0x5b: {  	[sflag:s2] =	ssyncadd.s32 $0xFFFFFF80  }
0x5c: {  	v8 =	vld [tilespmem:$0x180]  }
0x5d: {  	v9 =	vld [tilespmem:$0x190]  }
0x5e: {  	v10 =	vld [tilespmem:$0x1A0]  }
0x5f: {  	v11 =	vld [tilespmem:$0x1B0]  }
0x60: {  	v12 =	vld [tilespmem:$0x1C0]  }
0x61: {  	[tilespmem:$0x380] =	vst v8;
	v8 =	vld [tilespmem:$0x1D0]  }
0x62: {  	[tilespmem:$0x390] =	vst v9;
	v9 =	vld [tilespmem:$0x1E0]  }
0x63: {  	[tilespmem:$0x3A0] =	vst v10;
	v10 =	vld [tilespmem:$0x1F0]  }
0x64: {  	[tilespmem:$0x3B0] =	vst v11  }
0x65: {  	[tilespmem:$0x3C0] =	vst v12  }
0x66: {  	[tilespmem:$0x3D0] =	vst v8  }
0x67: {  	[tilespmem:$0x3E0] =	vst v9  }
0x68: {  	s0 =	simm.s32 $0x380;
	s20 =	sshll.u32 s18, $0x2;
	p0 =	seq.s32 s18, $0x31;
	[tilespmem:$0x3F0] =	vst v10  }
0x69: {  	[tilespmem:s21], [sflag:$0x8] =	stream.indirect.gather [hbm4b:s7+s19], $0x80, s0, s19, $0xb8;
	[tilespmem:$0x18400] =	vst v63  }
0x6a: {  	s0 =	sadd.s32 @!p0 s20, s14  }
0x6b: {  	s17 =	simm.s32 $0x0;
	s9 =	sshll.u32 @!p0 s0, $0xA  }
0x6c: {  	s15 =	sshll.u32 @!p0 s0, $0x7;
	s0 =	sand.u32 @!p0 $0x380, s0;
	s9 =	sand.u32 @!p0 $0x1FC00, s9  }
0x6d: {  	s16 =	simm.s32 $0x1;
	s15 =	sand.u32 @!p0 $0x7FFE0000, s15;
	s0 =	sor.u32 @!p0 s0, s9  }
0x6e: {  	v8 =	vmov s17;
	s17 =	simm.s32 $0x2;
	v10 =	vmov s16;
	s16 =	simm.s32 $0x3;
	s0 =	sor.u32 @!p0 s15, s0  }
0x6f: {  	v8 =	vand.u32 $0x78, v8;
	v11 =	vmov s17;
	s17 =	simm.s32 $0x4;
	v13 =	vmov s16;
	s16 =	simm.s32 $0x5;
	s0 =	sshrl.u32 @!p0 s0, $0x3  }
0x70: {  	v10 =	vand.u32 $0x79, v10;
	v8 =	vbroadcast v8, $0x0;
	s9 =	simm.s32 @!p0 $0x0;
	s15 =	simm.s32 @!p0 $0x180;
	s0 =	sadd.s32 @!p0 s3, s0  }
0x71: {  	v16 =	vmov s17;
	v15 =	vbroadcast v10, $0x0;
	v10 =	vand.u32 $0x7A, v11;
	[tilespmem:s15], [sflag:$0x4] =	stream.linear.gather @!p0 [hbm4b:s0+s9], $0x80, $0x38;
	[tilespmem:$0x18400] =	vst v63  }
0x72: {  	v17 =	vmov s16;
	v14 =	vbroadcast v10, $0x0;
	v10 =	vand.u32 $0x7B, v13;
	s15 =	simm.s32 $0x7  }
0x73: {  	v13 =	vbroadcast v10, $0x0;
	v10 =	vand.u32 $0x7C, v16;
	v12 =	vmov s15;
	_ =	swait.ge [sflag:s23], $0x4000  }
0x74: {  	p1 =	seq.s32 s18, $0x0;
	v9 =	vor.u32 v0, v8;
	v11 =	vbroadcast v10, $0x0;
	v12 =	vand.u32 $0x7F, v12;
	[sflag:s23] =	ssyncset.done $0x0  }
0x75: {  	v10 =	vand.u32 $0x7D, v17;
	v17 =	vor.u32 v0, v13;
	s0 =	simm.s32 @!p1 $0x9;
	v12 =	vbroadcast v12, $0x0;
	[sflag:s23] =	ssyncadd.s32 $0xFFFFC000  }
0x76: {  	v20 =	vor.u32 v0, v15;
	_ =	swait.ge @!p1 [sflag:s0], $0x2000  }
0x77: {  	s17 =	simm.s32 $0x6;
	v19 =	vor.u32 v0, v12;
	[sflag:s0] =	ssyncset.done @!p1 $0x0  }
0x78: {  	v18 =	vmov s17;
	v16 =	vor.u32 v0, v14;
	v10 =	vbroadcast v10, $0x0;
	[sflag:s0] =	ssyncadd.s32 @!p1 $0xFFFFE000  }
0x79: {  	v18 =	vand.u32 $0x7E, v18;
	v22 =	vor.u32 v0, v11;
	v21 =	vld.idx.msk [tilespmem:v9+s24+$0x0], $0xffff  }
0x7a: {  	v9 =	vbroadcast v18, $0x0;
	v18 =	vor.u32 v0, v10;
	v17 =	vld.idx.msk [tilespmem:v17+s24+$0x0], $0xffff  }
0x7b: {  	v27 =	vor.u32 v1, v13;
	v20 =	vld.idx.msk [tilespmem:v20+s24+$0x0], $0xffff  }
0x7c: {  	v23 =	vor.u32 v0, v9;
	v19 =	vld.idx.msk [tilespmem:v19+s24+$0x0], $0xffff  }
0x7d: {  	v24 =	vor.u32 v1, v12;
	v16 =	vld.idx.msk [tilespmem:v16+s24+$0x0], $0xffff  }
0x7e: {  	v25 =	vor.u32 v1, v15;
	s15 =	simm.s32 $0x10600;
	v22 =	vld.idx.msk [tilespmem:v22+s24+$0x0], $0xffff  }
0x7f: {  	v26 =	vor.u32 v1, v14;
	v18 =	vld.idx.msk [tilespmem:v18+s24+$0x0], $0xffff;
	[tilespmem:s15+$0xFFFFFF80] =	vst v17  }
0x80: {  	v27 =	vld.idx.msk [tilespmem:v27+s24+$0x0], $0xffff  }
0x81: {  	v28 =	vor.u32 v1, v11;
	v23 =	vld.idx.msk [tilespmem:v23+s24+$0x0], $0xffff;
	[tilespmem:s15+$0x180] =	vst v19  }
0x82: {  	[tilespmem:s15+$0xFFFFFE80] =	vst v20;
	v19 =	vor.u32 v1, v10;
	v20 =	vld.idx.msk [tilespmem:v24+s24+$0x0], $0xffff  }
0x83: {  	[tilespmem:s15+$0xFFFFFF00] =	vst v16;
	v16 =	vor.u32 v1, v9;
	v24 =	vld.idx.msk [tilespmem:v25+s24+$0x0], $0xffff  }
0x84: {  	[tilespmem:s15+$0x0] =	vst v22;
	v25 =	vld.idx.msk [tilespmem:v26+s24+$0x0], $0xffff;
	v26 =	vor.u32 v1, v8  }
0x85: {  	v17 =	vor.u32 v2, v12;
	[tilespmem:s15+$0xFFFFFE00] =	vst v21  }
0x86: {  	v22 =	vor.u32 v2, v15;
	v28 =	vld.idx.msk [tilespmem:v28+s24+$0x0], $0xffff;
	[tilespmem:s15+$0x80] =	vst v18  }
0x87: {  	v18 =	vor.u32 v2, v14;
	[tilespmem:s15+$0x100] =	vst v23;
	v19 =	vld.idx.msk [tilespmem:v19+s24+$0x0], $0xffff  }
0x88: {  	[tilespmem:s15+$0xFFFFFF90] =	vst v27;
	v23 =	vor.u32 v2, v13;
	v16 =	vld.idx.msk [tilespmem:v16+s24+$0x0], $0xffff  }
0x89: {  	[tilespmem:s15+$0x190] =	vst v20;
	v20 =	vor.u32 v2, v11;
	v21 =	vld.idx.msk [tilespmem:v26+s24+$0x0], $0xffff  }
0x8a: {  	[tilespmem:s15+$0xFFFFFE90] =	vst v24;
	v24 =	vor.u32 v2, v10;
	v17 =	vld.idx.msk [tilespmem:v17+s24+$0x0], $0xffff  }
0x8b: {  	[tilespmem:s15+$0xFFFFFF10] =	vst v25;
	v25 =	vor.u32 v3, v12;
	v22 =	vld.idx.msk [tilespmem:v22+s24+$0x0], $0xffff  }
0x8c: {  	[tilespmem:s15+$0x10] =	vst v28;
	v26 =	vor.u32 v2, v9;
	v18 =	vld.idx.msk [tilespmem:v18+s24+$0x0], $0xffff  }
0x8d: {  	v27 =	vor.u32 v2, v8;
	v23 =	vld.idx.msk [tilespmem:v23+s24+$0x0], $0xffff;
	[tilespmem:s15+$0x90] =	vst v19  }
0x8e: {  	v28 =	vor.u32 v3, v15;
	[tilespmem:s15+$0x110] =	vst v16;
	v20 =	vld.idx.msk [tilespmem:v20+s24+$0x0], $0xffff  }
0x8f: {  	v19 =	vor.u32 v3, v14;
	v24 =	vld.idx.msk [tilespmem:v24+s24+$0x0], $0xffff;
	[tilespmem:s15+$0x1A0] =	vst v17  }
0x90: {  	[tilespmem:s15+$0xFFFFFE10] =	vst v21;
	v17 =	vor.u32 v3, v13;
	v16 =	vld.idx.msk [tilespmem:v25+s24+$0x0], $0xffff  }
0x91: {  	v21 =	vor.u32 v3, v11;
	[tilespmem:s15+$0xFFFFFEA0] =	vst v22;
	v25 =	vld.idx.msk [tilespmem:v26+s24+$0x0], $0xffff  }
0x92: {  	[tilespmem:s15+$0xFFFFFF20] =	vst v18;
	v18 =	vor.u32 v3, v10;
	v26 =	vld.idx.msk [tilespmem:v27+s24+$0x0], $0xffff  }
0x93: {  	v22 =	vor.u32 v4, v12;
	v27 =	vld.idx.msk [tilespmem:v28+s24+$0x0], $0xffff;
	[tilespmem:s15+$0xFFFFFFA0] =	vst v23  }
0x94: {  	v23 =	vor.u32 v3, v9;
	v19 =	vld.idx.msk [tilespmem:v19+s24+$0x0], $0xffff;
	[tilespmem:s15+$0x20] =	vst v20  }
0x95: {  	v28 =	vor.u32 v3, v8;
	[tilespmem:s15+$0xA0] =	vst v24;
	v17 =	vld.idx.msk [tilespmem:v17+s24+$0x0], $0xffff  }
0x96: {  	v20 =	vor.u32 v4, v15;
	v21 =	vld.idx.msk [tilespmem:v21+s24+$0x0], $0xffff;
	[tilespmem:s15+$0x1B0] =	vst v16  }
0x97: {  	v18 =	vld.idx.msk [tilespmem:v18+s24+$0x0], $0xffff;
	v16 =	vor.u32 v4, v14;
	[tilespmem:s15+$0x120] =	vst v25  }
0x98: {  	v24 =	vor.u32 v4, v13;
	[tilespmem:s15+$0xFFFFFE20] =	vst v26;
	v22 =	vld.idx.msk [tilespmem:v22+s24+$0x0], $0xffff  }
0x99: {  	[tilespmem:s15+$0xFFFFFEB0] =	vst v27;
	v27 =	vor.u32 v4, v11;
	v23 =	vld.idx.msk [tilespmem:v23+s24+$0x0], $0xffff  }
0x9a: {  	v25 =	vor.u32 v5, v12;
	v26 =	vld.idx.msk [tilespmem:v28+s24+$0x0], $0xffff;
	[tilespmem:s15+$0xFFFFFF30] =	vst v19  }
0x9b: {  	v19 =	vor.u32 v4, v10;
	v20 =	vld.idx.msk [tilespmem:v20+s24+$0x0], $0xffff;
	[tilespmem:s15+$0xFFFFFFB0] =	vst v17  }
0x9c: {  	v28 =	vor.u32 v4, v8;
	[tilespmem:s15+$0x30] =	vst v21;
	v16 =	vld.idx.msk [tilespmem:v16+s24+$0x0], $0xffff  }
0x9d: {  	v17 =	vor.u32 v4, v9;
	[tilespmem:s15+$0xB0] =	vst v18;
	v24 =	vld.idx.msk [tilespmem:v24+s24+$0x0], $0xffff  }
0x9e: {  	v27 =	vld.idx.msk [tilespmem:v27+s24+$0x0], $0xffff;
	[tilespmem:s15+$0x1C0] =	vst v22;
	v22 =	vor.u32 v5, v15  }
0x9f: {  	[tilespmem:s15+$0x130] =	vst v23;
	v23 =	vor.u32 v5, v13;
	v21 =	vld.idx.msk [tilespmem:v25+s24+$0x0], $0xffff  }
0xa0: {  	[tilespmem:s15+$0xFFFFFE30] =	vst v26;
	v25 =	vor.u32 v5, v14;
	v18 =	vld.idx.msk [tilespmem:v19+s24+$0x0], $0xffff  }
0xa1: {  	v19 =	vor.u32 v6, v12;
	v26 =	vld.idx.msk [tilespmem:v28+s24+$0x0], $0xffff;
	[tilespmem:s15+$0xFFFFFEC0] =	vst v20  }
0xa2: {  	v20 =	vor.u32 v5, v11;
	v17 =	vld.idx.msk [tilespmem:v17+s24+$0x0], $0xffff;
	[tilespmem:s15+$0xFFFFFF40] =	vst v16  }
0xa3: {  	v16 =	vor.u32 v5, v10;
	[tilespmem:s15+$0xFFFFFFC0] =	vst v24;
	v22 =	vld.idx.msk [tilespmem:v22+s24+$0x0], $0xffff  }
0xa4: {  	v28 =	vor.u32 v5, v9;
	v23 =	vld.idx.msk [tilespmem:v23+s24+$0x0], $0xffff  }
0xa5: {  	v25 =	vld.idx.msk [tilespmem:v25+s24+$0x0], $0xffff;
	[tilespmem:s15+$0x1D0] =	vst v21;
	v21 =	vor.u32 v5, v8  }
0xa6: {  	v24 =	vor.u32 v6, v15;
	[tilespmem:s15+$0x40] =	vst v27;
	v19 =	vld.idx.msk [tilespmem:v19+s24+$0x0], $0xffff  }
0xa7: {  	v12 =	vor.u32 v7, v12;
	[tilespmem:s15+$0xC0] =	vst v18;
	v27 =	vld.idx.msk [tilespmem:v20+s24+$0x0], $0xffff  }
0xa8: {  	v18 =	vor.u32 v6, v14;
	[tilespmem:s15+$0x140] =	vst v17;
	v29 =	vld.idx.msk [tilespmem:v16+s24+$0x0], $0xffff  }
0xa9: {  	s16 =	simm.s32 $0x8;
	[tilespmem:s15+$0xFFFFFE40] =	vst v26;
	v16 =	vor.u32 v6, v13;
	v30 =	vld.idx.msk [tilespmem:v28+s24+$0x0], $0xffff  }
0xaa: {  	v32 =	vor.u32 v6, v9;
	v20 =	vmov s16;
	[tilespmem:s15+$0xFFFFFED0] =	vst v22;
	v31 =	vld.idx.msk [tilespmem:v21+s24+$0x0], $0xffff  }
0xab: {  	v21 =	vor.u32 v6, v11;
	v17 =	vld.idx.msk [tilespmem:v24+s24+$0x0], $0xffff;
	[tilespmem:s15+$0x1E0] =	vst v19;
	v19 =	vand.u32 $0x78, v20  }
0xac: {  	v22 =	vor.u32 v6, v10;
	[tilespmem:s15+$0xFFFFFF50] =	vst v25;
	v26 =	vld.idx.msk [tilespmem:v12+s24+$0x0], $0xffff;
	v12 =	vbroadcast v19, $0x0  }
0xad: {  	v28 =	vor.u32 v6, v8;
	[tilespmem:s15+$0xFFFFFFD0] =	vst v23;
	v20 =	vld.idx.msk [tilespmem:v18+s24+$0x0], $0xffff  }
0xae: {  	v18 =	vld.idx.msk [tilespmem:v16+s24+$0x0], $0xffff;
	[tilespmem:s15+$0x150] =	vst v30;
	v16 =	vor.u32 v0, v12  }
0xaf: {  	s17 =	simm.s32 $0xA;
	s9 =	simm.s32 $0x9;
	v24 =	vor.u32 v7, v15;
	[tilespmem:s15+$0x50] =	vst v27;
	v23 =	vld.idx.msk [tilespmem:v32+s24+$0x0], $0xffff  }
0xb0: {  	s29 =	sshllo.u32 s18, $0x2;
	v14 =	vor.u32 v7, v14;
	v15 =	vmov s9;
	v25 =	vmov s17;
	s9 =	simm.s32 $0xB;
	s17 =	simm.s32 $0xC;
	[tilespmem:s15+$0xD0] =	vst v29;
	v19 =	vld.idx.msk [tilespmem:v21+s24+$0x0], $0xffff  }
0xb1: {  	s30 =	simm.s32 $0xD;
	s0 =	simm.s32 $0xF;
	v13 =	vor.u32 v7, v13;
	v27 =	vmov s9;
	v21 =	vld.idx.msk [tilespmem:v22+s24+$0x0], $0xffff;
	v22 =	vmov s17;
	s17 =	simm.s32 $0x10;
	[tilespmem:s15+$0xFFFFFE50] =	vst v31  }
.LBB2_3:
0xb2: {  	p2 =	slt.u32 s17, $0x38;
	v29 =	vmov s30;
	s9 =	sadd.s32 $0x6, s16;
	v30 =	vmov s0;
	v28 =	vld.idx.msk [tilespmem:v28+s24+$0x0], $0xffff;
	v11 =	vor.u32 v7, v11;
	[tilespmem:s15+$0x1F0] =	vst v26;
	s16 =	smov.u32 s17  }
0xb3: {  	v10 =	vor.u32 v7, v10;
	v26 =	vld.idx.msk [tilespmem:v16+s24+$0x0], $0xffff;
	v31 =	vmov s9;
	v16 =	vand.u32 $0x7F, v30;
	[tilespmem:s15+$0xFFFFFEE0] =	vst v17  }
0xb4: {  	v15 =	vand.u32 $0x79, v15;
	v9 =	vor.u32 v7, v9;
	v16 =	vbroadcast v16, $0x0;
	v17 =	vld.idx.msk [tilespmem:v24+s24+$0x0], $0xffff;
	[tilespmem:s15+$0xFFFFFF60] =	vst v20  }
0xb5: {  	v15 =	vbroadcast v15, $0x0;
	v20 =	vand.u32 $0x7A, v25;
	v24 =	vor.u32 v7, v8;
	v8 =	vmovc v12;
	v25 =	vld.idx.msk [tilespmem:v14+s24+$0x0], $0xffff;
	[tilespmem:s15+$0xFFFFFFE0] =	vst v18  }
0xb6: {  	v12 =	vand.u32 $0x7B, v27;
	v14 =	vbroadcast v20, $0x0;
	v18 =	vor.u32 v0, v16;
	v20 =	vld.idx.msk [tilespmem:v13+s24+$0x0], $0xffff;
	[tilespmem:s15+$0x60] =	vst v19  }
0xb7: {  	v19 =	vor.u32 v0, v15;
	v13 =	vbroadcast v12, $0x0;
	v12 =	vand.u32 $0x7C, v22;
	v22 =	vld.idx.msk [tilespmem:v11+s24+$0x0], $0xffff;
	[tilespmem:s15+$0xE0] =	vst v21  }
0xb8: {  	v21 =	vor.u32 v0, v14;
	v11 =	vbroadcast v12, $0x0;
	v12 =	vand.u32 $0x7D, v29;
	v27 =	vld.idx.msk [tilespmem:v10+s24+$0x0], $0xffff;
	[tilespmem:s15+$0x160] =	vst v23  }
0xb9: {  	v23 =	vor.u32 v0, v13;
	v10 =	vbroadcast v12, $0x0;
	v12 =	vand.u32 $0x7E, v31;
	[tilespmem:s15+$0xFFFFFE60] =	vst v28;
	v28 =	vld.idx.msk [tilespmem:v9+s24+$0x0], $0xffff  }
0xba: {  	v29 =	vor.u32 v0, v11;
	v9 =	vbroadcast v12, $0x0;
	v12 =	vld.idx.msk [tilespmem:v24+s24+$0x0], $0xffff;
	[tilespmem:s15+$0xFFFFFEF0] =	vst v17  }
0xbb: {  	v17 =	vor.u32 v0, v10;
	v18 =	vld.idx.msk [tilespmem:v18+s24+$0x0], $0xffff;
	[tilespmem:s15+$0xFFFFFF70] =	vst v25  }
0xbc: {  	v24 =	vor.u32 v0, v9;
	v19 =	vld.idx.msk [tilespmem:v19+s24+$0x0], $0xffff;
	[tilespmem:s15+$0xFFFFFFF0] =	vst v20  }
0xbd: {  	v20 =	vld.idx.msk [tilespmem:v21+s24+$0x0], $0xffff;
	v21 =	vor.u32 v1, v16;
	[tilespmem:s15+$0x70] =	vst v22  }
0xbe: {  	v22 =	vor.u32 v1, v15;
	v23 =	vld.idx.msk [tilespmem:v23+s24+$0x0], $0xffff;
	[tilespmem:s15+$0xF0] =	vst v27  }
0xbf: {  	v25 =	vor.u32 v1, v14;
	v27 =	vld.idx.msk [tilespmem:v29+s24+$0x0], $0xffff;
	[tilespmem:s15+$0x170] =	vst v28  }
0xc0: {  	v28 =	vor.u32 v1, v13;
	v17 =	vld.idx.msk [tilespmem:v17+s24+$0x0], $0xffff;
	[tilespmem:s15+$0xFFFFFE70] =	vst v12;
	s15 =	sadd.s32 $0x400, s15  }
0xc1: {  	v12 =	vor.u32 v1, v11;
	v24 =	vld.idx.msk [tilespmem:v24+s24+$0x0], $0xffff;
	[tilespmem:s15+$0x180] =	vst v18  }
0xc2: {  	v18 =	vor.u32 v1, v10;
	[tilespmem:s15+$0xFFFFFE80] =	vst v19;
	v19 =	vld.idx.msk [tilespmem:v21+s24+$0x0], $0xffff  }
0xc3: {  	v21 =	vld.idx.msk [tilespmem:v22+s24+$0x0], $0xffff;
	[tilespmem:s15+$0xFFFFFF00] =	vst v20;
	v20 =	vor.u32 v1, v9  }
0xc4: {  	v22 =	vld.idx.msk [tilespmem:v25+s24+$0x0], $0xffff;
	[tilespmem:s15+$0xFFFFFF80] =	vst v23;
	v23 =	vor.u32 v2, v16  }
0xc5: {  	v25 =	vor.u32 v1, v8;
	v28 =	vld.idx.msk [tilespmem:v28+s24+$0x0], $0xffff;
	[tilespmem:s15+$0x0] =	vst v27  }
0xc6: {  	v27 =	vor.u32 v2, v15;
	v12 =	vld.idx.msk [tilespmem:v12+s24+$0x0], $0xffff;
	[tilespmem:s15+$0x80] =	vst v17  }
0xc7: {  	v17 =	vor.u32 v2, v14;
	v18 =	vld.idx.msk [tilespmem:v18+s24+$0x0], $0xffff;
	[tilespmem:s15+$0x100] =	vst v24  }
0xc8: {  	v24 =	vor.u32 v2, v13;
	v20 =	vld.idx.msk [tilespmem:v20+s24+$0x0], $0xffff;
	[tilespmem:s15+$0x190] =	vst v19  }
0xc9: {  	v19 =	vor.u32 v2, v11;
	[tilespmem:s15+$0xFFFFFE00] =	vst v26;
	v23 =	vld.idx.msk [tilespmem:v23+s24+$0x0], $0xffff  }
0xca: {  	v25 =	vld.idx.msk [tilespmem:v25+s24+$0x0], $0xffff;
	[tilespmem:s15+$0xFFFFFE90] =	vst v21;
	v21 =	vor.u32 v2, v10  }
0xcb: {  	v26 =	vld.idx.msk [tilespmem:v27+s24+$0x0], $0xffff;
	[tilespmem:s15+$0xFFFFFF10] =	vst v22;
	v22 =	vor.u32 v3, v16  }
0xcc: {  	v27 =	vor.u32 v2, v9;
	v17 =	vld.idx.msk [tilespmem:v17+s24+$0x0], $0xffff;
	[tilespmem:s15+$0xFFFFFF90] =	vst v28  }
0xcd: {  	v28 =	vor.u32 v2, v8;
	v24 =	vld.idx.msk [tilespmem:v24+s24+$0x0], $0xffff;
	[tilespmem:s15+$0x10] =	vst v12  }
0xce: {  	v12 =	vor.u32 v3, v15;
	v19 =	vld.idx.msk [tilespmem:v19+s24+$0x0], $0xffff;
	[tilespmem:s15+$0x90] =	vst v18  }
0xcf: {  	v18 =	vor.u32 v3, v14;
	v21 =	vld.idx.msk [tilespmem:v21+s24+$0x0], $0xffff;
	[tilespmem:s15+$0x1A0] =	vst v23  }
0xd0: {  	v23 =	vor.u32 v3, v13;
	[tilespmem:s15+$0x110] =	vst v20;
	v20 =	vld.idx.msk [tilespmem:v22+s24+$0x0], $0xffff  }
0xd1: {  	v22 =	vor.u32 v3, v11;
	[tilespmem:s15+$0xFFFFFE10] =	vst v25;
	v25 =	vld.idx.msk [tilespmem:v27+s24+$0x0], $0xffff  }
0xd2: {  	v27 =	vld.idx.msk [tilespmem:v28+s24+$0x0], $0xffff;
	[tilespmem:s15+$0xFFFFFEA0] =	vst v26;
	v26 =	vor.u32 v4, v16  }
0xd3: {  	v12 =	vld.idx.msk [tilespmem:v12+s24+$0x0], $0xffff;
	[tilespmem:s15+$0xFFFFFF20] =	vst v17;
	v17 =	vor.u32 v3, v10  }
0xd4: {  	v18 =	vld.idx.msk [tilespmem:v18+s24+$0x0], $0xffff;
	[tilespmem:s15+$0xFFFFFFA0] =	vst v24;
	v24 =	vor.u32 v3, v9  }
0xd5: {  	v28 =	vor.u32 v3, v8;
	v23 =	vld.idx.msk [tilespmem:v23+s24+$0x0], $0xffff;
	[tilespmem:s15+$0x20] =	vst v19  }
0xd6: {  	v19 =	vor.u32 v4, v15;
	v22 =	vld.idx.msk [tilespmem:v22+s24+$0x0], $0xffff;
	[tilespmem:s15+$0x1B0] =	vst v20  }
0xd7: {  	v20 =	vor.u32 v4, v14;
	[tilespmem:s15+$0xA0] =	vst v21;
	v21 =	vld.idx.msk [tilespmem:v26+s24+$0x0], $0xffff  }
0xd8: {  	v26 =	vor.u32 v4, v13;
	v17 =	vld.idx.msk [tilespmem:v17+s24+$0x0], $0xffff;
	[tilespmem:s15+$0x120] =	vst v25  }
0xd9: {  	v25 =	vor.u32 v5, v16;
	[tilespmem:s15+$0xFFFFFE20] =	vst v27;
	v24 =	vld.idx.msk [tilespmem:v24+s24+$0x0], $0xffff  }
0xda: {  	v27 =	vld.idx.msk [tilespmem:v28+s24+$0x0], $0xffff;
	[tilespmem:s15+$0xFFFFFEB0] =	vst v12;
	v12 =	vor.u32 v4, v11  }
0xdb: {  	v19 =	vld.idx.msk [tilespmem:v19+s24+$0x0], $0xffff;
	[tilespmem:s15+$0xFFFFFF30] =	vst v18;
	v18 =	vor.u32 v4, v10  }
0xdc: {  	v20 =	vld.idx.msk [tilespmem:v20+s24+$0x0], $0xffff;
	[tilespmem:s15+$0xFFFFFFB0] =	vst v23;
	v23 =	vor.u32 v4, v9  }
0xdd: {  	v28 =	vor.u32 v4, v8;
	v26 =	vld.idx.msk [tilespmem:v26+s24+$0x0], $0xffff;
	[tilespmem:s15+$0x1C0] =	vst v21  }
0xde: {  	v21 =	vor.u32 v5, v15;
	[tilespmem:s15+$0x30] =	vst v22;
	v22 =	vld.idx.msk [tilespmem:v25+s24+$0x0], $0xffff  }
0xdf: {  	v25 =	vor.u32 v5, v14;
	v12 =	vld.idx.msk [tilespmem:v12+s24+$0x0], $0xffff;
	[tilespmem:s15+$0xB0] =	vst v17  }
0xe0: {  	v17 =	vld.idx.msk [tilespmem:v18+s24+$0x0], $0xffff;
	[tilespmem:s15+$0x130] =	vst v24;
	v18 =	vor.u32 v6, v16  }
0xe1: {  	v24 =	vor.u32 v5, v13;
	[tilespmem:s15+$0xFFFFFE30] =	vst v27;
	v23 =	vld.idx.msk [tilespmem:v23+s24+$0x0], $0xffff  }
0xe2: {  	v27 =	vld.idx.msk [tilespmem:v28+s24+$0x0], $0xffff;
	[tilespmem:s15+$0xFFFFFEC0] =	vst v19;
	v19 =	vor.u32 v5, v11  }
0xe3: {  	v21 =	vld.idx.msk [tilespmem:v21+s24+$0x0], $0xffff;
	[tilespmem:s15+$0xFFFFFF40] =	vst v20;
	v20 =	vor.u32 v5, v10  }
0xe4: {  	v28 =	vor.u32 v5, v9;
	v25 =	vld.idx.msk [tilespmem:v25+s24+$0x0], $0xffff;
	[tilespmem:s15+$0x1D0] =	vst v22  }
0xe5: {  	v22 =	vor.u32 v5, v8;
	[tilespmem:s15+$0xFFFFFFC0] =	vst v26;
	v18 =	vld.idx.msk [tilespmem:v18+s24+$0x0], $0xffff  }
0xe6: {  	v26 =	vor.u32 v6, v15;
	v24 =	vld.idx.msk [tilespmem:v24+s24+$0x0], $0xffff;
	[tilespmem:s15+$0x40] =	vst v12  }
0xe7: {  	v16 =	vor.u32 v7, v16;
	v19 =	vld.idx.msk [tilespmem:v19+s24+$0x0], $0xffff;
	[tilespmem:s15+$0xC0] =	vst v17  }
0xe8: {  	v29 =	vor.u32 v6, v14;
	v30 =	vld.idx.msk [tilespmem:v20+s24+$0x0], $0xffff;
	[tilespmem:s15+$0x140] =	vst v23  }
0xe9: {  	v23 =	vor.u32 v6, v13;
	[tilespmem:s15+$0xFFFFFE40] =	vst v27;
	v27 =	vld.idx.msk [tilespmem:v28+s24+$0x0], $0xffff  }
0xea: {  	v12 =	vmov s17;
	v31 =	vld.idx.msk [tilespmem:v22+s24+$0x0], $0xffff;
	[tilespmem:s15+$0xFFFFFED0] =	vst v21;
	v21 =	vor.u32 v6, v11  }
0xeb: {  	v12 =	vand.u32 $0x78, v12;
	v22 =	vor.u32 v6, v10;
	v17 =	vld.idx.msk [tilespmem:v26+s24+$0x0], $0xffff;
	[tilespmem:s15+$0x1E0] =	vst v18  }
0xec: {  	v32 =	vor.u32 v6, v9;
	v12 =	vbroadcast v12, $0x0;
	[tilespmem:s15+$0xFFFFFF50] =	vst v25;
	v26 =	vld.idx.msk [tilespmem:v16+s24+$0x0], $0xffff  }
.Ltmp0:
0xed: {  	v28 =	vor.u32 v6, v8;
	v20 =	vld.idx.msk [tilespmem:v29+s24+$0x0], $0xffff;
	[tilespmem:s15+$0xFFFFFFD0] =	vst v24;
	(pc) =	sbr.rel @p2 .LBB2_3-.Ltmp0, $4  }
0xee: {  	v16 =	vor.u32 v0, v12;
	v18 =	vld.idx.msk [tilespmem:v23+s24+$0x0], $0xffff;
	[tilespmem:s15+$0x50] =	vst v19  }
0xef: {  	s0 =	sadd.s32 $0x1, s17;
	s9 =	sadd.s32 $0x2, s17;
	v24 =	vor.u32 v7, v15;
	v19 =	vld.idx.msk [tilespmem:v21+s24+$0x0], $0xffff;
	[tilespmem:s15+$0xD0] =	vst v30  }
0xf0: {  	v14 =	vor.u32 v7, v14;
	v25 =	vmov s9;
	s9 =	sadd.s32 $0x4, s17;
	v15 =	vmov s0;
	s0 =	sadd.s32 $0x3, s17;
	v21 =	vld.idx.msk [tilespmem:v22+s24+$0x0], $0xffff;
	[tilespmem:s15+$0x150] =	vst v27  }
0xf1: {  	s30 =	sadd.s32 $0x5, s16;
	v13 =	vor.u32 v7, v13;
	s17 =	sadd.s32 $0x8, s17;
	v27 =	vmov s0;
	v22 =	vmov s9;
	s0 =	sadd.s32 $0x7, s16;
	[tilespmem:s15+$0xFFFFFE50] =	vst v31;
	v23 =	vld.idx.msk [tilespmem:v32+s24+$0x0], $0xffff  }
0xf2: {  	_ =	sdelay $0x1  }
0xf3: {  	[tilespmem:s15+$0x1F0] =	vst v26  }
0xf4: {  	[tilespmem:s15+$0xFFFFFEE0] =	vst v17  }
0xf5: {  	v11 =	vor.u32 v7, v11;
	v47 =	vld.idx.msk [tilespmem:v28+s24+$0x0], $0xffff;
	[tilespmem:s15+$0xFFFFFF60] =	vst v20  }
0xf6: {  	v46 =	vmov s30;
	v29 =	vmov s0;
	v30 =	vor.u32 v7, v10;
	v16 =	vld.idx.msk [tilespmem:v16+s24+$0x0], $0xffff;
	[tilespmem:s15+$0xFFFFFFE0] =	vst v18  }
0xf7: {  	v49 =	vand.u32 $0x79, v15;
	v51 =	vor.u32 v7, v9;
	v52 =	vand.u32 $0x7A, v25;
	v50 =	vld.idx.msk [tilespmem:v24+s24+$0x0], $0xffff;
	[tilespmem:s15+$0x60] =	vst v19  }
0xf8: {  	v53 =	vor.u32 v7, v8;
	v29 =	vand.u32 $0x7F, v29;
	v9 =	vbroadcast v49, $0x0;
	v54 =	vld.idx.msk [tilespmem:v14+s24+$0x0], $0xffff;
	[tilespmem:s15+$0xE0] =	vst v21  }
0xf9: {  	v8 =	vbroadcast v52, $0x0;
	v62 =	vand.u32 $0x7D, v46;
	v46 =	vor.u32 v1, v12;
	v57 =	vld.idx.msk [tilespmem:v13+s24+$0x0], $0xffff;
	[tilespmem:s15+$0x160] =	vst v23  }
0xfa: {  	s9 =	sadd.s32 $0x6, s16;
	v55 =	vand.u32 $0x7B, v27;
	s30 =	sadd.s32 $0x400, s15;
	v15 =	vbroadcast v29, $0x0;
	v58 =	vor.u32 v0, v9;
	v60 =	vld.idx.msk [tilespmem:v11+s24+$0x0], $0xffff;
	[tilespmem:s15+$0xFFFFFE60] =	vst v47  }
0xfb: {  	v48 =	vmov s9;
	v13 =	vbroadcast v62, $0x0;
	v61 =	vor.u32 v0, v8;
	v63 =	vld.idx.msk [tilespmem:v30+s24+$0x0], $0xffff;
	[tilespmem:s30+$0xFFFFFE00] =	vst v16  }
0xfc: {  	v10 =	vbroadcast v55, $0x0;
	v31 =	vand.u32 $0x7E, v48;
	v56 =	vor.u32 v0, v15;
	v24 =	vld.idx.msk [tilespmem:v51+s24+$0x0], $0xffff;
	[tilespmem:s15+$0xFFFFFEF0] =	vst v50  }
0xfd: {  	v59 =	vand.u32 $0x7C, v22;
	v14 =	vbroadcast v31, $0x0;
	v33 =	vor.u32 v0, v13;
	v18 =	vld.idx.msk [tilespmem:v53+s24+$0x0], $0xffff;
	[tilespmem:s15+$0xFFFFFF70] =	vst v54  }
0xfe: {  	v11 =	vbroadcast v59, $0x0;
	v30 =	vor.u32 v0, v10;
	v52 =	vld.idx.msk [tilespmem:v46+s24+$0x0], $0xffff;
	[tilespmem:s15+$0xFFFFFFF0] =	vst v57  }
0xff: {  	v34 =	vor.u32 v0, v14;
	v21 =	vld.idx.msk [tilespmem:v58+s24+$0x0], $0xffff;
	[tilespmem:s15+$0x70] =	vst v60  }
0x100: {  	v32 =	vor.u32 v0, v11;
	v35 =	vld.idx.msk [tilespmem:v61+s24+$0x0], $0xffff;
	[tilespmem:s15+$0xF0] =	vst v63  }
0x101: {  	v37 =	vor.u32 v1, v9;
	v19 =	vld.idx.msk [tilespmem:v56+s24+$0x0], $0xffff;
	[tilespmem:s15+$0x170] =	vst v24  }
0x102: {  	v38 =	vor.u32 v1, v8;
	v25 =	vld.idx.msk [tilespmem:v33+s24+$0x0], $0xffff;
	[tilespmem:s15+$0xFFFFFE70] =	vst v18  }
0x103: {  	v36 =	vor.u32 v1, v15;
	v17 =	vld.idx.msk [tilespmem:v30+s24+$0x0], $0xffff;
	[tilespmem:s30+$0xFFFFFE10] =	vst v52  }
0x104: {  	v42 =	vor.u32 v1, v13;
	v40 =	vld.idx.msk [tilespmem:v34+s24+$0x0], $0xffff;
	[tilespmem:s30+$0xFFFFFE80] =	vst v21  }
0x105: {  	v39 =	vor.u32 v1, v10;
	v20 =	vld.idx.msk [tilespmem:v32+s24+$0x0], $0xffff;
	[tilespmem:s30+$0xFFFFFF00] =	vst v35  }
0x106: {  	v45 =	vor.u32 v1, v14;
	[tilespmem:s30+$0x180] =	vst v19;
	v43 =	vld.idx.msk [tilespmem:v37+s24+$0x0], $0xffff  }
0x107: {  	v41 =	vor.u32 v1, v11;
	v18 =	vld.idx.msk [tilespmem:v38+s24+$0x0], $0xffff;
	[tilespmem:s30+$0x80] =	vst v25  }
0x108: {  	v47 =	vor.u32 v2, v9;
	v23 =	vld.idx.msk [tilespmem:v36+s24+$0x0], $0xffff;
	[tilespmem:s30+$0xFFFFFF80] =	vst v17  }
0x109: {  	v48 =	vor.u32 v2, v8;
	[tilespmem:s30+$0x100] =	vst v40;
	v22 =	vld.idx.msk [tilespmem:v42+s24+$0x0], $0xffff  }
0x10a: {  	v57 =	vor.u32 v2, v12;
	v19 =	vld.idx.msk [tilespmem:v39+s24+$0x0], $0xffff;
	[tilespmem:s30+$0x0] =	vst v20  }
0x10b: {  	v44 =	vor.u32 v2, v15;
	v50 =	vld.idx.msk [tilespmem:v45+s24+$0x0], $0xffff;
	[tilespmem:s30+$0xFFFFFE90] =	vst v43  }
0x10c: {  	v54 =	vor.u32 v2, v13;
	v21 =	vld.idx.msk [tilespmem:v41+s24+$0x0], $0xffff;
	[tilespmem:s30+$0xFFFFFF10] =	vst v18  }
0x10d: {  	v49 =	vor.u32 v2, v10;
	[tilespmem:s30+$0x190] =	vst v23;
	v26 =	vld.idx.msk [tilespmem:v47+s24+$0x0], $0xffff  }
0x10e: {  	v56 =	vor.u32 v2, v14;
	v55 =	vld.idx.msk [tilespmem:v48+s24+$0x0], $0xffff;
	[tilespmem:s30+$0x90] =	vst v22  }
0x10f: {  	v51 =	vor.u32 v2, v11;
	v22 =	vld.idx.msk [tilespmem:v57+s24+$0x0], $0xffff;
	[tilespmem:s30+$0xFFFFFF90] =	vst v19  }
0x110: {  	v58 =	vor.u32 v3, v9;
	v24 =	vld.idx.msk [tilespmem:v44+s24+$0x0], $0xffff;
	[tilespmem:s30+$0x110] =	vst v50  }
0x111: {  	v59 =	vor.u32 v3, v8;
	v60 =	vld.idx.msk [tilespmem:v54+s24+$0x0], $0xffff;
	[tilespmem:s30+$0x10] =	vst v21  }
0x112: {  	v31 =	vor.u32 v3, v12;
	v16 =	vld.idx.msk [tilespmem:v49+s24+$0x0], $0xffff;
	[tilespmem:s30+$0xFFFFFEA0] =	vst v26  }
0x113: {  	v53 =	vor.u32 v3, v15;
	v23 =	vld.idx.msk [tilespmem:v56+s24+$0x0], $0xffff;
	[tilespmem:s30+$0xFFFFFF20] =	vst v55  }
0x114: {  	v29 =	vor.u32 v3, v13;
	v20 =	vld.idx.msk [tilespmem:v51+s24+$0x0], $0xffff;
	[tilespmem:s30+$0xFFFFFE20] =	vst v22  }
0x115: {  	v61 =	vor.u32 v3, v10;
	[tilespmem:s30+$0x1A0] =	vst v24;
	v28 =	vld.idx.msk [tilespmem:v58+s24+$0x0], $0xffff  }
0x116: {  	v30 =	vor.u32 v3, v14;
	v17 =	vld.idx.msk [tilespmem:v59+s24+$0x0], $0xffff;
	[tilespmem:s30+$0xA0] =	vst v60  }
0x117: {  	v63 =	vor.u32 v3, v11;
	v37 =	vld.idx.msk [tilespmem:v31+s24+$0x0], $0xffff;
	[tilespmem:s30+$0xFFFFFFA0] =	vst v16  }
0x118: {  	v32 =	vor.u32 v4, v9;
	v25 =	vld.idx.msk [tilespmem:v53+s24+$0x0], $0xffff;
	[tilespmem:s30+$0x120] =	vst v23  }
0x119: {  	v33 =	vor.u32 v4, v8;
	v34 =	vld.idx.msk [tilespmem:v29+s24+$0x0], $0xffff;
	[tilespmem:s30+$0x20] =	vst v20  }
0x11a: {  	v62 =	vor.u32 v4, v15;
	v19 =	vld.idx.msk [tilespmem:v61+s24+$0x0], $0xffff;
	[tilespmem:s30+$0xFFFFFEB0] =	vst v28  }
0x11b: {  	v39 =	vor.u32 v4, v13;
	v20 =	vld.idx.msk [tilespmem:v30+s24+$0x0], $0xffff;
	[tilespmem:s30+$0xFFFFFF30] =	vst v17  }
0x11c: {  	v36 =	vor.u32 v4, v10;
	v21 =	vld.idx.msk [tilespmem:v63+s24+$0x0], $0xffff;
	[tilespmem:s30+$0xFFFFFE30] =	vst v37  }
0x11d: {  	v41 =	vor.u32 v4, v12;
	[tilespmem:s30+$0x1B0] =	vst v25;
	v18 =	vld.idx.msk [tilespmem:v32+s24+$0x0], $0xffff  }
0x11e: {  	v38 =	vor.u32 v4, v11;
	v23 =	vld.idx.msk [tilespmem:v33+s24+$0x0], $0xffff;
	[tilespmem:s30+$0xB0] =	vst v34  }
0x11f: {  	v40 =	vor.u32 v4, v14;
	v26 =	vld.idx.msk [tilespmem:v62+s24+$0x0], $0xffff;
	[tilespmem:s30+$0xFFFFFFB0] =	vst v19  }
0x120: {  	v42 =	vor.u32 v5, v9;
	v19 =	vld.idx.msk [tilespmem:v39+s24+$0x0], $0xffff;
	[tilespmem:s30+$0x130] =	vst v20  }
0x121: {  	v35 =	vor.u32 v5, v15;
	v16 =	vld.idx.msk [tilespmem:v36+s24+$0x0], $0xffff;
	[tilespmem:s30+$0x30] =	vst v21  }
0x122: {  	v45 =	vor.u32 v5, v8;
	v21 =	vld.idx.msk [tilespmem:v41+s24+$0x0], $0xffff;
	[tilespmem:s30+$0xFFFFFEC0] =	vst v18  }
0x123: {  	v46 =	vor.u32 v5, v10;
	v43 =	vld.idx.msk [tilespmem:v38+s24+$0x0], $0xffff;
	[tilespmem:s30+$0xFFFFFF40] =	vst v23  }
0x124: {  	v50 =	vor.u32 v5, v12;
	[tilespmem:s30+$0x1C0] =	vst v26;
	v26 =	vld.idx.msk [tilespmem:v40+s24+$0x0], $0xffff  }
0x125: {  	v47 =	vor.u32 v5, v11;
	v22 =	vld.idx.msk [tilespmem:v42+s24+$0x0], $0xffff;
	[tilespmem:s30+$0xC0] =	vst v19  }
0x126: {  	v48 =	vor.u32 v5, v13;
	v24 =	vld.idx.msk [tilespmem:v35+s24+$0x0], $0xffff;
	[tilespmem:s30+$0xFFFFFFC0] =	vst v16  }
0x127: {  	v49 =	vor.u32 v5, v14;
	v17 =	vld.idx.msk [tilespmem:v45+s24+$0x0], $0xffff;
	[tilespmem:s30+$0xFFFFFE40] =	vst v21  }
0x128: {  	v51 =	vor.u32 v6, v9;
	v18 =	vld.idx.msk [tilespmem:v46+s24+$0x0], $0xffff;
	[tilespmem:s30+$0x40] =	vst v43  }
0x129: {  	v52 =	vor.u32 v6, v8;
	v20 =	vld.idx.msk [tilespmem:v50+s24+$0x0], $0xffff;
	[tilespmem:s30+$0x140] =	vst v26  }
0x12a: {  	v44 =	vor.u32 v6, v15;
	v23 =	vld.idx.msk [tilespmem:v47+s24+$0x0], $0xffff;
	[tilespmem:s30+$0xFFFFFED0] =	vst v22  }
0x12b: {  	v53 =	vor.u32 v6, v10;
	[tilespmem:s30+$0x1D0] =	vst v24;
	v24 =	vld.idx.msk [tilespmem:v48+s24+$0x0], $0xffff  }
0x12c: {  	v58 =	vor.u32 v6, v12;
	[tilespmem:s30+$0xFFFFFF50] =	vst v17;
	v16 =	vld.idx.msk [tilespmem:v49+s24+$0x0], $0xffff  }
0x12d: {  	v54 =	vor.u32 v6, v11;
	v56 =	vld.idx.msk [tilespmem:v51+s24+$0x0], $0xffff;
	[tilespmem:s30+$0xFFFFFFD0] =	vst v18  }
0x12e: {  	v55 =	vor.u32 v6, v13;
	v21 =	vld.idx.msk [tilespmem:v52+s24+$0x0], $0xffff;
	[tilespmem:s30+$0xFFFFFE50] =	vst v20  }
0x12f: {  	v57 =	vor.u32 v6, v14;
	v25 =	vld.idx.msk [tilespmem:v44+s24+$0x0], $0xffff;
	[tilespmem:s30+$0x50] =	vst v23  }
0x130: {  	v9 =	vor.u32 v7, v9;
	v22 =	vld.idx.msk [tilespmem:v53+s24+$0x0], $0xffff;
	[tilespmem:s30+$0xD0] =	vst v24  }
0x131: {  	v8 =	vor.u32 v7, v8;
	v61 =	vld.idx.msk [tilespmem:v58+s24+$0x0], $0xffff;
	[tilespmem:s30+$0x150] =	vst v16  }
0x132: {  	v15 =	vor.u32 v7, v15;
	v59 =	vld.idx.msk [tilespmem:v54+s24+$0x0], $0xffff;
	[tilespmem:s30+$0xFFFFFEE0] =	vst v56  }
0x133: {  	v10 =	vor.u32 v7, v10;
	[tilespmem:s30+$0xFFFFFF60] =	vst v21;
	v17 =	vld.idx.msk [tilespmem:v55+s24+$0x0], $0xffff  }
0x134: {  	v62 =	vor.u32 v7, v12;
	[tilespmem:s30+$0x1E0] =	vst v25;
	v60 =	vld.idx.msk [tilespmem:v57+s24+$0x0], $0xffff  }
0x135: {  	v11 =	vor.u32 v7, v11;
	v9 =	vld.idx.msk [tilespmem:v9+s24+$0x0], $0xffff;
	[tilespmem:s30+$0xFFFFFFE0] =	vst v22  }
0x136: {  	v13 =	vor.u32 v7, v13;
	v8 =	vld.idx.msk [tilespmem:v8+s24+$0x0], $0xffff;
	[tilespmem:s30+$0xFFFFFE60] =	vst v61  }
0x137: {  	v14 =	vor.u32 v7, v14;
	v15 =	vld.idx.msk [tilespmem:v15+s24+$0x0], $0xffff;
	[tilespmem:s30+$0x60] =	vst v59  }
0x138: {  	v10 =	vld.idx.msk [tilespmem:v10+s24+$0x0], $0xffff;
	[tilespmem:s30+$0xE0] =	vst v17  }
0x139: {  	v63 =	vld.idx.msk [tilespmem:v62+s24+$0x0], $0xffff;
	[tilespmem:s30+$0x160] =	vst v60  }
0x13a: {  	v11 =	vld.idx.msk [tilespmem:v11+s24+$0x0], $0xffff;
	[tilespmem:s30+$0xFFFFFEF0] =	vst v9  }
0x13b: {  	[tilespmem:s30+$0xFFFFFF70] =	vst v8;
	v13 =	vld.idx.msk [tilespmem:v13+s24+$0x0], $0xffff  }
0x13c: {  	[tilespmem:s30+$0x1F0] =	vst v15;
	v14 =	vld.idx.msk [tilespmem:v14+s24+$0x0], $0xffff  }
0x13d: {  	s15 =	sadd.s32 s1, s20;
	[tilespmem:s30+$0xFFFFFFF0] =	vst v10  }
0x13e: {  	s16 =	sshll.u32 s15, $0x7;
	[tilespmem:s30+$0xFFFFFE70] =	vst v63  }
0x13f: {  	s9 =	sshll.u32 s15, $0xA;
	s15 =	sand.u32 $0x3E00, s16;
	[tilespmem:s30+$0x70] =	vst v11  }
0x140: {  	s9 =	sand.u32 $0xFFE0000, s9;
	s15 =	sadd.s32 s4, s15;
	[tilespmem:s30+$0xF0] =	vst v13  }
0x141: {  	s0 =	simm.s32 @!p0 $0x1;
	s17 =	sadd.s32 s9, s15;
	[tilespmem:s30+$0x170] =	vst v14;
	s30 =	simm.s32 $0x10400  }
0x142: {  	[hbm4b:s17+s24] =	stream.strided.scatter [tilespmem:s30], [sflag:$0x9], $0x2000, s26, s24, $0x38;
	[tilespmem:$0x18400] =	vst v63  }
0x143: {  	_ =	swait.ge @!p0 [sflag:s0], $0x80  }
0x144: {  	[sflag:s0] =	ssyncset.done @!p0 $0x0  }
0x145: {  	[sflag:s0] =	ssyncadd.s32 @!p0 $0xFFFFFF80  }
0x146: {  	v8 =	vld @!p0 [tilespmem:$0x0]  }
0x147: {  	v9 =	vld @!p0 [tilespmem:$0x10]  }
0x148: {  	v10 =	vld @!p0 [tilespmem:$0x20]  }
0x149: {  	v11 =	vld @!p0 [tilespmem:$0x30]  }
0x14a: {  	v12 =	vld @!p0 [tilespmem:$0x40]  }
0x14b: {  	[tilespmem:$0x200] =	vst @!p0 v8;
	v8 =	vld @!p0 [tilespmem:$0x50]  }
0x14c: {  	[tilespmem:$0x210] =	vst @!p0 v9;
	v9 =	vld @!p0 [tilespmem:$0x60]  }
0x14d: {  	p2 =	slt.u32 @!p0 s18, $0x30;
	[tilespmem:$0x220] =	vst @!p0 v10;
	v10 =	vld @!p0 [tilespmem:$0x70]  }
0x14e: {  	p2 =	por p0, !p2;
	[tilespmem:$0x230] =	vst @!p0 v11  }
.Ltmp1:
0x14f: {  	[tilespmem:$0x240] =	vst @!p0 v12;
	(pc) =	sbr.rel @p2 .LBB2_5-.Ltmp1, $4  }
0x150: {  	[tilespmem:$0x250] =	vst @!p0 v8  }
0x151: {  	[tilespmem:$0x260] =	vst @!p0 v9  }
0x152: {  	s9 =	simm.s32 @!p0 $0x200;
	s15 =	simm.s32 @!p0 $0x400;
	s0 =	simm.s32 @!p0 $0x80;
	[tilespmem:$0x270] =	vst @!p0 v10  }
0x153: {  	[tilespmem:s15], [sflag:$0x5] =	stream.indirect.gather @!p0 [hbm4b:s7+s0], $0x80, s9, s0, $0xb8;
	[tilespmem:$0x18400] =	vst v63  }
0x154: {  	s0 =	rddreg [dreg:$0xb]  }
0x155: {  	s0 =	sadd.s32 s20, s0  }
0x156: {  	s9 =	sshll.u32 s0, $0xA  }
0x157: {  	s15 =	sshll.u32 s0, $0x7;
	s0 =	sand.u32 $0x380, s0;
	s9 =	sand.u32 $0x1F000, s9  }
0x158: {  	s15 =	sand.u32 $0x7FFE0000, s15;
	s0 =	sor.u32 s0, s9  }
0x159: {  	s0 =	sor.u32 s15, s0  }
0x15a: {  	s0 =	sshrl.u32 s0, $0x3  }
0x15b: {  	s0 =	sadd.s32 s3, s0  }
0x15c: {  	[tilespmem:s5], [sflag:$0x1] =	stream.linear.gather [hbm4b:s0+s5], $0x80, $0x38;
	[tilespmem:$0x18400] =	vst v63  }
.Ltmp2:
0x15d: {  	_ = 	snop;
	(pc) =	sbr.rel @!p1 .LBB2_7-.Ltmp2, $4  }
.Ltmp3:
0x15e: {  	_ = 	snop;
	(pc) =	sbr.rel @p1 .LBB2_8-.Ltmp3, $4  }
0x15f: {  	_ =	swait.ge [sflag:s8], $0x4000  }
0x160: {  	[sflag:s8] =	ssyncset.done $0x0  }
0x161: {  	[sflag:s8] =	ssyncadd.s32 $0xFFFFC000  }
0x162: {  	_ = 	snop  }
.LBB2_5:
0x163: {  	_ =	swait.ge [sflag:s8], $0x4000  }
0x164: {  	[sflag:s8] =	ssyncset.done $0x0  }
0x165: {  	[sflag:s8] =	ssyncadd.s32 $0xFFFFC000  }
.LBB2_7:
0x166: {  	_ =	swait.ge [sflag:s6], $0x2000  }
0x167: {  	[sflag:s6] =	ssyncset.done $0x0  }
0x168: {  	[sflag:s6] =	ssyncadd.s32 $0xFFFFE000  }
.LBB2_8:
0x169: {  	s0 =	simm.s32 $0x0;
	s17 =	simm.s32 $0x1;
	s9 =	simm.s32 $0x2  }
0x16a: {  	s15 =	simm.s32 $0x7;
	s16 =	simm.s32 $0x3;
	v8 =	vmov s0;
	v10 =	vmov s17;
	v11 =	vmov s9  }
0x16b: {  	s17 =	simm.s32 $0x4;
	v12 =	vmov s15;
	v13 =	vmov s16;
	v8 =	vand.u32 $0x78, v8  }
0x16c: {  	s16 =	simm.s32 $0x5;
	v16 =	vmov s17;
	v12 =	vand.u32 $0x7F, v12;
	v8 =	vbroadcast v8, $0x0  }
0x16d: {  	v17 =	vmov s16;
	v10 =	vand.u32 $0x79, v10;
	v12 =	vbroadcast v12, $0x0  }
0x16e: {  	v15 =	vbroadcast v10, $0x0;
	v10 =	vand.u32 $0x7A, v11;
	v9 =	vor.u32 v0, v8  }
0x16f: {  	v14 =	vbroadcast v10, $0x0;
	v10 =	vand.u32 $0x7B, v13;
	v19 =	vor.u32 v0, v12  }
0x170: {  	v20 =	vor.u32 v0, v15;
	v13 =	vbroadcast v10, $0x0;
	v10 =	vand.u32 $0x7C, v16  }
0x171: {  	s17 =	simm.s32 $0x6;
	v16 =	vor.u32 v0, v14;
	v11 =	vbroadcast v10, $0x0;
	v10 =	vand.u32 $0x7D, v17  }
0x172: {  	v18 =	vmov s17;
	v17 =	vor.u32 v0, v13;
	v10 =	vbroadcast v10, $0x0  }
0x173: {  	v18 =	vand.u32 $0x7E, v18;
	v22 =	vor.u32 v0, v11;
	v21 =	vld.idx.msk [tilespmem:v9+s28+$0x0], $0xffff  }
0x174: {  	v9 =	vbroadcast v18, $0x0;
	v18 =	vor.u32 v0, v10;
	v19 =	vld.idx.msk [tilespmem:v19+s28+$0x0], $0xffff  }
0x175: {  	v24 =	vor.u32 v1, v12;
	v20 =	vld.idx.msk [tilespmem:v20+s28+$0x0], $0xffff  }
0x176: {  	v25 =	vor.u32 v1, v15;
	v16 =	vld.idx.msk [tilespmem:v16+s28+$0x0], $0xffff  }
0x177: {  	v23 =	vor.u32 v0, v9;
	v17 =	vld.idx.msk [tilespmem:v17+s28+$0x0], $0xffff  }
0x178: {  	s16 =	simm.s32 $0x127F0;
	v26 =	vor.u32 v1, v14;
	v22 =	vld.idx.msk [tilespmem:v22+s28+$0x0], $0xffff  }
0x179: {  	v27 =	vor.u32 v1, v13;
	v18 =	vld.idx.msk [tilespmem:v18+s28+$0x0], $0xffff;
	[tilespmem:s16+$0xFFFFFF90] =	vst v19  }
0x17a: {  	v28 =	vor.u32 v1, v11;
	[tilespmem:s16+$0xFFFFFC90] =	vst v20;
	v20 =	vld.idx.msk [tilespmem:v24+s28+$0x0], $0xffff  }
0x17b: {  	v19 =	vor.u32 v1, v10;
	v24 =	vld.idx.msk [tilespmem:v25+s28+$0x0], $0xffff;
	[tilespmem:s16+$0xFFFFFD10] =	vst v16  }
0x17c: {  	v23 =	vld.idx.msk [tilespmem:v23+s28+$0x0], $0xffff;
	[tilespmem:s16+$0xFFFFFD90] =	vst v17;
	v17 =	vor.u32 v2, v12  }
0x17d: {  	[tilespmem:s16+$0xFFFFFC10] =	vst v21;
	v25 =	vld.idx.msk [tilespmem:v26+s28+$0x0], $0xffff;
	v26 =	vor.u32 v1, v8  }
0x17e: {  	v16 =	vor.u32 v1, v9;
	v27 =	vld.idx.msk [tilespmem:v27+s28+$0x0], $0xffff;
	[tilespmem:s16+$0xFFFFFE10] =	vst v22  }
0x17f: {  	v22 =	vor.u32 v2, v15;
	v28 =	vld.idx.msk [tilespmem:v28+s28+$0x0], $0xffff;
	[tilespmem:s16+$0xFFFFFE90] =	vst v18  }
0x180: {  	v18 =	vor.u32 v2, v14;
	v19 =	vld.idx.msk [tilespmem:v19+s28+$0x0], $0xffff;
	[tilespmem:s16+$0xFFFFFFA0] =	vst v20  }
0x181: {  	v20 =	vor.u32 v2, v11;
	[tilespmem:s16+$0xFFFFFCA0] =	vst v24;
	v17 =	vld.idx.msk [tilespmem:v17+s28+$0x0], $0xffff  }
0x182: {  	[tilespmem:s16+$0xFFFFFF10] =	vst v23;
	v23 =	vor.u32 v2, v13;
	v21 =	vld.idx.msk [tilespmem:v26+s28+$0x0], $0xffff  }
0x183: {  	v24 =	vor.u32 v2, v10;
	[tilespmem:s16+$0xFFFFFD20] =	vst v25;
	v16 =	vld.idx.msk [tilespmem:v16+s28+$0x0], $0xffff  }
0x184: {  	v25 =	vor.u32 v3, v12;
	v22 =	vld.idx.msk [tilespmem:v22+s28+$0x0], $0xffff;
	[tilespmem:s16+$0xFFFFFDA0] =	vst v27  }
0x185: {  	v26 =	vor.u32 v2, v9;
	[tilespmem:s16+$0xFFFFFE20] =	vst v28;
	v18 =	vld.idx.msk [tilespmem:v18+s28+$0x0], $0xffff  }
0x186: {  	v27 =	vor.u32 v2, v8;
	v20 =	vld.idx.msk [tilespmem:v20+s28+$0x0], $0xffff;
	[tilespmem:s16+$0xFFFFFEA0] =	vst v19  }
0x187: {  	v28 =	vor.u32 v3, v15;
	v23 =	vld.idx.msk [tilespmem:v23+s28+$0x0], $0xffff;
	[tilespmem:s16+$0xFFFFFFB0] =	vst v17  }
0x188: {  	v19 =	vor.u32 v3, v14;
	v24 =	vld.idx.msk [tilespmem:v24+s28+$0x0], $0xffff;
	[tilespmem:s16+$0xFFFFFC20] =	vst v21  }
0x189: {  	v21 =	vor.u32 v3, v11;
	[tilespmem:s16+$0xFFFFFF20] =	vst v16;
	v16 =	vld.idx.msk [tilespmem:v25+s28+$0x0], $0xffff  }
0x18a: {  	v17 =	vor.u32 v3, v13;
	[tilespmem:s16+$0xFFFFFCB0] =	vst v22;
	v25 =	vld.idx.msk [tilespmem:v26+s28+$0x0], $0xffff  }
0x18b: {  	v22 =	vor.u32 v4, v12;
	v26 =	vld.idx.msk [tilespmem:v27+s28+$0x0], $0xffff;
	[tilespmem:s16+$0xFFFFFD30] =	vst v18  }
0x18c: {  	v27 =	vld.idx.msk [tilespmem:v28+s28+$0x0], $0xffff;
	v18 =	vor.u32 v3, v10;
	[tilespmem:s16+$0xFFFFFE30] =	vst v20  }
0x18d: {  	v28 =	vor.u32 v3, v8;
	v19 =	vld.idx.msk [tilespmem:v19+s28+$0x0], $0xffff;
	[tilespmem:s16+$0xFFFFFDB0] =	vst v23  }
0x18e: {  	v20 =	vor.u32 v4, v15;
	v21 =	vld.idx.msk [tilespmem:v21+s28+$0x0], $0xffff;
	[tilespmem:s16+$0xFFFFFEB0] =	vst v24  }
0x18f: {  	v23 =	vor.u32 v3, v9;
	v17 =	vld.idx.msk [tilespmem:v17+s28+$0x0], $0xffff;
	[tilespmem:s16+$0xFFFFFFC0] =	vst v16  }
0x190: {  	v16 =	vor.u32 v4, v14;
	v22 =	vld.idx.msk [tilespmem:v22+s28+$0x0], $0xffff;
	[tilespmem:s16+$0xFFFFFF30] =	vst v25  }
0x191: {  	v24 =	vor.u32 v4, v13;
	[tilespmem:s16+$0xFFFFFC30] =	vst v26;
	v18 =	vld.idx.msk [tilespmem:v18+s28+$0x0], $0xffff  }
0x192: {  	[tilespmem:s16+$0xFFFFFCC0] =	vst v27;
	v27 =	vor.u32 v4, v11;
	v26 =	vld.idx.msk [tilespmem:v28+s28+$0x0], $0xffff  }
0x193: {  	v25 =	vor.u32 v5, v12;
	v20 =	vld.idx.msk [tilespmem:v20+s28+$0x0], $0xffff;
	[tilespmem:s16+$0xFFFFFD40] =	vst v19  }
0x194: {  	v19 =	vor.u32 v4, v10;
	v23 =	vld.idx.msk [tilespmem:v23+s28+$0x0], $0xffff;
	[tilespmem:s16+$0xFFFFFE40] =	vst v21  }
0x195: {  	v28 =	vor.u32 v4, v8;
	v16 =	vld.idx.msk [tilespmem:v16+s28+$0x0], $0xffff;
	[tilespmem:s16+$0xFFFFFDC0] =	vst v17  }
0x196: {  	v17 =	vor.u32 v4, v9;
	v24 =	vld.idx.msk [tilespmem:v24+s28+$0x0], $0xffff;
	[tilespmem:s16+$0xFFFFFFD0] =	vst v22  }
0x197: {  	v22 =	vor.u32 v5, v15;
	v27 =	vld.idx.msk [tilespmem:v27+s28+$0x0], $0xffff;
	[tilespmem:s16+$0xFFFFFEC0] =	vst v18  }
0x198: {  	v21 =	vld.idx.msk [tilespmem:v25+s28+$0x0], $0xffff;
	v25 =	vor.u32 v5, v14;
	[tilespmem:s16+$0xFFFFFC40] =	vst v26  }
0x199: {  	v18 =	vld.idx.msk [tilespmem:v19+s28+$0x0], $0xffff;
	v19 =	vor.u32 v6, v12;
	[tilespmem:s16+$0xFFFFFCD0] =	vst v20  }
0x19a: {  	v26 =	vld.idx.msk [tilespmem:v28+s28+$0x0], $0xffff;
	v20 =	vor.u32 v5, v11;
	[tilespmem:s16+$0xFFFFFF40] =	vst v23  }
0x19b: {  	v23 =	vor.u32 v5, v13;
	v17 =	vld.idx.msk [tilespmem:v17+s28+$0x0], $0xffff  }
0x19c: {  	[tilespmem:s16+$0xFFFFFD50] =	vst v16;
	v16 =	vor.u32 v5, v10;
	v22 =	vld.idx.msk [tilespmem:v22+s28+$0x0], $0xffff  }
0x19d: {  	v28 =	vor.u32 v5, v9;
	v25 =	vld.idx.msk [tilespmem:v25+s28+$0x0], $0xffff;
	[tilespmem:s16+$0xFFFFFFE0] =	vst v21  }
0x19e: {  	[tilespmem:s16+$0xFFFFFE50] =	vst v27;
	v21 =	vor.u32 v5, v8;
	v19 =	vld.idx.msk [tilespmem:v19+s28+$0x0], $0xffff  }
0x19f: {  	[tilespmem:s16+$0xFFFFFDD0] =	vst v24;
	v24 =	vor.u32 v6, v15;
	v27 =	vld.idx.msk [tilespmem:v20+s28+$0x0], $0xffff  }
0x1a0: {  	v12 =	vor.u32 v7, v12;
	[tilespmem:s16+$0xFFFFFED0] =	vst v18;
	v23 =	vld.idx.msk [tilespmem:v23+s28+$0x0], $0xffff  }
0x1a1: {  	v18 =	vor.u32 v6, v14;
	v29 =	vld.idx.msk [tilespmem:v16+s28+$0x0], $0xffff;
	[tilespmem:s16+$0xFFFFFF50] =	vst v17  }
0x1a2: {  	s17 =	simm.s32 $0x8;
	[tilespmem:s16+$0xFFFFFC50] =	vst v26;
	v16 =	vor.u32 v6, v13;
	v30 =	vld.idx.msk [tilespmem:v28+s28+$0x0], $0xffff  }
0x1a3: {  	v20 =	vmov s17;
	[tilespmem:s16+$0xFFFFFCE0] =	vst v22;
	v31 =	vld.idx.msk [tilespmem:v21+s28+$0x0], $0xffff;
	v21 =	vor.u32 v6, v11  }
0x1a4: {  	v22 =	vor.u32 v6, v10;
	v17 =	vld.idx.msk [tilespmem:v24+s28+$0x0], $0xffff;
	[tilespmem:s16+$0xFFFFFFF0] =	vst v19;
	v19 =	vand.u32 $0x78, v20  }
0x1a5: {  	v32 =	vor.u32 v6, v9;
	[tilespmem:s16+$0xFFFFFD60] =	vst v25;
	v26 =	vld.idx.msk [tilespmem:v12+s28+$0x0], $0xffff;
	v12 =	vbroadcast v19, $0x0  }
0x1a6: {  	v28 =	vor.u32 v6, v8;
	v20 =	vld.idx.msk [tilespmem:v18+s28+$0x0], $0xffff;
	[tilespmem:s16+$0xFFFFFDE0] =	vst v23  }
0x1a7: {  	[tilespmem:s16+$0xFFFFFE60] =	vst v27;
	v18 =	vld.idx.msk [tilespmem:v16+s28+$0x0], $0xffff;
	v16 =	vor.u32 v0, v12  }
0x1a8: {  	s0 =	simm.s32 $0x9;
	s9 =	simm.s32 $0xA;
	v24 =	vor.u32 v7, v15;
	[tilespmem:s16+$0xFFFFFEE0] =	vst v29;
	v19 =	vld.idx.msk [tilespmem:v21+s28+$0x0], $0xffff  }
0x1a9: {  	s30 =	simm.s32 $0xF;
	v14 =	vor.u32 v7, v14;
	v15 =	vmov s0;
	v25 =	vmov s9;
	s0 =	simm.s32 $0xB;
	s9 =	simm.s32 $0xC;
	[tilespmem:s16+$0xFFFFFF60] =	vst v30;
	v21 =	vld.idx.msk [tilespmem:v22+s28+$0x0], $0xffff  }
0x1aa: {  	s15 =	sor.u32 $0x1, s20;
	v13 =	vor.u32 v7, v13;
	v27 =	vmov s0;
	s0 =	simm.s32 $0x10;
	v22 =	vmov s9;
	s9 =	simm.s32 $0xD;
	[tilespmem:s16+$0xFFFFFC60] =	vst v31;
	v23 =	vld.idx.msk [tilespmem:v32+s28+$0x0], $0xffff  }
.LBB2_9:
0x1ab: {  	p3 =	slt.u32 s0, $0x38;
	v29 =	vmov s9;
	s9 =	sadd.s32 $0x6, s17;
	v30 =	vmov s30;
	v28 =	vld.idx.msk [tilespmem:v28+s28+$0x0], $0xffff;
	v11 =	vor.u32 v7, v11;
	[tilespmem:s16+$0x0] =	vst v26;
	s17 =	smov.u32 s0  }
0x1ac: {  	v10 =	vor.u32 v7, v10;
	v26 =	vld.idx.msk [tilespmem:v16+s28+$0x0], $0xffff;
	v31 =	vmov s9;
	v16 =	vand.u32 $0x7F, v30;
	[tilespmem:s16+$0xFFFFFCF0] =	vst v17  }
0x1ad: {  	v15 =	vand.u32 $0x79, v15;
	v9 =	vor.u32 v7, v9;
	v16 =	vbroadcast v16, $0x0;
	v17 =	vld.idx.msk [tilespmem:v24+s28+$0x0], $0xffff;
	[tilespmem:s16+$0xFFFFFD70] =	vst v20  }
0x1ae: {  	v15 =	vbroadcast v15, $0x0;
	v20 =	vand.u32 $0x7A, v25;
	v24 =	vor.u32 v7, v8;
	v8 =	vmovc v12;
	v25 =	vld.idx.msk [tilespmem:v14+s28+$0x0], $0xffff;
	[tilespmem:s16+$0xFFFFFDF0] =	vst v18  }
0x1af: {  	v12 =	vand.u32 $0x7B, v27;
	v14 =	vbroadcast v20, $0x0;
	v18 =	vor.u32 v0, v16;
	v20 =	vld.idx.msk [tilespmem:v13+s28+$0x0], $0xffff;
	[tilespmem:s16+$0xFFFFFE70] =	vst v19  }
0x1b0: {  	v19 =	vor.u32 v0, v15;
	v13 =	vbroadcast v12, $0x0;
	v12 =	vand.u32 $0x7C, v22;
	v22 =	vld.idx.msk [tilespmem:v11+s28+$0x0], $0xffff;
	[tilespmem:s16+$0xFFFFFEF0] =	vst v21  }
0x1b1: {  	v21 =	vor.u32 v0, v14;
	v11 =	vbroadcast v12, $0x0;
	v12 =	vand.u32 $0x7D, v29;
	v27 =	vld.idx.msk [tilespmem:v10+s28+$0x0], $0xffff;
	[tilespmem:s16+$0xFFFFFF70] =	vst v23  }
0x1b2: {  	v23 =	vor.u32 v0, v13;
	v10 =	vbroadcast v12, $0x0;
	v12 =	vand.u32 $0x7E, v31;
	[tilespmem:s16+$0xFFFFFC70] =	vst v28;
	v28 =	vld.idx.msk [tilespmem:v9+s28+$0x0], $0xffff  }
0x1b3: {  	v29 =	vor.u32 v0, v11;
	v9 =	vbroadcast v12, $0x0;
	v12 =	vld.idx.msk [tilespmem:v24+s28+$0x0], $0xffff;
	[tilespmem:s16+$0xFFFFFD00] =	vst v17  }
0x1b4: {  	v17 =	vor.u32 v0, v10;
	v18 =	vld.idx.msk [tilespmem:v18+s28+$0x0], $0xffff;
	[tilespmem:s16+$0xFFFFFD80] =	vst v25  }
0x1b5: {  	v24 =	vor.u32 v0, v9;
	v19 =	vld.idx.msk [tilespmem:v19+s28+$0x0], $0xffff;
	[tilespmem:s16+$0xFFFFFE00] =	vst v20  }
0x1b6: {  	v20 =	vld.idx.msk [tilespmem:v21+s28+$0x0], $0xffff;
	v21 =	vor.u32 v1, v16;
	[tilespmem:s16+$0xFFFFFE80] =	vst v22  }
0x1b7: {  	v22 =	vor.u32 v1, v15;
	v23 =	vld.idx.msk [tilespmem:v23+s28+$0x0], $0xffff;
	[tilespmem:s16+$0xFFFFFF00] =	vst v27  }
0x1b8: {  	v25 =	vor.u32 v1, v14;
	v27 =	vld.idx.msk [tilespmem:v29+s28+$0x0], $0xffff;
	[tilespmem:s16+$0xFFFFFF80] =	vst v28  }
0x1b9: {  	v28 =	vor.u32 v1, v13;
	v17 =	vld.idx.msk [tilespmem:v17+s28+$0x0], $0xffff;
	[tilespmem:s16+$0xFFFFFC80] =	vst v12;
	s16 =	sadd.s32 $0x400, s16  }
0x1ba: {  	v12 =	vor.u32 v1, v11;
	v24 =	vld.idx.msk [tilespmem:v24+s28+$0x0], $0xffff;
	[tilespmem:s16+$0xFFFFFF90] =	vst v18  }
0x1bb: {  	v18 =	vor.u32 v1, v10;
	[tilespmem:s16+$0xFFFFFC90] =	vst v19;
	v19 =	vld.idx.msk [tilespmem:v21+s28+$0x0], $0xffff  }
0x1bc: {  	v21 =	vld.idx.msk [tilespmem:v22+s28+$0x0], $0xffff;
	[tilespmem:s16+$0xFFFFFD10] =	vst v20;
	v20 =	vor.u32 v1, v9  }
0x1bd: {  	v22 =	vld.idx.msk [tilespmem:v25+s28+$0x0], $0xffff;
	[tilespmem:s16+$0xFFFFFD90] =	vst v23;
	v23 =	vor.u32 v2, v16  }
0x1be: {  	v25 =	vor.u32 v1, v8;
	v28 =	vld.idx.msk [tilespmem:v28+s28+$0x0], $0xffff;
	[tilespmem:s16+$0xFFFFFE10] =	vst v27  }
0x1bf: {  	v27 =	vor.u32 v2, v15;
	v12 =	vld.idx.msk [tilespmem:v12+s28+$0x0], $0xffff;
	[tilespmem:s16+$0xFFFFFE90] =	vst v17  }
0x1c0: {  	v17 =	vor.u32 v2, v14;
	v18 =	vld.idx.msk [tilespmem:v18+s28+$0x0], $0xffff;
	[tilespmem:s16+$0xFFFFFF10] =	vst v24  }
0x1c1: {  	v24 =	vor.u32 v2, v13;
	v20 =	vld.idx.msk [tilespmem:v20+s28+$0x0], $0xffff;
	[tilespmem:s16+$0xFFFFFFA0] =	vst v19  }
0x1c2: {  	v19 =	vor.u32 v2, v11;
	[tilespmem:s16+$0xFFFFFC10] =	vst v26;
	v23 =	vld.idx.msk [tilespmem:v23+s28+$0x0], $0xffff  }
0x1c3: {  	v25 =	vld.idx.msk [tilespmem:v25+s28+$0x0], $0xffff;
	[tilespmem:s16+$0xFFFFFCA0] =	vst v21;
	v21 =	vor.u32 v2, v10  }
0x1c4: {  	v26 =	vld.idx.msk [tilespmem:v27+s28+$0x0], $0xffff;
	[tilespmem:s16+$0xFFFFFD20] =	vst v22;
	v22 =	vor.u32 v3, v16  }
0x1c5: {  	v27 =	vor.u32 v2, v9;
	v17 =	vld.idx.msk [tilespmem:v17+s28+$0x0], $0xffff;
	[tilespmem:s16+$0xFFFFFDA0] =	vst v28  }
0x1c6: {  	v28 =	vor.u32 v2, v8;
	v24 =	vld.idx.msk [tilespmem:v24+s28+$0x0], $0xffff;
	[tilespmem:s16+$0xFFFFFE20] =	vst v12  }
0x1c7: {  	v12 =	vor.u32 v3, v15;
	v19 =	vld.idx.msk [tilespmem:v19+s28+$0x0], $0xffff;
	[tilespmem:s16+$0xFFFFFEA0] =	vst v18  }
0x1c8: {  	v18 =	vor.u32 v3, v14;
	v21 =	vld.idx.msk [tilespmem:v21+s28+$0x0], $0xffff;
	[tilespmem:s16+$0xFFFFFFB0] =	vst v23  }
0x1c9: {  	v23 =	vor.u32 v3, v13;
	[tilespmem:s16+$0xFFFFFF20] =	vst v20;
	v20 =	vld.idx.msk [tilespmem:v22+s28+$0x0], $0xffff  }
0x1ca: {  	v22 =	vor.u32 v3, v11;
	[tilespmem:s16+$0xFFFFFC20] =	vst v25;
	v25 =	vld.idx.msk [tilespmem:v27+s28+$0x0], $0xffff  }
0x1cb: {  	v27 =	vld.idx.msk [tilespmem:v28+s28+$0x0], $0xffff;
	[tilespmem:s16+$0xFFFFFCB0] =	vst v26;
	v26 =	vor.u32 v4, v16  }
0x1cc: {  	v12 =	vld.idx.msk [tilespmem:v12+s28+$0x0], $0xffff;
	[tilespmem:s16+$0xFFFFFD30] =	vst v17;
	v17 =	vor.u32 v3, v10  }
0x1cd: {  	v18 =	vld.idx.msk [tilespmem:v18+s28+$0x0], $0xffff;
	[tilespmem:s16+$0xFFFFFDB0] =	vst v24;
	v24 =	vor.u32 v3, v9  }
0x1ce: {  	v28 =	vor.u32 v3, v8;
	v23 =	vld.idx.msk [tilespmem:v23+s28+$0x0], $0xffff;
	[tilespmem:s16+$0xFFFFFE30] =	vst v19  }
0x1cf: {  	v19 =	vor.u32 v4, v15;
	v22 =	vld.idx.msk [tilespmem:v22+s28+$0x0], $0xffff;
	[tilespmem:s16+$0xFFFFFFC0] =	vst v20  }
0x1d0: {  	v20 =	vor.u32 v4, v14;
	[tilespmem:s16+$0xFFFFFEB0] =	vst v21;
	v21 =	vld.idx.msk [tilespmem:v26+s28+$0x0], $0xffff  }
0x1d1: {  	v26 =	vor.u32 v4, v13;
	v17 =	vld.idx.msk [tilespmem:v17+s28+$0x0], $0xffff;
	[tilespmem:s16+$0xFFFFFF30] =	vst v25  }
0x1d2: {  	v25 =	vor.u32 v5, v16;
	[tilespmem:s16+$0xFFFFFC30] =	vst v27;
	v24 =	vld.idx.msk [tilespmem:v24+s28+$0x0], $0xffff  }
0x1d3: {  	v27 =	vld.idx.msk [tilespmem:v28+s28+$0x0], $0xffff;
	[tilespmem:s16+$0xFFFFFCC0] =	vst v12;
	v12 =	vor.u32 v4, v11  }
0x1d4: {  	v19 =	vld.idx.msk [tilespmem:v19+s28+$0x0], $0xffff;
	[tilespmem:s16+$0xFFFFFD40] =	vst v18;
	v18 =	vor.u32 v4, v10  }
0x1d5: {  	v20 =	vld.idx.msk [tilespmem:v20+s28+$0x0], $0xffff;
	[tilespmem:s16+$0xFFFFFDC0] =	vst v23;
	v23 =	vor.u32 v4, v9  }
0x1d6: {  	v28 =	vor.u32 v4, v8;
	v26 =	vld.idx.msk [tilespmem:v26+s28+$0x0], $0xffff;
	[tilespmem:s16+$0xFFFFFFD0] =	vst v21  }
0x1d7: {  	v21 =	vor.u32 v5, v15;
	[tilespmem:s16+$0xFFFFFE40] =	vst v22;
	v22 =	vld.idx.msk [tilespmem:v25+s28+$0x0], $0xffff  }
0x1d8: {  	v25 =	vor.u32 v5, v14;
	v12 =	vld.idx.msk [tilespmem:v12+s28+$0x0], $0xffff;
	[tilespmem:s16+$0xFFFFFEC0] =	vst v17  }
0x1d9: {  	v17 =	vld.idx.msk [tilespmem:v18+s28+$0x0], $0xffff;
	[tilespmem:s16+$0xFFFFFF40] =	vst v24;
	v18 =	vor.u32 v6, v16  }
0x1da: {  	v24 =	vor.u32 v5, v13;
	[tilespmem:s16+$0xFFFFFC40] =	vst v27;
	v23 =	vld.idx.msk [tilespmem:v23+s28+$0x0], $0xffff  }
0x1db: {  	v27 =	vld.idx.msk [tilespmem:v28+s28+$0x0], $0xffff;
	[tilespmem:s16+$0xFFFFFCD0] =	vst v19;
	v19 =	vor.u32 v5, v11  }
0x1dc: {  	v21 =	vld.idx.msk [tilespmem:v21+s28+$0x0], $0xffff;
	[tilespmem:s16+$0xFFFFFD50] =	vst v20;
	v20 =	vor.u32 v5, v10  }
0x1dd: {  	v28 =	vor.u32 v5, v9;
	v25 =	vld.idx.msk [tilespmem:v25+s28+$0x0], $0xffff;
	[tilespmem:s16+$0xFFFFFFE0] =	vst v22  }
0x1de: {  	v22 =	vor.u32 v5, v8;
	[tilespmem:s16+$0xFFFFFDD0] =	vst v26;
	v18 =	vld.idx.msk [tilespmem:v18+s28+$0x0], $0xffff  }
0x1df: {  	v26 =	vor.u32 v6, v15;
	v24 =	vld.idx.msk [tilespmem:v24+s28+$0x0], $0xffff;
	[tilespmem:s16+$0xFFFFFE50] =	vst v12  }
0x1e0: {  	v16 =	vor.u32 v7, v16;
	v19 =	vld.idx.msk [tilespmem:v19+s28+$0x0], $0xffff;
	[tilespmem:s16+$0xFFFFFED0] =	vst v17  }
0x1e1: {  	v29 =	vor.u32 v6, v14;
	v30 =	vld.idx.msk [tilespmem:v20+s28+$0x0], $0xffff;
	[tilespmem:s16+$0xFFFFFF50] =	vst v23  }
0x1e2: {  	v23 =	vor.u32 v6, v13;
	[tilespmem:s16+$0xFFFFFC50] =	vst v27;
	v27 =	vld.idx.msk [tilespmem:v28+s28+$0x0], $0xffff  }
0x1e3: {  	v12 =	vmov s0;
	v31 =	vld.idx.msk [tilespmem:v22+s28+$0x0], $0xffff;
	[tilespmem:s16+$0xFFFFFCE0] =	vst v21;
	v21 =	vor.u32 v6, v11  }
0x1e4: {  	v12 =	vand.u32 $0x78, v12;
	v22 =	vor.u32 v6, v10;
	v17 =	vld.idx.msk [tilespmem:v26+s28+$0x0], $0xffff;
	[tilespmem:s16+$0xFFFFFFF0] =	vst v18  }
0x1e5: {  	v32 =	vor.u32 v6, v9;
	v12 =	vbroadcast v12, $0x0;
	[tilespmem:s16+$0xFFFFFD60] =	vst v25;
	v26 =	vld.idx.msk [tilespmem:v16+s28+$0x0], $0xffff  }
.Ltmp4:
0x1e6: {  	v28 =	vor.u32 v6, v8;
	v20 =	vld.idx.msk [tilespmem:v29+s28+$0x0], $0xffff;
	[tilespmem:s16+$0xFFFFFDE0] =	vst v24;
	(pc) =	sbr.rel @p3 .LBB2_9-.Ltmp4, $4  }
0x1e7: {  	v16 =	vor.u32 v0, v12;
	v18 =	vld.idx.msk [tilespmem:v23+s28+$0x0], $0xffff;
	[tilespmem:s16+$0xFFFFFE60] =	vst v19  }
0x1e8: {  	s30 =	sadd.s32 $0x2, s0;
	s9 =	sadd.s32 $0x1, s0;
	v24 =	vor.u32 v7, v15;
	v19 =	vld.idx.msk [tilespmem:v21+s28+$0x0], $0xffff;
	[tilespmem:s16+$0xFFFFFEE0] =	vst v30  }
0x1e9: {  	v14 =	vor.u32 v7, v14;
	v25 =	vmov s30;
	s30 =	sadd.s32 $0x4, s0;
	v15 =	vmov s9;
	s9 =	sadd.s32 $0x3, s0;
	v21 =	vld.idx.msk [tilespmem:v22+s28+$0x0], $0xffff;
	[tilespmem:s16+$0xFFFFFF60] =	vst v27  }
0x1ea: {  	v13 =	vor.u32 v7, v13;
	s0 =	sadd.s32 $0x8, s0;
	v27 =	vmov s9;
	v22 =	vmov s30;
	s9 =	sadd.s32 $0x5, s17;
	s30 =	sadd.s32 $0x7, s17;
	[tilespmem:s16+$0xFFFFFC60] =	vst v31;
	v23 =	vld.idx.msk [tilespmem:v32+s28+$0x0], $0xffff  }
0x1eb: {  	_ =	sdelay $0x1  }
0x1ec: {  	[tilespmem:s16+$0x0] =	vst v26  }
0x1ed: {  	[tilespmem:s16+$0xFFFFFCF0] =	vst v17  }
0x1ee: {  	v11 =	vor.u32 v7, v11;
	v47 =	vld.idx.msk [tilespmem:v28+s28+$0x0], $0xffff;
	[tilespmem:s16+$0xFFFFFD70] =	vst v20  }
0x1ef: {  	v46 =	vmov s9;
	v29 =	vmov s30;
	v30 =	vor.u32 v7, v10;
	v16 =	vld.idx.msk [tilespmem:v16+s28+$0x0], $0xffff;
	[tilespmem:s16+$0xFFFFFDF0] =	vst v18  }
0x1f0: {  	v49 =	vand.u32 $0x79, v15;
	v51 =	vor.u32 v7, v9;
	v52 =	vand.u32 $0x7A, v25;
	v50 =	vld.idx.msk [tilespmem:v24+s28+$0x0], $0xffff;
	[tilespmem:s16+$0xFFFFFE70] =	vst v19  }
0x1f1: {  	v53 =	vor.u32 v7, v8;
	v29 =	vand.u32 $0x7F, v29;
	v9 =	vbroadcast v49, $0x0;
	v54 =	vld.idx.msk [tilespmem:v14+s28+$0x0], $0xffff;
	[tilespmem:s16+$0xFFFFFEF0] =	vst v21  }
0x1f2: {  	v8 =	vbroadcast v52, $0x0;
	v62 =	vand.u32 $0x7D, v46;
	v46 =	vor.u32 v1, v12;
	v57 =	vld.idx.msk [tilespmem:v13+s28+$0x0], $0xffff;
	[tilespmem:s16+$0xFFFFFF70] =	vst v23  }
0x1f3: {  	s0 =	sadd.s32 $0x6, s17;
	v55 =	vand.u32 $0x7B, v27;
	s30 =	sadd.s32 $0x400, s16;
	v15 =	vbroadcast v29, $0x0;
	v58 =	vor.u32 v0, v9;
	v60 =	vld.idx.msk [tilespmem:v11+s28+$0x0], $0xffff;
	[tilespmem:s16+$0xFFFFFC70] =	vst v47  }
0x1f4: {  	v48 =	vmov s0;
	v13 =	vbroadcast v62, $0x0;
	v61 =	vor.u32 v0, v8;
	v63 =	vld.idx.msk [tilespmem:v30+s28+$0x0], $0xffff;
	[tilespmem:s30+$0xFFFFFC10] =	vst v16  }
0x1f5: {  	v10 =	vbroadcast v55, $0x0;
	v31 =	vand.u32 $0x7E, v48;
	v56 =	vor.u32 v0, v15;
	v24 =	vld.idx.msk [tilespmem:v51+s28+$0x0], $0xffff;
	[tilespmem:s16+$0xFFFFFD00] =	vst v50  }
0x1f6: {  	v59 =	vand.u32 $0x7C, v22;
	v14 =	vbroadcast v31, $0x0;
	v33 =	vor.u32 v0, v13;
	v18 =	vld.idx.msk [tilespmem:v53+s28+$0x0], $0xffff;
	[tilespmem:s16+$0xFFFFFD80] =	vst v54  }
0x1f7: {  	v11 =	vbroadcast v59, $0x0;
	v30 =	vor.u32 v0, v10;
	v52 =	vld.idx.msk [tilespmem:v46+s28+$0x0], $0xffff;
	[tilespmem:s16+$0xFFFFFE00] =	vst v57  }
0x1f8: {  	v34 =	vor.u32 v0, v14;
	v21 =	vld.idx.msk [tilespmem:v58+s28+$0x0], $0xffff;
	[tilespmem:s16+$0xFFFFFE80] =	vst v60  }
0x1f9: {  	v32 =	vor.u32 v0, v11;
	v35 =	vld.idx.msk [tilespmem:v61+s28+$0x0], $0xffff;
	[tilespmem:s16+$0xFFFFFF00] =	vst v63  }
0x1fa: {  	v37 =	vor.u32 v1, v9;
	v19 =	vld.idx.msk [tilespmem:v56+s28+$0x0], $0xffff;
	[tilespmem:s16+$0xFFFFFF80] =	vst v24  }
0x1fb: {  	v38 =	vor.u32 v1, v8;
	v25 =	vld.idx.msk [tilespmem:v33+s28+$0x0], $0xffff;
	[tilespmem:s16+$0xFFFFFC80] =	vst v18  }
0x1fc: {  	v36 =	vor.u32 v1, v15;
	v17 =	vld.idx.msk [tilespmem:v30+s28+$0x0], $0xffff;
	[tilespmem:s30+$0xFFFFFC20] =	vst v52  }
0x1fd: {  	v42 =	vor.u32 v1, v13;
	v40 =	vld.idx.msk [tilespmem:v34+s28+$0x0], $0xffff;
	[tilespmem:s30+$0xFFFFFC90] =	vst v21  }
0x1fe: {  	v39 =	vor.u32 v1, v10;
	v20 =	vld.idx.msk [tilespmem:v32+s28+$0x0], $0xffff;
	[tilespmem:s30+$0xFFFFFD10] =	vst v35  }
0x1ff: {  	v45 =	vor.u32 v1, v14;
	[tilespmem:s30+$0xFFFFFF90] =	vst v19;
	v43 =	vld.idx.msk [tilespmem:v37+s28+$0x0], $0xffff  }
0x200: {  	v41 =	vor.u32 v1, v11;
	v18 =	vld.idx.msk [tilespmem:v38+s28+$0x0], $0xffff;
	[tilespmem:s30+$0xFFFFFE90] =	vst v25  }
0x201: {  	v47 =	vor.u32 v2, v9;
	v23 =	vld.idx.msk [tilespmem:v36+s28+$0x0], $0xffff;
	[tilespmem:s30+$0xFFFFFD90] =	vst v17  }
0x202: {  	v48 =	vor.u32 v2, v8;
	[tilespmem:s30+$0xFFFFFF10] =	vst v40;
	v22 =	vld.idx.msk [tilespmem:v42+s28+$0x0], $0xffff  }
0x203: {  	v57 =	vor.u32 v2, v12;
	v19 =	vld.idx.msk [tilespmem:v39+s28+$0x0], $0xffff;
	[tilespmem:s30+$0xFFFFFE10] =	vst v20  }
0x204: {  	v44 =	vor.u32 v2, v15;
	v50 =	vld.idx.msk [tilespmem:v45+s28+$0x0], $0xffff;
	[tilespmem:s30+$0xFFFFFCA0] =	vst v43  }
0x205: {  	v54 =	vor.u32 v2, v13;
	v21 =	vld.idx.msk [tilespmem:v41+s28+$0x0], $0xffff;
	[tilespmem:s30+$0xFFFFFD20] =	vst v18  }
0x206: {  	v49 =	vor.u32 v2, v10;
	[tilespmem:s30+$0xFFFFFFA0] =	vst v23;
	v26 =	vld.idx.msk [tilespmem:v47+s28+$0x0], $0xffff  }
0x207: {  	v56 =	vor.u32 v2, v14;
	v55 =	vld.idx.msk [tilespmem:v48+s28+$0x0], $0xffff;
	[tilespmem:s30+$0xFFFFFEA0] =	vst v22  }
0x208: {  	v51 =	vor.u32 v2, v11;
	v22 =	vld.idx.msk [tilespmem:v57+s28+$0x0], $0xffff;
	[tilespmem:s30+$0xFFFFFDA0] =	vst v19  }
0x209: {  	v58 =	vor.u32 v3, v9;
	v24 =	vld.idx.msk [tilespmem:v44+s28+$0x0], $0xffff;
	[tilespmem:s30+$0xFFFFFF20] =	vst v50  }
0x20a: {  	v59 =	vor.u32 v3, v8;
	v60 =	vld.idx.msk [tilespmem:v54+s28+$0x0], $0xffff;
	[tilespmem:s30+$0xFFFFFE20] =	vst v21  }
0x20b: {  	v31 =	vor.u32 v3, v12;
	v16 =	vld.idx.msk [tilespmem:v49+s28+$0x0], $0xffff;
	[tilespmem:s30+$0xFFFFFCB0] =	vst v26  }
0x20c: {  	v53 =	vor.u32 v3, v15;
	v23 =	vld.idx.msk [tilespmem:v56+s28+$0x0], $0xffff;
	[tilespmem:s30+$0xFFFFFD30] =	vst v55  }
0x20d: {  	v29 =	vor.u32 v3, v13;
	v20 =	vld.idx.msk [tilespmem:v51+s28+$0x0], $0xffff;
	[tilespmem:s30+$0xFFFFFC30] =	vst v22  }
0x20e: {  	v61 =	vor.u32 v3, v10;
	[tilespmem:s30+$0xFFFFFFB0] =	vst v24;
	v28 =	vld.idx.msk [tilespmem:v58+s28+$0x0], $0xffff  }
0x20f: {  	v30 =	vor.u32 v3, v14;
	v17 =	vld.idx.msk [tilespmem:v59+s28+$0x0], $0xffff;
	[tilespmem:s30+$0xFFFFFEB0] =	vst v60  }
0x210: {  	v63 =	vor.u32 v3, v11;
	v37 =	vld.idx.msk [tilespmem:v31+s28+$0x0], $0xffff;
	[tilespmem:s30+$0xFFFFFDB0] =	vst v16  }
0x211: {  	v32 =	vor.u32 v4, v9;
	v25 =	vld.idx.msk [tilespmem:v53+s28+$0x0], $0xffff;
	[tilespmem:s30+$0xFFFFFF30] =	vst v23  }
0x212: {  	v33 =	vor.u32 v4, v8;
	v34 =	vld.idx.msk [tilespmem:v29+s28+$0x0], $0xffff;
	[tilespmem:s30+$0xFFFFFE30] =	vst v20  }
0x213: {  	v62 =	vor.u32 v4, v15;
	v19 =	vld.idx.msk [tilespmem:v61+s28+$0x0], $0xffff;
	[tilespmem:s30+$0xFFFFFCC0] =	vst v28  }
0x214: {  	v39 =	vor.u32 v4, v13;
	v20 =	vld.idx.msk [tilespmem:v30+s28+$0x0], $0xffff;
	[tilespmem:s30+$0xFFFFFD40] =	vst v17  }
0x215: {  	v36 =	vor.u32 v4, v10;
	v21 =	vld.idx.msk [tilespmem:v63+s28+$0x0], $0xffff;
	[tilespmem:s30+$0xFFFFFC40] =	vst v37  }
0x216: {  	v41 =	vor.u32 v4, v12;
	[tilespmem:s30+$0xFFFFFFC0] =	vst v25;
	v18 =	vld.idx.msk [tilespmem:v32+s28+$0x0], $0xffff  }
0x217: {  	v38 =	vor.u32 v4, v11;
	v23 =	vld.idx.msk [tilespmem:v33+s28+$0x0], $0xffff;
	[tilespmem:s30+$0xFFFFFEC0] =	vst v34  }
0x218: {  	v40 =	vor.u32 v4, v14;
	v26 =	vld.idx.msk [tilespmem:v62+s28+$0x0], $0xffff;
	[tilespmem:s30+$0xFFFFFDC0] =	vst v19  }
0x219: {  	v42 =	vor.u32 v5, v9;
	v19 =	vld.idx.msk [tilespmem:v39+s28+$0x0], $0xffff;
	[tilespmem:s30+$0xFFFFFF40] =	vst v20  }
0x21a: {  	v35 =	vor.u32 v5, v15;
	v16 =	vld.idx.msk [tilespmem:v36+s28+$0x0], $0xffff;
	[tilespmem:s30+$0xFFFFFE40] =	vst v21  }
0x21b: {  	v45 =	vor.u32 v5, v8;
	v21 =	vld.idx.msk [tilespmem:v41+s28+$0x0], $0xffff;
	[tilespmem:s30+$0xFFFFFCD0] =	vst v18  }
0x21c: {  	v46 =	vor.u32 v5, v10;
	v43 =	vld.idx.msk [tilespmem:v38+s28+$0x0], $0xffff;
	[tilespmem:s30+$0xFFFFFD50] =	vst v23  }
0x21d: {  	v50 =	vor.u32 v5, v12;
	[tilespmem:s30+$0xFFFFFFD0] =	vst v26;
	v26 =	vld.idx.msk [tilespmem:v40+s28+$0x0], $0xffff  }
0x21e: {  	v47 =	vor.u32 v5, v11;
	v22 =	vld.idx.msk [tilespmem:v42+s28+$0x0], $0xffff;
	[tilespmem:s30+$0xFFFFFED0] =	vst v19  }
0x21f: {  	v48 =	vor.u32 v5, v13;
	v24 =	vld.idx.msk [tilespmem:v35+s28+$0x0], $0xffff;
	[tilespmem:s30+$0xFFFFFDD0] =	vst v16  }
0x220: {  	v49 =	vor.u32 v5, v14;
	v17 =	vld.idx.msk [tilespmem:v45+s28+$0x0], $0xffff;
	[tilespmem:s30+$0xFFFFFC50] =	vst v21  }
0x221: {  	v51 =	vor.u32 v6, v9;
	v18 =	vld.idx.msk [tilespmem:v46+s28+$0x0], $0xffff;
	[tilespmem:s30+$0xFFFFFE50] =	vst v43  }
0x222: {  	v52 =	vor.u32 v6, v8;
	v20 =	vld.idx.msk [tilespmem:v50+s28+$0x0], $0xffff;
	[tilespmem:s30+$0xFFFFFF50] =	vst v26  }
0x223: {  	v44 =	vor.u32 v6, v15;
	v23 =	vld.idx.msk [tilespmem:v47+s28+$0x0], $0xffff;
	[tilespmem:s30+$0xFFFFFCE0] =	vst v22  }
0x224: {  	v53 =	vor.u32 v6, v10;
	[tilespmem:s30+$0xFFFFFFE0] =	vst v24;
	v24 =	vld.idx.msk [tilespmem:v48+s28+$0x0], $0xffff  }
0x225: {  	v58 =	vor.u32 v6, v12;
	[tilespmem:s30+$0xFFFFFD60] =	vst v17;
	v16 =	vld.idx.msk [tilespmem:v49+s28+$0x0], $0xffff  }
0x226: {  	v54 =	vor.u32 v6, v11;
	v56 =	vld.idx.msk [tilespmem:v51+s28+$0x0], $0xffff;
	[tilespmem:s30+$0xFFFFFDE0] =	vst v18  }
0x227: {  	v55 =	vor.u32 v6, v13;
	v21 =	vld.idx.msk [tilespmem:v52+s28+$0x0], $0xffff;
	[tilespmem:s30+$0xFFFFFC60] =	vst v20  }
0x228: {  	v57 =	vor.u32 v6, v14;
	v25 =	vld.idx.msk [tilespmem:v44+s28+$0x0], $0xffff;
	[tilespmem:s30+$0xFFFFFE60] =	vst v23  }
0x229: {  	v9 =	vor.u32 v7, v9;
	v22 =	vld.idx.msk [tilespmem:v53+s28+$0x0], $0xffff;
	[tilespmem:s30+$0xFFFFFEE0] =	vst v24  }
0x22a: {  	v8 =	vor.u32 v7, v8;
	v61 =	vld.idx.msk [tilespmem:v58+s28+$0x0], $0xffff;
	[tilespmem:s30+$0xFFFFFF60] =	vst v16  }
0x22b: {  	v15 =	vor.u32 v7, v15;
	v59 =	vld.idx.msk [tilespmem:v54+s28+$0x0], $0xffff;
	[tilespmem:s30+$0xFFFFFCF0] =	vst v56  }
0x22c: {  	v10 =	vor.u32 v7, v10;
	[tilespmem:s30+$0xFFFFFD70] =	vst v21;
	v17 =	vld.idx.msk [tilespmem:v55+s28+$0x0], $0xffff  }
0x22d: {  	v62 =	vor.u32 v7, v12;
	[tilespmem:s30+$0xFFFFFFF0] =	vst v25;
	v60 =	vld.idx.msk [tilespmem:v57+s28+$0x0], $0xffff  }
0x22e: {  	v11 =	vor.u32 v7, v11;
	v9 =	vld.idx.msk [tilespmem:v9+s28+$0x0], $0xffff;
	[tilespmem:s30+$0xFFFFFDF0] =	vst v22  }
0x22f: {  	v13 =	vor.u32 v7, v13;
	v8 =	vld.idx.msk [tilespmem:v8+s28+$0x0], $0xffff;
	[tilespmem:s30+$0xFFFFFC70] =	vst v61  }
0x230: {  	v14 =	vor.u32 v7, v14;
	v15 =	vld.idx.msk [tilespmem:v15+s28+$0x0], $0xffff;
	[tilespmem:s30+$0xFFFFFE70] =	vst v59  }
0x231: {  	v10 =	vld.idx.msk [tilespmem:v10+s28+$0x0], $0xffff;
	[tilespmem:s30+$0xFFFFFEF0] =	vst v17  }
0x232: {  	v63 =	vld.idx.msk [tilespmem:v62+s28+$0x0], $0xffff;
	[tilespmem:s30+$0xFFFFFF70] =	vst v60  }
0x233: {  	v11 =	vld.idx.msk [tilespmem:v11+s28+$0x0], $0xffff;
	[tilespmem:s30+$0xFFFFFD00] =	vst v9  }
0x234: {  	[tilespmem:s30+$0xFFFFFD80] =	vst v8;
	v13 =	vld.idx.msk [tilespmem:v13+s28+$0x0], $0xffff  }
0x235: {  	[tilespmem:s30+$0x0] =	vst v15;
	v14 =	vld.idx.msk [tilespmem:v14+s28+$0x0], $0xffff  }
0x236: {  	s16 =	sadd.s32 s1, s15;
	[tilespmem:s30+$0xFFFFFE00] =	vst v10  }
0x237: {  	s15 =	sshll.u32 s16, $0x7;
	[tilespmem:s30+$0xFFFFFC80] =	vst v63  }
0x238: {  	s9 =	sshll.u32 s16, $0xA;
	s15 =	sand.u32 $0x3E80, s15;
	[tilespmem:s30+$0xFFFFFE80] =	vst v11  }
0x239: {  	s9 =	sand.u32 $0xFFE0000, s9;
	s15 =	sadd.s32 s4, s15;
	[tilespmem:s30+$0xFFFFFF00] =	vst v13  }
0x23a: {  	s0 =	simm.s32 @!p0 $0x2;
	s17 =	sadd.s32 s9, s15;
	[tilespmem:s30+$0xFFFFFF80] =	vst v14;
	s30 =	simm.s32 $0x12400  }
0x23b: {  	[hbm4b:s17+s24] =	stream.strided.scatter [tilespmem:s30], [sflag:$0xA], $0x2000, s26, s24, $0x38;
	[tilespmem:$0x18400] =	vst v63  }
0x23c: {  	_ =	swait.ge @!p0 [sflag:s0], $0x80  }
0x23d: {  	[sflag:s0] =	ssyncset.done @!p0 $0x0  }
0x23e: {  	[sflag:s0] =	ssyncadd.s32 @!p0 $0xFFFFFF80  }
0x23f: {  	v8 =	vld @!p0 [tilespmem:$0x80]  }
0x240: {  	v9 =	vld @!p0 [tilespmem:$0x90]  }
0x241: {  	v10 =	vld @!p0 [tilespmem:$0xA0]  }
0x242: {  	v11 =	vld @!p0 [tilespmem:$0xB0]  }
0x243: {  	v12 =	vld @!p0 [tilespmem:$0xC0]  }
0x244: {  	[tilespmem:$0x280] =	vst @!p0 v8;
	v8 =	vld @!p0 [tilespmem:$0xD0]  }
0x245: {  	[tilespmem:$0x290] =	vst @!p0 v9;
	v9 =	vld @!p0 [tilespmem:$0xE0]  }
0x246: {  	[tilespmem:$0x2A0] =	vst @!p0 v10;
	v10 =	vld @!p0 [tilespmem:$0xF0]  }
0x247: {  	[tilespmem:$0x2B0] =	vst @!p0 v11  }
.Ltmp5:
0x248: {  	[tilespmem:$0x2C0] =	vst @!p0 v12;
	(pc) =	sbr.rel @p2 .LBB2_11-.Ltmp5, $4  }
0x249: {  	[tilespmem:$0x2D0] =	vst @!p0 v8  }
0x24a: {  	[tilespmem:$0x2E0] =	vst @!p0 v9  }
0x24b: {  	s9 =	simm.s32 @!p0 $0x280;
	s15 =	simm.s32 @!p0 $0x4400;
	s0 =	simm.s32 @!p0 $0x80;
	[tilespmem:$0x2F0] =	vst @!p0 v10  }
0x24c: {  	[tilespmem:s15], [sflag:$0x6] =	stream.indirect.gather @!p0 [hbm4b:s7+s0], $0x80, s9, s0, $0xb8;
	[tilespmem:$0x18400] =	vst v63  }
0x24d: {  	s0 =	rddreg [dreg:$0xc]  }
0x24e: {  	s0 =	sadd.s32 s20, s0  }
0x24f: {  	s9 =	sshll.u32 s0, $0xA  }
0x250: {  	s15 =	sshll.u32 s0, $0x7;
	s0 =	sand.u32 $0x380, s0;
	s9 =	sand.u32 $0x1F400, s9  }
0x251: {  	s15 =	sand.u32 $0x7FFE0000, s15;
	s0 =	sor.u32 s0, s9  }
0x252: {  	s0 =	sor.u32 s15, s0  }
0x253: {  	s0 =	sshrl.u32 s0, $0x3  }
0x254: {  	s0 =	sadd.s32 s3, s0  }
0x255: {  	[tilespmem:s19], [sflag:$0x2] =	stream.linear.gather [hbm4b:s0+s5], $0x80, $0x38;
	[tilespmem:$0x18400] =	vst v63  }
.Ltmp6:
0x256: {  	_ = 	snop;
	(pc) =	sbr.rel @!p1 .LBB2_13-.Ltmp6, $4  }
.Ltmp7:
0x257: {  	_ = 	snop;
	(pc) =	sbr.rel @p1 .LBB2_14-.Ltmp7, $4  }
0x258: {  	_ =	swait.ge [sflag:s10], $0x4000  }
0x259: {  	[sflag:s10] =	ssyncset.done $0x0  }
0x25a: {  	[sflag:s10] =	ssyncadd.s32 $0xFFFFC000  }
0x25b: {  	_ = 	snop  }
.LBB2_11:
0x25c: {  	_ =	swait.ge [sflag:s10], $0x4000  }
0x25d: {  	[sflag:s10] =	ssyncset.done $0x0  }
0x25e: {  	[sflag:s10] =	ssyncadd.s32 $0xFFFFC000  }
.LBB2_13:
0x25f: {  	_ =	swait.ge [sflag:s22], $0x2000  }
0x260: {  	[sflag:s22] =	ssyncset.done $0x0  }
0x261: {  	[sflag:s22] =	ssyncadd.s32 $0xFFFFE000  }
.LBB2_14:
0x262: {  	s0 =	simm.s32 $0x0;
	s17 =	simm.s32 $0x1;
	s9 =	simm.s32 $0x2  }
0x263: {  	s15 =	simm.s32 $0x7;
	s16 =	simm.s32 $0x3;
	v8 =	vmov s0;
	v10 =	vmov s17;
	v11 =	vmov s9  }
0x264: {  	s17 =	simm.s32 $0x4;
	v12 =	vmov s15;
	v13 =	vmov s16;
	v8 =	vand.u32 $0x78, v8  }
0x265: {  	s16 =	simm.s32 $0x5;
	v16 =	vmov s17;
	v12 =	vand.u32 $0x7F, v12;
	v8 =	vbroadcast v8, $0x0  }
0x266: {  	v17 =	vmov s16;
	v10 =	vand.u32 $0x79, v10;
	v12 =	vbroadcast v12, $0x0  }
0x267: {  	v15 =	vbroadcast v10, $0x0;
	v10 =	vand.u32 $0x7A, v11;
	v9 =	vor.u32 v0, v8  }
0x268: {  	v14 =	vbroadcast v10, $0x0;
	v10 =	vand.u32 $0x7B, v13;
	v19 =	vor.u32 v0, v12  }
0x269: {  	v20 =	vor.u32 v0, v15;
	v13 =	vbroadcast v10, $0x0;
	v10 =	vand.u32 $0x7C, v16  }
0x26a: {  	s17 =	simm.s32 $0x6;
	v16 =	vor.u32 v0, v14;
	v11 =	vbroadcast v10, $0x0;
	v10 =	vand.u32 $0x7D, v17  }
0x26b: {  	v18 =	vmov s17;
	v17 =	vor.u32 v0, v13;
	v10 =	vbroadcast v10, $0x0  }
0x26c: {  	v18 =	vand.u32 $0x7E, v18;
	v22 =	vor.u32 v0, v11;
	v21 =	vld.idx.msk [tilespmem:v9+s31+$0x0], $0xffff  }
0x26d: {  	v9 =	vbroadcast v18, $0x0;
	v18 =	vor.u32 v0, v10;
	v19 =	vld.idx.msk [tilespmem:v19+s31+$0x0], $0xffff  }
0x26e: {  	v24 =	vor.u32 v1, v12;
	v20 =	vld.idx.msk [tilespmem:v20+s31+$0x0], $0xffff  }
0x26f: {  	v25 =	vor.u32 v1, v15;
	v16 =	vld.idx.msk [tilespmem:v16+s31+$0x0], $0xffff  }
0x270: {  	v23 =	vor.u32 v0, v9;
	v17 =	vld.idx.msk [tilespmem:v17+s31+$0x0], $0xffff  }
0x271: {  	s16 =	simm.s32 $0x147F0;
	v26 =	vor.u32 v1, v14;
	v22 =	vld.idx.msk [tilespmem:v22+s31+$0x0], $0xffff  }
0x272: {  	v27 =	vor.u32 v1, v13;
	v18 =	vld.idx.msk [tilespmem:v18+s31+$0x0], $0xffff;
	[tilespmem:s16+$0xFFFFFF90] =	vst v19  }
0x273: {  	v28 =	vor.u32 v1, v11;
	[tilespmem:s16+$0xFFFFFC90] =	vst v20;
	v20 =	vld.idx.msk [tilespmem:v24+s31+$0x0], $0xffff  }
0x274: {  	v19 =	vor.u32 v1, v10;
	v24 =	vld.idx.msk [tilespmem:v25+s31+$0x0], $0xffff;
	[tilespmem:s16+$0xFFFFFD10] =	vst v16  }
0x275: {  	v23 =	vld.idx.msk [tilespmem:v23+s31+$0x0], $0xffff;
	[tilespmem:s16+$0xFFFFFD90] =	vst v17;
	v17 =	vor.u32 v2, v12  }
0x276: {  	[tilespmem:s16+$0xFFFFFC10] =	vst v21;
	v25 =	vld.idx.msk [tilespmem:v26+s31+$0x0], $0xffff;
	v26 =	vor.u32 v1, v8  }
0x277: {  	v16 =	vor.u32 v1, v9;
	v27 =	vld.idx.msk [tilespmem:v27+s31+$0x0], $0xffff;
	[tilespmem:s16+$0xFFFFFE10] =	vst v22  }
0x278: {  	v22 =	vor.u32 v2, v15;
	v28 =	vld.idx.msk [tilespmem:v28+s31+$0x0], $0xffff;
	[tilespmem:s16+$0xFFFFFE90] =	vst v18  }
0x279: {  	v18 =	vor.u32 v2, v14;
	v19 =	vld.idx.msk [tilespmem:v19+s31+$0x0], $0xffff;
	[tilespmem:s16+$0xFFFFFFA0] =	vst v20  }
0x27a: {  	v20 =	vor.u32 v2, v11;
	[tilespmem:s16+$0xFFFFFCA0] =	vst v24;
	v17 =	vld.idx.msk [tilespmem:v17+s31+$0x0], $0xffff  }
0x27b: {  	[tilespmem:s16+$0xFFFFFF10] =	vst v23;
	v23 =	vor.u32 v2, v13;
	v21 =	vld.idx.msk [tilespmem:v26+s31+$0x0], $0xffff  }
0x27c: {  	v24 =	vor.u32 v2, v10;
	[tilespmem:s16+$0xFFFFFD20] =	vst v25;
	v16 =	vld.idx.msk [tilespmem:v16+s31+$0x0], $0xffff  }
0x27d: {  	v25 =	vor.u32 v3, v12;
	v22 =	vld.idx.msk [tilespmem:v22+s31+$0x0], $0xffff;
	[tilespmem:s16+$0xFFFFFDA0] =	vst v27  }
0x27e: {  	v26 =	vor.u32 v2, v9;
	[tilespmem:s16+$0xFFFFFE20] =	vst v28;
	v18 =	vld.idx.msk [tilespmem:v18+s31+$0x0], $0xffff  }
0x27f: {  	v27 =	vor.u32 v2, v8;
	v20 =	vld.idx.msk [tilespmem:v20+s31+$0x0], $0xffff;
	[tilespmem:s16+$0xFFFFFEA0] =	vst v19  }
0x280: {  	v28 =	vor.u32 v3, v15;
	v23 =	vld.idx.msk [tilespmem:v23+s31+$0x0], $0xffff;
	[tilespmem:s16+$0xFFFFFFB0] =	vst v17  }
0x281: {  	v19 =	vor.u32 v3, v14;
	v24 =	vld.idx.msk [tilespmem:v24+s31+$0x0], $0xffff;
	[tilespmem:s16+$0xFFFFFC20] =	vst v21  }
0x282: {  	v21 =	vor.u32 v3, v11;
	[tilespmem:s16+$0xFFFFFF20] =	vst v16;
	v16 =	vld.idx.msk [tilespmem:v25+s31+$0x0], $0xffff  }
0x283: {  	v17 =	vor.u32 v3, v13;
	[tilespmem:s16+$0xFFFFFCB0] =	vst v22;
	v25 =	vld.idx.msk [tilespmem:v26+s31+$0x0], $0xffff  }
0x284: {  	v22 =	vor.u32 v4, v12;
	v26 =	vld.idx.msk [tilespmem:v27+s31+$0x0], $0xffff;
	[tilespmem:s16+$0xFFFFFD30] =	vst v18  }
0x285: {  	v27 =	vld.idx.msk [tilespmem:v28+s31+$0x0], $0xffff;
	v18 =	vor.u32 v3, v10;
	[tilespmem:s16+$0xFFFFFE30] =	vst v20  }
0x286: {  	v28 =	vor.u32 v3, v8;
	v19 =	vld.idx.msk [tilespmem:v19+s31+$0x0], $0xffff;
	[tilespmem:s16+$0xFFFFFDB0] =	vst v23  }
0x287: {  	v20 =	vor.u32 v4, v15;
	v21 =	vld.idx.msk [tilespmem:v21+s31+$0x0], $0xffff;
	[tilespmem:s16+$0xFFFFFEB0] =	vst v24  }
0x288: {  	v23 =	vor.u32 v3, v9;
	v17 =	vld.idx.msk [tilespmem:v17+s31+$0x0], $0xffff;
	[tilespmem:s16+$0xFFFFFFC0] =	vst v16  }
0x289: {  	v16 =	vor.u32 v4, v14;
	v22 =	vld.idx.msk [tilespmem:v22+s31+$0x0], $0xffff;
	[tilespmem:s16+$0xFFFFFF30] =	vst v25  }
0x28a: {  	v24 =	vor.u32 v4, v13;
	[tilespmem:s16+$0xFFFFFC30] =	vst v26;
	v18 =	vld.idx.msk [tilespmem:v18+s31+$0x0], $0xffff  }
0x28b: {  	[tilespmem:s16+$0xFFFFFCC0] =	vst v27;
	v27 =	vor.u32 v4, v11;
	v26 =	vld.idx.msk [tilespmem:v28+s31+$0x0], $0xffff  }
0x28c: {  	v25 =	vor.u32 v5, v12;
	v20 =	vld.idx.msk [tilespmem:v20+s31+$0x0], $0xffff;
	[tilespmem:s16+$0xFFFFFD40] =	vst v19  }
0x28d: {  	v19 =	vor.u32 v4, v10;
	v23 =	vld.idx.msk [tilespmem:v23+s31+$0x0], $0xffff;
	[tilespmem:s16+$0xFFFFFE40] =	vst v21  }
0x28e: {  	v28 =	vor.u32 v4, v8;
	v16 =	vld.idx.msk [tilespmem:v16+s31+$0x0], $0xffff;
	[tilespmem:s16+$0xFFFFFDC0] =	vst v17  }
0x28f: {  	v17 =	vor.u32 v4, v9;
	v24 =	vld.idx.msk [tilespmem:v24+s31+$0x0], $0xffff;
	[tilespmem:s16+$0xFFFFFFD0] =	vst v22  }
0x290: {  	v22 =	vor.u32 v5, v15;
	v27 =	vld.idx.msk [tilespmem:v27+s31+$0x0], $0xffff;
	[tilespmem:s16+$0xFFFFFEC0] =	vst v18  }
0x291: {  	v21 =	vld.idx.msk [tilespmem:v25+s31+$0x0], $0xffff;
	v25 =	vor.u32 v5, v14;
	[tilespmem:s16+$0xFFFFFC40] =	vst v26  }
0x292: {  	v18 =	vld.idx.msk [tilespmem:v19+s31+$0x0], $0xffff;
	v19 =	vor.u32 v6, v12;
	[tilespmem:s16+$0xFFFFFCD0] =	vst v20  }
0x293: {  	v26 =	vld.idx.msk [tilespmem:v28+s31+$0x0], $0xffff;
	v20 =	vor.u32 v5, v11;
	[tilespmem:s16+$0xFFFFFF40] =	vst v23  }
0x294: {  	v23 =	vor.u32 v5, v13;
	v17 =	vld.idx.msk [tilespmem:v17+s31+$0x0], $0xffff  }
0x295: {  	[tilespmem:s16+$0xFFFFFD50] =	vst v16;
	v16 =	vor.u32 v5, v10;
	v22 =	vld.idx.msk [tilespmem:v22+s31+$0x0], $0xffff  }
0x296: {  	v28 =	vor.u32 v5, v9;
	v25 =	vld.idx.msk [tilespmem:v25+s31+$0x0], $0xffff;
	[tilespmem:s16+$0xFFFFFFE0] =	vst v21  }
0x297: {  	[tilespmem:s16+$0xFFFFFE50] =	vst v27;
	v21 =	vor.u32 v5, v8;
	v19 =	vld.idx.msk [tilespmem:v19+s31+$0x0], $0xffff  }
0x298: {  	[tilespmem:s16+$0xFFFFFDD0] =	vst v24;
	v24 =	vor.u32 v6, v15;
	v27 =	vld.idx.msk [tilespmem:v20+s31+$0x0], $0xffff  }
0x299: {  	v12 =	vor.u32 v7, v12;
	[tilespmem:s16+$0xFFFFFED0] =	vst v18;
	v23 =	vld.idx.msk [tilespmem:v23+s31+$0x0], $0xffff  }
0x29a: {  	v18 =	vor.u32 v6, v14;
	v29 =	vld.idx.msk [tilespmem:v16+s31+$0x0], $0xffff;
	[tilespmem:s16+$0xFFFFFF50] =	vst v17  }
0x29b: {  	s17 =	simm.s32 $0x8;
	[tilespmem:s16+$0xFFFFFC50] =	vst v26;
	v16 =	vor.u32 v6, v13;
	v30 =	vld.idx.msk [tilespmem:v28+s31+$0x0], $0xffff  }
0x29c: {  	v20 =	vmov s17;
	[tilespmem:s16+$0xFFFFFCE0] =	vst v22;
	v31 =	vld.idx.msk [tilespmem:v21+s31+$0x0], $0xffff;
	v21 =	vor.u32 v6, v11  }
0x29d: {  	v22 =	vor.u32 v6, v10;
	v17 =	vld.idx.msk [tilespmem:v24+s31+$0x0], $0xffff;
	[tilespmem:s16+$0xFFFFFFF0] =	vst v19;
	v19 =	vand.u32 $0x78, v20  }
0x29e: {  	v32 =	vor.u32 v6, v9;
	[tilespmem:s16+$0xFFFFFD60] =	vst v25;
	v26 =	vld.idx.msk [tilespmem:v12+s31+$0x0], $0xffff;
	v12 =	vbroadcast v19, $0x0  }
0x29f: {  	v28 =	vor.u32 v6, v8;
	v20 =	vld.idx.msk [tilespmem:v18+s31+$0x0], $0xffff;
	[tilespmem:s16+$0xFFFFFDE0] =	vst v23  }
0x2a0: {  	[tilespmem:s16+$0xFFFFFE60] =	vst v27;
	v18 =	vld.idx.msk [tilespmem:v16+s31+$0x0], $0xffff;
	v16 =	vor.u32 v0, v12  }
0x2a1: {  	s0 =	simm.s32 $0x9;
	s9 =	simm.s32 $0xA;
	v24 =	vor.u32 v7, v15;
	[tilespmem:s16+$0xFFFFFEE0] =	vst v29;
	v19 =	vld.idx.msk [tilespmem:v21+s31+$0x0], $0xffff  }
0x2a2: {  	s30 =	simm.s32 $0xF;
	v14 =	vor.u32 v7, v14;
	v15 =	vmov s0;
	v25 =	vmov s9;
	s0 =	simm.s32 $0xB;
	s9 =	simm.s32 $0xC;
	[tilespmem:s16+$0xFFFFFF60] =	vst v30;
	v21 =	vld.idx.msk [tilespmem:v22+s31+$0x0], $0xffff  }
0x2a3: {  	s15 =	sor.u32 $0x2, s20;
	v13 =	vor.u32 v7, v13;
	v27 =	vmov s0;
	s0 =	simm.s32 $0x10;
	v22 =	vmov s9;
	s9 =	simm.s32 $0xD;
	[tilespmem:s16+$0xFFFFFC60] =	vst v31;
	v23 =	vld.idx.msk [tilespmem:v32+s31+$0x0], $0xffff  }
.LBB2_15:
0x2a4: {  	p3 =	slt.u32 s0, $0x38;
	v29 =	vmov s9;
	s9 =	sadd.s32 $0x6, s17;
	v30 =	vmov s30;
	v28 =	vld.idx.msk [tilespmem:v28+s31+$0x0], $0xffff;
	v11 =	vor.u32 v7, v11;
	[tilespmem:s16+$0x0] =	vst v26;
	s17 =	smov.u32 s0  }
0x2a5: {  	v10 =	vor.u32 v7, v10;
	v26 =	vld.idx.msk [tilespmem:v16+s31+$0x0], $0xffff;
	v31 =	vmov s9;
	v16 =	vand.u32 $0x7F, v30;
	[tilespmem:s16+$0xFFFFFCF0] =	vst v17  }
0x2a6: {  	v15 =	vand.u32 $0x79, v15;
	v9 =	vor.u32 v7, v9;
	v16 =	vbroadcast v16, $0x0;
	v17 =	vld.idx.msk [tilespmem:v24+s31+$0x0], $0xffff;
	[tilespmem:s16+$0xFFFFFD70] =	vst v20  }
0x2a7: {  	v15 =	vbroadcast v15, $0x0;
	v20 =	vand.u32 $0x7A, v25;
	v24 =	vor.u32 v7, v8;
	v8 =	vmovc v12;
	v25 =	vld.idx.msk [tilespmem:v14+s31+$0x0], $0xffff;
	[tilespmem:s16+$0xFFFFFDF0] =	vst v18  }
0x2a8: {  	v12 =	vand.u32 $0x7B, v27;
	v14 =	vbroadcast v20, $0x0;
	v18 =	vor.u32 v0, v16;
	v20 =	vld.idx.msk [tilespmem:v13+s31+$0x0], $0xffff;
	[tilespmem:s16+$0xFFFFFE70] =	vst v19  }
0x2a9: {  	v19 =	vor.u32 v0, v15;
	v13 =	vbroadcast v12, $0x0;
	v12 =	vand.u32 $0x7C, v22;
	v22 =	vld.idx.msk [tilespmem:v11+s31+$0x0], $0xffff;
	[tilespmem:s16+$0xFFFFFEF0] =	vst v21  }
0x2aa: {  	v21 =	vor.u32 v0, v14;
	v11 =	vbroadcast v12, $0x0;
	v12 =	vand.u32 $0x7D, v29;
	v27 =	vld.idx.msk [tilespmem:v10+s31+$0x0], $0xffff;
	[tilespmem:s16+$0xFFFFFF70] =	vst v23  }
0x2ab: {  	v23 =	vor.u32 v0, v13;
	v10 =	vbroadcast v12, $0x0;
	v12 =	vand.u32 $0x7E, v31;
	[tilespmem:s16+$0xFFFFFC70] =	vst v28;
	v28 =	vld.idx.msk [tilespmem:v9+s31+$0x0], $0xffff  }
0x2ac: {  	v29 =	vor.u32 v0, v11;
	v9 =	vbroadcast v12, $0x0;
	v12 =	vld.idx.msk [tilespmem:v24+s31+$0x0], $0xffff;
	[tilespmem:s16+$0xFFFFFD00] =	vst v17  }
0x2ad: {  	v17 =	vor.u32 v0, v10;
	v18 =	vld.idx.msk [tilespmem:v18+s31+$0x0], $0xffff;
	[tilespmem:s16+$0xFFFFFD80] =	vst v25  }
0x2ae: {  	v24 =	vor.u32 v0, v9;
	v19 =	vld.idx.msk [tilespmem:v19+s31+$0x0], $0xffff;
	[tilespmem:s16+$0xFFFFFE00] =	vst v20  }
0x2af: {  	v20 =	vld.idx.msk [tilespmem:v21+s31+$0x0], $0xffff;
	v21 =	vor.u32 v1, v16;
	[tilespmem:s16+$0xFFFFFE80] =	vst v22  }
0x2b0: {  	v22 =	vor.u32 v1, v15;
	v23 =	vld.idx.msk [tilespmem:v23+s31+$0x0], $0xffff;
	[tilespmem:s16+$0xFFFFFF00] =	vst v27  }
0x2b1: {  	v25 =	vor.u32 v1, v14;
	v27 =	vld.idx.msk [tilespmem:v29+s31+$0x0], $0xffff;
	[tilespmem:s16+$0xFFFFFF80] =	vst v28  }
0x2b2: {  	v28 =	vor.u32 v1, v13;
	v17 =	vld.idx.msk [tilespmem:v17+s31+$0x0], $0xffff;
	[tilespmem:s16+$0xFFFFFC80] =	vst v12;
	s16 =	sadd.s32 $0x400, s16  }
0x2b3: {  	v12 =	vor.u32 v1, v11;
	v24 =	vld.idx.msk [tilespmem:v24+s31+$0x0], $0xffff;
	[tilespmem:s16+$0xFFFFFF90] =	vst v18  }
0x2b4: {  	v18 =	vor.u32 v1, v10;
	[tilespmem:s16+$0xFFFFFC90] =	vst v19;
	v19 =	vld.idx.msk [tilespmem:v21+s31+$0x0], $0xffff  }
0x2b5: {  	v21 =	vld.idx.msk [tilespmem:v22+s31+$0x0], $0xffff;
	[tilespmem:s16+$0xFFFFFD10] =	vst v20;
	v20 =	vor.u32 v1, v9  }
0x2b6: {  	v22 =	vld.idx.msk [tilespmem:v25+s31+$0x0], $0xffff;
	[tilespmem:s16+$0xFFFFFD90] =	vst v23;
	v23 =	vor.u32 v2, v16  }
0x2b7: {  	v25 =	vor.u32 v1, v8;
	v28 =	vld.idx.msk [tilespmem:v28+s31+$0x0], $0xffff;
	[tilespmem:s16+$0xFFFFFE10] =	vst v27  }
0x2b8: {  	v27 =	vor.u32 v2, v15;
	v12 =	vld.idx.msk [tilespmem:v12+s31+$0x0], $0xffff;
	[tilespmem:s16+$0xFFFFFE90] =	vst v17  }
0x2b9: {  	v17 =	vor.u32 v2, v14;
	v18 =	vld.idx.msk [tilespmem:v18+s31+$0x0], $0xffff;
	[tilespmem:s16+$0xFFFFFF10] =	vst v24  }
0x2ba: {  	v24 =	vor.u32 v2, v13;
	v20 =	vld.idx.msk [tilespmem:v20+s31+$0x0], $0xffff;
	[tilespmem:s16+$0xFFFFFFA0] =	vst v19  }
0x2bb: {  	v19 =	vor.u32 v2, v11;
	[tilespmem:s16+$0xFFFFFC10] =	vst v26;
	v23 =	vld.idx.msk [tilespmem:v23+s31+$0x0], $0xffff  }
0x2bc: {  	v25 =	vld.idx.msk [tilespmem:v25+s31+$0x0], $0xffff;
	[tilespmem:s16+$0xFFFFFCA0] =	vst v21;
	v21 =	vor.u32 v2, v10  }
0x2bd: {  	v26 =	vld.idx.msk [tilespmem:v27+s31+$0x0], $0xffff;
	[tilespmem:s16+$0xFFFFFD20] =	vst v22;
	v22 =	vor.u32 v3, v16  }
0x2be: {  	v27 =	vor.u32 v2, v9;
	v17 =	vld.idx.msk [tilespmem:v17+s31+$0x0], $0xffff;
	[tilespmem:s16+$0xFFFFFDA0] =	vst v28  }
0x2bf: {  	v28 =	vor.u32 v2, v8;
	v24 =	vld.idx.msk [tilespmem:v24+s31+$0x0], $0xffff;
	[tilespmem:s16+$0xFFFFFE20] =	vst v12  }
0x2c0: {  	v12 =	vor.u32 v3, v15;
	v19 =	vld.idx.msk [tilespmem:v19+s31+$0x0], $0xffff;
	[tilespmem:s16+$0xFFFFFEA0] =	vst v18  }
0x2c1: {  	v18 =	vor.u32 v3, v14;
	v21 =	vld.idx.msk [tilespmem:v21+s31+$0x0], $0xffff;
	[tilespmem:s16+$0xFFFFFFB0] =	vst v23  }
0x2c2: {  	v23 =	vor.u32 v3, v13;
	[tilespmem:s16+$0xFFFFFF20] =	vst v20;
	v20 =	vld.idx.msk [tilespmem:v22+s31+$0x0], $0xffff  }
0x2c3: {  	v22 =	vor.u32 v3, v11;
	[tilespmem:s16+$0xFFFFFC20] =	vst v25;
	v25 =	vld.idx.msk [tilespmem:v27+s31+$0x0], $0xffff  }
0x2c4: {  	v27 =	vld.idx.msk [tilespmem:v28+s31+$0x0], $0xffff;
	[tilespmem:s16+$0xFFFFFCB0] =	vst v26;
	v26 =	vor.u32 v4, v16  }
0x2c5: {  	v12 =	vld.idx.msk [tilespmem:v12+s31+$0x0], $0xffff;
	[tilespmem:s16+$0xFFFFFD30] =	vst v17;
	v17 =	vor.u32 v3, v10  }
0x2c6: {  	v18 =	vld.idx.msk [tilespmem:v18+s31+$0x0], $0xffff;
	[tilespmem:s16+$0xFFFFFDB0] =	vst v24;
	v24 =	vor.u32 v3, v9  }
0x2c7: {  	v28 =	vor.u32 v3, v8;
	v23 =	vld.idx.msk [tilespmem:v23+s31+$0x0], $0xffff;
	[tilespmem:s16+$0xFFFFFE30] =	vst v19  }
0x2c8: {  	v19 =	vor.u32 v4, v15;
	v22 =	vld.idx.msk [tilespmem:v22+s31+$0x0], $0xffff;
	[tilespmem:s16+$0xFFFFFFC0] =	vst v20  }
0x2c9: {  	v20 =	vor.u32 v4, v14;
	[tilespmem:s16+$0xFFFFFEB0] =	vst v21;
	v21 =	vld.idx.msk [tilespmem:v26+s31+$0x0], $0xffff  }
0x2ca: {  	v26 =	vor.u32 v4, v13;
	v17 =	vld.idx.msk [tilespmem:v17+s31+$0x0], $0xffff;
	[tilespmem:s16+$0xFFFFFF30] =	vst v25  }
0x2cb: {  	v25 =	vor.u32 v5, v16;
	[tilespmem:s16+$0xFFFFFC30] =	vst v27;
	v24 =	vld.idx.msk [tilespmem:v24+s31+$0x0], $0xffff  }
0x2cc: {  	v27 =	vld.idx.msk [tilespmem:v28+s31+$0x0], $0xffff;
	[tilespmem:s16+$0xFFFFFCC0] =	vst v12;
	v12 =	vor.u32 v4, v11  }
0x2cd: {  	v19 =	vld.idx.msk [tilespmem:v19+s31+$0x0], $0xffff;
	[tilespmem:s16+$0xFFFFFD40] =	vst v18;
	v18 =	vor.u32 v4, v10  }
0x2ce: {  	v20 =	vld.idx.msk [tilespmem:v20+s31+$0x0], $0xffff;
	[tilespmem:s16+$0xFFFFFDC0] =	vst v23;
	v23 =	vor.u32 v4, v9  }
0x2cf: {  	v28 =	vor.u32 v4, v8;
	v26 =	vld.idx.msk [tilespmem:v26+s31+$0x0], $0xffff;
	[tilespmem:s16+$0xFFFFFFD0] =	vst v21  }
0x2d0: {  	v21 =	vor.u32 v5, v15;
	[tilespmem:s16+$0xFFFFFE40] =	vst v22;
	v22 =	vld.idx.msk [tilespmem:v25+s31+$0x0], $0xffff  }
0x2d1: {  	v25 =	vor.u32 v5, v14;
	v12 =	vld.idx.msk [tilespmem:v12+s31+$0x0], $0xffff;
	[tilespmem:s16+$0xFFFFFEC0] =	vst v17  }
0x2d2: {  	v17 =	vld.idx.msk [tilespmem:v18+s31+$0x0], $0xffff;
	[tilespmem:s16+$0xFFFFFF40] =	vst v24;
	v18 =	vor.u32 v6, v16  }
0x2d3: {  	v24 =	vor.u32 v5, v13;
	[tilespmem:s16+$0xFFFFFC40] =	vst v27;
	v23 =	vld.idx.msk [tilespmem:v23+s31+$0x0], $0xffff  }
0x2d4: {  	v27 =	vld.idx.msk [tilespmem:v28+s31+$0x0], $0xffff;
	[tilespmem:s16+$0xFFFFFCD0] =	vst v19;
	v19 =	vor.u32 v5, v11  }
0x2d5: {  	v21 =	vld.idx.msk [tilespmem:v21+s31+$0x0], $0xffff;
	[tilespmem:s16+$0xFFFFFD50] =	vst v20;
	v20 =	vor.u32 v5, v10  }
0x2d6: {  	v28 =	vor.u32 v5, v9;
	v25 =	vld.idx.msk [tilespmem:v25+s31+$0x0], $0xffff;
	[tilespmem:s16+$0xFFFFFFE0] =	vst v22  }
0x2d7: {  	v22 =	vor.u32 v5, v8;
	[tilespmem:s16+$0xFFFFFDD0] =	vst v26;
	v18 =	vld.idx.msk [tilespmem:v18+s31+$0x0], $0xffff  }
0x2d8: {  	v26 =	vor.u32 v6, v15;
	v24 =	vld.idx.msk [tilespmem:v24+s31+$0x0], $0xffff;
	[tilespmem:s16+$0xFFFFFE50] =	vst v12  }
0x2d9: {  	v16 =	vor.u32 v7, v16;
	v19 =	vld.idx.msk [tilespmem:v19+s31+$0x0], $0xffff;
	[tilespmem:s16+$0xFFFFFED0] =	vst v17  }
0x2da: {  	v29 =	vor.u32 v6, v14;
	v30 =	vld.idx.msk [tilespmem:v20+s31+$0x0], $0xffff;
	[tilespmem:s16+$0xFFFFFF50] =	vst v23  }
0x2db: {  	v23 =	vor.u32 v6, v13;
	[tilespmem:s16+$0xFFFFFC50] =	vst v27;
	v27 =	vld.idx.msk [tilespmem:v28+s31+$0x0], $0xffff  }
0x2dc: {  	v12 =	vmov s0;
	v31 =	vld.idx.msk [tilespmem:v22+s31+$0x0], $0xffff;
	[tilespmem:s16+$0xFFFFFCE0] =	vst v21;
	v21 =	vor.u32 v6, v11  }
0x2dd: {  	v12 =	vand.u32 $0x78, v12;
	v22 =	vor.u32 v6, v10;
	v17 =	vld.idx.msk [tilespmem:v26+s31+$0x0], $0xffff;
	[tilespmem:s16+$0xFFFFFFF0] =	vst v18  }
0x2de: {  	v32 =	vor.u32 v6, v9;
	v12 =	vbroadcast v12, $0x0;
	[tilespmem:s16+$0xFFFFFD60] =	vst v25;
	v26 =	vld.idx.msk [tilespmem:v16+s31+$0x0], $0xffff  }
.Ltmp8:
0x2df: {  	v28 =	vor.u32 v6, v8;
	v20 =	vld.idx.msk [tilespmem:v29+s31+$0x0], $0xffff;
	[tilespmem:s16+$0xFFFFFDE0] =	vst v24;
	(pc) =	sbr.rel @p3 .LBB2_15-.Ltmp8, $4  }
0x2e0: {  	v16 =	vor.u32 v0, v12;
	v18 =	vld.idx.msk [tilespmem:v23+s31+$0x0], $0xffff;
	[tilespmem:s16+$0xFFFFFE60] =	vst v19  }
0x2e1: {  	s30 =	sadd.s32 $0x2, s0;
	s9 =	sadd.s32 $0x1, s0;
	v24 =	vor.u32 v7, v15;
	v19 =	vld.idx.msk [tilespmem:v21+s31+$0x0], $0xffff;
	[tilespmem:s16+$0xFFFFFEE0] =	vst v30  }
0x2e2: {  	v14 =	vor.u32 v7, v14;
	v25 =	vmov s30;
	s30 =	sadd.s32 $0x4, s0;
	v15 =	vmov s9;
	s9 =	sadd.s32 $0x3, s0;
	v21 =	vld.idx.msk [tilespmem:v22+s31+$0x0], $0xffff;
	[tilespmem:s16+$0xFFFFFF60] =	vst v27  }
0x2e3: {  	v13 =	vor.u32 v7, v13;
	s0 =	sadd.s32 $0x8, s0;
	v27 =	vmov s9;
	v22 =	vmov s30;
	s9 =	sadd.s32 $0x5, s17;
	s30 =	sadd.s32 $0x7, s17;
	[tilespmem:s16+$0xFFFFFC60] =	vst v31;
	v23 =	vld.idx.msk [tilespmem:v32+s31+$0x0], $0xffff  }
0x2e4: {  	_ =	sdelay $0x1  }
0x2e5: {  	[tilespmem:s16+$0x0] =	vst v26  }
0x2e6: {  	v11 =	vor.u32 v7, v11;
	[tilespmem:s16+$0xFFFFFCF0] =	vst v17  }
0x2e7: {  	v46 =	vmov s9;
	v47 =	vld.idx.msk [tilespmem:v28+s31+$0x0], $0xffff;
	v30 =	vor.u32 v7, v10;
	[tilespmem:s16+$0xFFFFFD70] =	vst v20  }
0x2e8: {  	v29 =	vmov s30;
	v49 =	vand.u32 $0x79, v15;
	v51 =	vor.u32 v7, v9;
	v50 =	vld.idx.msk [tilespmem:v24+s31+$0x0], $0xffff;
	[tilespmem:s16+$0xFFFFFDF0] =	vst v18  }
0x2e9: {  	v52 =	vand.u32 $0x7A, v25;
	v53 =	vor.u32 v7, v8;
	v9 =	vbroadcast v49, $0x0;
	v54 =	vld.idx.msk [tilespmem:v14+s31+$0x0], $0xffff;
	[tilespmem:s16+$0xFFFFFE70] =	vst v19  }
0x2ea: {  	v55 =	vand.u32 $0x7B, v27;
	v29 =	vand.u32 $0x7F, v29;
	v8 =	vbroadcast v52, $0x0;
	v57 =	vld.idx.msk [tilespmem:v13+s31+$0x0], $0xffff;
	[tilespmem:s16+$0xFFFFFEF0] =	vst v21  }
0x2eb: {  	s0 =	sadd.s32 $0x6, s17;
	v62 =	vand.u32 $0x7D, v46;
	v15 =	vbroadcast v29, $0x0;
	v58 =	vor.u32 v0, v9;
	[tilespmem:s16+$0xFFFFFF70] =	vst v23;
	v60 =	vld.idx.msk [tilespmem:v11+s31+$0x0], $0xffff  }
0x2ec: {  	v48 =	vmov s0;
	v13 =	vbroadcast v62, $0x0;
	v61 =	vor.u32 v0, v8;
	v63 =	vld.idx.msk [tilespmem:v30+s31+$0x0], $0xffff;
	[tilespmem:s16+$0xFFFFFC70] =	vst v47  }
0x2ed: {  	v10 =	vbroadcast v55, $0x0;
	v31 =	vand.u32 $0x7E, v48;
	v56 =	vor.u32 v0, v15;
	v24 =	vld.idx.msk [tilespmem:v51+s31+$0x0], $0xffff;
	[tilespmem:s16+$0xFFFFFD00] =	vst v50  }
0x2ee: {  	v59 =	vand.u32 $0x7C, v22;
	v14 =	vbroadcast v31, $0x0;
	v33 =	vor.u32 v0, v13;
	v18 =	vld.idx.msk [tilespmem:v53+s31+$0x0], $0xffff;
	[tilespmem:s16+$0xFFFFFD80] =	vst v54  }
0x2ef: {  	v16 =	vld.idx.msk [tilespmem:v16+s31+$0x0], $0xffff;
	v11 =	vbroadcast v59, $0x0;
	v30 =	vor.u32 v0, v10;
	[tilespmem:s16+$0xFFFFFE00] =	vst v57  }
0x2f0: {  	v34 =	vor.u32 v0, v14;
	v21 =	vld.idx.msk [tilespmem:v58+s31+$0x0], $0xffff;
	[tilespmem:s16+$0xFFFFFE80] =	vst v60  }
0x2f1: {  	v32 =	vor.u32 v0, v11;
	v35 =	vld.idx.msk [tilespmem:v61+s31+$0x0], $0xffff;
	[tilespmem:s16+$0xFFFFFF00] =	vst v63  }
0x2f2: {  	v46 =	vor.u32 v1, v12;
	v19 =	vld.idx.msk [tilespmem:v56+s31+$0x0], $0xffff;
	[tilespmem:s16+$0xFFFFFF80] =	vst v24  }
0x2f3: {  	v37 =	vor.u32 v1, v9;
	v25 =	vld.idx.msk [tilespmem:v33+s31+$0x0], $0xffff;
	[tilespmem:s16+$0xFFFFFC80] =	vst v18;
	s16 =	sadd.s32 $0x400, s16  }
0x2f4: {  	v38 =	vor.u32 v1, v8;
	v17 =	vld.idx.msk [tilespmem:v30+s31+$0x0], $0xffff;
	[tilespmem:s16+$0xFFFFFC10] =	vst v16  }
0x2f5: {  	v36 =	vor.u32 v1, v15;
	v40 =	vld.idx.msk [tilespmem:v34+s31+$0x0], $0xffff;
	[tilespmem:s16+$0xFFFFFC90] =	vst v21  }
0x2f6: {  	v42 =	vor.u32 v1, v13;
	v20 =	vld.idx.msk [tilespmem:v32+s31+$0x0], $0xffff;
	[tilespmem:s16+$0xFFFFFD10] =	vst v35  }
0x2f7: {  	v39 =	vor.u32 v1, v10;
	v52 =	vld.idx.msk [tilespmem:v46+s31+$0x0], $0xffff;
	[tilespmem:s16+$0xFFFFFF90] =	vst v19  }
0x2f8: {  	v45 =	vor.u32 v1, v14;
	v43 =	vld.idx.msk [tilespmem:v37+s31+$0x0], $0xffff;
	[tilespmem:s16+$0xFFFFFE90] =	vst v25  }
0x2f9: {  	v41 =	vor.u32 v1, v11;
	v18 =	vld.idx.msk [tilespmem:v38+s31+$0x0], $0xffff;
	[tilespmem:s16+$0xFFFFFD90] =	vst v17  }
0x2fa: {  	v47 =	vor.u32 v2, v9;
	v23 =	vld.idx.msk [tilespmem:v36+s31+$0x0], $0xffff;
	[tilespmem:s16+$0xFFFFFF10] =	vst v40  }
0x2fb: {  	v48 =	vor.u32 v2, v8;
	v22 =	vld.idx.msk [tilespmem:v42+s31+$0x0], $0xffff;
	[tilespmem:s16+$0xFFFFFE10] =	vst v20  }
0x2fc: {  	v57 =	vor.u32 v2, v12;
	v19 =	vld.idx.msk [tilespmem:v39+s31+$0x0], $0xffff;
	[tilespmem:s16+$0xFFFFFC20] =	vst v52  }
0x2fd: {  	v44 =	vor.u32 v2, v15;
	v50 =	vld.idx.msk [tilespmem:v45+s31+$0x0], $0xffff;
	[tilespmem:s16+$0xFFFFFCA0] =	vst v43  }
0x2fe: {  	v54 =	vor.u32 v2, v13;
	v21 =	vld.idx.msk [tilespmem:v41+s31+$0x0], $0xffff;
	[tilespmem:s16+$0xFFFFFD20] =	vst v18  }
0x2ff: {  	v49 =	vor.u32 v2, v10;
	[tilespmem:s16+$0xFFFFFFA0] =	vst v23;
	v26 =	vld.idx.msk [tilespmem:v47+s31+$0x0], $0xffff  }
0x300: {  	v56 =	vor.u32 v2, v14;
	v55 =	vld.idx.msk [tilespmem:v48+s31+$0x0], $0xffff;
	[tilespmem:s16+$0xFFFFFEA0] =	vst v22  }
0x301: {  	v51 =	vor.u32 v2, v11;
	v22 =	vld.idx.msk [tilespmem:v57+s31+$0x0], $0xffff;
	[tilespmem:s16+$0xFFFFFDA0] =	vst v19  }
0x302: {  	v58 =	vor.u32 v3, v9;
	v24 =	vld.idx.msk [tilespmem:v44+s31+$0x0], $0xffff;
	[tilespmem:s16+$0xFFFFFF20] =	vst v50  }
0x303: {  	v59 =	vor.u32 v3, v8;
	v60 =	vld.idx.msk [tilespmem:v54+s31+$0x0], $0xffff;
	[tilespmem:s16+$0xFFFFFE20] =	vst v21  }
0x304: {  	v31 =	vor.u32 v3, v12;
	v16 =	vld.idx.msk [tilespmem:v49+s31+$0x0], $0xffff;
	[tilespmem:s16+$0xFFFFFCB0] =	vst v26  }
0x305: {  	v53 =	vor.u32 v3, v15;
	v23 =	vld.idx.msk [tilespmem:v56+s31+$0x0], $0xffff;
	[tilespmem:s16+$0xFFFFFD30] =	vst v55  }
0x306: {  	v29 =	vor.u32 v3, v13;
	v20 =	vld.idx.msk [tilespmem:v51+s31+$0x0], $0xffff;
	[tilespmem:s16+$0xFFFFFC30] =	vst v22  }
0x307: {  	v61 =	vor.u32 v3, v10;
	[tilespmem:s16+$0xFFFFFFB0] =	vst v24;
	v28 =	vld.idx.msk [tilespmem:v58+s31+$0x0], $0xffff  }
0x308: {  	v30 =	vor.u32 v3, v14;
	v17 =	vld.idx.msk [tilespmem:v59+s31+$0x0], $0xffff;
	[tilespmem:s16+$0xFFFFFEB0] =	vst v60  }
0x309: {  	v63 =	vor.u32 v3, v11;
	v37 =	vld.idx.msk [tilespmem:v31+s31+$0x0], $0xffff;
	[tilespmem:s16+$0xFFFFFDB0] =	vst v16  }
0x30a: {  	v32 =	vor.u32 v4, v9;
	v25 =	vld.idx.msk [tilespmem:v53+s31+$0x0], $0xffff;
	[tilespmem:s16+$0xFFFFFF30] =	vst v23  }
0x30b: {  	v33 =	vor.u32 v4, v8;
	v34 =	vld.idx.msk [tilespmem:v29+s31+$0x0], $0xffff;
	[tilespmem:s16+$0xFFFFFE30] =	vst v20  }
0x30c: {  	v62 =	vor.u32 v4, v15;
	v19 =	vld.idx.msk [tilespmem:v61+s31+$0x0], $0xffff;
	[tilespmem:s16+$0xFFFFFCC0] =	vst v28  }
0x30d: {  	v39 =	vor.u32 v4, v13;
	v20 =	vld.idx.msk [tilespmem:v30+s31+$0x0], $0xffff;
	[tilespmem:s16+$0xFFFFFD40] =	vst v17  }
0x30e: {  	v36 =	vor.u32 v4, v10;
	v21 =	vld.idx.msk [tilespmem:v63+s31+$0x0], $0xffff;
	[tilespmem:s16+$0xFFFFFC40] =	vst v37  }
0x30f: {  	v41 =	vor.u32 v4, v12;
	[tilespmem:s16+$0xFFFFFFC0] =	vst v25;
	v18 =	vld.idx.msk [tilespmem:v32+s31+$0x0], $0xffff  }
0x310: {  	v38 =	vor.u32 v4, v11;
	v23 =	vld.idx.msk [tilespmem:v33+s31+$0x0], $0xffff;
	[tilespmem:s16+$0xFFFFFEC0] =	vst v34  }
0x311: {  	v40 =	vor.u32 v4, v14;
	v26 =	vld.idx.msk [tilespmem:v62+s31+$0x0], $0xffff;
	[tilespmem:s16+$0xFFFFFDC0] =	vst v19  }
0x312: {  	v42 =	vor.u32 v5, v9;
	v19 =	vld.idx.msk [tilespmem:v39+s31+$0x0], $0xffff;
	[tilespmem:s16+$0xFFFFFF40] =	vst v20  }
0x313: {  	v35 =	vor.u32 v5, v15;
	v16 =	vld.idx.msk [tilespmem:v36+s31+$0x0], $0xffff;
	[tilespmem:s16+$0xFFFFFE40] =	vst v21  }
0x314: {  	v45 =	vor.u32 v5, v8;
	v21 =	vld.idx.msk [tilespmem:v41+s31+$0x0], $0xffff;
	[tilespmem:s16+$0xFFFFFCD0] =	vst v18  }
0x315: {  	v46 =	vor.u32 v5, v10;
	v43 =	vld.idx.msk [tilespmem:v38+s31+$0x0], $0xffff;
	[tilespmem:s16+$0xFFFFFD50] =	vst v23  }
0x316: {  	v50 =	vor.u32 v5, v12;
	[tilespmem:s16+$0xFFFFFFD0] =	vst v26;
	v26 =	vld.idx.msk [tilespmem:v40+s31+$0x0], $0xffff  }
0x317: {  	v47 =	vor.u32 v5, v11;
	v22 =	vld.idx.msk [tilespmem:v42+s31+$0x0], $0xffff;
	[tilespmem:s16+$0xFFFFFED0] =	vst v19  }
0x318: {  	v48 =	vor.u32 v5, v13;
	v24 =	vld.idx.msk [tilespmem:v35+s31+$0x0], $0xffff;
	[tilespmem:s16+$0xFFFFFDD0] =	vst v16  }
0x319: {  	v49 =	vor.u32 v5, v14;
	v17 =	vld.idx.msk [tilespmem:v45+s31+$0x0], $0xffff;
	[tilespmem:s16+$0xFFFFFC50] =	vst v21  }
0x31a: {  	v51 =	vor.u32 v6, v9;
	v18 =	vld.idx.msk [tilespmem:v46+s31+$0x0], $0xffff;
	[tilespmem:s16+$0xFFFFFE50] =	vst v43  }
0x31b: {  	v52 =	vor.u32 v6, v8;
	v20 =	vld.idx.msk [tilespmem:v50+s31+$0x0], $0xffff;
	[tilespmem:s16+$0xFFFFFF50] =	vst v26  }
0x31c: {  	v44 =	vor.u32 v6, v15;
	v23 =	vld.idx.msk [tilespmem:v47+s31+$0x0], $0xffff;
	[tilespmem:s16+$0xFFFFFCE0] =	vst v22  }
0x31d: {  	v53 =	vor.u32 v6, v10;
	[tilespmem:s16+$0xFFFFFFE0] =	vst v24;
	v24 =	vld.idx.msk [tilespmem:v48+s31+$0x0], $0xffff  }
0x31e: {  	v58 =	vor.u32 v6, v12;
	[tilespmem:s16+$0xFFFFFD60] =	vst v17;
	v16 =	vld.idx.msk [tilespmem:v49+s31+$0x0], $0xffff  }
0x31f: {  	v54 =	vor.u32 v6, v11;
	v56 =	vld.idx.msk [tilespmem:v51+s31+$0x0], $0xffff;
	[tilespmem:s16+$0xFFFFFDE0] =	vst v18  }
0x320: {  	v55 =	vor.u32 v6, v13;
	v21 =	vld.idx.msk [tilespmem:v52+s31+$0x0], $0xffff;
	[tilespmem:s16+$0xFFFFFC60] =	vst v20  }
0x321: {  	v57 =	vor.u32 v6, v14;
	v25 =	vld.idx.msk [tilespmem:v44+s31+$0x0], $0xffff;
	[tilespmem:s16+$0xFFFFFE60] =	vst v23  }
0x322: {  	v9 =	vor.u32 v7, v9;
	v22 =	vld.idx.msk [tilespmem:v53+s31+$0x0], $0xffff;
	[tilespmem:s16+$0xFFFFFEE0] =	vst v24  }
0x323: {  	v8 =	vor.u32 v7, v8;
	v61 =	vld.idx.msk [tilespmem:v58+s31+$0x0], $0xffff;
	[tilespmem:s16+$0xFFFFFF60] =	vst v16  }
0x324: {  	v15 =	vor.u32 v7, v15;
	v59 =	vld.idx.msk [tilespmem:v54+s31+$0x0], $0xffff;
	[tilespmem:s16+$0xFFFFFCF0] =	vst v56  }
0x325: {  	v10 =	vor.u32 v7, v10;
	[tilespmem:s16+$0xFFFFFD70] =	vst v21;
	v17 =	vld.idx.msk [tilespmem:v55+s31+$0x0], $0xffff  }
0x326: {  	v62 =	vor.u32 v7, v12;
	[tilespmem:s16+$0xFFFFFFF0] =	vst v25;
	v60 =	vld.idx.msk [tilespmem:v57+s31+$0x0], $0xffff  }
0x327: {  	v11 =	vor.u32 v7, v11;
	v9 =	vld.idx.msk [tilespmem:v9+s31+$0x0], $0xffff;
	[tilespmem:s16+$0xFFFFFDF0] =	vst v22  }
0x328: {  	v13 =	vor.u32 v7, v13;
	v8 =	vld.idx.msk [tilespmem:v8+s31+$0x0], $0xffff;
	[tilespmem:s16+$0xFFFFFC70] =	vst v61  }
0x329: {  	v14 =	vor.u32 v7, v14;
	v15 =	vld.idx.msk [tilespmem:v15+s31+$0x0], $0xffff;
	[tilespmem:s16+$0xFFFFFE70] =	vst v59  }
0x32a: {  	v10 =	vld.idx.msk [tilespmem:v10+s31+$0x0], $0xffff;
	[tilespmem:s16+$0xFFFFFEF0] =	vst v17  }
0x32b: {  	v63 =	vld.idx.msk [tilespmem:v62+s31+$0x0], $0xffff;
	[tilespmem:s16+$0xFFFFFF70] =	vst v60  }
0x32c: {  	v11 =	vld.idx.msk [tilespmem:v11+s31+$0x0], $0xffff;
	[tilespmem:s16+$0xFFFFFD00] =	vst v9  }
0x32d: {  	[tilespmem:s16+$0xFFFFFD80] =	vst v8;
	v13 =	vld.idx.msk [tilespmem:v13+s31+$0x0], $0xffff  }
0x32e: {  	[tilespmem:s16+$0x0] =	vst v15;
	v14 =	vld.idx.msk [tilespmem:v14+s31+$0x0], $0xffff  }
0x32f: {  	s17 =	sadd.s32 s1, s15;
	[tilespmem:s16+$0xFFFFFE00] =	vst v10  }
0x330: {  	s15 =	sshll.u32 s17, $0x7;
	[tilespmem:s16+$0xFFFFFC80] =	vst v63  }
0x331: {  	s9 =	sshll.u32 s17, $0xA;
	s15 =	sand.u32 $0x3F00, s15;
	[tilespmem:s16+$0xFFFFFE80] =	vst v11  }
0x332: {  	s9 =	sand.u32 $0xFFE0000, s9;
	s15 =	sadd.s32 s4, s15;
	[tilespmem:s16+$0xFFFFFF00] =	vst v13  }
0x333: {  	s0 =	simm.s32 @!p0 $0x3;
	s30 =	sadd.s32 s9, s15;
	[tilespmem:s16+$0xFFFFFF80] =	vst v14  }
0x334: {  	[hbm4b:s30+s24] =	stream.strided.scatter [tilespmem:s11], [sflag:$0xB], $0x2000, s26, s24, $0x38;
	[tilespmem:$0x18400] =	vst v63  }
0x335: {  	_ =	swait.ge @!p0 [sflag:s0], $0x80  }
0x336: {  	[sflag:s0] =	ssyncset.done @!p0 $0x0  }
0x337: {  	[sflag:s0] =	ssyncadd.s32 @!p0 $0xFFFFFF80  }
0x338: {  	v8 =	vld @!p0 [tilespmem:$0x100]  }
0x339: {  	v9 =	vld @!p0 [tilespmem:$0x110]  }
0x33a: {  	v10 =	vld @!p0 [tilespmem:$0x120]  }
0x33b: {  	v11 =	vld @!p0 [tilespmem:$0x130]  }
0x33c: {  	v12 =	vld @!p0 [tilespmem:$0x140]  }
0x33d: {  	[tilespmem:$0x300] =	vst @!p0 v8;
	v8 =	vld @!p0 [tilespmem:$0x150]  }
0x33e: {  	[tilespmem:$0x310] =	vst @!p0 v9;
	v9 =	vld @!p0 [tilespmem:$0x160]  }
0x33f: {  	[tilespmem:$0x320] =	vst @!p0 v10;
	v10 =	vld @!p0 [tilespmem:$0x170]  }
0x340: {  	[tilespmem:$0x330] =	vst @!p0 v11  }
.Ltmp9:
0x341: {  	[tilespmem:$0x340] =	vst @!p0 v12;
	(pc) =	sbr.rel @p2 .LBB2_17-.Ltmp9, $4  }
0x342: {  	[tilespmem:$0x350] =	vst @!p0 v8  }
0x343: {  	[tilespmem:$0x360] =	vst @!p0 v9  }
0x344: {  	s9 =	simm.s32 @!p0 $0x300;
	s15 =	simm.s32 @!p0 $0x8400;
	s0 =	simm.s32 @!p0 $0x80;
	[tilespmem:$0x370] =	vst @!p0 v10  }
0x345: {  	[tilespmem:s15], [sflag:$0x7] =	stream.indirect.gather @!p0 [hbm4b:s7+s0], $0x80, s9, s0, $0xb8;
	[tilespmem:$0x18400] =	vst v63  }
0x346: {  	s0 =	rddreg [dreg:$0xd]  }
0x347: {  	s0 =	sadd.s32 s20, s0  }
0x348: {  	s9 =	sshll.u32 s0, $0xA  }
0x349: {  	s15 =	sshll.u32 s0, $0x7;
	s0 =	sand.u32 $0x380, s0;
	s9 =	sand.u32 $0x1F800, s9  }
0x34a: {  	s15 =	sand.u32 $0x7FFE0000, s15;
	s0 =	sor.u32 s0, s9  }
0x34b: {  	s0 =	sor.u32 s15, s0  }
0x34c: {  	s0 =	sshrl.u32 s0, $0x3  }
0x34d: {  	s30 =	simm.s32 $0x100;
	s0 =	sadd.s32 s3, s0  }
0x34e: {  	[tilespmem:s30], [sflag:$0x3] =	stream.linear.gather [hbm4b:s0+s5], $0x80, $0x38;
	[tilespmem:$0x18400] =	vst v63  }
.Ltmp10:
0x34f: {  	_ = 	snop;
	(pc) =	sbr.rel @!p1 .LBB2_19-.Ltmp10, $4  }
.Ltmp11:
0x350: {  	_ = 	snop;
	(pc) =	sbr.rel @p1 .LBB2_20-.Ltmp11, $4  }
0x351: {  	_ =	swait.ge [sflag:s12], $0x4000  }
0x352: {  	[sflag:s12] =	ssyncset.done $0x0  }
0x353: {  	[sflag:s12] =	ssyncadd.s32 $0xFFFFC000  }
0x354: {  	_ = 	snop  }
.LBB2_17:
0x355: {  	_ =	swait.ge [sflag:s12], $0x4000  }
0x356: {  	[sflag:s12] =	ssyncset.done $0x0  }
0x357: {  	[sflag:s12] =	ssyncadd.s32 $0xFFFFC000  }
.LBB2_19:
0x358: {  	_ =	swait.ge [sflag:s25], $0x2000  }
0x359: {  	[sflag:s25] =	ssyncset.done $0x0  }
0x35a: {  	[sflag:s25] =	ssyncadd.s32 $0xFFFFE000  }
.LBB2_20:
0x35b: {  	s0 =	simm.s32 $0x0;
	s30 =	simm.s32 $0x1;
	s9 =	simm.s32 $0x2  }
0x35c: {  	s15 =	simm.s32 $0x7;
	s16 =	simm.s32 $0x3;
	v8 =	vmov s0;
	v10 =	vmov s30;
	v11 =	vmov s9  }
0x35d: {  	s17 =	simm.s32 $0x4;
	v12 =	vmov s15;
	v13 =	vmov s16;
	v8 =	vand.u32 $0x78, v8  }
0x35e: {  	s20 =	simm.s32 $0x5;
	v16 =	vmov s17;
	v12 =	vand.u32 $0x7F, v12;
	v8 =	vbroadcast v8, $0x0  }
0x35f: {  	v17 =	vmov s20;
	v10 =	vand.u32 $0x79, v10;
	v12 =	vbroadcast v12, $0x0  }
0x360: {  	v15 =	vbroadcast v10, $0x0;
	v10 =	vand.u32 $0x7A, v11;
	v9 =	vor.u32 v0, v8  }
0x361: {  	v14 =	vbroadcast v10, $0x0;
	v10 =	vand.u32 $0x7B, v13;
	v19 =	vor.u32 v0, v12  }
0x362: {  	v20 =	vor.u32 v0, v15;
	v13 =	vbroadcast v10, $0x0;
	v10 =	vand.u32 $0x7C, v16  }
0x363: {  	s30 =	simm.s32 $0x6;
	v16 =	vor.u32 v0, v14;
	v11 =	vbroadcast v10, $0x0;
	v10 =	vand.u32 $0x7D, v17  }
0x364: {  	v18 =	vmov s30;
	v17 =	vor.u32 v0, v13;
	v10 =	vbroadcast v10, $0x0  }
0x365: {  	v18 =	vand.u32 $0x7E, v18;
	v22 =	vor.u32 v0, v11;
	v21 =	vld.idx.msk [tilespmem:v9+s21+$0x0], $0xffff  }
0x366: {  	v9 =	vbroadcast v18, $0x0;
	v18 =	vor.u32 v0, v10;
	v19 =	vld.idx.msk [tilespmem:v19+s21+$0x0], $0xffff  }
0x367: {  	v24 =	vor.u32 v1, v12;
	v20 =	vld.idx.msk [tilespmem:v20+s21+$0x0], $0xffff  }
0x368: {  	v25 =	vor.u32 v1, v15;
	v16 =	vld.idx.msk [tilespmem:v16+s21+$0x0], $0xffff  }
0x369: {  	v23 =	vor.u32 v0, v9;
	v17 =	vld.idx.msk [tilespmem:v17+s21+$0x0], $0xffff  }
0x36a: {  	s15 =	simm.s32 $0x167F0;
	v26 =	vor.u32 v1, v14;
	v22 =	vld.idx.msk [tilespmem:v22+s21+$0x0], $0xffff  }
0x36b: {  	v27 =	vor.u32 v1, v13;
	v18 =	vld.idx.msk [tilespmem:v18+s21+$0x0], $0xffff;
	[tilespmem:s15+$0xFFFFFF90] =	vst v19  }
0x36c: {  	v28 =	vor.u32 v1, v11;
	[tilespmem:s15+$0xFFFFFC90] =	vst v20;
	v20 =	vld.idx.msk [tilespmem:v24+s21+$0x0], $0xffff  }
0x36d: {  	v19 =	vor.u32 v1, v10;
	v24 =	vld.idx.msk [tilespmem:v25+s21+$0x0], $0xffff;
	[tilespmem:s15+$0xFFFFFD10] =	vst v16  }
0x36e: {  	v23 =	vld.idx.msk [tilespmem:v23+s21+$0x0], $0xffff;
	[tilespmem:s15+$0xFFFFFD90] =	vst v17;
	v17 =	vor.u32 v2, v12  }
0x36f: {  	[tilespmem:s15+$0xFFFFFC10] =	vst v21;
	v25 =	vld.idx.msk [tilespmem:v26+s21+$0x0], $0xffff;
	v26 =	vor.u32 v1, v8  }
0x370: {  	v16 =	vor.u32 v1, v9;
	v27 =	vld.idx.msk [tilespmem:v27+s21+$0x0], $0xffff;
	[tilespmem:s15+$0xFFFFFE10] =	vst v22  }
0x371: {  	v22 =	vor.u32 v2, v15;
	v28 =	vld.idx.msk [tilespmem:v28+s21+$0x0], $0xffff;
	[tilespmem:s15+$0xFFFFFE90] =	vst v18  }
0x372: {  	v18 =	vor.u32 v2, v14;
	v19 =	vld.idx.msk [tilespmem:v19+s21+$0x0], $0xffff;
	[tilespmem:s15+$0xFFFFFFA0] =	vst v20  }
0x373: {  	v20 =	vor.u32 v2, v11;
	[tilespmem:s15+$0xFFFFFCA0] =	vst v24;
	v17 =	vld.idx.msk [tilespmem:v17+s21+$0x0], $0xffff  }
0x374: {  	[tilespmem:s15+$0xFFFFFF10] =	vst v23;
	v23 =	vor.u32 v2, v13;
	v21 =	vld.idx.msk [tilespmem:v26+s21+$0x0], $0xffff  }
0x375: {  	v24 =	vor.u32 v2, v10;
	[tilespmem:s15+$0xFFFFFD20] =	vst v25;
	v16 =	vld.idx.msk [tilespmem:v16+s21+$0x0], $0xffff  }
0x376: {  	v25 =	vor.u32 v3, v12;
	v22 =	vld.idx.msk [tilespmem:v22+s21+$0x0], $0xffff;
	[tilespmem:s15+$0xFFFFFDA0] =	vst v27  }
0x377: {  	v26 =	vor.u32 v2, v9;
	[tilespmem:s15+$0xFFFFFE20] =	vst v28;
	v18 =	vld.idx.msk [tilespmem:v18+s21+$0x0], $0xffff  }
0x378: {  	v27 =	vor.u32 v2, v8;
	v20 =	vld.idx.msk [tilespmem:v20+s21+$0x0], $0xffff;
	[tilespmem:s15+$0xFFFFFEA0] =	vst v19  }
0x379: {  	v28 =	vor.u32 v3, v15;
	v23 =	vld.idx.msk [tilespmem:v23+s21+$0x0], $0xffff;
	[tilespmem:s15+$0xFFFFFFB0] =	vst v17  }
0x37a: {  	v19 =	vor.u32 v3, v14;
	v24 =	vld.idx.msk [tilespmem:v24+s21+$0x0], $0xffff;
	[tilespmem:s15+$0xFFFFFC20] =	vst v21  }
0x37b: {  	v21 =	vor.u32 v3, v11;
	[tilespmem:s15+$0xFFFFFF20] =	vst v16;
	v16 =	vld.idx.msk [tilespmem:v25+s21+$0x0], $0xffff  }
0x37c: {  	v17 =	vor.u32 v3, v13;
	[tilespmem:s15+$0xFFFFFCB0] =	vst v22;
	v25 =	vld.idx.msk [tilespmem:v26+s21+$0x0], $0xffff  }
0x37d: {  	v22 =	vor.u32 v4, v12;
	v26 =	vld.idx.msk [tilespmem:v27+s21+$0x0], $0xffff;
	[tilespmem:s15+$0xFFFFFD30] =	vst v18  }
0x37e: {  	v27 =	vld.idx.msk [tilespmem:v28+s21+$0x0], $0xffff;
	v18 =	vor.u32 v3, v10;
	[tilespmem:s15+$0xFFFFFE30] =	vst v20  }
0x37f: {  	v28 =	vor.u32 v3, v8;
	v19 =	vld.idx.msk [tilespmem:v19+s21+$0x0], $0xffff;
	[tilespmem:s15+$0xFFFFFDB0] =	vst v23  }
0x380: {  	v20 =	vor.u32 v4, v15;
	v21 =	vld.idx.msk [tilespmem:v21+s21+$0x0], $0xffff;
	[tilespmem:s15+$0xFFFFFEB0] =	vst v24  }
0x381: {  	v23 =	vor.u32 v3, v9;
	v17 =	vld.idx.msk [tilespmem:v17+s21+$0x0], $0xffff;
	[tilespmem:s15+$0xFFFFFFC0] =	vst v16  }
0x382: {  	v16 =	vor.u32 v4, v14;
	v22 =	vld.idx.msk [tilespmem:v22+s21+$0x0], $0xffff;
	[tilespmem:s15+$0xFFFFFF30] =	vst v25  }
0x383: {  	v24 =	vor.u32 v4, v13;
	[tilespmem:s15+$0xFFFFFC30] =	vst v26;
	v18 =	vld.idx.msk [tilespmem:v18+s21+$0x0], $0xffff  }
0x384: {  	[tilespmem:s15+$0xFFFFFCC0] =	vst v27;
	v27 =	vor.u32 v4, v11;
	v26 =	vld.idx.msk [tilespmem:v28+s21+$0x0], $0xffff  }
0x385: {  	v25 =	vor.u32 v5, v12;
	v20 =	vld.idx.msk [tilespmem:v20+s21+$0x0], $0xffff;
	[tilespmem:s15+$0xFFFFFD40] =	vst v19  }
0x386: {  	v19 =	vor.u32 v4, v10;
	v23 =	vld.idx.msk [tilespmem:v23+s21+$0x0], $0xffff;
	[tilespmem:s15+$0xFFFFFE40] =	vst v21  }
0x387: {  	v28 =	vor.u32 v4, v8;
	v16 =	vld.idx.msk [tilespmem:v16+s21+$0x0], $0xffff;
	[tilespmem:s15+$0xFFFFFDC0] =	vst v17  }
0x388: {  	v17 =	vor.u32 v4, v9;
	v24 =	vld.idx.msk [tilespmem:v24+s21+$0x0], $0xffff;
	[tilespmem:s15+$0xFFFFFFD0] =	vst v22  }
0x389: {  	v22 =	vor.u32 v5, v15;
	v27 =	vld.idx.msk [tilespmem:v27+s21+$0x0], $0xffff;
	[tilespmem:s15+$0xFFFFFEC0] =	vst v18  }
0x38a: {  	v21 =	vld.idx.msk [tilespmem:v25+s21+$0x0], $0xffff;
	v25 =	vor.u32 v5, v14;
	[tilespmem:s15+$0xFFFFFC40] =	vst v26  }
0x38b: {  	v18 =	vld.idx.msk [tilespmem:v19+s21+$0x0], $0xffff;
	v19 =	vor.u32 v6, v12;
	[tilespmem:s15+$0xFFFFFCD0] =	vst v20  }
0x38c: {  	v26 =	vld.idx.msk [tilespmem:v28+s21+$0x0], $0xffff;
	v20 =	vor.u32 v5, v11;
	[tilespmem:s15+$0xFFFFFF40] =	vst v23  }
0x38d: {  	v23 =	vor.u32 v5, v13;
	v17 =	vld.idx.msk [tilespmem:v17+s21+$0x0], $0xffff  }
0x38e: {  	[tilespmem:s15+$0xFFFFFD50] =	vst v16;
	v16 =	vor.u32 v5, v10;
	v22 =	vld.idx.msk [tilespmem:v22+s21+$0x0], $0xffff  }
0x38f: {  	v28 =	vor.u32 v5, v9;
	v25 =	vld.idx.msk [tilespmem:v25+s21+$0x0], $0xffff;
	[tilespmem:s15+$0xFFFFFFE0] =	vst v21  }
0x390: {  	[tilespmem:s15+$0xFFFFFE50] =	vst v27;
	v21 =	vor.u32 v5, v8;
	v19 =	vld.idx.msk [tilespmem:v19+s21+$0x0], $0xffff  }
0x391: {  	[tilespmem:s15+$0xFFFFFDD0] =	vst v24;
	v24 =	vor.u32 v6, v15;
	v20 =	vld.idx.msk [tilespmem:v20+s21+$0x0], $0xffff  }
0x392: {  	v12 =	vor.u32 v7, v12;
	[tilespmem:s15+$0xFFFFFED0] =	vst v18;
	v23 =	vld.idx.msk [tilespmem:v23+s21+$0x0], $0xffff  }
0x393: {  	v18 =	vor.u32 v6, v14;
	v29 =	vld.idx.msk [tilespmem:v16+s21+$0x0], $0xffff;
	[tilespmem:s15+$0xFFFFFF50] =	vst v17  }
0x394: {  	s16 =	simm.s32 $0x8;
	[tilespmem:s15+$0xFFFFFC50] =	vst v26;
	v16 =	vor.u32 v6, v13;
	v26 =	vld.idx.msk [tilespmem:v28+s21+$0x0], $0xffff  }
0x395: {  	[tilespmem:s15+$0xFFFFFCE0] =	vst v22;
	v22 =	vor.u32 v6, v11;
	v30 =	vld.idx.msk [tilespmem:v21+s21+$0x0], $0xffff;
	v21 =	vmov s16  }
0x396: {  	v31 =	vor.u32 v6, v10;
	v17 =	vld.idx.msk [tilespmem:v24+s21+$0x0], $0xffff;
	[tilespmem:s15+$0xFFFFFFF0] =	vst v19;
	v19 =	vand.u32 $0x78, v21  }
0x397: {  	v32 =	vor.u32 v6, v9;
	[tilespmem:s15+$0xFFFFFD60] =	vst v25;
	v27 =	vld.idx.msk [tilespmem:v12+s21+$0x0], $0xffff;
	v12 =	vbroadcast v19, $0x0  }
0x398: {  	v28 =	vor.u32 v6, v8;
	v21 =	vld.idx.msk [tilespmem:v18+s21+$0x0], $0xffff;
	[tilespmem:s15+$0xFFFFFDE0] =	vst v23  }
0x399: {  	[tilespmem:s15+$0xFFFFFE60] =	vst v20;
	v18 =	vld.idx.msk [tilespmem:v16+s21+$0x0], $0xffff;
	v16 =	vor.u32 v0, v12  }
0x39a: {  	s9 =	simm.s32 $0x9;
	s17 =	simm.s32 $0xA;
	v24 =	vor.u32 v7, v15;
	[tilespmem:s15+$0xFFFFFEE0] =	vst v29;
	v19 =	vld.idx.msk [tilespmem:v22+s21+$0x0], $0xffff  }
0x39b: {  	s20 =	simm.s32 $0xB;
	s30 =	simm.s32 $0xC;
	v14 =	vor.u32 v7, v14;
	v15 =	vmov s9;
	v25 =	vmov s17;
	v20 =	vld.idx.msk [tilespmem:v31+s21+$0x0], $0xffff;
	[tilespmem:s15+$0xFFFFFF60] =	vst v26  }
0x39c: {  	s0 =	simm.s32 $0x10;
	v13 =	vor.u32 v7, v13;
	s9 =	simm.s32 $0xD;
	s17 =	simm.s32 $0xF;
	v26 =	vmov s20;
	v22 =	vmov s30;
	[tilespmem:s15+$0xFFFFFC60] =	vst v30;
	v23 =	vld.idx.msk [tilespmem:v32+s21+$0x0], $0xffff  }
.LBB2_21:
0x39d: {  	p0 =	slt.u32 s0, $0x38;
	v29 =	vmov s9;
	s9 =	sadd.s32 $0x6, s16;
	v30 =	vmov s17;
	v28 =	vld.idx.msk [tilespmem:v28+s21+$0x0], $0xffff;
	v11 =	vor.u32 v7, v11;
	[tilespmem:s15+$0x0] =	vst v27;
	s16 =	smov.u32 s0  }
0x39e: {  	v10 =	vor.u32 v7, v10;
	v27 =	vld.idx.msk [tilespmem:v16+s21+$0x0], $0xffff;
	v31 =	vmov s9;
	v16 =	vand.u32 $0x7F, v30;
	[tilespmem:s15+$0xFFFFFCF0] =	vst v17  }
0x39f: {  	v15 =	vand.u32 $0x79, v15;
	v9 =	vor.u32 v7, v9;
	v16 =	vbroadcast v16, $0x0;
	v17 =	vld.idx.msk [tilespmem:v24+s21+$0x0], $0xffff;
	[tilespmem:s15+$0xFFFFFD70] =	vst v21  }
0x3a0: {  	v15 =	vbroadcast v15, $0x0;
	v21 =	vand.u32 $0x7A, v25;
	v24 =	vor.u32 v7, v8;
	v8 =	vmovc v12;
	v25 =	vld.idx.msk [tilespmem:v14+s21+$0x0], $0xffff;
	[tilespmem:s15+$0xFFFFFDF0] =	vst v18  }
0x3a1: {  	v12 =	vand.u32 $0x7B, v26;
	v14 =	vbroadcast v21, $0x0;
	v18 =	vor.u32 v0, v16;
	v21 =	vld.idx.msk [tilespmem:v13+s21+$0x0], $0xffff;
	[tilespmem:s15+$0xFFFFFE70] =	vst v19  }
0x3a2: {  	v19 =	vor.u32 v0, v15;
	v13 =	vbroadcast v12, $0x0;
	v12 =	vand.u32 $0x7C, v22;
	v22 =	vld.idx.msk [tilespmem:v11+s21+$0x0], $0xffff;
	[tilespmem:s15+$0xFFFFFEF0] =	vst v20  }
0x3a3: {  	v20 =	vor.u32 v0, v14;
	v11 =	vbroadcast v12, $0x0;
	v12 =	vand.u32 $0x7D, v29;
	v26 =	vld.idx.msk [tilespmem:v10+s21+$0x0], $0xffff;
	[tilespmem:s15+$0xFFFFFF70] =	vst v23  }
0x3a4: {  	v23 =	vor.u32 v0, v13;
	v10 =	vbroadcast v12, $0x0;
	v12 =	vand.u32 $0x7E, v31;
	[tilespmem:s15+$0xFFFFFC70] =	vst v28;
	v28 =	vld.idx.msk [tilespmem:v9+s21+$0x0], $0xffff  }
0x3a5: {  	v29 =	vor.u32 v0, v11;
	v9 =	vbroadcast v12, $0x0;
	v12 =	vld.idx.msk [tilespmem:v24+s21+$0x0], $0xffff;
	[tilespmem:s15+$0xFFFFFD00] =	vst v17  }
0x3a6: {  	v17 =	vor.u32 v0, v10;
	v18 =	vld.idx.msk [tilespmem:v18+s21+$0x0], $0xffff;
	[tilespmem:s15+$0xFFFFFD80] =	vst v25  }
0x3a7: {  	v24 =	vor.u32 v0, v9;
	v19 =	vld.idx.msk [tilespmem:v19+s21+$0x0], $0xffff;
	[tilespmem:s15+$0xFFFFFE00] =	vst v21  }
0x3a8: {  	v21 =	vor.u32 v1, v16;
	v20 =	vld.idx.msk [tilespmem:v20+s21+$0x0], $0xffff;
	[tilespmem:s15+$0xFFFFFE80] =	vst v22  }
0x3a9: {  	v22 =	vor.u32 v1, v15;
	v23 =	vld.idx.msk [tilespmem:v23+s21+$0x0], $0xffff;
	[tilespmem:s15+$0xFFFFFF00] =	vst v26  }
0x3aa: {  	v25 =	vor.u32 v1, v14;
	v26 =	vld.idx.msk [tilespmem:v29+s21+$0x0], $0xffff;
	[tilespmem:s15+$0xFFFFFF80] =	vst v28  }
0x3ab: {  	v28 =	vor.u32 v1, v13;
	v17 =	vld.idx.msk [tilespmem:v17+s21+$0x0], $0xffff;
	[tilespmem:s15+$0xFFFFFC80] =	vst v12;
	s15 =	sadd.s32 $0x400, s15  }
0x3ac: {  	v12 =	vor.u32 v1, v11;
	v24 =	vld.idx.msk [tilespmem:v24+s21+$0x0], $0xffff;
	[tilespmem:s15+$0xFFFFFF90] =	vst v18  }
0x3ad: {  	v18 =	vor.u32 v1, v10;
	[tilespmem:s15+$0xFFFFFC90] =	vst v19;
	v19 =	vld.idx.msk [tilespmem:v21+s21+$0x0], $0xffff  }
0x3ae: {  	v21 =	vld.idx.msk [tilespmem:v22+s21+$0x0], $0xffff;
	[tilespmem:s15+$0xFFFFFD10] =	vst v20;
	v20 =	vor.u32 v1, v9  }
0x3af: {  	v22 =	vld.idx.msk [tilespmem:v25+s21+$0x0], $0xffff;
	[tilespmem:s15+$0xFFFFFD90] =	vst v23;
	v23 =	vor.u32 v2, v16  }
0x3b0: {  	v25 =	vor.u32 v1, v8;
	v28 =	vld.idx.msk [tilespmem:v28+s21+$0x0], $0xffff;
	[tilespmem:s15+$0xFFFFFE10] =	vst v26  }
0x3b1: {  	v26 =	vor.u32 v2, v15;
	v12 =	vld.idx.msk [tilespmem:v12+s21+$0x0], $0xffff;
	[tilespmem:s15+$0xFFFFFE90] =	vst v17  }
0x3b2: {  	v17 =	vor.u32 v2, v14;
	v18 =	vld.idx.msk [tilespmem:v18+s21+$0x0], $0xffff;
	[tilespmem:s15+$0xFFFFFF10] =	vst v24  }
0x3b3: {  	v24 =	vor.u32 v2, v13;
	v20 =	vld.idx.msk [tilespmem:v20+s21+$0x0], $0xffff;
	[tilespmem:s15+$0xFFFFFFA0] =	vst v19  }
0x3b4: {  	v19 =	vor.u32 v2, v11;
	[tilespmem:s15+$0xFFFFFC10] =	vst v27;
	v23 =	vld.idx.msk [tilespmem:v23+s21+$0x0], $0xffff  }
0x3b5: {  	v25 =	vld.idx.msk [tilespmem:v25+s21+$0x0], $0xffff;
	[tilespmem:s15+$0xFFFFFCA0] =	vst v21;
	v21 =	vor.u32 v2, v10  }
0x3b6: {  	v26 =	vld.idx.msk [tilespmem:v26+s21+$0x0], $0xffff;
	[tilespmem:s15+$0xFFFFFD20] =	vst v22;
	v22 =	vor.u32 v3, v16  }
0x3b7: {  	v27 =	vor.u32 v2, v9;
	v17 =	vld.idx.msk [tilespmem:v17+s21+$0x0], $0xffff;
	[tilespmem:s15+$0xFFFFFDA0] =	vst v28  }
0x3b8: {  	v28 =	vor.u32 v2, v8;
	v24 =	vld.idx.msk [tilespmem:v24+s21+$0x0], $0xffff;
	[tilespmem:s15+$0xFFFFFE20] =	vst v12  }
0x3b9: {  	v12 =	vor.u32 v3, v15;
	v19 =	vld.idx.msk [tilespmem:v19+s21+$0x0], $0xffff;
	[tilespmem:s15+$0xFFFFFEA0] =	vst v18  }
0x3ba: {  	v18 =	vor.u32 v3, v14;
	v21 =	vld.idx.msk [tilespmem:v21+s21+$0x0], $0xffff;
	[tilespmem:s15+$0xFFFFFFB0] =	vst v23  }
0x3bb: {  	v23 =	vor.u32 v3, v13;
	[tilespmem:s15+$0xFFFFFF20] =	vst v20;
	v20 =	vld.idx.msk [tilespmem:v22+s21+$0x0], $0xffff  }
0x3bc: {  	v22 =	vor.u32 v3, v11;
	[tilespmem:s15+$0xFFFFFC20] =	vst v25;
	v25 =	vld.idx.msk [tilespmem:v27+s21+$0x0], $0xffff  }
0x3bd: {  	v27 =	vld.idx.msk [tilespmem:v28+s21+$0x0], $0xffff;
	[tilespmem:s15+$0xFFFFFCB0] =	vst v26;
	v26 =	vor.u32 v4, v16  }
0x3be: {  	v12 =	vld.idx.msk [tilespmem:v12+s21+$0x0], $0xffff;
	[tilespmem:s15+$0xFFFFFD30] =	vst v17;
	v17 =	vor.u32 v3, v10  }
0x3bf: {  	v18 =	vld.idx.msk [tilespmem:v18+s21+$0x0], $0xffff;
	[tilespmem:s15+$0xFFFFFDB0] =	vst v24;
	v24 =	vor.u32 v3, v9  }
0x3c0: {  	v28 =	vor.u32 v3, v8;
	v23 =	vld.idx.msk [tilespmem:v23+s21+$0x0], $0xffff;
	[tilespmem:s15+$0xFFFFFE30] =	vst v19  }
0x3c1: {  	v19 =	vor.u32 v4, v15;
	v22 =	vld.idx.msk [tilespmem:v22+s21+$0x0], $0xffff;
	[tilespmem:s15+$0xFFFFFFC0] =	vst v20  }
0x3c2: {  	v20 =	vor.u32 v4, v14;
	[tilespmem:s15+$0xFFFFFEB0] =	vst v21;
	v21 =	vld.idx.msk [tilespmem:v26+s21+$0x0], $0xffff  }
0x3c3: {  	v26 =	vor.u32 v4, v13;
	v17 =	vld.idx.msk [tilespmem:v17+s21+$0x0], $0xffff;
	[tilespmem:s15+$0xFFFFFF30] =	vst v25  }
0x3c4: {  	v25 =	vor.u32 v5, v16;
	[tilespmem:s15+$0xFFFFFC30] =	vst v27;
	v24 =	vld.idx.msk [tilespmem:v24+s21+$0x0], $0xffff  }
0x3c5: {  	v27 =	vld.idx.msk [tilespmem:v28+s21+$0x0], $0xffff;
	[tilespmem:s15+$0xFFFFFCC0] =	vst v12;
	v12 =	vor.u32 v4, v11  }
0x3c6: {  	v19 =	vld.idx.msk [tilespmem:v19+s21+$0x0], $0xffff;
	[tilespmem:s15+$0xFFFFFD40] =	vst v18;
	v18 =	vor.u32 v4, v10  }
0x3c7: {  	v20 =	vld.idx.msk [tilespmem:v20+s21+$0x0], $0xffff;
	[tilespmem:s15+$0xFFFFFDC0] =	vst v23;
	v23 =	vor.u32 v4, v9  }
0x3c8: {  	v28 =	vor.u32 v4, v8;
	v26 =	vld.idx.msk [tilespmem:v26+s21+$0x0], $0xffff;
	[tilespmem:s15+$0xFFFFFFD0] =	vst v21  }
0x3c9: {  	v21 =	vor.u32 v5, v15;
	[tilespmem:s15+$0xFFFFFE40] =	vst v22;
	v22 =	vld.idx.msk [tilespmem:v25+s21+$0x0], $0xffff  }
0x3ca: {  	v25 =	vor.u32 v5, v14;
	v12 =	vld.idx.msk [tilespmem:v12+s21+$0x0], $0xffff;
	[tilespmem:s15+$0xFFFFFEC0] =	vst v17  }
0x3cb: {  	v17 =	vld.idx.msk [tilespmem:v18+s21+$0x0], $0xffff;
	[tilespmem:s15+$0xFFFFFF40] =	vst v24;
	v18 =	vor.u32 v6, v16  }
0x3cc: {  	v24 =	vor.u32 v5, v13;
	[tilespmem:s15+$0xFFFFFC40] =	vst v27;
	v23 =	vld.idx.msk [tilespmem:v23+s21+$0x0], $0xffff  }
0x3cd: {  	v27 =	vld.idx.msk [tilespmem:v28+s21+$0x0], $0xffff;
	[tilespmem:s15+$0xFFFFFCD0] =	vst v19;
	v19 =	vor.u32 v5, v11  }
0x3ce: {  	v21 =	vld.idx.msk [tilespmem:v21+s21+$0x0], $0xffff;
	[tilespmem:s15+$0xFFFFFD50] =	vst v20;
	v20 =	vor.u32 v5, v10  }
0x3cf: {  	v28 =	vor.u32 v5, v9;
	v25 =	vld.idx.msk [tilespmem:v25+s21+$0x0], $0xffff;
	[tilespmem:s15+$0xFFFFFFE0] =	vst v22  }
0x3d0: {  	v22 =	vor.u32 v5, v8;
	[tilespmem:s15+$0xFFFFFDD0] =	vst v26;
	v18 =	vld.idx.msk [tilespmem:v18+s21+$0x0], $0xffff  }
0x3d1: {  	v26 =	vor.u32 v6, v15;
	v24 =	vld.idx.msk [tilespmem:v24+s21+$0x0], $0xffff;
	[tilespmem:s15+$0xFFFFFE50] =	vst v12  }
0x3d2: {  	v16 =	vor.u32 v7, v16;
	v19 =	vld.idx.msk [tilespmem:v19+s21+$0x0], $0xffff;
	[tilespmem:s15+$0xFFFFFED0] =	vst v17  }
0x3d3: {  	v29 =	vor.u32 v6, v14;
	v20 =	vld.idx.msk [tilespmem:v20+s21+$0x0], $0xffff;
	[tilespmem:s15+$0xFFFFFF50] =	vst v23  }
0x3d4: {  	v23 =	vor.u32 v6, v13;
	[tilespmem:s15+$0xFFFFFC50] =	vst v27;
	v30 =	vld.idx.msk [tilespmem:v28+s21+$0x0], $0xffff  }
0x3d5: {  	v12 =	vmov s0;
	v31 =	vld.idx.msk [tilespmem:v22+s21+$0x0], $0xffff;
	[tilespmem:s15+$0xFFFFFCE0] =	vst v21;
	v22 =	vor.u32 v6, v11  }
0x3d6: {  	v12 =	vand.u32 $0x78, v12;
	v17 =	vld.idx.msk [tilespmem:v26+s21+$0x0], $0xffff;
	v26 =	vor.u32 v6, v10;
	[tilespmem:s15+$0xFFFFFFF0] =	vst v18  }
0x3d7: {  	v32 =	vor.u32 v6, v9;
	v12 =	vbroadcast v12, $0x0;
	[tilespmem:s15+$0xFFFFFD60] =	vst v25;
	v27 =	vld.idx.msk [tilespmem:v16+s21+$0x0], $0xffff  }
.Ltmp12:
0x3d8: {  	v28 =	vor.u32 v6, v8;
	v21 =	vld.idx.msk [tilespmem:v29+s21+$0x0], $0xffff;
	[tilespmem:s15+$0xFFFFFDE0] =	vst v24;
	(pc) =	sbr.rel @p0 .LBB2_21-.Ltmp12, $4  }
0x3d9: {  	v16 =	vor.u32 v0, v12;
	v18 =	vld.idx.msk [tilespmem:v23+s21+$0x0], $0xffff;
	[tilespmem:s15+$0xFFFFFE60] =	vst v19  }
0x3da: {  	s17 =	sadd.s32 $0x2, s0;
	s9 =	sadd.s32 $0x1, s0;
	v24 =	vor.u32 v7, v15;
	v19 =	vld.idx.msk [tilespmem:v22+s21+$0x0], $0xffff;
	[tilespmem:s15+$0xFFFFFEE0] =	vst v20  }
0x3db: {  	v14 =	vor.u32 v7, v14;
	v25 =	vmov s17;
	s17 =	sadd.s32 $0x4, s0;
	v15 =	vmov s9;
	s9 =	sadd.s32 $0x3, s0;
	v20 =	vld.idx.msk [tilespmem:v26+s21+$0x0], $0xffff;
	[tilespmem:s15+$0xFFFFFF60] =	vst v30  }
0x3dc: {  	v13 =	vor.u32 v7, v13;
	s0 =	sadd.s32 $0x8, s0;
	v22 =	vmov s17;
	s17 =	sadd.s32 $0x7, s16;
	v26 =	vmov s9;
	s9 =	sadd.s32 $0x5, s16;
	[tilespmem:s15+$0xFFFFFC60] =	vst v31;
	v23 =	vld.idx.msk [tilespmem:v32+s21+$0x0], $0xffff  }
0x3dd: {  	_ =	sdelay $0x1  }
0x3de: {  	[tilespmem:s15+$0x0] =	vst v27  }
0x3df: {  	[tilespmem:s15+$0xFFFFFCF0] =	vst v17  }
0x3e0: {  	v11 =	vor.u32 v7, v11;
	v48 =	vld.idx.msk [tilespmem:v28+s21+$0x0], $0xffff;
	[tilespmem:s15+$0xFFFFFD70] =	vst v21  }
0x3e1: {  	v47 =	vmov s9;
	v29 =	vmov s17;
	v30 =	vor.u32 v7, v10;
	v16 =	vld.idx.msk [tilespmem:v16+s21+$0x0], $0xffff;
	[tilespmem:s15+$0xFFFFFDF0] =	vst v18  }
0x3e2: {  	v50 =	vand.u32 $0x79, v15;
	v52 =	vor.u32 v7, v9;
	v53 =	vand.u32 $0x7A, v25;
	v51 =	vld.idx.msk [tilespmem:v24+s21+$0x0], $0xffff;
	[tilespmem:s15+$0xFFFFFE70] =	vst v19  }
0x3e3: {  	s0 =	sadd.s32 $0x6, s16;
	v54 =	vor.u32 v7, v8;
	v56 =	vand.u32 $0x7B, v26;
	v9 =	vbroadcast v50, $0x0;
	v55 =	vld.idx.msk [tilespmem:v14+s21+$0x0], $0xffff;
	[tilespmem:s15+$0xFFFFFEF0] =	vst v20  }
0x3e4: {  	v46 =	vor.u32 v1, v12;
	v49 =	vmov s0;
	v8 =	vbroadcast v53, $0x0;
	v58 =	vld.idx.msk [tilespmem:v13+s21+$0x0], $0xffff;
	[tilespmem:s15+$0xFFFFFF70] =	vst v23  }
0x3e5: {  	s17 =	sadd.s32 $0x400, s15;
	v29 =	vand.u32 $0x7F, v29;
	v10 =	vbroadcast v56, $0x0;
	v59 =	vor.u32 v0, v9;
	v61 =	vld.idx.msk [tilespmem:v11+s21+$0x0], $0xffff;
	[tilespmem:s15+$0xFFFFFC70] =	vst v48  }
0x3e6: {  	v63 =	vand.u32 $0x7D, v47;
	v15 =	vbroadcast v29, $0x0;
	v62 =	vor.u32 v0, v8;
	v30 =	vld.idx.msk [tilespmem:v30+s21+$0x0], $0xffff;
	[tilespmem:s17+$0xFFFFFC10] =	vst v16  }
0x3e7: {  	v13 =	vbroadcast v63, $0x0;
	v32 =	vand.u32 $0x7E, v49;
	v31 =	vor.u32 v0, v10;
	v24 =	vld.idx.msk [tilespmem:v52+s21+$0x0], $0xffff;
	[tilespmem:s15+$0xFFFFFD00] =	vst v51  }
0x3e8: {  	v60 =	vand.u32 $0x7C, v22;
	v14 =	vbroadcast v32, $0x0;
	v57 =	vor.u32 v0, v15;
	v18 =	vld.idx.msk [tilespmem:v54+s21+$0x0], $0xffff;
	[tilespmem:s15+$0xFFFFFD80] =	vst v55  }
0x3e9: {  	v34 =	vor.u32 v0, v13;
	v11 =	vbroadcast v60, $0x0;
	v52 =	vld.idx.msk [tilespmem:v46+s21+$0x0], $0xffff;
	[tilespmem:s15+$0xFFFFFE00] =	vst v58  }
0x3ea: {  	v35 =	vor.u32 v0, v14;
	v20 =	vld.idx.msk [tilespmem:v59+s21+$0x0], $0xffff;
	[tilespmem:s15+$0xFFFFFE80] =	vst v61  }
0x3eb: {  	v33 =	vor.u32 v0, v11;
	v36 =	vld.idx.msk [tilespmem:v62+s21+$0x0], $0xffff;
	[tilespmem:s15+$0xFFFFFF00] =	vst v30  }
0x3ec: {  	v38 =	vor.u32 v1, v9;
	v17 =	vld.idx.msk [tilespmem:v31+s21+$0x0], $0xffff;
	[tilespmem:s15+$0xFFFFFF80] =	vst v24  }
0x3ed: {  	v39 =	vor.u32 v1, v8;
	v19 =	vld.idx.msk [tilespmem:v57+s21+$0x0], $0xffff;
	[tilespmem:s15+$0xFFFFFC80] =	vst v18  }
0x3ee: {  	v40 =	vor.u32 v1, v10;
	v25 =	vld.idx.msk [tilespmem:v34+s21+$0x0], $0xffff;
	[tilespmem:s17+$0xFFFFFC20] =	vst v52  }
0x3ef: {  	v37 =	vor.u32 v1, v15;
	v26 =	vld.idx.msk [tilespmem:v35+s21+$0x0], $0xffff;
	[tilespmem:s17+$0xFFFFFC90] =	vst v20  }
0x3f0: {  	v42 =	vor.u32 v1, v13;
	v21 =	vld.idx.msk [tilespmem:v33+s21+$0x0], $0xffff;
	[tilespmem:s17+$0xFFFFFD10] =	vst v36  }
0x3f1: {  	v45 =	vor.u32 v1, v14;
	[tilespmem:s17+$0xFFFFFD90] =	vst v17;
	v43 =	vld.idx.msk [tilespmem:v38+s21+$0x0], $0xffff  }
0x3f2: {  	v41 =	vor.u32 v1, v11;
	[tilespmem:s17+$0xFFFFFF90] =	vst v19;
	v18 =	vld.idx.msk [tilespmem:v39+s21+$0x0], $0xffff  }
0x3f3: {  	v47 =	vor.u32 v2, v9;
	[tilespmem:s17+$0xFFFFFE90] =	vst v25;
	v19 =	vld.idx.msk [tilespmem:v40+s21+$0x0], $0xffff  }
0x3f4: {  	v48 =	vor.u32 v2, v8;
	v23 =	vld.idx.msk [tilespmem:v37+s21+$0x0], $0xffff;
	[tilespmem:s17+$0xFFFFFF10] =	vst v26  }
0x3f5: {  	v49 =	vor.u32 v2, v10;
	v22 =	vld.idx.msk [tilespmem:v42+s21+$0x0], $0xffff;
	[tilespmem:s17+$0xFFFFFE10] =	vst v21  }
0x3f6: {  	v57 =	vor.u32 v2, v12;
	v50 =	vld.idx.msk [tilespmem:v45+s21+$0x0], $0xffff;
	[tilespmem:s17+$0xFFFFFCA0] =	vst v43  }
0x3f7: {  	v44 =	vor.u32 v2, v15;
	v20 =	vld.idx.msk [tilespmem:v41+s21+$0x0], $0xffff;
	[tilespmem:s17+$0xFFFFFD20] =	vst v18  }
0x3f8: {  	v54 =	vor.u32 v2, v13;
	[tilespmem:s17+$0xFFFFFDA0] =	vst v19;
	v26 =	vld.idx.msk [tilespmem:v47+s21+$0x0], $0xffff  }
0x3f9: {  	v56 =	vor.u32 v2, v14;
	[tilespmem:s17+$0xFFFFFFA0] =	vst v23;
	v55 =	vld.idx.msk [tilespmem:v48+s21+$0x0], $0xffff  }
0x3fa: {  	v51 =	vor.u32 v2, v11;
	[tilespmem:s17+$0xFFFFFEA0] =	vst v22;
	v16 =	vld.idx.msk [tilespmem:v49+s21+$0x0], $0xffff  }
0x3fb: {  	v58 =	vor.u32 v3, v9;
	v22 =	vld.idx.msk [tilespmem:v57+s21+$0x0], $0xffff;
	[tilespmem:s17+$0xFFFFFF20] =	vst v50  }
0x3fc: {  	v59 =	vor.u32 v3, v8;
	v24 =	vld.idx.msk [tilespmem:v44+s21+$0x0], $0xffff;
	[tilespmem:s17+$0xFFFFFE20] =	vst v20  }
0x3fd: {  	v61 =	vor.u32 v3, v10;
	v60 =	vld.idx.msk [tilespmem:v54+s21+$0x0], $0xffff;
	[tilespmem:s17+$0xFFFFFCB0] =	vst v26  }
0x3fe: {  	v31 =	vor.u32 v3, v12;
	v23 =	vld.idx.msk [tilespmem:v56+s21+$0x0], $0xffff;
	[tilespmem:s17+$0xFFFFFD30] =	vst v55  }
0x3ff: {  	v53 =	vor.u32 v3, v15;
	v21 =	vld.idx.msk [tilespmem:v51+s21+$0x0], $0xffff;
	[tilespmem:s17+$0xFFFFFDB0] =	vst v16  }
0x400: {  	v29 =	vor.u32 v3, v13;
	[tilespmem:s17+$0xFFFFFC30] =	vst v22;
	v28 =	vld.idx.msk [tilespmem:v58+s21+$0x0], $0xffff  }
0x401: {  	v30 =	vor.u32 v3, v14;
	[tilespmem:s17+$0xFFFFFFB0] =	vst v24;
	v17 =	vld.idx.msk [tilespmem:v59+s21+$0x0], $0xffff  }
0x402: {  	v63 =	vor.u32 v3, v11;
	v19 =	vld.idx.msk [tilespmem:v61+s21+$0x0], $0xffff;
	[tilespmem:s17+$0xFFFFFEB0] =	vst v60  }
0x403: {  	v32 =	vor.u32 v4, v9;
	v37 =	vld.idx.msk [tilespmem:v31+s21+$0x0], $0xffff;
	[tilespmem:s17+$0xFFFFFF30] =	vst v23  }
0x404: {  	v33 =	vor.u32 v4, v8;
	v25 =	vld.idx.msk [tilespmem:v53+s21+$0x0], $0xffff;
	[tilespmem:s17+$0xFFFFFE30] =	vst v21  }
0x405: {  	v62 =	vor.u32 v4, v15;
	v34 =	vld.idx.msk [tilespmem:v29+s21+$0x0], $0xffff;
	[tilespmem:s17+$0xFFFFFCC0] =	vst v28  }
0x406: {  	v36 =	vor.u32 v4, v10;
	v21 =	vld.idx.msk [tilespmem:v30+s21+$0x0], $0xffff;
	[tilespmem:s17+$0xFFFFFD40] =	vst v17  }
0x407: {  	v39 =	vor.u32 v4, v13;
	v20 =	vld.idx.msk [tilespmem:v63+s21+$0x0], $0xffff;
	[tilespmem:s17+$0xFFFFFDC0] =	vst v19  }
0x408: {  	v41 =	vor.u32 v4, v12;
	[tilespmem:s17+$0xFFFFFC40] =	vst v37;
	v18 =	vld.idx.msk [tilespmem:v32+s21+$0x0], $0xffff  }
0x409: {  	v38 =	vor.u32 v4, v11;
	[tilespmem:s17+$0xFFFFFFC0] =	vst v25;
	v23 =	vld.idx.msk [tilespmem:v33+s21+$0x0], $0xffff  }
0x40a: {  	v40 =	vor.u32 v4, v14;
	[tilespmem:s17+$0xFFFFFEC0] =	vst v34;
	v26 =	vld.idx.msk [tilespmem:v62+s21+$0x0], $0xffff  }
0x40b: {  	v42 =	vor.u32 v5, v9;
	v16 =	vld.idx.msk [tilespmem:v36+s21+$0x0], $0xffff;
	[tilespmem:s17+$0xFFFFFF40] =	vst v21  }
0x40c: {  	v35 =	vor.u32 v5, v15;
	v19 =	vld.idx.msk [tilespmem:v39+s21+$0x0], $0xffff;
	[tilespmem:s17+$0xFFFFFE40] =	vst v20  }
0x40d: {  	v45 =	vor.u32 v5, v8;
	v20 =	vld.idx.msk [tilespmem:v41+s21+$0x0], $0xffff;
	[tilespmem:s17+$0xFFFFFCD0] =	vst v18  }
0x40e: {  	v46 =	vor.u32 v5, v10;
	v43 =	vld.idx.msk [tilespmem:v38+s21+$0x0], $0xffff;
	[tilespmem:s17+$0xFFFFFD50] =	vst v23  }
0x40f: {  	v50 =	vor.u32 v5, v12;
	[tilespmem:s17+$0xFFFFFFD0] =	vst v26;
	v26 =	vld.idx.msk [tilespmem:v40+s21+$0x0], $0xffff  }
0x410: {  	v47 =	vor.u32 v5, v11;
	[tilespmem:s17+$0xFFFFFDD0] =	vst v16;
	v22 =	vld.idx.msk [tilespmem:v42+s21+$0x0], $0xffff  }
0x411: {  	v48 =	vor.u32 v5, v13;
	[tilespmem:s17+$0xFFFFFED0] =	vst v19;
	v24 =	vld.idx.msk [tilespmem:v35+s21+$0x0], $0xffff  }
0x412: {  	v49 =	vor.u32 v5, v14;
	v17 =	vld.idx.msk [tilespmem:v45+s21+$0x0], $0xffff;
	[tilespmem:s17+$0xFFFFFC50] =	vst v20  }
0x413: {  	v51 =	vor.u32 v6, v9;
	v18 =	vld.idx.msk [tilespmem:v46+s21+$0x0], $0xffff;
	[tilespmem:s17+$0xFFFFFE50] =	vst v43  }
0x414: {  	v52 =	vor.u32 v6, v8;
	v21 =	vld.idx.msk [tilespmem:v50+s21+$0x0], $0xffff;
	[tilespmem:s17+$0xFFFFFF50] =	vst v26  }
0x415: {  	v53 =	vor.u32 v6, v10;
	v23 =	vld.idx.msk [tilespmem:v47+s21+$0x0], $0xffff;
	[tilespmem:s17+$0xFFFFFCE0] =	vst v22  }
0x416: {  	v44 =	vor.u32 v6, v15;
	[tilespmem:s17+$0xFFFFFFE0] =	vst v24;
	v24 =	vld.idx.msk [tilespmem:v48+s21+$0x0], $0xffff  }
0x417: {  	v58 =	vor.u32 v6, v12;
	[tilespmem:s17+$0xFFFFFD60] =	vst v17;
	v16 =	vld.idx.msk [tilespmem:v49+s21+$0x0], $0xffff  }
0x418: {  	v54 =	vor.u32 v6, v11;
	[tilespmem:s17+$0xFFFFFDE0] =	vst v18;
	v56 =	vld.idx.msk [tilespmem:v51+s21+$0x0], $0xffff  }
0x419: {  	v55 =	vor.u32 v6, v13;
	v20 =	vld.idx.msk [tilespmem:v52+s21+$0x0], $0xffff;
	[tilespmem:s17+$0xFFFFFC60] =	vst v21  }
0x41a: {  	v57 =	vor.u32 v6, v14;
	v22 =	vld.idx.msk [tilespmem:v53+s21+$0x0], $0xffff;
	[tilespmem:s17+$0xFFFFFE60] =	vst v23  }
0x41b: {  	v9 =	vor.u32 v7, v9;
	v25 =	vld.idx.msk [tilespmem:v44+s21+$0x0], $0xffff;
	[tilespmem:s17+$0xFFFFFEE0] =	vst v24  }
0x41c: {  	v8 =	vor.u32 v7, v8;
	v61 =	vld.idx.msk [tilespmem:v58+s21+$0x0], $0xffff;
	[tilespmem:s17+$0xFFFFFF60] =	vst v16  }
0x41d: {  	v10 =	vor.u32 v7, v10;
	v59 =	vld.idx.msk [tilespmem:v54+s21+$0x0], $0xffff;
	[tilespmem:s17+$0xFFFFFCF0] =	vst v56  }
0x41e: {  	v15 =	vor.u32 v7, v15;
	[tilespmem:s17+$0xFFFFFD70] =	vst v20;
	v17 =	vld.idx.msk [tilespmem:v55+s21+$0x0], $0xffff  }
0x41f: {  	v62 =	vor.u32 v7, v12;
	[tilespmem:s17+$0xFFFFFDF0] =	vst v22;
	v60 =	vld.idx.msk [tilespmem:v57+s21+$0x0], $0xffff  }
0x420: {  	v11 =	vor.u32 v7, v11;
	[tilespmem:s17+$0xFFFFFFF0] =	vst v25;
	v9 =	vld.idx.msk [tilespmem:v9+s21+$0x0], $0xffff  }
0x421: {  	v13 =	vor.u32 v7, v13;
	v8 =	vld.idx.msk [tilespmem:v8+s21+$0x0], $0xffff;
	[tilespmem:s17+$0xFFFFFC70] =	vst v61  }
0x422: {  	v14 =	vor.u32 v7, v14;
	v10 =	vld.idx.msk [tilespmem:v10+s21+$0x0], $0xffff;
	[tilespmem:s17+$0xFFFFFE70] =	vst v59  }
0x423: {  	v15 =	vld.idx.msk [tilespmem:v15+s21+$0x0], $0xffff;
	[tilespmem:s17+$0xFFFFFEF0] =	vst v17  }
0x424: {  	v63 =	vld.idx.msk [tilespmem:v62+s21+$0x0], $0xffff;
	[tilespmem:s17+$0xFFFFFF70] =	vst v60  }
0x425: {  	v11 =	vld.idx.msk [tilespmem:v11+s21+$0x0], $0xffff;
	[tilespmem:s17+$0xFFFFFD00] =	vst v9  }
0x426: {  	[tilespmem:s17+$0xFFFFFD80] =	vst v8;
	v13 =	vld.idx.msk [tilespmem:v13+s21+$0x0], $0xffff  }
0x427: {  	s18 =	sadd.s32 $0x1, s18;
	[tilespmem:s17+$0xFFFFFE00] =	vst v10;
	v14 =	vld.idx.msk [tilespmem:v14+s21+$0x0], $0xffff  }
0x428: {  	s20 =	sadd.s32 s1, s29;
	p0 =	sne.s32 s18, $0x32;
	[tilespmem:s17+$0x0] =	vst v15  }
.Ltmp13:
0x429: {  	s29 =	sshll.u32 s20, $0x7;
	[tilespmem:s17+$0xFFFFFC80] =	vst v63;
	(pc) =	sbr.rel @p0 .LBB2_2-.Ltmp13, $4  }
0x42a: {  	s9 =	sshll.u32 s20, $0xA;
	s15 =	sand.u32 $0x3F80, s29;
	[tilespmem:s17+$0xFFFFFE80] =	vst v11  }
0x42b: {  	s9 =	sand.u32 $0xFFE0000, s9;
	s15 =	sadd.s32 s4, s15;
	[tilespmem:s17+$0xFFFFFF00] =	vst v13  }
0x42c: {  	s30 =	sadd.s32 s9, s15;
	[tilespmem:s17+$0xFFFFFF80] =	vst v14  }
0x42d: {  	[hbm4b:s30+s24] =	stream.strided.scatter [tilespmem:s13], [sflag:$0xC], $0x2000, s26, s24, $0x38;
	[tilespmem:$0x18400] =	vst v63  }
0x42e: {  	s0 =	simm.s32 $0x9  }
0x42f: {  	_ =	swait.ge [sflag:s0], $0x2000  }
0x430: {  	[sflag:s0] =	ssyncset.done $0x0  }
0x431: {  	[sflag:s0] =	ssyncadd.s32 $0xFFFFE000  }
0x432: {  	_ =	swait.ge [sflag:s6], $0x2000  }
0x433: {  	[sflag:s6] =	ssyncset.done $0x0  }
0x434: {  	[sflag:s6] =	ssyncadd.s32 $0xFFFFE000  }
0x435: {  	_ =	swait.ge [sflag:s22], $0x2000  }
0x436: {  	[sflag:s22] =	ssyncset.done $0x0  }
0x437: {  	[sflag:s22] =	ssyncadd.s32 $0xFFFFE000  }
0x438: {  	_ =	swait.ge [sflag:s25], $0x2000  }
0x439: {  	s9 =	rddreg [dreg:$0xf]  }
0x43a: {  	s30 =	rddreg [dreg:$0xe];
	s9 =	sadd.s32 $0x1, s9  }
0x43b: {  	p0 =	sne.s32 s9, s30  }
.Ltmp14:
0x43c: {  	_ = 	snop;
	(pc) =	sbr.rel @p0 .LBB2_1-.Ltmp14, $3  }
0x43d: {  	_ =	sdelay $0x1  }
0x43e: {  	[sflag:s25] =	ssyncset.done $0x0  }
0x43f: {  	[sflag:s25] =	ssyncadd.s32 $0xFFFFE000  }
0x440: {  	_ =	sfence.sel $0x180000  }
0x441: {  	[bflag:$0x0] =	sbarrier.arrive $0xFFFF  }
0x442: {  	_ =	strace $0x90000047  }
0x443: {  	s0 =	stileid.u32;
	[bflag:$0x2] =	sbarrier.arrive $0xFFFF  }
0x444: {  	p0 =	sne.s32 s0, $0x0;
	s0 =	rddreg [dreg:$0x3]  }
0x445: {  	s0 =	sadd.s32 @!p0 $0x100000, s0  }
0x446: {  	[sflag:s0] =	ssyncadd.tile.s32 @!p0 $0x1;
	_ =	shalt  }
.Lfunc_end2:
_tile_overlayer_lowered:
.L_overlay_start_2:
0x447: {  	(tag) =	ssettag $0x2  }
0x448: {  	s0 =	rddreg [dreg:$0x0];
	s2 =	stileid.u32  }
0x449: {  	s1 =	rddreg [dreg:$0x1];
	p0 =	sne.s32 s2, $0x0  }
0x44a: {  	s3 =	rddreg [dreg:$0x2];
	[bflag:$0x3] =	sbarrier.arrive $0xFFFF;
	s2 =	simm.s32 @!p0 $0x1C0D  }
0x44b: {  	[timem:s3], [sflag:s2] =	dma.local @!p0 [hbm:s0], s1  }
0x44c: {  	s0 =	simm.s32 @!p0 $0xD  }
0x44d: {  	_ =	swait.ge @!p0 [sflag:s0], s1  }
0x44e: {  	s1 =	ssub.s32 @!p0 $0x0, s1;
	[sflag:s0] =	ssyncset.done @!p0 $0x0  }
0x44f: {  	[sflag:s0] =	ssyncadd.s32 @!p0 s1  }
0x450: {  	[bflag:$0x3] =	sbarrier.arrive $0xFFFF  }
0x451: {  	_ =	shalt  }

</sc_bundles>
